<compile_context>
chip_gen: v7x
topology: tpu7x:2x2x1
jax: 0.10.2.dev20260603
libtpu: 0.0.44.dev20260713+nightly
codegen_flags: <defaults>
</compile_context>

<pallas_src>
import jax
import jax.numpy as jnp
from jax import lax
from jax.experimental import pallas as pl
from jax.experimental.pallas import tpu as pltpu
from jax.experimental.pallas import tpu_sc as plsc

N = 50000
D = 128
IN_ROWS = 6250
PAD_ROWS = 6272
DPAD = 10000
LEVELS = [0, 1, 9, 73, 585, 4681, 37449, 50000]
BLK_B = 2000
BLK_E = 10000

SC_NC = 2
SC_NS = 16
SC_W = SC_NC * SC_NS
NP = 50176
PER_W = NP // SC_W
SC_CH = 112
SC_NCH = PER_W // SC_CH


def _sc_gather_body(order_hbm, tag_hbm, worder_hbm, wtag_hbm, g_hbm,
                    wo_sp, wt_sp, idx_o, idx_t, ro0, rt0, ro1, rt1,
                    sem0, sem1, semw):
    sid = lax.axis_index("s")
    wid = sid * SC_NC + lax.axis_index("c")
    base = wid * PER_W

    @pl.when(sid == 0)
    def _stage():
        pltpu.sync_copy(worder_hbm, wo_sp)
        pltpu.sync_copy(wtag_hbm, wt_sp)

    plsc.subcore_barrier()
    pltpu.sync_copy(order_hbm.at[pl.ds(base, PER_W)], idx_o)
    pltpu.sync_copy(tag_hbm.at[pl.ds(base, PER_W)], idx_t)
    bufs = ((ro0, rt0, sem0), (ro1, rt1, sem1))

    def fire(c):
        ro, rt, sem = bufs[c % 2]
        off = c * SC_CH
        a = pltpu.async_copy(wo_sp.at[idx_o.at[pl.ds(off, SC_CH)]], ro, sem)
        b = pltpu.async_copy(wt_sp.at[idx_t.at[pl.ds(off, SC_CH)]], rt, sem)
        return a, b

    inflight = fire(0)
    for c in range(SC_NCH):
        ro, rt, _ = bufs[c % 2]
        cur = inflight
        if c + 1 < SC_NCH:
            inflight = fire(c + 1)
        cur[0].wait()
        cur[1].wait()

        def maxrow(r, _):
            for j in range(8):
                a = ro[r, pl.ds(j * 16, 16)]
                b = rt[r, pl.ds(j * 16, 16)]
                ro[r, pl.ds(j * 16, 16)] = jnp.maximum(a, b)
            return _

        lax.fori_loop(0, SC_CH, maxrow, None)
        wcp = pltpu.async_copy(ro, g_hbm.at[pl.ds(base + c * SC_CH, SC_CH)], semw)
        wcp.wait()


def _embed_body(text_ref, img_ref, bg_ref, w_text_ref, b_text_ref,
                w_img_ref, b_img_ref, w_bg_ref, b_bg_ref, out_ref):
    f32 = jnp.float32
    bf16 = jnp.bfloat16
    t = jnp.dot(text_ref[...].astype(bf16), w_text_ref[...],
                preferred_element_type=f32) + b_text_ref[...]
    im = jnp.dot(img_ref[...].astype(bf16), w_img_ref[...],
                 preferred_element_type=f32) + b_img_ref[...]
    bg = jnp.dot(bg_ref[...].astype(bf16), w_bg_ref[...],
                 preferred_element_type=f32) + b_bg_ref[...]
    out_ref[...] = jnp.maximum(jnp.maximum(t, im), bg).astype(bf16)


def _tree_levels(h, hl, hr, w1a, w1b_ref, b1_ref, w2_ref, b2_ref):
    f32 = jnp.float32
    bf16 = jnp.bfloat16
    NP8 = PAD_ROWS // 8
    hlb = jnp.broadcast_to(hl, (PAD_ROWS, D))
    w1b = w1b_ref[...]
    w2 = w2_ref[...]
    b1 = b1_ref[...]
    b2 = b2_ref[...]

    def bounds(lvl):
        s, e = LEVELS[lvl], min(LEVELS[lvl + 1], IN_ROWS)
        return s, e, (s // 8) * 8, ((e + 7) // 8) * 8

    def mlp(pre, other):
        hid = jnp.maximum(pre + jnp.dot(other.astype(bf16), w1b,
                                        preferred_element_type=f32) + b1, 0.0)
        return jnp.dot(hid.astype(bf16), w2, preferred_element_type=f32) + b2

    def paste(full, sa, ea, s, e, cand):
        n = ea - sa
        ri = sa + lax.broadcasted_iota(jnp.int32, (n, D), 0)
        mid = jnp.where((ri >= s) & (ri < e), cand, full[sa:ea])
        parts = ([full[:sa]] if sa > 0 else []) + [mid] \
            + ([full[ea:]] if ea < PAD_ROWS else [])
        return jnp.concatenate(parts, axis=0) if len(parts) > 1 else parts[0]

    h_w1a = jnp.dot(h.astype(bf16), w1a, preferred_element_type=f32)
    u = hlb
    for lvl in range(5, -1, -1):
        s, e, sa, ea = bounds(lvl)
        n = ea - sa
        if lvl == 5:
            msg = jnp.broadcast_to(hl, (n, D))
        elif lvl == 4:
            A3 = u[8 * 584:8 * 784].reshape(200, 8, D)
            inner = jnp.max(A3[:, 1:8, :], axis=1)
            nxt = jnp.concatenate([A3[1:, 0, :], hl], axis=0)
            msg = jnp.concatenate(
                [jnp.maximum(inner, nxt),
                 jnp.broadcast_to(hl, (n - 200, D))], axis=0)
        else:
            A3 = u[8 * sa:8 * ea + 8].reshape(n + 1, 8, D)
            inner = jnp.max(A3[:n, 1:8, :], axis=1)
            nxt = A3[1:n + 1, 0, :]
            msg = jnp.maximum(inner, nxt)
        cand = mlp(h_w1a[sa:ea], msg)
        u = paste(u, sa, ea, s, e, cand)

    u_w1a = jnp.dot(u.astype(bf16), w1a, preferred_element_type=f32)
    d = jnp.broadcast_to(hr, (PAD_ROWS, D))
    for lvl in range(1, 6):
        s, e, sa, ea = bounds(lvl)
        n = ea - sa
        d_par = d[:NP8]
        prev = pltpu.roll(d_par, 1, 0)
        ga, ge = sa // 8, ea // 8
        m = jnp.concatenate(
            [prev[ga:ge].reshape(ge - ga, 1, D),
             jnp.broadcast_to(d_par[ga:ge].reshape(ge - ga, 1, D),
                              (ge - ga, 7, D))], axis=1).reshape(n, D)
        cand = mlp(u_w1a[sa:ea], m)
        d = paste(d, sa, ea, s, e, cand)
    return d


def _final_body(hmh_ref, gh_ref, hm_ref, g_ref, hleaf_ref, hroot_ref,
                w1a_ref, w1b_ref, b1_ref, w2_ref, b2_ref, x_ref, dint_ref):
    f32 = jnp.float32
    bf16 = jnp.bfloat16
    step = pl.program_id(0)

    @pl.when(step == 0)
    def _tree_step():
        hh = jnp.maximum(hmh_ref[...].astype(f32), gh_ref[...])
        d = _tree_levels(hh, hleaf_ref[...], hroot_ref[...], w1a_ref[...],
                         w1b_ref, b1_ref, w2_ref, b2_ref)
        dint_ref[0:PAD_ROWS, :] = d

    @pl.when(step > 0)
    def _x_step():
        _final_block(step - 1, hm_ref, g_ref, dint_ref, hleaf_ref, w1a_ref,
                     w1b_ref, b1_ref, w2_ref, b2_ref, x_ref)


def _final_block(pid, hm_ref, g_ref, dint_ref, hleaf_ref, w1a_ref, w1b_ref,
                 b1_ref, w2_ref, b2_ref, x_ref):
    f32 = jnp.float32
    bf16 = jnp.bfloat16
    r0 = pid * BLK_E
    h = jnp.maximum(hm_ref[...].astype(f32), g_ref[...])
    p0 = jnp.maximum(pid * (BLK_E // 8) - 1, 0)
    SL = 1264
    dsl = dint_ref[pl.ds(p0, SL), :]
    nxt = pltpu.roll(dsl, SL - 1, 0)
    NG = BLK_E // 8
    m = jnp.concatenate(
        [dsl[:NG].reshape(NG, 1, D),
         jnp.broadcast_to(nxt[:NG].reshape(NG, 1, D), (NG, 7, D))],
        axis=1).reshape(BLK_E, D)
    hid = jnp.maximum(jnp.dot(hleaf_ref[...].astype(bf16), w1a_ref[...],
                              preferred_element_type=f32)
                      + jnp.dot(m.astype(bf16), w1b_ref[...],
                                preferred_element_type=f32)
                      + b1_ref[...], 0.0)
    leaf_d = jnp.dot(hid.astype(bf16), w2_ref[...],
                     preferred_element_type=f32) + b2_ref[...]
    dloc = dint_ref[pl.ds(jnp.minimum(r0, DPAD - BLK_E), BLK_E), :]
    row = r0 + lax.broadcasted_iota(jnp.int32, (BLK_E, D), 0)
    x_ref[...] = jnp.where(row < IN_ROWS, dloc, leaf_d) + h


def kernel(order, tag, text, img, bgimg, parent, depth, W_order, W_tag,
           W_text, b_text, W_img, b_img, W_bg, b_bg, h_leaf, h_root,
           W1, b1, W2, b2):
    f32 = jnp.float32
    bf16 = jnp.bfloat16
    order_pad = jnp.pad(order.astype(jnp.int32), (0, NP - N))
    tag_pad = jnp.pad(tag.astype(jnp.int32), (0, NP - N))
    b_text2 = b_text.reshape(1, D)
    b_img2 = b_img.reshape(1, D)
    b_bg2 = b_bg.reshape(1, D)
    b1r = b1.reshape(1, D)
    b2r = b2.reshape(1, D)
    W1a = W1[:D].astype(bf16)
    W1b = W1[D:].astype(bf16)
    W2b = W2.astype(bf16)
    Wtx = W_text.astype(bf16)
    Wim = W_img.astype(bf16)
    Wbg = W_bg.astype(bf16)

    sc_mesh = plsc.VectorSubcoreMesh(core_axis_name="c", subcore_axis_name="s")
    g_full = pl.kernel(
        _sc_gather_body,
        mesh=sc_mesh,
        out_type=jax.ShapeDtypeStruct((NP, D), f32),
        scratch_types=[
            pltpu.VMEM_SHARED((512, D), f32),
            pltpu.VMEM_SHARED((129, D), f32),
            pltpu.VMEM((PER_W,), jnp.int32),
            pltpu.VMEM((PER_W,), jnp.int32),
            pltpu.VMEM((SC_CH, D), f32),
            pltpu.VMEM((SC_CH, D), f32),
            pltpu.VMEM((SC_CH, D), f32),
            pltpu.VMEM((SC_CH, D), f32),
            pltpu.SemaphoreType.DMA,
            pltpu.SemaphoreType.DMA,
            pltpu.SemaphoreType.DMA,
        ],
    )(order_pad, tag_pad, W_order, W_tag)

    nb = N // BLK_B
    full = lambda shape: pl.BlockSpec(shape, lambda i: (0,) * len(shape))
    hm = pl.pallas_call(
        _embed_body,
        grid=(nb,),
        in_specs=[
            pl.BlockSpec((BLK_B, text.shape[1]), lambda i: (i, 0)),
            pl.BlockSpec((BLK_B, img.shape[1]), lambda i: (i, 0)),
            pl.BlockSpec((BLK_B, bgimg.shape[1]), lambda i: (i, 0)),
            full((text.shape[1], D)), full((1, D)),
            full((img.shape[1], D)), full((1, D)),
            full((bgimg.shape[1], D)), full((1, D)),
        ],
        out_specs=pl.BlockSpec((BLK_B, D), lambda i: (i, 0)),
        out_shape=jax.ShapeDtypeStruct((N, D), bf16),
    )(text, img, bgimg, Wtx, b_text2, Wim, b_img2, Wbg, b_bg2)

    ne = N // BLK_E
    blk = lambda i: (jnp.maximum(i - 1, 0), 0)
    x = pl.pallas_call(
        _final_body,
        grid=(ne + 1,),
        in_specs=[
            pl.BlockSpec((PAD_ROWS, D), lambda i: (0, 0)),
            pl.BlockSpec((PAD_ROWS, D), lambda i: (0, 0)),
            pl.BlockSpec((BLK_E, D), blk),
            pl.BlockSpec((BLK_E, D), blk),
            pl.BlockSpec((1, D), lambda i: (0, 0)),
            pl.BlockSpec((1, D), lambda i: (0, 0)),
            pl.BlockSpec((D, D), lambda i: (0, 0)),
            pl.BlockSpec((D, D), lambda i: (0, 0)),
            pl.BlockSpec((1, D), lambda i: (0, 0)),
            pl.BlockSpec((D, D), lambda i: (0, 0)),
            pl.BlockSpec((1, D), lambda i: (0, 0)),
        ],
        out_specs=pl.BlockSpec((BLK_E, D), blk),
        out_shape=jax.ShapeDtypeStruct((N, D), f32),
        scratch_shapes=[pltpu.VMEM((DPAD, D), f32)],
    )(hm, g_full, hm, g_full, h_leaf, h_root, W1a, W1b, b1r, W2b, b2r)
    return x

# --- scband reference (transcript-rebuilt; emitter-appended) ---
"""Pipeline reference for scband-content-encoder-72189810311839 (READ-ONLY COPY).

The authoritative reference and input builder live on the scoring server;
editing this copy changes nothing except your own understanding.
"""

import jax, jax.numpy as jnp
import numpy as np

N = 50000
D_MODEL = 128
MAX_NODE_SIZE = 512
N_TAGS = 129
DIM_TEXT = 768
DIM_IMAGE = 512
BRANCH = 8


def _tree():
    idx = np.arange(N)
    parent = np.maximum((idx - 1) // BRANCH, 0).astype(np.int64)
    parent[0] = 0
    depth = np.zeros(N, np.int64)
    cur = idx.copy()
    while (cur != 0).any():
        mask = cur != 0
        depth += mask.astype(np.int64)
        cur = np.where(mask, parent[cur], 0)
    return parent, depth


def setup_inputs(seed: int = 0) -> dict:
    key = jax.random.key(seed)
    ks = jax.random.split(key, 24)
    parent, depth = _tree()
    s = 0.02
    return {
        "order": jax.random.randint(ks[0], (N,), 0, MAX_NODE_SIZE),
        "tag": jax.random.randint(ks[1], (N,), 0, N_TAGS),
        "text": jax.random.normal(ks[2], (N, DIM_TEXT), jnp.float32),
        "img": jax.random.normal(ks[3], (N, DIM_IMAGE), jnp.float32),
        "bgimg": jax.random.normal(ks[4], (N, DIM_IMAGE), jnp.float32),
        "parent": jnp.asarray(parent),
        "depth": jnp.asarray(depth),
        "W_order": jax.random.normal(ks[5], (MAX_NODE_SIZE, D_MODEL), jnp.float32) * s,
        "W_tag": jax.random.normal(ks[6], (N_TAGS, D_MODEL), jnp.float32) * s,
        "W_text": jax.random.normal(ks[7], (DIM_TEXT, D_MODEL), jnp.float32) * s,
        "b_text": jnp.zeros((D_MODEL,), jnp.float32),
        "W_img": jax.random.normal(ks[8], (DIM_IMAGE, D_MODEL), jnp.float32) * s,
        "b_img": jnp.zeros((D_MODEL,), jnp.float32),
        "W_bg": jax.random.normal(ks[9], (DIM_IMAGE, D_MODEL), jnp.float32) * s,
        "b_bg": jnp.zeros((D_MODEL,), jnp.float32),
        "h_leaf": jax.random.uniform(ks[10], (1, D_MODEL), jnp.float32),
        "h_root": jax.random.uniform(ks[11], (1, D_MODEL), jnp.float32),
        "W1": jax.random.normal(ks[12], (2 * D_MODEL, D_MODEL), jnp.float32) * s,
        "b1": jnp.zeros((D_MODEL,), jnp.float32),
        "W2": jax.random.normal(ks[13], (D_MODEL, D_MODEL), jnp.float32) * s,
        "b2": jnp.zeros((D_MODEL,), jnp.float32),
    }


def reference(order, tag, text, img, bgimg, parent, depth, W_order, W_tag, W_text, b_text, W_img, b_img, W_bg, b_bg, h_leaf, h_root, W1, b1, W2, b2):
    Nn = text.shape[0]
    _, depth_static = _tree()
    max_depth = int(depth_static.max())

    def mlp_up(x):
        return jnp.maximum(x @ W1 + b1, 0.0) @ W2 + b2

    # embed_all: embed each feature, take elementwise max
    feats = jnp.stack([
        W_order[order],
        W_tag[tag],
        text @ W_text + b_text,
        img @ W_img + b_img,
        bgimg @ W_bg + b_bg,
    ], axis=0)
    h = jnp.max(feats, axis=0)

    # upward pass: dgl.prop_nodes_topo over child->parent edges, max reduce
    u = jnp.tile(h_leaf, (Nn, 1))
    for lvl in range(max_depth - 1, -1, -1):
        child_mask = depth == lvl + 1
        seg = jnp.where(child_mask, parent, Nn)
        msg = jax.ops.segment_max(u, seg, num_segments=Nn + 1)[:Nn]
        counts = jax.ops.segment_sum(child_mask.astype(jnp.int32), seg, num_segments=Nn + 1)[:Nn]
        recv_mask = (counts > 0) & (depth == lvl)
        cand = mlp_up(jnp.concatenate([h, msg], axis=-1))
        u = jnp.where(recv_mask[:, None], cand, u)

    # downward pass on reversed graph (parent->child); note original code
    # (faithfully) reuses mlp_up in nfunc_down
    d = jnp.tile(h_root, (Nn, 1))
    for lvl in range(1, max_depth + 1):
        node_mask = depth == lvl
        m = d[parent]
        cand = mlp_up(jnp.concatenate([u, m], axis=-1))
        d = jnp.where(node_mask[:, None], cand, d)

    x = d + h  # residual enabled (disable_residual=False)
    return x

if __name__ == "__main__":
    import jax
    _d = setup_inputs()
    print(jax.jit(kernel)(*tuple(_d.values())))

</pallas_src>

<mosaic_0001>
#map = affine_map<(d0, d1) -> (0)>
#map1 = affine_map<(d0, d1) -> (0, 0)>
module attributes {stable_mosaic.version = 14 : i64} {
  func.func @_sc_gather_body(%arg0: i32, %arg1: i32, %arg2: memref<50176xi32, #tpu.memory_space<hbm>>, %arg3: memref<50176xi32, #tpu.memory_space<hbm>>, %arg4: memref<512x128xf32, #tpu.memory_space<hbm>>, %arg5: memref<129x128xf32, #tpu.memory_space<hbm>>, %arg6: memref<50176x128xf32, #tpu.memory_space<hbm>>, %arg7: memref<512x128xf32, #tpu.memory_space<vmem_shared>>, %arg8: memref<129x128xf32, #tpu.memory_space<vmem_shared>>, %arg9: memref<1568xi32, #tpu.memory_space<vmem>>, %arg10: memref<1568xi32, #tpu.memory_space<vmem>>, %arg11: memref<112x128xf32, #tpu.memory_space<vmem>>, %arg12: memref<112x128xf32, #tpu.memory_space<vmem>>, %arg13: memref<112x128xf32, #tpu.memory_space<vmem>>, %arg14: memref<112x128xf32, #tpu.memory_space<vmem>>, %arg15: memref<!tpu.dma_semaphore, #tpu.memory_space<semaphore_mem>>, %arg16: memref<!tpu.dma_semaphore, #tpu.memory_space<semaphore_mem>>, %arg17: memref<!tpu.dma_semaphore, #tpu.memory_space<semaphore_mem>>) attributes {dimension_semantics = [#tpu.dimension_semantics<core_parallel>, #tpu.dimension_semantics<subcore_parallel>], iteration_bounds = array<i64: 2, 16>, scalar_prefetch = 0 : i64, scratch_operands = 11 : i64, tpu.core_type = #tpu.core_type<sc_vector_subcore>, window_params = [{transform_indices = #map}, {transform_indices = #map}, {transform_indices = #map1}, {transform_indices = #map1}, {transform_indices = #map1}]} {
    %mul3A = arith.constant 2 : i32
    %mul3A_0 = arith.muli %arg1, %mul3A : i32
    %add3A = arith.addi %mul3A_0, %arg0 : i32
    %mul3A_1 = arith.constant 1568 : i32
    %mul3A_2 = arith.muli %add3A, %mul3A_1 : i32
    %eq3A = arith.constant 0 : i32
    %eq3A_3 = arith.cmpi eq, %arg1, %eq3A : i32
    %convert_element_type3A = arith.extui %eq3A_3 : i1 to i32
    %cond3A = arith.constant 0 : i32
    %cond3A_4 = arith.cmpi ne, %convert_element_type3A, %cond3A : i32
    scf.if %cond3A_4 {
      "tpu.region"() ({
        %run_scoped3A = tpu.sem_alloc : memref<!tpu.dma_semaphore, #tpu.memory_space<semaphore_mem>>
        tpu.enqueue_dma source(%arg4 : memref<512x128xf32, #tpu.memory_space<hbm>>) target(%arg7 : memref<512x128xf32, #tpu.memory_space<vmem_shared>>) target_semaphore(%run_scoped3A : memref<!tpu.dma_semaphore, #tpu.memory_space<semaphore_mem>>)
        tpu.wait_dma2 semaphore(%run_scoped3A : memref<!tpu.dma_semaphore, #tpu.memory_space<semaphore_mem>>) src(%arg4 : memref<512x128xf32, #tpu.memory_space<hbm>>) dst(%arg7 : memref<512x128xf32, #tpu.memory_space<vmem_shared>>)
        tpu.yield
      }) : () -> ()
      "tpu.region"() ({
        %run_scoped3A = tpu.sem_alloc : memref<!tpu.dma_semaphore, #tpu.memory_space<semaphore_mem>>
        tpu.enqueue_dma source(%arg5 : memref<129x128xf32, #tpu.memory_space<hbm>>) target(%arg8 : memref<129x128xf32, #tpu.memory_space<vmem_shared>>) target_semaphore(%run_scoped3A : memref<!tpu.dma_semaphore, #tpu.memory_space<semaphore_mem>>)
        tpu.wait_dma2 semaphore(%run_scoped3A : memref<!tpu.dma_semaphore, #tpu.memory_space<semaphore_mem>>) src(%arg5 : memref<129x128xf32, #tpu.memory_space<hbm>>) dst(%arg8 : memref<129x128xf32, #tpu.memory_space<vmem_shared>>)
        tpu.yield
      }) : () -> ()
    } else {
    }
    %barrier3A = arith.constant 0 : index
    tpu.barrier barrier_id(%barrier3A)
    "tpu.region"() ({
      %run_scoped3A = tpu.sem_alloc : memref<!tpu.dma_semaphore, #tpu.memory_space<semaphore_mem>>
      %dma_start3A_492 = tpu.memref_slice %arg2[%mul3A_2] : memref<50176xi32, #tpu.memory_space<hbm>> -> memref<1568xi32, #tpu.memory_space<hbm>>
      %dma_start3A_493 = tpu.memref_slice %arg2[%mul3A_2] : memref<50176xi32, #tpu.memory_space<hbm>> -> memref<1568xi32, #tpu.memory_space<hbm>>
      tpu.enqueue_dma source(%dma_start3A_493 : memref<1568xi32, #tpu.memory_space<hbm>>) target(%arg9 : memref<1568xi32, #tpu.memory_space<vmem>>) target_semaphore(%run_scoped3A : memref<!tpu.dma_semaphore, #tpu.memory_space<semaphore_mem>>)
      %dma_wait3A_494 = tpu.memref_slice %arg2[%mul3A_2] : memref<50176xi32, #tpu.memory_space<hbm>> -> memref<1568xi32, #tpu.memory_space<hbm>>
      %dma_wait3A_495 = tpu.memref_slice %arg2[%mul3A_2] : memref<50176xi32, #tpu.memory_space<hbm>> -> memref<1568xi32, #tpu.memory_space<hbm>>
      tpu.wait_dma2 semaphore(%run_scoped3A : memref<!tpu.dma_semaphore, #tpu.memory_space<semaphore_mem>>) src(%dma_wait3A_495 : memref<1568xi32, #tpu.memory_space<hbm>>) dst(%arg9 : memref<1568xi32, #tpu.memory_space<vmem>>)
      tpu.yield
    }) : () -> ()
    "tpu.region"() ({
      %run_scoped3A = tpu.sem_alloc : memref<!tpu.dma_semaphore, #tpu.memory_space<semaphore_mem>>
      %dma_start3A_492 = tpu.memref_slice %arg3[%mul3A_2] : memref<50176xi32, #tpu.memory_space<hbm>> -> memref<1568xi32, #tpu.memory_space<hbm>>
      %dma_start3A_493 = tpu.memref_slice %arg3[%mul3A_2] : memref<50176xi32, #tpu.memory_space<hbm>> -> memref<1568xi32, #tpu.memory_space<hbm>>
      tpu.enqueue_dma source(%dma_start3A_493 : memref<1568xi32, #tpu.memory_space<hbm>>) target(%arg10 : memref<1568xi32, #tpu.memory_space<vmem>>) target_semaphore(%run_scoped3A : memref<!tpu.dma_semaphore, #tpu.memory_space<semaphore_mem>>)
      %dma_wait3A_494 = tpu.memref_slice %arg3[%mul3A_2] : memref<50176xi32, #tpu.memory_space<hbm>> -> memref<1568xi32, #tpu.memory_space<hbm>>
      %dma_wait3A_495 = tpu.memref_slice %arg3[%mul3A_2] : memref<50176xi32, #tpu.memory_space<hbm>> -> memref<1568xi32, #tpu.memory_space<hbm>>
      tpu.wait_dma2 semaphore(%run_scoped3A : memref<!tpu.dma_semaphore, #tpu.memory_space<semaphore_mem>>) src(%dma_wait3A_495 : memref<1568xi32, #tpu.memory_space<hbm>>) dst(%arg10 : memref<1568xi32, #tpu.memory_space<vmem>>)
      tpu.yield
    }) : () -> ()
    %dma_start3A = arith.constant 0 : i32
    %dma_start3A_5 = tpu.memref_slice %arg9[%dma_start3A] : memref<1568xi32, #tpu.memory_space<vmem>> -> memref<112xi32, #tpu.memory_space<vmem>>
    %dma_start3A_6 = arith.constant 0 : i32
    %dma_start3A_7 = arith.constant 0 : i32
    %dma_start3A_8 = tpu.memref_slice %arg7[%dma_start3A_6, %dma_start3A_7] : memref<512x128xf32, #tpu.memory_space<vmem_shared>> -> memref<512x128xf32, #tpu.memory_space<vmem_shared>>
    tpu.enqueue_indirect_dma source(%dma_start3A_8 : memref<512x128xf32, #tpu.memory_space<vmem_shared>>) target(%arg11 : memref<112x128xf32, #tpu.memory_space<vmem>>) offsets(%dma_start3A_5 : memref<112xi32, #tpu.memory_space<vmem>>) semaphore(%arg15 : memref<!tpu.dma_semaphore, #tpu.memory_space<semaphore_mem>>)
    %dma_start3A_9 = arith.constant 0 : i32
    %dma_start3A_10 = tpu.memref_slice %arg10[%dma_start3A_9] : memref<1568xi32, #tpu.memory_space<vmem>> -> memref<112xi32, #tpu.memory_space<vmem>>
    %dma_start3A_11 = arith.constant 0 : i32
    %dma_start3A_12 = arith.constant 0 : i32
    %dma_start3A_13 = tpu.memref_slice %arg8[%dma_start3A_11, %dma_start3A_12] : memref<129x128xf32, #tpu.memory_space<vmem_shared>> -> memref<129x128xf32, #tpu.memory_space<vmem_shared>>
    tpu.enqueue_indirect_dma source(%dma_start3A_13 : memref<129x128xf32, #tpu.memory_space<vmem_shared>>) target(%arg12 : memref<112x128xf32, #tpu.memory_space<vmem>>) offsets(%dma_start3A_10 : memref<112xi32, #tpu.memory_space<vmem>>) semaphore(%arg15 : memref<!tpu.dma_semaphore, #tpu.memory_space<semaphore_mem>>)
    %dma_start3A_14 = arith.constant 112 : i32
    %dma_start3A_15 = tpu.memref_slice %arg9[%dma_start3A_14] : memref<1568xi32, #tpu.memory_space<vmem>> -> memref<112xi32, #tpu.memory_space<vmem>>
    %dma_start3A_16 = arith.constant 0 : i32
    %dma_start3A_17 = arith.constant 0 : i32
    %dma_start3A_18 = tpu.memref_slice %arg7[%dma_start3A_16, %dma_start3A_17] : memref<512x128xf32, #tpu.memory_space<vmem_shared>> -> memref<512x128xf32, #tpu.memory_space<vmem_shared>>
    tpu.enqueue_indirect_dma source(%dma_start3A_18 : memref<512x128xf32, #tpu.memory_space<vmem_shared>>) target(%arg13 : memref<112x128xf32, #tpu.memory_space<vmem>>) offsets(%dma_start3A_15 : memref<112xi32, #tpu.memory_space<vmem>>) semaphore(%arg16 : memref<!tpu.dma_semaphore, #tpu.memory_space<semaphore_mem>>)
    %dma_start3A_19 = arith.constant 112 : i32
    %dma_start3A_20 = tpu.memref_slice %arg10[%dma_start3A_19] : memref<1568xi32, #tpu.memory_space<vmem>> -> memref<112xi32, #tpu.memory_space<vmem>>
    %dma_start3A_21 = arith.constant 0 : i32
    %dma_start3A_22 = arith.constant 0 : i32
    %dma_start3A_23 = tpu.memref_slice %arg8[%dma_start3A_21, %dma_start3A_22] : memref<129x128xf32, #tpu.memory_space<vmem_shared>> -> memref<129x128xf32, #tpu.memory_space<vmem_shared>>
    tpu.enqueue_indirect_dma source(%dma_start3A_23 : memref<129x128xf32, #tpu.memory_space<vmem_shared>>) target(%arg14 : memref<112x128xf32, #tpu.memory_space<vmem>>) offsets(%dma_start3A_20 : memref<112xi32, #tpu.memory_space<vmem>>) semaphore(%arg16 : memref<!tpu.dma_semaphore, #tpu.memory_space<semaphore_mem>>)
    %dma_wait3A = arith.constant 0 : i32
    %dma_wait3A_24 = tpu.memref_slice %arg9[%dma_wait3A] : memref<1568xi32, #tpu.memory_space<vmem>> -> memref<112xi32, #tpu.memory_space<vmem>>
    %dma_wait3A_25 = arith.constant 0 : i32
    %dma_wait3A_26 = arith.constant 0 : i32
    %dma_wait3A_27 = tpu.memref_slice %arg7[%dma_wait3A_25, %dma_wait3A_26] : memref<512x128xf32, #tpu.memory_space<vmem_shared>> -> memref<512x128xf32, #tpu.memory_space<vmem_shared>>
    tpu.wait_indirect_dma semaphore(%arg15 : memref<!tpu.dma_semaphore, #tpu.memory_space<semaphore_mem>>) src(%dma_wait3A_27 : memref<512x128xf32, #tpu.memory_space<vmem_shared>>) dst(%arg11 : memref<112x128xf32, #tpu.memory_space<vmem>>)
    %dma_wait3A_28 = arith.constant 0 : i32
    %dma_wait3A_29 = tpu.memref_slice %arg10[%dma_wait3A_28] : memref<1568xi32, #tpu.memory_space<vmem>> -> memref<112xi32, #tpu.memory_space<vmem>>
    %dma_wait3A_30 = arith.constant 0 : i32
    %dma_wait3A_31 = arith.constant 0 : i32
    %dma_wait3A_32 = tpu.memref_slice %arg8[%dma_wait3A_30, %dma_wait3A_31] : memref<129x128xf32, #tpu.memory_space<vmem_shared>> -> memref<129x128xf32, #tpu.memory_space<vmem_shared>>
    tpu.wait_indirect_dma semaphore(%arg15 : memref<!tpu.dma_semaphore, #tpu.memory_space<semaphore_mem>>) src(%dma_wait3A_32 : memref<129x128xf32, #tpu.memory_space<vmem_shared>>) dst(%arg12 : memref<112x128xf32, #tpu.memory_space<vmem>>)
    %scan3A = arith.constant 0 : i32
    %scan3A_33 = arith.constant 112 : i32
    %scan3A_34 = arith.addi %scan3A, %scan3A_33 : i32
    %scan3A_35 = arith.constant 1 : i32
    scf.for %scan3A_492 = %scan3A to %scan3A_34 step %scan3A_35  : i32 {
      %get3A = arith.index_cast %scan3A_492 : i32 to index
      %get3A_493 = arith.constant 0 : index
      %get3A_494 = tpu.vector_load %arg11[%get3A, %get3A_493] {strides = array<i32>} : memref<112x128xf32, #tpu.memory_space<vmem>>, vector<1x16xf32>,
      %get3A_495 = vector.shape_cast %get3A_494 : vector<1x16xf32> to vector<16xf32>
      %get3A_496 = arith.index_cast %scan3A_492 : i32 to index
      %get3A_497 = arith.constant 0 : index
      %get3A_498 = tpu.vector_load %arg12[%get3A_496, %get3A_497] {strides = array<i32>} : memref<112x128xf32, #tpu.memory_space<vmem>>, vector<1x16xf32>,
      %get3A_499 = vector.shape_cast %get3A_498 : vector<1x16xf32> to vector<16xf32>
      %max3A = arith.maximumf %get3A_495, %get3A_499 : vector<16xf32>
      %swap3A = arith.index_cast %scan3A_492 : i32 to index
      %swap3A_500 = arith.constant 0 : index
      %swap3A_501 = tpu.vector_load %arg11[%swap3A, %swap3A_500] {strides = array<i32>} : memref<112x128xf32, #tpu.memory_space<vmem>>, vector<1x16xf32>,
      %swap3A_502 = vector.shape_cast %swap3A_501 : vector<1x16xf32> to vector<16xf32>
      %swap3A_503 = vector.shape_cast %max3A : vector<16xf32> to vector<1x16xf32>
      tpu.vector_store %arg11[%swap3A, %swap3A_500], %swap3A_503 {strides = array<i32>} : memref<112x128xf32, #tpu.memory_space<vmem>>, vector<1x16xf32>,
      %get3A_504 = arith.index_cast %scan3A_492 : i32 to index
      %get3A_505 = arith.constant 16 : index
      %get3A_506 = tpu.vector_load %arg11[%get3A_504, %get3A_505] {strides = array<i32>} : memref<112x128xf32, #tpu.memory_space<vmem>>, vector<1x16xf32>,
      %get3A_507 = vector.shape_cast %get3A_506 : vector<1x16xf32> to vector<16xf32>
      %get3A_508 = arith.index_cast %scan3A_492 : i32 to index
      %get3A_509 = arith.constant 16 : index
      %get3A_510 = tpu.vector_load %arg12[%get3A_508, %get3A_509] {strides = array<i32>} : memref<112x128xf32, #tpu.memory_space<vmem>>, vector<1x16xf32>,
      %get3A_511 = vector.shape_cast %get3A_510 : vector<1x16xf32> to vector<16xf32>
      %max3A_512 = arith.maximumf %get3A_507, %get3A_511 : vector<16xf32>
      %swap3A_513 = arith.index_cast %scan3A_492 : i32 to index
      %swap3A_514 = arith.constant 16 : index
      %swap3A_515 = tpu.vector_load %arg11[%swap3A_513, %swap3A_514] {strides = array<i32>} : memref<112x128xf32, #tpu.memory_space<vmem>>, vector<1x16xf32>,
      %swap3A_516 = vector.shape_cast %swap3A_515 : vector<1x16xf32> to vector<16xf32>
      %swap3A_517 = vector.shape_cast %max3A_512 : vector<16xf32> to vector<1x16xf32>
      tpu.vector_store %arg11[%swap3A_513, %swap3A_514], %swap3A_517 {strides = array<i32>} : memref<112x128xf32, #tpu.memory_space<vmem>>, vector<1x16xf32>,
      %get3A_518 = arith.index_cast %scan3A_492 : i32 to index
      %get3A_519 = arith.constant 32 : index
      %get3A_520 = tpu.vector_load %arg11[%get3A_518, %get3A_519] {strides = array<i32>} : memref<112x128xf32, #tpu.memory_space<vmem>>, vector<1x16xf32>,
      %get3A_521 = vector.shape_cast %get3A_520 : vector<1x16xf32> to vector<16xf32>
      %get3A_522 = arith.index_cast %scan3A_492 : i32 to index
      %get3A_523 = arith.constant 32 : index
      %get3A_524 = tpu.vector_load %arg12[%get3A_522, %get3A_523] {strides = array<i32>} : memref<112x128xf32, #tpu.memory_space<vmem>>, vector<1x16xf32>,
      %get3A_525 = vector.shape_cast %get3A_524 : vector<1x16xf32> to vector<16xf32>
      %max3A_526 = arith.maximumf %get3A_521, %get3A_525 : vector<16xf32>
      %swap3A_527 = arith.index_cast %scan3A_492 : i32 to index
      %swap3A_528 = arith.constant 32 : index
      %swap3A_529 = tpu.vector_load %arg11[%swap3A_527, %swap3A_528] {strides = array<i32>} : memref<112x128xf32, #tpu.memory_space<vmem>>, vector<1x16xf32>,
      %swap3A_530 = vector.shape_cast %swap3A_529 : vector<1x16xf32> to vector<16xf32>
      %swap3A_531 = vector.shape_cast %max3A_526 : vector<16xf32> to vector<1x16xf32>
      tpu.vector_store %arg11[%swap3A_527, %swap3A_528], %swap3A_531 {strides = array<i32>} : memref<112x128xf32, #tpu.memory_space<vmem>>, vector<1x16xf32>,
      %get3A_532 = arith.index_cast %scan3A_492 : i32 to index
      %get3A_533 = arith.constant 48 : index
      %get3A_534 = tpu.vector_load %arg11[%get3A_532, %get3A_533] {strides = array<i32>} : memref<112x128xf32, #tpu.memory_space<vmem>>, vector<1x16xf32>,
      %get3A_535 = vector.shape_cast %get3A_534 : vector<1x16xf32> to vector<16xf32>
      %get3A_536 = arith.index_cast %scan3A_492 : i32 to index
      %get3A_537 = arith.constant 48 : index
      %get3A_538 = tpu.vector_load %arg12[%get3A_536, %get3A_537] {strides = array<i32>} : memref<112x128xf32, #tpu.memory_space<vmem>>, vector<1x16xf32>,
      %get3A_539 = vector.shape_cast %get3A_538 : vector<1x16xf32> to vector<16xf32>
      %max3A_540 = arith.maximumf %get3A_535, %get3A_539 : vector<16xf32>
      %swap3A_541 = arith.index_cast %scan3A_492 : i32 to index
      %swap3A_542 = arith.constant 48 : index
      %swap3A_543 = tpu.vector_load %arg11[%swap3A_541, %swap3A_542] {strides = array<i32>} : memref<112x128xf32, #tpu.memory_space<vmem>>, vector<1x16xf32>,
      %swap3A_544 = vector.shape_cast %swap3A_543 : vector<1x16xf32> to vector<16xf32>
      %swap3A_545 = vector.shape_cast %max3A_540 : vector<16xf32> to vector<1x16xf32>
      tpu.vector_store %arg11[%swap3A_541, %swap3A_542], %swap3A_545 {strides = array<i32>} : memref<112x128xf32, #tpu.memory_space<vmem>>, vector<1x16xf32>,
      %get3A_546 = arith.index_cast %scan3A_492 : i32 to index
      %get3A_547 = arith.constant 64 : index
      %get3A_548 = tpu.vector_load %arg11[%get3A_546, %get3A_547] {strides = array<i32>} : memref<112x128xf32, #tpu.memory_space<vmem>>, vector<1x16xf32>,
      %get3A_549 = vector.shape_cast %get3A_548 : vector<1x16xf32> to vector<16xf32>
      %get3A_550 = arith.index_cast %scan3A_492 : i32 to index
      %get3A_551 = arith.constant 64 : index
      %get3A_552 = tpu.vector_load %arg12[%get3A_550, %get3A_551] {strides = array<i32>} : memref<112x128xf32, #tpu.memory_space<vmem>>, vector<1x16xf32>,
      %get3A_553 = vector.shape_cast %get3A_552 : vector<1x16xf32> to vector<16xf32>
      %max3A_554 = arith.maximumf %get3A_549, %get3A_553 : vector<16xf32>
      %swap3A_555 = arith.index_cast %scan3A_492 : i32 to index
      %swap3A_556 = arith.constant 64 : index
      %swap3A_557 = tpu.vector_load %arg11[%swap3A_555, %swap3A_556] {strides = array<i32>} : memref<112x128xf32, #tpu.memory_space<vmem>>, vector<1x16xf32>,
      %swap3A_558 = vector.shape_cast %swap3A_557 : vector<1x16xf32> to vector<16xf32>
      %swap3A_559 = vector.shape_cast %max3A_554 : vector<16xf32> to vector<1x16xf32>
      tpu.vector_store %arg11[%swap3A_555, %swap3A_556], %swap3A_559 {strides = array<i32>} : memref<112x128xf32, #tpu.memory_space<vmem>>, vector<1x16xf32>,
      %get3A_560 = arith.index_cast %scan3A_492 : i32 to index
      %get3A_561 = arith.constant 80 : index
      %get3A_562 = tpu.vector_load %arg11[%get3A_560, %get3A_561] {strides = array<i32>} : memref<112x128xf32, #tpu.memory_space<vmem>>, vector<1x16xf32>,
      %get3A_563 = vector.shape_cast %get3A_562 : vector<1x16xf32> to vector<16xf32>
      %get3A_564 = arith.index_cast %scan3A_492 : i32 to index
      %get3A_565 = arith.constant 80 : index
      %get3A_566 = tpu.vector_load %arg12[%get3A_564, %get3A_565] {strides = array<i32>} : memref<112x128xf32, #tpu.memory_space<vmem>>, vector<1x16xf32>,
      %get3A_567 = vector.shape_cast %get3A_566 : vector<1x16xf32> to vector<16xf32>
      %max3A_568 = arith.maximumf %get3A_563, %get3A_567 : vector<16xf32>
      %swap3A_569 = arith.index_cast %scan3A_492 : i32 to index
      %swap3A_570 = arith.constant 80 : index
      %swap3A_571 = tpu.vector_load %arg11[%swap3A_569, %swap3A_570] {strides = array<i32>} : memref<112x128xf32, #tpu.memory_space<vmem>>, vector<1x16xf32>,
      %swap3A_572 = vector.shape_cast %swap3A_571 : vector<1x16xf32> to vector<16xf32>
      %swap3A_573 = vector.shape_cast %max3A_568 : vector<16xf32> to vector<1x16xf32>
      tpu.vector_store %arg11[%swap3A_569, %swap3A_570], %swap3A_573 {strides = array<i32>} : memref<112x128xf32, #tpu.memory_space<vmem>>, vector<1x16xf32>,
      %get3A_574 = arith.index_cast %scan3A_492 : i32 to index
      %get3A_575 = arith.constant 96 : index
      %get3A_576 = tpu.vector_load %arg11[%get3A_574, %get3A_575] {strides = array<i32>} : memref<112x128xf32, #tpu.memory_space<vmem>>, vector<1x16xf32>,
      %get3A_577 = vector.shape_cast %get3A_576 : vector<1x16xf32> to vector<16xf32>
      %get3A_578 = arith.index_cast %scan3A_492 : i32 to index
      %get3A_579 = arith.constant 96 : index
      %get3A_580 = tpu.vector_load %arg12[%get3A_578, %get3A_579] {strides = array<i32>} : memref<112x128xf32, #tpu.memory_space<vmem>>, vector<1x16xf32>,
      %get3A_581 = vector.shape_cast %get3A_580 : vector<1x16xf32> to vector<16xf32>
      %max3A_582 = arith.maximumf %get3A_577, %get3A_581 : vector<16xf32>
      %swap3A_583 = arith.index_cast %scan3A_492 : i32 to index
      %swap3A_584 = arith.constant 96 : index
      %swap3A_585 = tpu.vector_load %arg11[%swap3A_583, %swap3A_584] {strides = array<i32>} : memref<112x128xf32, #tpu.memory_space<vmem>>, vector<1x16xf32>,
      %swap3A_586 = vector.shape_cast %swap3A_585 : vector<1x16xf32> to vector<16xf32>
      %swap3A_587 = vector.shape_cast %max3A_582 : vector<16xf32> to vector<1x16xf32>
      tpu.vector_store %arg11[%swap3A_583, %swap3A_584], %swap3A_587 {strides = array<i32>} : memref<112x128xf32, #tpu.memory_space<vmem>>, vector<1x16xf32>,
      %get3A_588 = arith.index_cast %scan3A_492 : i32 to index
      %get3A_589 = arith.constant 112 : index
      %get3A_590 = tpu.vector_load %arg11[%get3A_588, %get3A_589] {strides = array<i32>} : memref<112x128xf32, #tpu.memory_space<vmem>>, vector<1x16xf32>,
      %get3A_591 = vector.shape_cast %get3A_590 : vector<1x16xf32> to vector<16xf32>
      %get3A_592 = arith.index_cast %scan3A_492 : i32 to index
      %get3A_593 = arith.constant 112 : index
      %get3A_594 = tpu.vector_load %arg12[%get3A_592, %get3A_593] {strides = array<i32>} : memref<112x128xf32, #tpu.memory_space<vmem>>, vector<1x16xf32>,
      %get3A_595 = vector.shape_cast %get3A_594 : vector<1x16xf32> to vector<16xf32>
      %max3A_596 = arith.maximumf %get3A_591, %get3A_595 : vector<16xf32>
      %swap3A_597 = arith.index_cast %scan3A_492 : i32 to index
      %swap3A_598 = arith.constant 112 : index
      %swap3A_599 = tpu.vector_load %arg11[%swap3A_597, %swap3A_598] {strides = array<i32>} : memref<112x128xf32, #tpu.memory_space<vmem>>, vector<1x16xf32>,
      %swap3A_600 = vector.shape_cast %swap3A_599 : vector<1x16xf32> to vector<16xf32>
      %swap3A_601 = vector.shape_cast %max3A_596 : vector<16xf32> to vector<1x16xf32>
      tpu.vector_store %arg11[%swap3A_597, %swap3A_598], %swap3A_601 {strides = array<i32>} : memref<112x128xf32, #tpu.memory_space<vmem>>, vector<1x16xf32>,
    }
    %scan3A_36 = arith.constant 112 : i32
    %add3A_37 = arith.constant 0 : i32
    %add3A_38 = arith.addi %mul3A_2, %add3A_37 : i32
    %dma_start3A_39 = arith.constant 0 : i32
    %dma_start3A_40 = tpu.memref_slice %arg6[%add3A_38, %dma_start3A_39] : memref<50176x128xf32, #tpu.memory_space<hbm>> -> memref<112x128xf32, #tpu.memory_space<hbm>>
    %dma_start3A_41 = arith.constant 0 : i32
    %dma_start3A_42 = tpu.memref_slice %arg6[%add3A_38, %dma_start3A_41] : memref<50176x128xf32, #tpu.memory_space<hbm>> -> memref<112x128xf32, #tpu.memory_space<hbm>>
    tpu.enqueue_dma source(%arg11 : memref<112x128xf32, #tpu.memory_space<vmem>>) target(%dma_start3A_42 : memref<112x128xf32, #tpu.memory_space<hbm>>) target_semaphore(%arg17 : memref<!tpu.dma_semaphore, #tpu.memory_space<semaphore_mem>>)
    %dma_wait3A_43 = arith.constant 0 : i32
    %dma_wait3A_44 = tpu.memref_slice %arg6[%add3A_38, %dma_wait3A_43] : memref<50176x128xf32, #tpu.memory_space<hbm>> -> memref<112x128xf32, #tpu.memory_space<hbm>>
    %dma_wait3A_45 = arith.constant 0 : i32
    %dma_wait3A_46 = tpu.memref_slice %arg6[%add3A_38, %dma_wait3A_45] : memref<50176x128xf32, #tpu.memory_space<hbm>> -> memref<112x128xf32, #tpu.memory_space<hbm>>
    tpu.wait_dma2 semaphore(%arg17 : memref<!tpu.dma_semaphore, #tpu.memory_space<semaphore_mem>>) src(%arg11 : memref<112x128xf32, #tpu.memory_space<vmem>>) dst(%dma_wait3A_46 : memref<112x128xf32, #tpu.memory_space<hbm>>)
    %dma_start3A_47 = arith.constant 224 : i32
    %dma_start3A_48 = tpu.memref_slice %arg9[%dma_start3A_47] : memref<1568xi32, #tpu.memory_space<vmem>> -> memref<112xi32, #tpu.memory_space<vmem>>
    %dma_start3A_49 = arith.constant 0 : i32
    %dma_start3A_50 = arith.constant 0 : i32
    %dma_start3A_51 = tpu.memref_slice %arg7[%dma_start3A_49, %dma_start3A_50] : memref<512x128xf32, #tpu.memory_space<vmem_shared>> -> memref<512x128xf32, #tpu.memory_space<vmem_shared>>
    tpu.enqueue_indirect_dma source(%dma_start3A_51 : memref<512x128xf32, #tpu.memory_space<vmem_shared>>) target(%arg11 : memref<112x128xf32, #tpu.memory_space<vmem>>) offsets(%dma_start3A_48 : memref<112xi32, #tpu.memory_space<vmem>>) semaphore(%arg15 : memref<!tpu.dma_semaphore, #tpu.memory_space<semaphore_mem>>)
    %dma_start3A_52 = arith.constant 224 : i32
    %dma_start3A_53 = tpu.memref_slice %arg10[%dma_start3A_52] : memref<1568xi32, #tpu.memory_space<vmem>> -> memref<112xi32, #tpu.memory_space<vmem>>
    %dma_start3A_54 = arith.constant 0 : i32
    %dma_start3A_55 = arith.constant 0 : i32
    %dma_start3A_56 = tpu.memref_slice %arg8[%dma_start3A_54, %dma_start3A_55] : memref<129x128xf32, #tpu.memory_space<vmem_shared>> -> memref<129x128xf32, #tpu.memory_space<vmem_shared>>
    tpu.enqueue_indirect_dma source(%dma_start3A_56 : memref<129x128xf32, #tpu.memory_space<vmem_shared>>) target(%arg12 : memref<112x128xf32, #tpu.memory_space<vmem>>) offsets(%dma_start3A_53 : memref<112xi32, #tpu.memory_space<vmem>>) semaphore(%arg15 : memref<!tpu.dma_semaphore, #tpu.memory_space<semaphore_mem>>)
    %dma_wait3A_57 = arith.constant 112 : i32
    %dma_wait3A_58 = tpu.memref_slice %arg9[%dma_wait3A_57] : memref<1568xi32, #tpu.memory_space<vmem>> -> memref<112xi32, #tpu.memory_space<vmem>>
    %dma_wait3A_59 = arith.constant 0 : i32
    %dma_wait3A_60 = arith.constant 0 : i32
    %dma_wait3A_61 = tpu.memref_slice %arg7[%dma_wait3A_59, %dma_wait3A_60] : memref<512x128xf32, #tpu.memory_space<vmem_shared>> -> memref<512x128xf32, #tpu.memory_space<vmem_shared>>
    tpu.wait_indirect_dma semaphore(%arg16 : memref<!tpu.dma_semaphore, #tpu.memory_space<semaphore_mem>>) src(%dma_wait3A_61 : memref<512x128xf32, #tpu.memory_space<vmem_shared>>) dst(%arg13 : memref<112x128xf32, #tpu.memory_space<vmem>>)
    %dma_wait3A_62 = arith.constant 112 : i32
    %dma_wait3A_63 = tpu.memref_slice %arg10[%dma_wait3A_62] : memref<1568xi32, #tpu.memory_space<vmem>> -> memref<112xi32, #tpu.memory_space<vmem>>
    %dma_wait3A_64 = arith.constant 0 : i32
    %dma_wait3A_65 = arith.constant 0 : i32
    %dma_wait3A_66 = tpu.memref_slice %arg8[%dma_wait3A_64, %dma_wait3A_65] : memref<129x128xf32, #tpu.memory_space<vmem_shared>> -> memref<129x128xf32, #tpu.memory_space<vmem_shared>>
    tpu.wait_indirect_dma semaphore(%arg16 : memref<!tpu.dma_semaphore, #tpu.memory_space<semaphore_mem>>) src(%dma_wait3A_66 : memref<129x128xf32, #tpu.memory_space<vmem_shared>>) dst(%arg14 : memref<112x128xf32, #tpu.memory_space<vmem>>)
    %scan3A_67 = arith.constant 0 : i32
    %scan3A_68 = arith.constant 112 : i32
    %scan3A_69 = arith.addi %scan3A_67, %scan3A_68 : i32
    %scan3A_70 = arith.constant 1 : i32
    scf.for %scan3A_492 = %scan3A_67 to %scan3A_69 step %scan3A_70  : i32 {
      %get3A = arith.index_cast %scan3A_492 : i32 to index
      %get3A_493 = arith.constant 0 : index
      %get3A_494 = tpu.vector_load %arg13[%get3A, %get3A_493] {strides = array<i32>} : memref<112x128xf32, #tpu.memory_space<vmem>>, vector<1x16xf32>,
      %get3A_495 = vector.shape_cast %get3A_494 : vector<1x16xf32> to vector<16xf32>
      %get3A_496 = arith.index_cast %scan3A_492 : i32 to index
      %get3A_497 = arith.constant 0 : index
      %get3A_498 = tpu.vector_load %arg14[%get3A_496, %get3A_497] {strides = array<i32>} : memref<112x128xf32, #tpu.memory_space<vmem>>, vector<1x16xf32>,
      %get3A_499 = vector.shape_cast %get3A_498 : vector<1x16xf32> to vector<16xf32>
      %max3A = arith.maximumf %get3A_495, %get3A_499 : vector<16xf32>
      %swap3A = arith.index_cast %scan3A_492 : i32 to index
      %swap3A_500 = arith.constant 0 : index
      %swap3A_501 = tpu.vector_load %arg13[%swap3A, %swap3A_500] {strides = array<i32>} : memref<112x128xf32, #tpu.memory_space<vmem>>, vector<1x16xf32>,
      %swap3A_502 = vector.shape_cast %swap3A_501 : vector<1x16xf32> to vector<16xf32>
      %swap3A_503 = vector.shape_cast %max3A : vector<16xf32> to vector<1x16xf32>
      tpu.vector_store %arg13[%swap3A, %swap3A_500], %swap3A_503 {strides = array<i32>} : memref<112x128xf32, #tpu.memory_space<vmem>>, vector<1x16xf32>,
      %get3A_504 = arith.index_cast %scan3A_492 : i32 to index
      %get3A_505 = arith.constant 16 : index
      %get3A_506 = tpu.vector_load %arg13[%get3A_504, %get3A_505] {strides = array<i32>} : memref<112x128xf32, #tpu.memory_space<vmem>>, vector<1x16xf32>,
      %get3A_507 = vector.shape_cast %get3A_506 : vector<1x16xf32> to vector<16xf32>
      %get3A_508 = arith.index_cast %scan3A_492 : i32 to index
      %get3A_509 = arith.constant 16 : index
      %get3A_510 = tpu.vector_load %arg14[%get3A_508, %get3A_509] {strides = array<i32>} : memref<112x128xf32, #tpu.memory_space<vmem>>, vector<1x16xf32>,
      %get3A_511 = vector.shape_cast %get3A_510 : vector<1x16xf32> to vector<16xf32>
      %max3A_512 = arith.maximumf %get3A_507, %get3A_511 : vector<16xf32>
      %swap3A_513 = arith.index_cast %scan3A_492 : i32 to index
      %swap3A_514 = arith.constant 16 : index
      %swap3A_515 = tpu.vector_load %arg13[%swap3A_513, %swap3A_514] {strides = array<i32>} : memref<112x128xf32, #tpu.memory_space<vmem>>, vector<1x16xf32>,
      %swap3A_516 = vector.shape_cast %swap3A_515 : vector<1x16xf32> to vector<16xf32>
      %swap3A_517 = vector.shape_cast %max3A_512 : vector<16xf32> to vector<1x16xf32>
      tpu.vector_store %arg13[%swap3A_513, %swap3A_514], %swap3A_517 {strides = array<i32>} : memref<112x128xf32, #tpu.memory_space<vmem>>, vector<1x16xf32>,
      %get3A_518 = arith.index_cast %scan3A_492 : i32 to index
      %get3A_519 = arith.constant 32 : index
      %get3A_520 = tpu.vector_load %arg13[%get3A_518, %get3A_519] {strides = array<i32>} : memref<112x128xf32, #tpu.memory_space<vmem>>, vector<1x16xf32>,
      %get3A_521 = vector.shape_cast %get3A_520 : vector<1x16xf32> to vector<16xf32>
      %get3A_522 = arith.index_cast %scan3A_492 : i32 to index
      %get3A_523 = arith.constant 32 : index
      %get3A_524 = tpu.vector_load %arg14[%get3A_522, %get3A_523] {strides = array<i32>} : memref<112x128xf32, #tpu.memory_space<vmem>>, vector<1x16xf32>,
      %get3A_525 = vector.shape_cast %get3A_524 : vector<1x16xf32> to vector<16xf32>
      %max3A_526 = arith.maximumf %get3A_521, %get3A_525 : vector<16xf32>
      %swap3A_527 = arith.index_cast %scan3A_492 : i32 to index
      %swap3A_528 = arith.constant 32 : index
      %swap3A_529 = tpu.vector_load %arg13[%swap3A_527, %swap3A_528] {strides = array<i32>} : memref<112x128xf32, #tpu.memory_space<vmem>>, vector<1x16xf32>,
      %swap3A_530 = vector.shape_cast %swap3A_529 : vector<1x16xf32> to vector<16xf32>
      %swap3A_531 = vector.shape_cast %max3A_526 : vector<16xf32> to vector<1x16xf32>
      tpu.vector_store %arg13[%swap3A_527, %swap3A_528], %swap3A_531 {strides = array<i32>} : memref<112x128xf32, #tpu.memory_space<vmem>>, vector<1x16xf32>,
      %get3A_532 = arith.index_cast %scan3A_492 : i32 to index
      %get3A_533 = arith.constant 48 : index
      %get3A_534 = tpu.vector_load %arg13[%get3A_532, %get3A_533] {strides = array<i32>} : memref<112x128xf32, #tpu.memory_space<vmem>>, vector<1x16xf32>,
      %get3A_535 = vector.shape_cast %get3A_534 : vector<1x16xf32> to vector<16xf32>
      %get3A_536 = arith.index_cast %scan3A_492 : i32 to index
      %get3A_537 = arith.constant 48 : index
      %get3A_538 = tpu.vector_load %arg14[%get3A_536, %get3A_537] {strides = array<i32>} : memref<112x128xf32, #tpu.memory_space<vmem>>, vector<1x16xf32>,
      %get3A_539 = vector.shape_cast %get3A_538 : vector<1x16xf32> to vector<16xf32>
      %max3A_540 = arith.maximumf %get3A_535, %get3A_539 : vector<16xf32>
      %swap3A_541 = arith.index_cast %scan3A_492 : i32 to index
      %swap3A_542 = arith.constant 48 : index
      %swap3A_543 = tpu.vector_load %arg13[%swap3A_541, %swap3A_542] {strides = array<i32>} : memref<112x128xf32, #tpu.memory_space<vmem>>, vector<1x16xf32>,
      %swap3A_544 = vector.shape_cast %swap3A_543 : vector<1x16xf32> to vector<16xf32>
      %swap3A_545 = vector.shape_cast %max3A_540 : vector<16xf32> to vector<1x16xf32>
      tpu.vector_store %arg13[%swap3A_541, %swap3A_542], %swap3A_545 {strides = array<i32>} : memref<112x128xf32, #tpu.memory_space<vmem>>, vector<1x16xf32>,
      %get3A_546 = arith.index_cast %scan3A_492 : i32 to index
      %get3A_547 = arith.constant 64 : index
      %get3A_548 = tpu.vector_load %arg13[%get3A_546, %get3A_547] {strides = array<i32>} : memref<112x128xf32, #tpu.memory_space<vmem>>, vector<1x16xf32>,
      %get3A_549 = vector.shape_cast %get3A_548 : vector<1x16xf32> to vector<16xf32>
      %get3A_550 = arith.index_cast %scan3A_492 : i32 to index
      %get3A_551 = arith.constant 64 : index
      %get3A_552 = tpu.vector_load %arg14[%get3A_550, %get3A_551] {strides = array<i32>} : memref<112x128xf32, #tpu.memory_space<vmem>>, vector<1x16xf32>,
      %get3A_553 = vector.shape_cast %get3A_552 : vector<1x16xf32> to vector<16xf32>
      %max3A_554 = arith.maximumf %get3A_549, %get3A_553 : vector<16xf32>
      %swap3A_555 = arith.index_cast %scan3A_492 : i32 to index
      %swap3A_556 = arith.constant 64 : index
      %swap3A_557 = tpu.vector_load %arg13[%swap3A_555, %swap3A_556] {strides = array<i32>} : memref<112x128xf32, #tpu.memory_space<vmem>>, vector<1x16xf32>,
      %swap3A_558 = vector.shape_cast %swap3A_557 : vector<1x16xf32> to vector<16xf32>
      %swap3A_559 = vector.shape_cast %max3A_554 : vector<16xf32> to vector<1x16xf32>
      tpu.vector_store %arg13[%swap3A_555, %swap3A_556], %swap3A_559 {strides = array<i32>} : memref<112x128xf32, #tpu.memory_space<vmem>>, vector<1x16xf32>,
      %get3A_560 = arith.index_cast %scan3A_492 : i32 to index
      %get3A_561 = arith.constant 80 : index
      %get3A_562 = tpu.vector_load %arg13[%get3A_560, %get3A_561] {strides = array<i32>} : memref<112x128xf32, #tpu.memory_space<vmem>>, vector<1x16xf32>,
      %get3A_563 = vector.shape_cast %get3A_562 : vector<1x16xf32> to vector<16xf32>
      %get3A_564 = arith.index_cast %scan3A_492 : i32 to index
      %get3A_565 = arith.constant 80 : index
      %get3A_566 = tpu.vector_load %arg14[%get3A_564, %get3A_565] {strides = array<i32>} : memref<112x128xf32, #tpu.memory_space<vmem>>, vector<1x16xf32>,
      %get3A_567 = vector.shape_cast %get3A_566 : vector<1x16xf32> to vector<16xf32>
      %max3A_568 = arith.maximumf %get3A_563, %get3A_567 : vector<16xf32>
      %swap3A_569 = arith.index_cast %scan3A_492 : i32 to index
      %swap3A_570 = arith.constant 80 : index
      %swap3A_571 = tpu.vector_load %arg13[%swap3A_569, %swap3A_570] {strides = array<i32>} : memref<112x128xf32, #tpu.memory_space<vmem>>, vector<1x16xf32>,
      %swap3A_572 = vector.shape_cast %swap3A_571 : vector<1x16xf32> to vector<16xf32>
      %swap3A_573 = vector.shape_cast %max3A_568 : vector<16xf32> to vector<1x16xf32>
      tpu.vector_store %arg13[%swap3A_569, %swap3A_570], %swap3A_573 {strides = array<i32>} : memref<112x128xf32, #tpu.memory_space<vmem>>, vector<1x16xf32>,
      %get3A_574 = arith.index_cast %scan3A_492 : i32 to index
      %get3A_575 = arith.constant 96 : index
      %get3A_576 = tpu.vector_load %arg13[%get3A_574, %get3A_575] {strides = array<i32>} : memref<112x128xf32, #tpu.memory_space<vmem>>, vector<1x16xf32>,
      %get3A_577 = vector.shape_cast %get3A_576 : vector<1x16xf32> to vector<16xf32>
      %get3A_578 = arith.index_cast %scan3A_492 : i32 to index
      %get3A_579 = arith.constant 96 : index
      %get3A_580 = tpu.vector_load %arg14[%get3A_578, %get3A_579] {strides = array<i32>} : memref<112x128xf32, #tpu.memory_space<vmem>>, vector<1x16xf32>,
      %get3A_581 = vector.shape_cast %get3A_580 : vector<1x16xf32> to vector<16xf32>
      %max3A_582 = arith.maximumf %get3A_577, %get3A_581 : vector<16xf32>
      %swap3A_583 = arith.index_cast %scan3A_492 : i32 to index
      %swap3A_584 = arith.constant 96 : index
      %swap3A_585 = tpu.vector_load %arg13[%swap3A_583, %swap3A_584] {strides = array<i32>} : memref<112x128xf32, #tpu.memory_space<vmem>>, vector<1x16xf32>,
      %swap3A_586 = vector.shape_cast %swap3A_585 : vector<1x16xf32> to vector<16xf32>
      %swap3A_587 = vector.shape_cast %max3A_582 : vector<16xf32> to vector<1x16xf32>
      tpu.vector_store %arg13[%swap3A_583, %swap3A_584], %swap3A_587 {strides = array<i32>} : memref<112x128xf32, #tpu.memory_space<vmem>>, vector<1x16xf32>,
      %get3A_588 = arith.index_cast %scan3A_492 : i32 to index
      %get3A_589 = arith.constant 112 : index
      %get3A_590 = tpu.vector_load %arg13[%get3A_588, %get3A_589] {strides = array<i32>} : memref<112x128xf32, #tpu.memory_space<vmem>>, vector<1x16xf32>,
      %get3A_591 = vector.shape_cast %get3A_590 : vector<1x16xf32> to vector<16xf32>
      %get3A_592 = arith.index_cast %scan3A_492 : i32 to index
      %get3A_593 = arith.constant 112 : index
      %get3A_594 = tpu.vector_load %arg14[%get3A_592, %get3A_593] {strides = array<i32>} : memref<112x128xf32, #tpu.memory_space<vmem>>, vector<1x16xf32>,
      %get3A_595 = vector.shape_cast %get3A_594 : vector<1x16xf32> to vector<16xf32>
      %max3A_596 = arith.maximumf %get3A_591, %get3A_595 : vector<16xf32>
      %swap3A_597 = arith.index_cast %scan3A_492 : i32 to index
      %swap3A_598 = arith.constant 112 : index
      %swap3A_599 = tpu.vector_load %arg13[%swap3A_597, %swap3A_598] {strides = array<i32>} : memref<112x128xf32, #tpu.memory_space<vmem>>, vector<1x16xf32>,
      %swap3A_600 = vector.shape_cast %swap3A_599 : vector<1x16xf32> to vector<16xf32>
      %swap3A_601 = vector.shape_cast %max3A_596 : vector<16xf32> to vector<1x16xf32>
      tpu.vector_store %arg13[%swap3A_597, %swap3A_598], %swap3A_601 {strides = array<i32>} : memref<112x128xf32, #tpu.memory_space<vmem>>, vector<1x16xf32>,
    }
    %scan3A_71 = arith.constant 112 : i32
    %add3A_72 = arith.constant 112 : i32
    %add3A_73 = arith.addi %mul3A_2, %add3A_72 : i32
    %dma_start3A_74 = arith.constant 0 : i32
    %dma_start3A_75 = tpu.memref_slice %arg6[%add3A_73, %dma_start3A_74] : memref<50176x128xf32, #tpu.memory_space<hbm>> -> memref<112x128xf32, #tpu.memory_space<hbm>>
    %dma_start3A_76 = arith.constant 0 : i32
    %dma_start3A_77 = tpu.memref_slice %arg6[%add3A_73, %dma_start3A_76] : memref<50176x128xf32, #tpu.memory_space<hbm>> -> memref<112x128xf32, #tpu.memory_space<hbm>>
    tpu.enqueue_dma source(%arg13 : memref<112x128xf32, #tpu.memory_space<vmem>>) target(%dma_start3A_77 : memref<112x128xf32, #tpu.memory_space<hbm>>) target_semaphore(%arg17 : memref<!tpu.dma_semaphore, #tpu.memory_space<semaphore_mem>>)
    %dma_wait3A_78 = arith.constant 0 : i32
    %dma_wait3A_79 = tpu.memref_slice %arg6[%add3A_73, %dma_wait3A_78] : memref<50176x128xf32, #tpu.memory_space<hbm>> -> memref<112x128xf32, #tpu.memory_space<hbm>>
    %dma_wait3A_80 = arith.constant 0 : i32
    %dma_wait3A_81 = tpu.memref_slice %arg6[%add3A_73, %dma_wait3A_80] : memref<50176x128xf32, #tpu.memory_space<hbm>> -> memref<112x128xf32, #tpu.memory_space<hbm>>
    tpu.wait_dma2 semaphore(%arg17 : memref<!tpu.dma_semaphore, #tpu.memory_space<semaphore_mem>>) src(%arg13 : memref<112x128xf32, #tpu.memory_space<vmem>>) dst(%dma_wait3A_81 : memref<112x128xf32, #tpu.memory_space<hbm>>)
    %dma_start3A_82 = arith.constant 336 : i32
    %dma_start3A_83 = tpu.memref_slice %arg9[%dma_start3A_82] : memref<1568xi32, #tpu.memory_space<vmem>> -> memref<112xi32, #tpu.memory_space<vmem>>
    %dma_start3A_84 = arith.constant 0 : i32
    %dma_start3A_85 = arith.constant 0 : i32
    %dma_start3A_86 = tpu.memref_slice %arg7[%dma_start3A_84, %dma_start3A_85] : memref<512x128xf32, #tpu.memory_space<vmem_shared>> -> memref<512x128xf32, #tpu.memory_space<vmem_shared>>
    tpu.enqueue_indirect_dma source(%dma_start3A_86 : memref<512x128xf32, #tpu.memory_space<vmem_shared>>) target(%arg13 : memref<112x128xf32, #tpu.memory_space<vmem>>) offsets(%dma_start3A_83 : memref<112xi32, #tpu.memory_space<vmem>>) semaphore(%arg16 : memref<!tpu.dma_semaphore, #tpu.memory_space<semaphore_mem>>)
    %dma_start3A_87 = arith.constant 336 : i32
    %dma_start3A_88 = tpu.memref_slice %arg10[%dma_start3A_87] : memref<1568xi32, #tpu.memory_space<vmem>> -> memref<112xi32, #tpu.memory_space<vmem>>
    %dma_start3A_89 = arith.constant 0 : i32
    %dma_start3A_90 = arith.constant 0 : i32
    %dma_start3A_91 = tpu.memref_slice %arg8[%dma_start3A_89, %dma_start3A_90] : memref<129x128xf32, #tpu.memory_space<vmem_shared>> -> memref<129x128xf32, #tpu.memory_space<vmem_shared>>
    tpu.enqueue_indirect_dma source(%dma_start3A_91 : memref<129x128xf32, #tpu.memory_space<vmem_shared>>) target(%arg14 : memref<112x128xf32, #tpu.memory_space<vmem>>) offsets(%dma_start3A_88 : memref<112xi32, #tpu.memory_space<vmem>>) semaphore(%arg16 : memref<!tpu.dma_semaphore, #tpu.memory_space<semaphore_mem>>)
    %dma_wait3A_92 = arith.constant 224 : i32
    %dma_wait3A_93 = tpu.memref_slice %arg9[%dma_wait3A_92] : memref<1568xi32, #tpu.memory_space<vmem>> -> memref<112xi32, #tpu.memory_space<vmem>>
    %dma_wait3A_94 = arith.constant 0 : i32
    %dma_wait3A_95 = arith.constant 0 : i32
    %dma_wait3A_96 = tpu.memref_slice %arg7[%dma_wait3A_94, %dma_wait3A_95] : memref<512x128xf32, #tpu.memory_space<vmem_shared>> -> memref<512x128xf32, #tpu.memory_space<vmem_shared>>
    tpu.wait_indirect_dma semaphore(%arg15 : memref<!tpu.dma_semaphore, #tpu.memory_space<semaphore_mem>>) src(%dma_wait3A_96 : memref<512x128xf32, #tpu.memory_space<vmem_shared>>) dst(%arg11 : memref<112x128xf32, #tpu.memory_space<vmem>>)
    %dma_wait3A_97 = arith.constant 224 : i32
    %dma_wait3A_98 = tpu.memref_slice %arg10[%dma_wait3A_97] : memref<1568xi32, #tpu.memory_space<vmem>> -> memref<112xi32, #tpu.memory_space<vmem>>
    %dma_wait3A_99 = arith.constant 0 : i32
    %dma_wait3A_100 = arith.constant 0 : i32
    %dma_wait3A_101 = tpu.memref_slice %arg8[%dma_wait3A_99, %dma_wait3A_100] : memref<129x128xf32, #tpu.memory_space<vmem_shared>> -> memref<129x128xf32, #tpu.memory_space<vmem_shared>>
    tpu.wait_indirect_dma semaphore(%arg15 : memref<!tpu.dma_semaphore, #tpu.memory_space<semaphore_mem>>) src(%dma_wait3A_101 : memref<129x128xf32, #tpu.memory_space<vmem_shared>>) dst(%arg12 : memref<112x128xf32, #tpu.memory_space<vmem>>)
    %scan3A_102 = arith.constant 0 : i32
    %scan3A_103 = arith.constant 112 : i32
    %scan3A_104 = arith.addi %scan3A_102, %scan3A_103 : i32
    %scan3A_105 = arith.constant 1 : i32
    scf.for %scan3A_492 = %scan3A_102 to %scan3A_104 step %scan3A_105  : i32 {
      %get3A = arith.index_cast %scan3A_492 : i32 to index
      %get3A_493 = arith.constant 0 : index
      %get3A_494 = tpu.vector_load %arg11[%get3A, %get3A_493] {strides = array<i32>} : memref<112x128xf32, #tpu.memory_space<vmem>>, vector<1x16xf32>,
      %get3A_495 = vector.shape_cast %get3A_494 : vector<1x16xf32> to vector<16xf32>
      %get3A_496 = arith.index_cast %scan3A_492 : i32 to index
      %get3A_497 = arith.constant 0 : index
      %get3A_498 = tpu.vector_load %arg12[%get3A_496, %get3A_497] {strides = array<i32>} : memref<112x128xf32, #tpu.memory_space<vmem>>, vector<1x16xf32>,
      %get3A_499 = vector.shape_cast %get3A_498 : vector<1x16xf32> to vector<16xf32>
      %max3A = arith.maximumf %get3A_495, %get3A_499 : vector<16xf32>
      %swap3A = arith.index_cast %scan3A_492 : i32 to index
      %swap3A_500 = arith.constant 0 : index
      %swap3A_501 = tpu.vector_load %arg11[%swap3A, %swap3A_500] {strides = array<i32>} : memref<112x128xf32, #tpu.memory_space<vmem>>, vector<1x16xf32>,
      %swap3A_502 = vector.shape_cast %swap3A_501 : vector<1x16xf32> to vector<16xf32>
      %swap3A_503 = vector.shape_cast %max3A : vector<16xf32> to vector<1x16xf32>
      tpu.vector_store %arg11[%swap3A, %swap3A_500], %swap3A_503 {strides = array<i32>} : memref<112x128xf32, #tpu.memory_space<vmem>>, vector<1x16xf32>,
      %get3A_504 = arith.index_cast %scan3A_492 : i32 to index
      %get3A_505 = arith.constant 16 : index
      %get3A_506 = tpu.vector_load %arg11[%get3A_504, %get3A_505] {strides = array<i32>} : memref<112x128xf32, #tpu.memory_space<vmem>>, vector<1x16xf32>,
      %get3A_507 = vector.shape_cast %get3A_506 : vector<1x16xf32> to vector<16xf32>
      %get3A_508 = arith.index_cast %scan3A_492 : i32 to index
      %get3A_509 = arith.constant 16 : index
      %get3A_510 = tpu.vector_load %arg12[%get3A_508, %get3A_509] {strides = array<i32>} : memref<112x128xf32, #tpu.memory_space<vmem>>, vector<1x16xf32>,
      %get3A_511 = vector.shape_cast %get3A_510 : vector<1x16xf32> to vector<16xf32>
      %max3A_512 = arith.maximumf %get3A_507, %get3A_511 : vector<16xf32>
      %swap3A_513 = arith.index_cast %scan3A_492 : i32 to index
      %swap3A_514 = arith.constant 16 : index
      %swap3A_515 = tpu.vector_load %arg11[%swap3A_513, %swap3A_514] {strides = array<i32>} : memref<112x128xf32, #tpu.memory_space<vmem>>, vector<1x16xf32>,
      %swap3A_516 = vector.shape_cast %swap3A_515 : vector<1x16xf32> to vector<16xf32>
      %swap3A_517 = vector.shape_cast %max3A_512 : vector<16xf32> to vector<1x16xf32>
      tpu.vector_store %arg11[%swap3A_513, %swap3A_514], %swap3A_517 {strides = array<i32>} : memref<112x128xf32, #tpu.memory_space<vmem>>, vector<1x16xf32>,
      %get3A_518 = arith.index_cast %scan3A_492 : i32 to index
      %get3A_519 = arith.constant 32 : index
      %get3A_520 = tpu.vector_load %arg11[%get3A_518, %get3A_519] {strides = array<i32>} : memref<112x128xf32, #tpu.memory_space<vmem>>, vector<1x16xf32>,
      %get3A_521 = vector.shape_cast %get3A_520 : vector<1x16xf32> to vector<16xf32>
      %get3A_522 = arith.index_cast %scan3A_492 : i32 to index
      %get3A_523 = arith.constant 32 : index
      %get3A_524 = tpu.vector_load %arg12[%get3A_522, %get3A_523] {strides = array<i32>} : memref<112x128xf32, #tpu.memory_space<vmem>>, vector<1x16xf32>,
      %get3A_525 = vector.shape_cast %get3A_524 : vector<1x16xf32> to vector<16xf32>
      %max3A_526 = arith.maximumf %get3A_521, %get3A_525 : vector<16xf32>
      %swap3A_527 = arith.index_cast %scan3A_492 : i32 to index
      %swap3A_528 = arith.constant 32 : index
      %swap3A_529 = tpu.vector_load %arg11[%swap3A_527, %swap3A_528] {strides = array<i32>} : memref<112x128xf32, #tpu.memory_space<vmem>>, vector<1x16xf32>,
      %swap3A_530 = vector.shape_cast %swap3A_529 : vector<1x16xf32> to vector<16xf32>
      %swap3A_531 = vector.shape_cast %max3A_526 : vector<16xf32> to vector<1x16xf32>
      tpu.vector_store %arg11[%swap3A_527, %swap3A_528], %swap3A_531 {strides = array<i32>} : memref<112x128xf32, #tpu.memory_space<vmem>>, vector<1x16xf32>,
      %get3A_532 = arith.index_cast %scan3A_492 : i32 to index
      %get3A_533 = arith.constant 48 : index
      %get3A_534 = tpu.vector_load %arg11[%get3A_532, %get3A_533] {strides = array<i32>} : memref<112x128xf32, #tpu.memory_space<vmem>>, vector<1x16xf32>,
      %get3A_535 = vector.shape_cast %get3A_534 : vector<1x16xf32> to vector<16xf32>
      %get3A_536 = arith.index_cast %scan3A_492 : i32 to index
      %get3A_537 = arith.constant 48 : index
      %get3A_538 = tpu.vector_load %arg12[%get3A_536, %get3A_537] {strides = array<i32>} : memref<112x128xf32, #tpu.memory_space<vmem>>, vector<1x16xf32>,
      %get3A_539 = vector.shape_cast %get3A_538 : vector<1x16xf32> to vector<16xf32>
      %max3A_540 = arith.maximumf %get3A_535, %get3A_539 : vector<16xf32>
      %swap3A_541 = arith.index_cast %scan3A_492 : i32 to index
      %swap3A_542 = arith.constant 48 : index
      %swap3A_543 = tpu.vector_load %arg11[%swap3A_541, %swap3A_542] {strides = array<i32>} : memref<112x128xf32, #tpu.memory_space<vmem>>, vector<1x16xf32>,
      %swap3A_544 = vector.shape_cast %swap3A_543 : vector<1x16xf32> to vector<16xf32>
      %swap3A_545 = vector.shape_cast %max3A_540 : vector<16xf32> to vector<1x16xf32>
      tpu.vector_store %arg11[%swap3A_541, %swap3A_542], %swap3A_545 {strides = array<i32>} : memref<112x128xf32, #tpu.memory_space<vmem>>, vector<1x16xf32>,
      %get3A_546 = arith.index_cast %scan3A_492 : i32 to index
      %get3A_547 = arith.constant 64 : index
      %get3A_548 = tpu.vector_load %arg11[%get3A_546, %get3A_547] {strides = array<i32>} : memref<112x128xf32, #tpu.memory_space<vmem>>, vector<1x16xf32>,
      %get3A_549 = vector.shape_cast %get3A_548 : vector<1x16xf32> to vector<16xf32>
      %get3A_550 = arith.index_cast %scan3A_492 : i32 to index
      %get3A_551 = arith.constant 64 : index
      %get3A_552 = tpu.vector_load %arg12[%get3A_550, %get3A_551] {strides = array<i32>} : memref<112x128xf32, #tpu.memory_space<vmem>>, vector<1x16xf32>,
      %get3A_553 = vector.shape_cast %get3A_552 : vector<1x16xf32> to vector<16xf32>
      %max3A_554 = arith.maximumf %get3A_549, %get3A_553 : vector<16xf32>
      %swap3A_555 = arith.index_cast %scan3A_492 : i32 to index
      %swap3A_556 = arith.constant 64 : index
      %swap3A_557 = tpu.vector_load %arg11[%swap3A_555, %swap3A_556] {strides = array<i32>} : memref<112x128xf32, #tpu.memory_space<vmem>>, vector<1x16xf32>,
      %swap3A_558 = vector.shape_cast %swap3A_557 : vector<1x16xf32> to vector<16xf32>
      %swap3A_559 = vector.shape_cast %max3A_554 : vector<16xf32> to vector<1x16xf32>
      tpu.vector_store %arg11[%swap3A_555, %swap3A_556], %swap3A_559 {strides = array<i32>} : memref<112x128xf32, #tpu.memory_space<vmem>>, vector<1x16xf32>,
      %get3A_560 = arith.index_cast %scan3A_492 : i32 to index
      %get3A_561 = arith.constant 80 : index
      %get3A_562 = tpu.vector_load %arg11[%get3A_560, %get3A_561] {strides = array<i32>} : memref<112x128xf32, #tpu.memory_space<vmem>>, vector<1x16xf32>,
      %get3A_563 = vector.shape_cast %get3A_562 : vector<1x16xf32> to vector<16xf32>
      %get3A_564 = arith.index_cast %scan3A_492 : i32 to index
      %get3A_565 = arith.constant 80 : index
      %get3A_566 = tpu.vector_load %arg12[%get3A_564, %get3A_565] {strides = array<i32>} : memref<112x128xf32, #tpu.memory_space<vmem>>, vector<1x16xf32>,
      %get3A_567 = vector.shape_cast %get3A_566 : vector<1x16xf32> to vector<16xf32>
      %max3A_568 = arith.maximumf %get3A_563, %get3A_567 : vector<16xf32>
      %swap3A_569 = arith.index_cast %scan3A_492 : i32 to index
      %swap3A_570 = arith.constant 80 : index
      %swap3A_571 = tpu.vector_load %arg11[%swap3A_569, %swap3A_570] {strides = array<i32>} : memref<112x128xf32, #tpu.memory_space<vmem>>, vector<1x16xf32>,
      %swap3A_572 = vector.shape_cast %swap3A_571 : vector<1x16xf32> to vector<16xf32>
      %swap3A_573 = vector.shape_cast %max3A_568 : vector<16xf32> to vector<1x16xf32>
      tpu.vector_store %arg11[%swap3A_569, %swap3A_570], %swap3A_573 {strides = array<i32>} : memref<112x128xf32, #tpu.memory_space<vmem>>, vector<1x16xf32>,
      %get3A_574 = arith.index_cast %scan3A_492 : i32 to index
      %get3A_575 = arith.constant 96 : index
      %get3A_576 = tpu.vector_load %arg11[%get3A_574, %get3A_575] {strides = array<i32>} : memref<112x128xf32, #tpu.memory_space<vmem>>, vector<1x16xf32>,
      %get3A_577 = vector.shape_cast %get3A_576 : vector<1x16xf32> to vector<16xf32>
      %get3A_578 = arith.index_cast %scan3A_492 : i32 to index
      %get3A_579 = arith.constant 96 : index
      %get3A_580 = tpu.vector_load %arg12[%get3A_578, %get3A_579] {strides = array<i32>} : memref<112x128xf32, #tpu.memory_space<vmem>>, vector<1x16xf32>,
      %get3A_581 = vector.shape_cast %get3A_580 : vector<1x16xf32> to vector<16xf32>
      %max3A_582 = arith.maximumf %get3A_577, %get3A_581 : vector<16xf32>
      %swap3A_583 = arith.index_cast %scan3A_492 : i32 to index
      %swap3A_584 = arith.constant 96 : index
      %swap3A_585 = tpu.vector_load %arg11[%swap3A_583, %swap3A_584] {strides = array<i32>} : memref<112x128xf32, #tpu.memory_space<vmem>>, vector<1x16xf32>,
      %swap3A_586 = vector.shape_cast %swap3A_585 : vector<1x16xf32> to vector<16xf32>
      %swap3A_587 = vector.shape_cast %max3A_582 : vector<16xf32> to vector<1x16xf32>
      tpu.vector_store %arg11[%swap3A_583, %swap3A_584], %swap3A_587 {strides = array<i32>} : memref<112x128xf32, #tpu.memory_space<vmem>>, vector<1x16xf32>,
      %get3A_588 = arith.index_cast %scan3A_492 : i32 to index
      %get3A_589 = arith.constant 112 : index
      %get3A_590 = tpu.vector_load %arg11[%get3A_588, %get3A_589] {strides = array<i32>} : memref<112x128xf32, #tpu.memory_space<vmem>>, vector<1x16xf32>,
      %get3A_591 = vector.shape_cast %get3A_590 : vector<1x16xf32> to vector<16xf32>
      %get3A_592 = arith.index_cast %scan3A_492 : i32 to index
      %get3A_593 = arith.constant 112 : index
      %get3A_594 = tpu.vector_load %arg12[%get3A_592, %get3A_593] {strides = array<i32>} : memref<112x128xf32, #tpu.memory_space<vmem>>, vector<1x16xf32>,
      %get3A_595 = vector.shape_cast %get3A_594 : vector<1x16xf32> to vector<16xf32>
      %max3A_596 = arith.maximumf %get3A_591, %get3A_595 : vector<16xf32>
      %swap3A_597 = arith.index_cast %scan3A_492 : i32 to index
      %swap3A_598 = arith.constant 112 : index
      %swap3A_599 = tpu.vector_load %arg11[%swap3A_597, %swap3A_598] {strides = array<i32>} : memref<112x128xf32, #tpu.memory_space<vmem>>, vector<1x16xf32>,
      %swap3A_600 = vector.shape_cast %swap3A_599 : vector<1x16xf32> to vector<16xf32>
      %swap3A_601 = vector.shape_cast %max3A_596 : vector<16xf32> to vector<1x16xf32>
      tpu.vector_store %arg11[%swap3A_597, %swap3A_598], %swap3A_601 {strides = array<i32>} : memref<112x128xf32, #tpu.memory_space<vmem>>, vector<1x16xf32>,
    }
    %scan3A_106 = arith.constant 112 : i32
    %add3A_107 = arith.constant 224 : i32
    %add3A_108 = arith.addi %mul3A_2, %add3A_107 : i32
    %dma_start3A_109 = arith.constant 0 : i32
    %dma_start3A_110 = tpu.memref_slice %arg6[%add3A_108, %dma_start3A_109] : memref<50176x128xf32, #tpu.memory_space<hbm>> -> memref<112x128xf32, #tpu.memory_space<hbm>>
    %dma_start3A_111 = arith.constant 0 : i32
    %dma_start3A_112 = tpu.memref_slice %arg6[%add3A_108, %dma_start3A_111] : memref<50176x128xf32, #tpu.memory_space<hbm>> -> memref<112x128xf32, #tpu.memory_space<hbm>>
    tpu.enqueue_dma source(%arg11 : memref<112x128xf32, #tpu.memory_space<vmem>>) target(%dma_start3A_112 : memref<112x128xf32, #tpu.memory_space<hbm>>) target_semaphore(%arg17 : memref<!tpu.dma_semaphore, #tpu.memory_space<semaphore_mem>>)
    %dma_wait3A_113 = arith.constant 0 : i32
    %dma_wait3A_114 = tpu.memref_slice %arg6[%add3A_108, %dma_wait3A_113] : memref<50176x128xf32, #tpu.memory_space<hbm>> -> memref<112x128xf32, #tpu.memory_space<hbm>>
    %dma_wait3A_115 = arith.constant 0 : i32
    %dma_wait3A_116 = tpu.memref_slice %arg6[%add3A_108, %dma_wait3A_115] : memref<50176x128xf32, #tpu.memory_space<hbm>> -> memref<112x128xf32, #tpu.memory_space<hbm>>
    tpu.wait_dma2 semaphore(%arg17 : memref<!tpu.dma_semaphore, #tpu.memory_space<semaphore_mem>>) src(%arg11 : memref<112x128xf32, #tpu.memory_space<vmem>>) dst(%dma_wait3A_116 : memref<112x128xf32, #tpu.memory_space<hbm>>)
    %dma_start3A_117 = arith.constant 448 : i32
    %dma_start3A_118 = tpu.memref_slice %arg9[%dma_start3A_117] : memref<1568xi32, #tpu.memory_space<vmem>> -> memref<112xi32, #tpu.memory_space<vmem>>
    %dma_start3A_119 = arith.constant 0 : i32
    %dma_start3A_120 = arith.constant 0 : i32
    %dma_start3A_121 = tpu.memref_slice %arg7[%dma_start3A_119, %dma_start3A_120] : memref<512x128xf32, #tpu.memory_space<vmem_shared>> -> memref<512x128xf32, #tpu.memory_space<vmem_shared>>
    tpu.enqueue_indirect_dma source(%dma_start3A_121 : memref<512x128xf32, #tpu.memory_space<vmem_shared>>) target(%arg11 : memref<112x128xf32, #tpu.memory_space<vmem>>) offsets(%dma_start3A_118 : memref<112xi32, #tpu.memory_space<vmem>>) semaphore(%arg15 : memref<!tpu.dma_semaphore, #tpu.memory_space<semaphore_mem>>)
    %dma_start3A_122 = arith.constant 448 : i32
    %dma_start3A_123 = tpu.memref_slice %arg10[%dma_start3A_122] : memref<1568xi32, #tpu.memory_space<vmem>> -> memref<112xi32, #tpu.memory_space<vmem>>
    %dma_start3A_124 = arith.constant 0 : i32
    %dma_start3A_125 = arith.constant 0 : i32
    %dma_start3A_126 = tpu.memref_slice %arg8[%dma_start3A_124, %dma_start3A_125] : memref<129x128xf32, #tpu.memory_space<vmem_shared>> -> memref<129x128xf32, #tpu.memory_space<vmem_shared>>
    tpu.enqueue_indirect_dma source(%dma_start3A_126 : memref<129x128xf32, #tpu.memory_space<vmem_shared>>) target(%arg12 : memref<112x128xf32, #tpu.memory_space<vmem>>) offsets(%dma_start3A_123 : memref<112xi32, #tpu.memory_space<vmem>>) semaphore(%arg15 : memref<!tpu.dma_semaphore, #tpu.memory_space<semaphore_mem>>)
    %dma_wait3A_127 = arith.constant 336 : i32
    %dma_wait3A_128 = tpu.memref_slice %arg9[%dma_wait3A_127] : memref<1568xi32, #tpu.memory_space<vmem>> -> memref<112xi32, #tpu.memory_space<vmem>>
    %dma_wait3A_129 = arith.constant 0 : i32
    %dma_wait3A_130 = arith.constant 0 : i32
    %dma_wait3A_131 = tpu.memref_slice %arg7[%dma_wait3A_129, %dma_wait3A_130] : memref<512x128xf32, #tpu.memory_space<vmem_shared>> -> memref<512x128xf32, #tpu.memory_space<vmem_shared>>
    tpu.wait_indirect_dma semaphore(%arg16 : memref<!tpu.dma_semaphore, #tpu.memory_space<semaphore_mem>>) src(%dma_wait3A_131 : memref<512x128xf32, #tpu.memory_space<vmem_shared>>) dst(%arg13 : memref<112x128xf32, #tpu.memory_space<vmem>>)
    %dma_wait3A_132 = arith.constant 336 : i32
    %dma_wait3A_133 = tpu.memref_slice %arg10[%dma_wait3A_132] : memref<1568xi32, #tpu.memory_space<vmem>> -> memref<112xi32, #tpu.memory_space<vmem>>
    %dma_wait3A_134 = arith.constant 0 : i32
    %dma_wait3A_135 = arith.constant 0 : i32
    %dma_wait3A_136 = tpu.memref_slice %arg8[%dma_wait3A_134, %dma_wait3A_135] : memref<129x128xf32, #tpu.memory_space<vmem_shared>> -> memref<129x128xf32, #tpu.memory_space<vmem_shared>>
    tpu.wait_indirect_dma semaphore(%arg16 : memref<!tpu.dma_semaphore, #tpu.memory_space<semaphore_mem>>) src(%dma_wait3A_136 : memref<129x128xf32, #tpu.memory_space<vmem_shared>>) dst(%arg14 : memref<112x128xf32, #tpu.memory_space<vmem>>)
    %scan3A_137 = arith.constant 0 : i32
    %scan3A_138 = arith.constant 112 : i32
    %scan3A_139 = arith.addi %scan3A_137, %scan3A_138 : i32
    %scan3A_140 = arith.constant 1 : i32
    scf.for %scan3A_492 = %scan3A_137 to %scan3A_139 step %scan3A_140  : i32 {
      %get3A = arith.index_cast %scan3A_492 : i32 to index
      %get3A_493 = arith.constant 0 : index
      %get3A_494 = tpu.vector_load %arg13[%get3A, %get3A_493] {strides = array<i32>} : memref<112x128xf32, #tpu.memory_space<vmem>>, vector<1x16xf32>,
      %get3A_495 = vector.shape_cast %get3A_494 : vector<1x16xf32> to vector<16xf32>
      %get3A_496 = arith.index_cast %scan3A_492 : i32 to index
      %get3A_497 = arith.constant 0 : index
      %get3A_498 = tpu.vector_load %arg14[%get3A_496, %get3A_497] {strides = array<i32>} : memref<112x128xf32, #tpu.memory_space<vmem>>, vector<1x16xf32>,
      %get3A_499 = vector.shape_cast %get3A_498 : vector<1x16xf32> to vector<16xf32>
      %max3A = arith.maximumf %get3A_495, %get3A_499 : vector<16xf32>
      %swap3A = arith.index_cast %scan3A_492 : i32 to index
      %swap3A_500 = arith.constant 0 : index
      %swap3A_501 = tpu.vector_load %arg13[%swap3A, %swap3A_500] {strides = array<i32>} : memref<112x128xf32, #tpu.memory_space<vmem>>, vector<1x16xf32>,
      %swap3A_502 = vector.shape_cast %swap3A_501 : vector<1x16xf32> to vector<16xf32>
      %swap3A_503 = vector.shape_cast %max3A : vector<16xf32> to vector<1x16xf32>
      tpu.vector_store %arg13[%swap3A, %swap3A_500], %swap3A_503 {strides = array<i32>} : memref<112x128xf32, #tpu.memory_space<vmem>>, vector<1x16xf32>,
      %get3A_504 = arith.index_cast %scan3A_492 : i32 to index
      %get3A_505 = arith.constant 16 : index
      %get3A_506 = tpu.vector_load %arg13[%get3A_504, %get3A_505] {strides = array<i32>} : memref<112x128xf32, #tpu.memory_space<vmem>>, vector<1x16xf32>,
      %get3A_507 = vector.shape_cast %get3A_506 : vector<1x16xf32> to vector<16xf32>
      %get3A_508 = arith.index_cast %scan3A_492 : i32 to index
      %get3A_509 = arith.constant 16 : index
      %get3A_510 = tpu.vector_load %arg14[%get3A_508, %get3A_509] {strides = array<i32>} : memref<112x128xf32, #tpu.memory_space<vmem>>, vector<1x16xf32>,
      %get3A_511 = vector.shape_cast %get3A_510 : vector<1x16xf32> to vector<16xf32>
      %max3A_512 = arith.maximumf %get3A_507, %get3A_511 : vector<16xf32>
      %swap3A_513 = arith.index_cast %scan3A_492 : i32 to index
      %swap3A_514 = arith.constant 16 : index
      %swap3A_515 = tpu.vector_load %arg13[%swap3A_513, %swap3A_514] {strides = array<i32>} : memref<112x128xf32, #tpu.memory_space<vmem>>, vector<1x16xf32>,
      %swap3A_516 = vector.shape_cast %swap3A_515 : vector<1x16xf32> to vector<16xf32>
      %swap3A_517 = vector.shape_cast %max3A_512 : vector<16xf32> to vector<1x16xf32>
      tpu.vector_store %arg13[%swap3A_513, %swap3A_514], %swap3A_517 {strides = array<i32>} : memref<112x128xf32, #tpu.memory_space<vmem>>, vector<1x16xf32>,
      %get3A_518 = arith.index_cast %scan3A_492 : i32 to index
      %get3A_519 = arith.constant 32 : index
      %get3A_520 = tpu.vector_load %arg13[%get3A_518, %get3A_519] {strides = array<i32>} : memref<112x128xf32, #tpu.memory_space<vmem>>, vector<1x16xf32>,
      %get3A_521 = vector.shape_cast %get3A_520 : vector<1x16xf32> to vector<16xf32>
      %get3A_522 = arith.index_cast %scan3A_492 : i32 to index
      %get3A_523 = arith.constant 32 : index
      %get3A_524 = tpu.vector_load %arg14[%get3A_522, %get3A_523] {strides = array<i32>} : memref<112x128xf32, #tpu.memory_space<vmem>>, vector<1x16xf32>,
      %get3A_525 = vector.shape_cast %get3A_524 : vector<1x16xf32> to vector<16xf32>
      %max3A_526 = arith.maximumf %get3A_521, %get3A_525 : vector<16xf32>
      %swap3A_527 = arith.index_cast %scan3A_492 : i32 to index
      %swap3A_528 = arith.constant 32 : index
      %swap3A_529 = tpu.vector_load %arg13[%swap3A_527, %swap3A_528] {strides = array<i32>} : memref<112x128xf32, #tpu.memory_space<vmem>>, vector<1x16xf32>,
      %swap3A_530 = vector.shape_cast %swap3A_529 : vector<1x16xf32> to vector<16xf32>
      %swap3A_531 = vector.shape_cast %max3A_526 : vector<16xf32> to vector<1x16xf32>
      tpu.vector_store %arg13[%swap3A_527, %swap3A_528], %swap3A_531 {strides = array<i32>} : memref<112x128xf32, #tpu.memory_space<vmem>>, vector<1x16xf32>,
      %get3A_532 = arith.index_cast %scan3A_492 : i32 to index
      %get3A_533 = arith.constant 48 : index
      %get3A_534 = tpu.vector_load %arg13[%get3A_532, %get3A_533] {strides = array<i32>} : memref<112x128xf32, #tpu.memory_space<vmem>>, vector<1x16xf32>,
      %get3A_535 = vector.shape_cast %get3A_534 : vector<1x16xf32> to vector<16xf32>
      %get3A_536 = arith.index_cast %scan3A_492 : i32 to index
      %get3A_537 = arith.constant 48 : index
      %get3A_538 = tpu.vector_load %arg14[%get3A_536, %get3A_537] {strides = array<i32>} : memref<112x128xf32, #tpu.memory_space<vmem>>, vector<1x16xf32>,
      %get3A_539 = vector.shape_cast %get3A_538 : vector<1x16xf32> to vector<16xf32>
      %max3A_540 = arith.maximumf %get3A_535, %get3A_539 : vector<16xf32>
      %swap3A_541 = arith.index_cast %scan3A_492 : i32 to index
      %swap3A_542 = arith.constant 48 : index
      %swap3A_543 = tpu.vector_load %arg13[%swap3A_541, %swap3A_542] {strides = array<i32>} : memref<112x128xf32, #tpu.memory_space<vmem>>, vector<1x16xf32>,
      %swap3A_544 = vector.shape_cast %swap3A_543 : vector<1x16xf32> to vector<16xf32>
      %swap3A_545 = vector.shape_cast %max3A_540 : vector<16xf32> to vector<1x16xf32>
      tpu.vector_store %arg13[%swap3A_541, %swap3A_542], %swap3A_545 {strides = array<i32>} : memref<112x128xf32, #tpu.memory_space<vmem>>, vector<1x16xf32>,
      %get3A_546 = arith.index_cast %scan3A_492 : i32 to index
      %get3A_547 = arith.constant 64 : index
      %get3A_548 = tpu.vector_load %arg13[%get3A_546, %get3A_547] {strides = array<i32>} : memref<112x128xf32, #tpu.memory_space<vmem>>, vector<1x16xf32>,
      %get3A_549 = vector.shape_cast %get3A_548 : vector<1x16xf32> to vector<16xf32>
      %get3A_550 = arith.index_cast %scan3A_492 : i32 to index
      %get3A_551 = arith.constant 64 : index
      %get3A_552 = tpu.vector_load %arg14[%get3A_550, %get3A_551] {strides = array<i32>} : memref<112x128xf32, #tpu.memory_space<vmem>>, vector<1x16xf32>,
      %get3A_553 = vector.shape_cast %get3A_552 : vector<1x16xf32> to vector<16xf32>
      %max3A_554 = arith.maximumf %get3A_549, %get3A_553 : vector<16xf32>
      %swap3A_555 = arith.index_cast %scan3A_492 : i32 to index
      %swap3A_556 = arith.constant 64 : index
      %swap3A_557 = tpu.vector_load %arg13[%swap3A_555, %swap3A_556] {strides = array<i32>} : memref<112x128xf32, #tpu.memory_space<vmem>>, vector<1x16xf32>,
      %swap3A_558 = vector.shape_cast %swap3A_557 : vector<1x16xf32> to vector<16xf32>
      %swap3A_559 = vector.shape_cast %max3A_554 : vector<16xf32> to vector<1x16xf32>
      tpu.vector_store %arg13[%swap3A_555, %swap3A_556], %swap3A_559 {strides = array<i32>} : memref<112x128xf32, #tpu.memory_space<vmem>>, vector<1x16xf32>,
      %get3A_560 = arith.index_cast %scan3A_492 : i32 to index
      %get3A_561 = arith.constant 80 : index
      %get3A_562 = tpu.vector_load %arg13[%get3A_560, %get3A_561] {strides = array<i32>} : memref<112x128xf32, #tpu.memory_space<vmem>>, vector<1x16xf32>,
      %get3A_563 = vector.shape_cast %get3A_562 : vector<1x16xf32> to vector<16xf32>
      %get3A_564 = arith.index_cast %scan3A_492 : i32 to index
      %get3A_565 = arith.constant 80 : index
      %get3A_566 = tpu.vector_load %arg14[%get3A_564, %get3A_565] {strides = array<i32>} : memref<112x128xf32, #tpu.memory_space<vmem>>, vector<1x16xf32>,
      %get3A_567 = vector.shape_cast %get3A_566 : vector<1x16xf32> to vector<16xf32>
      %max3A_568 = arith.maximumf %get3A_563, %get3A_567 : vector<16xf32>
      %swap3A_569 = arith.index_cast %scan3A_492 : i32 to index
      %swap3A_570 = arith.constant 80 : index
      %swap3A_571 = tpu.vector_load %arg13[%swap3A_569, %swap3A_570] {strides = array<i32>} : memref<112x128xf32, #tpu.memory_space<vmem>>, vector<1x16xf32>,
      %swap3A_572 = vector.shape_cast %swap3A_571 : vector<1x16xf32> to vector<16xf32>
      %swap3A_573 = vector.shape_cast %max3A_568 : vector<16xf32> to vector<1x16xf32>
      tpu.vector_store %arg13[%swap3A_569, %swap3A_570], %swap3A_573 {strides = array<i32>} : memref<112x128xf32, #tpu.memory_space<vmem>>, vector<1x16xf32>,
      %get3A_574 = arith.index_cast %scan3A_492 : i32 to index
      %get3A_575 = arith.constant 96 : index
      %get3A_576 = tpu.vector_load %arg13[%get3A_574, %get3A_575] {strides = array<i32>} : memref<112x128xf32, #tpu.memory_space<vmem>>, vector<1x16xf32>,
      %get3A_577 = vector.shape_cast %get3A_576 : vector<1x16xf32> to vector<16xf32>
      %get3A_578 = arith.index_cast %scan3A_492 : i32 to index
      %get3A_579 = arith.constant 96 : index
      %get3A_580 = tpu.vector_load %arg14[%get3A_578, %get3A_579] {strides = array<i32>} : memref<112x128xf32, #tpu.memory_space<vmem>>, vector<1x16xf32>,
      %get3A_581 = vector.shape_cast %get3A_580 : vector<1x16xf32> to vector<16xf32>
      %max3A_582 = arith.maximumf %get3A_577, %get3A_581 : vector<16xf32>
      %swap3A_583 = arith.index_cast %scan3A_492 : i32 to index
      %swap3A_584 = arith.constant 96 : index
      %swap3A_585 = tpu.vector_load %arg13[%swap3A_583, %swap3A_584] {strides = array<i32>} : memref<112x128xf32, #tpu.memory_space<vmem>>, vector<1x16xf32>,
      %swap3A_586 = vector.shape_cast %swap3A_585 : vector<1x16xf32> to vector<16xf32>
      %swap3A_587 = vector.shape_cast %max3A_582 : vector<16xf32> to vector<1x16xf32>
      tpu.vector_store %arg13[%swap3A_583, %swap3A_584], %swap3A_587 {strides = array<i32>} : memref<112x128xf32, #tpu.memory_space<vmem>>, vector<1x16xf32>,
      %get3A_588 = arith.index_cast %scan3A_492 : i32 to index
      %get3A_589 = arith.constant 112 : index
      %get3A_590 = tpu.vector_load %arg13[%get3A_588, %get3A_589] {strides = array<i32>} : memref<112x128xf32, #tpu.memory_space<vmem>>, vector<1x16xf32>,
      %get3A_591 = vector.shape_cast %get3A_590 : vector<1x16xf32> to vector<16xf32>
      %get3A_592 = arith.index_cast %scan3A_492 : i32 to index
      %get3A_593 = arith.constant 112 : index
      %get3A_594 = tpu.vector_load %arg14[%get3A_592, %get3A_593] {strides = array<i32>} : memref<112x128xf32, #tpu.memory_space<vmem>>, vector<1x16xf32>,
      %get3A_595 = vector.shape_cast %get3A_594 : vector<1x16xf32> to vector<16xf32>
      %max3A_596 = arith.maximumf %get3A_591, %get3A_595 : vector<16xf32>
      %swap3A_597 = arith.index_cast %scan3A_492 : i32 to index
      %swap3A_598 = arith.constant 112 : index
      %swap3A_599 = tpu.vector_load %arg13[%swap3A_597, %swap3A_598] {strides = array<i32>} : memref<112x128xf32, #tpu.memory_space<vmem>>, vector<1x16xf32>,
      %swap3A_600 = vector.shape_cast %swap3A_599 : vector<1x16xf32> to vector<16xf32>
      %swap3A_601 = vector.shape_cast %max3A_596 : vector<16xf32> to vector<1x16xf32>
      tpu.vector_store %arg13[%swap3A_597, %swap3A_598], %swap3A_601 {strides = array<i32>} : memref<112x128xf32, #tpu.memory_space<vmem>>, vector<1x16xf32>,
    }
    %scan3A_141 = arith.constant 112 : i32
    %add3A_142 = arith.constant 336 : i32
    %add3A_143 = arith.addi %mul3A_2, %add3A_142 : i32
    %dma_start3A_144 = arith.constant 0 : i32
    %dma_start3A_145 = tpu.memref_slice %arg6[%add3A_143, %dma_start3A_144] : memref<50176x128xf32, #tpu.memory_space<hbm>> -> memref<112x128xf32, #tpu.memory_space<hbm>>
    %dma_start3A_146 = arith.constant 0 : i32
    %dma_start3A_147 = tpu.memref_slice %arg6[%add3A_143, %dma_start3A_146] : memref<50176x128xf32, #tpu.memory_space<hbm>> -> memref<112x128xf32, #tpu.memory_space<hbm>>
    tpu.enqueue_dma source(%arg13 : memref<112x128xf32, #tpu.memory_space<vmem>>) target(%dma_start3A_147 : memref<112x128xf32, #tpu.memory_space<hbm>>) target_semaphore(%arg17 : memref<!tpu.dma_semaphore, #tpu.memory_space<semaphore_mem>>)
    %dma_wait3A_148 = arith.constant 0 : i32
    %dma_wait3A_149 = tpu.memref_slice %arg6[%add3A_143, %dma_wait3A_148] : memref<50176x128xf32, #tpu.memory_space<hbm>> -> memref<112x128xf32, #tpu.memory_space<hbm>>
    %dma_wait3A_150 = arith.constant 0 : i32
    %dma_wait3A_151 = tpu.memref_slice %arg6[%add3A_143, %dma_wait3A_150] : memref<50176x128xf32, #tpu.memory_space<hbm>> -> memref<112x128xf32, #tpu.memory_space<hbm>>
    tpu.wait_dma2 semaphore(%arg17 : memref<!tpu.dma_semaphore, #tpu.memory_space<semaphore_mem>>) src(%arg13 : memref<112x128xf32, #tpu.memory_space<vmem>>) dst(%dma_wait3A_151 : memref<112x128xf32, #tpu.memory_space<hbm>>)
    %dma_start3A_152 = arith.constant 560 : i32
    %dma_start3A_153 = tpu.memref_slice %arg9[%dma_start3A_152] : memref<1568xi32, #tpu.memory_space<vmem>> -> memref<112xi32, #tpu.memory_space<vmem>>
    %dma_start3A_154 = arith.constant 0 : i32
    %dma_start3A_155 = arith.constant 0 : i32
    %dma_start3A_156 = tpu.memref_slice %arg7[%dma_start3A_154, %dma_start3A_155] : memref<512x128xf32, #tpu.memory_space<vmem_shared>> -> memref<512x128xf32, #tpu.memory_space<vmem_shared>>
    tpu.enqueue_indirect_dma source(%dma_start3A_156 : memref<512x128xf32, #tpu.memory_space<vmem_shared>>) target(%arg13 : memref<112x128xf32, #tpu.memory_space<vmem>>) offsets(%dma_start3A_153 : memref<112xi32, #tpu.memory_space<vmem>>) semaphore(%arg16 : memref<!tpu.dma_semaphore, #tpu.memory_space<semaphore_mem>>)
    %dma_start3A_157 = arith.constant 560 : i32
    %dma_start3A_158 = tpu.memref_slice %arg10[%dma_start3A_157] : memref<1568xi32, #tpu.memory_space<vmem>> -> memref<112xi32, #tpu.memory_space<vmem>>
    %dma_start3A_159 = arith.constant 0 : i32
    %dma_start3A_160 = arith.constant 0 : i32
    %dma_start3A_161 = tpu.memref_slice %arg8[%dma_start3A_159, %dma_start3A_160] : memref<129x128xf32, #tpu.memory_space<vmem_shared>> -> memref<129x128xf32, #tpu.memory_space<vmem_shared>>
    tpu.enqueue_indirect_dma source(%dma_start3A_161 : memref<129x128xf32, #tpu.memory_space<vmem_shared>>) target(%arg14 : memref<112x128xf32, #tpu.memory_space<vmem>>) offsets(%dma_start3A_158 : memref<112xi32, #tpu.memory_space<vmem>>) semaphore(%arg16 : memref<!tpu.dma_semaphore, #tpu.memory_space<semaphore_mem>>)
    %dma_wait3A_162 = arith.constant 448 : i32
    %dma_wait3A_163 = tpu.memref_slice %arg9[%dma_wait3A_162] : memref<1568xi32, #tpu.memory_space<vmem>> -> memref<112xi32, #tpu.memory_space<vmem>>
    %dma_wait3A_164 = arith.constant 0 : i32
    %dma_wait3A_165 = arith.constant 0 : i32
    %dma_wait3A_166 = tpu.memref_slice %arg7[%dma_wait3A_164, %dma_wait3A_165] : memref<512x128xf32, #tpu.memory_space<vmem_shared>> -> memref<512x128xf32, #tpu.memory_space<vmem_shared>>
    tpu.wait_indirect_dma semaphore(%arg15 : memref<!tpu.dma_semaphore, #tpu.memory_space<semaphore_mem>>) src(%dma_wait3A_166 : memref<512x128xf32, #tpu.memory_space<vmem_shared>>) dst(%arg11 : memref<112x128xf32, #tpu.memory_space<vmem>>)
    %dma_wait3A_167 = arith.constant 448 : i32
    %dma_wait3A_168 = tpu.memref_slice %arg10[%dma_wait3A_167] : memref<1568xi32, #tpu.memory_space<vmem>> -> memref<112xi32, #tpu.memory_space<vmem>>
    %dma_wait3A_169 = arith.constant 0 : i32
    %dma_wait3A_170 = arith.constant 0 : i32
    %dma_wait3A_171 = tpu.memref_slice %arg8[%dma_wait3A_169, %dma_wait3A_170] : memref<129x128xf32, #tpu.memory_space<vmem_shared>> -> memref<129x128xf32, #tpu.memory_space<vmem_shared>>
    tpu.wait_indirect_dma semaphore(%arg15 : memref<!tpu.dma_semaphore, #tpu.memory_space<semaphore_mem>>) src(%dma_wait3A_171 : memref<129x128xf32, #tpu.memory_space<vmem_shared>>) dst(%arg12 : memref<112x128xf32, #tpu.memory_space<vmem>>)
    %scan3A_172 = arith.constant 0 : i32
    %scan3A_173 = arith.constant 112 : i32
    %scan3A_174 = arith.addi %scan3A_172, %scan3A_173 : i32
    %scan3A_175 = arith.constant 1 : i32
    scf.for %scan3A_492 = %scan3A_172 to %scan3A_174 step %scan3A_175  : i32 {
      %get3A = arith.index_cast %scan3A_492 : i32 to index
      %get3A_493 = arith.constant 0 : index
      %get3A_494 = tpu.vector_load %arg11[%get3A, %get3A_493] {strides = array<i32>} : memref<112x128xf32, #tpu.memory_space<vmem>>, vector<1x16xf32>,
      %get3A_495 = vector.shape_cast %get3A_494 : vector<1x16xf32> to vector<16xf32>
      %get3A_496 = arith.index_cast %scan3A_492 : i32 to index
      %get3A_497 = arith.constant 0 : index
      %get3A_498 = tpu.vector_load %arg12[%get3A_496, %get3A_497] {strides = array<i32>} : memref<112x128xf32, #tpu.memory_space<vmem>>, vector<1x16xf32>,
      %get3A_499 = vector.shape_cast %get3A_498 : vector<1x16xf32> to vector<16xf32>
      %max3A = arith.maximumf %get3A_495, %get3A_499 : vector<16xf32>
      %swap3A = arith.index_cast %scan3A_492 : i32 to index
      %swap3A_500 = arith.constant 0 : index
      %swap3A_501 = tpu.vector_load %arg11[%swap3A, %swap3A_500] {strides = array<i32>} : memref<112x128xf32, #tpu.memory_space<vmem>>, vector<1x16xf32>,
      %swap3A_502 = vector.shape_cast %swap3A_501 : vector<1x16xf32> to vector<16xf32>
      %swap3A_503 = vector.shape_cast %max3A : vector<16xf32> to vector<1x16xf32>
      tpu.vector_store %arg11[%swap3A, %swap3A_500], %swap3A_503 {strides = array<i32>} : memref<112x128xf32, #tpu.memory_space<vmem>>, vector<1x16xf32>,
      %get3A_504 = arith.index_cast %scan3A_492 : i32 to index
      %get3A_505 = arith.constant 16 : index
      %get3A_506 = tpu.vector_load %arg11[%get3A_504, %get3A_505] {strides = array<i32>} : memref<112x128xf32, #tpu.memory_space<vmem>>, vector<1x16xf32>,
      %get3A_507 = vector.shape_cast %get3A_506 : vector<1x16xf32> to vector<16xf32>
      %get3A_508 = arith.index_cast %scan3A_492 : i32 to index
      %get3A_509 = arith.constant 16 : index
      %get3A_510 = tpu.vector_load %arg12[%get3A_508, %get3A_509] {strides = array<i32>} : memref<112x128xf32, #tpu.memory_space<vmem>>, vector<1x16xf32>,
      %get3A_511 = vector.shape_cast %get3A_510 : vector<1x16xf32> to vector<16xf32>
      %max3A_512 = arith.maximumf %get3A_507, %get3A_511 : vector<16xf32>
      %swap3A_513 = arith.index_cast %scan3A_492 : i32 to index
      %swap3A_514 = arith.constant 16 : index
      %swap3A_515 = tpu.vector_load %arg11[%swap3A_513, %swap3A_514] {strides = array<i32>} : memref<112x128xf32, #tpu.memory_space<vmem>>, vector<1x16xf32>,
      %swap3A_516 = vector.shape_cast %swap3A_515 : vector<1x16xf32> to vector<16xf32>
      %swap3A_517 = vector.shape_cast %max3A_512 : vector<16xf32> to vector<1x16xf32>
      tpu.vector_store %arg11[%swap3A_513, %swap3A_514], %swap3A_517 {strides = array<i32>} : memref<112x128xf32, #tpu.memory_space<vmem>>, vector<1x16xf32>,
      %get3A_518 = arith.index_cast %scan3A_492 : i32 to index
      %get3A_519 = arith.constant 32 : index
      %get3A_520 = tpu.vector_load %arg11[%get3A_518, %get3A_519] {strides = array<i32>} : memref<112x128xf32, #tpu.memory_space<vmem>>, vector<1x16xf32>,
      %get3A_521 = vector.shape_cast %get3A_520 : vector<1x16xf32> to vector<16xf32>
      %get3A_522 = arith.index_cast %scan3A_492 : i32 to index
      %get3A_523 = arith.constant 32 : index
      %get3A_524 = tpu.vector_load %arg12[%get3A_522, %get3A_523] {strides = array<i32>} : memref<112x128xf32, #tpu.memory_space<vmem>>, vector<1x16xf32>,
      %get3A_525 = vector.shape_cast %get3A_524 : vector<1x16xf32> to vector<16xf32>
      %max3A_526 = arith.maximumf %get3A_521, %get3A_525 : vector<16xf32>
      %swap3A_527 = arith.index_cast %scan3A_492 : i32 to index
      %swap3A_528 = arith.constant 32 : index
      %swap3A_529 = tpu.vector_load %arg11[%swap3A_527, %swap3A_528] {strides = array<i32>} : memref<112x128xf32, #tpu.memory_space<vmem>>, vector<1x16xf32>,
      %swap3A_530 = vector.shape_cast %swap3A_529 : vector<1x16xf32> to vector<16xf32>
      %swap3A_531 = vector.shape_cast %max3A_526 : vector<16xf32> to vector<1x16xf32>
      tpu.vector_store %arg11[%swap3A_527, %swap3A_528], %swap3A_531 {strides = array<i32>} : memref<112x128xf32, #tpu.memory_space<vmem>>, vector<1x16xf32>,
      %get3A_532 = arith.index_cast %scan3A_492 : i32 to index
      %get3A_533 = arith.constant 48 : index
      %get3A_534 = tpu.vector_load %arg11[%get3A_532, %get3A_533] {strides = array<i32>} : memref<112x128xf32, #tpu.memory_space<vmem>>, vector<1x16xf32>,
      %get3A_535 = vector.shape_cast %get3A_534 : vector<1x16xf32> to vector<16xf32>
      %get3A_536 = arith.index_cast %scan3A_492 : i32 to index
      %get3A_537 = arith.constant 48 : index
      %get3A_538 = tpu.vector_load %arg12[%get3A_536, %get3A_537] {strides = array<i32>} : memref<112x128xf32, #tpu.memory_space<vmem>>, vector<1x16xf32>,
      %get3A_539 = vector.shape_cast %get3A_538 : vector<1x16xf32> to vector<16xf32>
      %max3A_540 = arith.maximumf %get3A_535, %get3A_539 : vector<16xf32>
      %swap3A_541 = arith.index_cast %scan3A_492 : i32 to index
      %swap3A_542 = arith.constant 48 : index
      %swap3A_543 = tpu.vector_load %arg11[%swap3A_541, %swap3A_542] {strides = array<i32>} : memref<112x128xf32, #tpu.memory_space<vmem>>, vector<1x16xf32>,
      %swap3A_544 = vector.shape_cast %swap3A_543 : vector<1x16xf32> to vector<16xf32>
      %swap3A_545 = vector.shape_cast %max3A_540 : vector<16xf32> to vector<1x16xf32>
      tpu.vector_store %arg11[%swap3A_541, %swap3A_542], %swap3A_545 {strides = array<i32>} : memref<112x128xf32, #tpu.memory_space<vmem>>, vector<1x16xf32>,
      %get3A_546 = arith.index_cast %scan3A_492 : i32 to index
      %get3A_547 = arith.constant 64 : index
      %get3A_548 = tpu.vector_load %arg11[%get3A_546, %get3A_547] {strides = array<i32>} : memref<112x128xf32, #tpu.memory_space<vmem>>, vector<1x16xf32>,
      %get3A_549 = vector.shape_cast %get3A_548 : vector<1x16xf32> to vector<16xf32>
      %get3A_550 = arith.index_cast %scan3A_492 : i32 to index
      %get3A_551 = arith.constant 64 : index
      %get3A_552 = tpu.vector_load %arg12[%get3A_550, %get3A_551] {strides = array<i32>} : memref<112x128xf32, #tpu.memory_space<vmem>>, vector<1x16xf32>,
      %get3A_553 = vector.shape_cast %get3A_552 : vector<1x16xf32> to vector<16xf32>
      %max3A_554 = arith.maximumf %get3A_549, %get3A_553 : vector<16xf32>
      %swap3A_555 = arith.index_cast %scan3A_492 : i32 to index
      %swap3A_556 = arith.constant 64 : index
      %swap3A_557 = tpu.vector_load %arg11[%swap3A_555, %swap3A_556] {strides = array<i32>} : memref<112x128xf32, #tpu.memory_space<vmem>>, vector<1x16xf32>,
      %swap3A_558 = vector.shape_cast %swap3A_557 : vector<1x16xf32> to vector<16xf32>
      %swap3A_559 = vector.shape_cast %max3A_554 : vector<16xf32> to vector<1x16xf32>
      tpu.vector_store %arg11[%swap3A_555, %swap3A_556], %swap3A_559 {strides = array<i32>} : memref<112x128xf32, #tpu.memory_space<vmem>>, vector<1x16xf32>,
      %get3A_560 = arith.index_cast %scan3A_492 : i32 to index
      %get3A_561 = arith.constant 80 : index
      %get3A_562 = tpu.vector_load %arg11[%get3A_560, %get3A_561] {strides = array<i32>} : memref<112x128xf32, #tpu.memory_space<vmem>>, vector<1x16xf32>,
      %get3A_563 = vector.shape_cast %get3A_562 : vector<1x16xf32> to vector<16xf32>
      %get3A_564 = arith.index_cast %scan3A_492 : i32 to index
      %get3A_565 = arith.constant 80 : index
      %get3A_566 = tpu.vector_load %arg12[%get3A_564, %get3A_565] {strides = array<i32>} : memref<112x128xf32, #tpu.memory_space<vmem>>, vector<1x16xf32>,
      %get3A_567 = vector.shape_cast %get3A_566 : vector<1x16xf32> to vector<16xf32>
      %max3A_568 = arith.maximumf %get3A_563, %get3A_567 : vector<16xf32>
      %swap3A_569 = arith.index_cast %scan3A_492 : i32 to index
      %swap3A_570 = arith.constant 80 : index
      %swap3A_571 = tpu.vector_load %arg11[%swap3A_569, %swap3A_570] {strides = array<i32>} : memref<112x128xf32, #tpu.memory_space<vmem>>, vector<1x16xf32>,
      %swap3A_572 = vector.shape_cast %swap3A_571 : vector<1x16xf32> to vector<16xf32>
      %swap3A_573 = vector.shape_cast %max3A_568 : vector<16xf32> to vector<1x16xf32>
      tpu.vector_store %arg11[%swap3A_569, %swap3A_570], %swap3A_573 {strides = array<i32>} : memref<112x128xf32, #tpu.memory_space<vmem>>, vector<1x16xf32>,
      %get3A_574 = arith.index_cast %scan3A_492 : i32 to index
      %get3A_575 = arith.constant 96 : index
      %get3A_576 = tpu.vector_load %arg11[%get3A_574, %get3A_575] {strides = array<i32>} : memref<112x128xf32, #tpu.memory_space<vmem>>, vector<1x16xf32>,
      %get3A_577 = vector.shape_cast %get3A_576 : vector<1x16xf32> to vector<16xf32>
      %get3A_578 = arith.index_cast %scan3A_492 : i32 to index
      %get3A_579 = arith.constant 96 : index
      %get3A_580 = tpu.vector_load %arg12[%get3A_578, %get3A_579] {strides = array<i32>} : memref<112x128xf32, #tpu.memory_space<vmem>>, vector<1x16xf32>,
      %get3A_581 = vector.shape_cast %get3A_580 : vector<1x16xf32> to vector<16xf32>
      %max3A_582 = arith.maximumf %get3A_577, %get3A_581 : vector<16xf32>
      %swap3A_583 = arith.index_cast %scan3A_492 : i32 to index
      %swap3A_584 = arith.constant 96 : index
      %swap3A_585 = tpu.vector_load %arg11[%swap3A_583, %swap3A_584] {strides = array<i32>} : memref<112x128xf32, #tpu.memory_space<vmem>>, vector<1x16xf32>,
      %swap3A_586 = vector.shape_cast %swap3A_585 : vector<1x16xf32> to vector<16xf32>
      %swap3A_587 = vector.shape_cast %max3A_582 : vector<16xf32> to vector<1x16xf32>
      tpu.vector_store %arg11[%swap3A_583, %swap3A_584], %swap3A_587 {strides = array<i32>} : memref<112x128xf32, #tpu.memory_space<vmem>>, vector<1x16xf32>,
      %get3A_588 = arith.index_cast %scan3A_492 : i32 to index
      %get3A_589 = arith.constant 112 : index
      %get3A_590 = tpu.vector_load %arg11[%get3A_588, %get3A_589] {strides = array<i32>} : memref<112x128xf32, #tpu.memory_space<vmem>>, vector<1x16xf32>,
      %get3A_591 = vector.shape_cast %get3A_590 : vector<1x16xf32> to vector<16xf32>
      %get3A_592 = arith.index_cast %scan3A_492 : i32 to index
      %get3A_593 = arith.constant 112 : index
      %get3A_594 = tpu.vector_load %arg12[%get3A_592, %get3A_593] {strides = array<i32>} : memref<112x128xf32, #tpu.memory_space<vmem>>, vector<1x16xf32>,
      %get3A_595 = vector.shape_cast %get3A_594 : vector<1x16xf32> to vector<16xf32>
      %max3A_596 = arith.maximumf %get3A_591, %get3A_595 : vector<16xf32>
      %swap3A_597 = arith.index_cast %scan3A_492 : i32 to index
      %swap3A_598 = arith.constant 112 : index
      %swap3A_599 = tpu.vector_load %arg11[%swap3A_597, %swap3A_598] {strides = array<i32>} : memref<112x128xf32, #tpu.memory_space<vmem>>, vector<1x16xf32>,
      %swap3A_600 = vector.shape_cast %swap3A_599 : vector<1x16xf32> to vector<16xf32>
      %swap3A_601 = vector.shape_cast %max3A_596 : vector<16xf32> to vector<1x16xf32>
      tpu.vector_store %arg11[%swap3A_597, %swap3A_598], %swap3A_601 {strides = array<i32>} : memref<112x128xf32, #tpu.memory_space<vmem>>, vector<1x16xf32>,
    }
    %scan3A_176 = arith.constant 112 : i32
    %add3A_177 = arith.constant 448 : i32
    %add3A_178 = arith.addi %mul3A_2, %add3A_177 : i32
    %dma_start3A_179 = arith.constant 0 : i32
    %dma_start3A_180 = tpu.memref_slice %arg6[%add3A_178, %dma_start3A_179] : memref<50176x128xf32, #tpu.memory_space<hbm>> -> memref<112x128xf32, #tpu.memory_space<hbm>>
    %dma_start3A_181 = arith.constant 0 : i32
    %dma_start3A_182 = tpu.memref_slice %arg6[%add3A_178, %dma_start3A_181] : memref<50176x128xf32, #tpu.memory_space<hbm>> -> memref<112x128xf32, #tpu.memory_space<hbm>>
    tpu.enqueue_dma source(%arg11 : memref<112x128xf32, #tpu.memory_space<vmem>>) target(%dma_start3A_182 : memref<112x128xf32, #tpu.memory_space<hbm>>) target_semaphore(%arg17 : memref<!tpu.dma_semaphore, #tpu.memory_space<semaphore_mem>>)
    %dma_wait3A_183 = arith.constant 0 : i32
    %dma_wait3A_184 = tpu.memref_slice %arg6[%add3A_178, %dma_wait3A_183] : memref<50176x128xf32, #tpu.memory_space<hbm>> -> memref<112x128xf32, #tpu.memory_space<hbm>>
    %dma_wait3A_185 = arith.constant 0 : i32
    %dma_wait3A_186 = tpu.memref_slice %arg6[%add3A_178, %dma_wait3A_185] : memref<50176x128xf32, #tpu.memory_space<hbm>> -> memref<112x128xf32, #tpu.memory_space<hbm>>
    tpu.wait_dma2 semaphore(%arg17 : memref<!tpu.dma_semaphore, #tpu.memory_space<semaphore_mem>>) src(%arg11 : memref<112x128xf32, #tpu.memory_space<vmem>>) dst(%dma_wait3A_186 : memref<112x128xf32, #tpu.memory_space<hbm>>)
    %dma_start3A_187 = arith.constant 672 : i32
    %dma_start3A_188 = tpu.memref_slice %arg9[%dma_start3A_187] : memref<1568xi32, #tpu.memory_space<vmem>> -> memref<112xi32, #tpu.memory_space<vmem>>
    %dma_start3A_189 = arith.constant 0 : i32
    %dma_start3A_190 = arith.constant 0 : i32
    %dma_start3A_191 = tpu.memref_slice %arg7[%dma_start3A_189, %dma_start3A_190] : memref<512x128xf32, #tpu.memory_space<vmem_shared>> -> memref<512x128xf32, #tpu.memory_space<vmem_shared>>
    tpu.enqueue_indirect_dma source(%dma_start3A_191 : memref<512x128xf32, #tpu.memory_space<vmem_shared>>) target(%arg11 : memref<112x128xf32, #tpu.memory_space<vmem>>) offsets(%dma_start3A_188 : memref<112xi32, #tpu.memory_space<vmem>>) semaphore(%arg15 : memref<!tpu.dma_semaphore, #tpu.memory_space<semaphore_mem>>)
    %dma_start3A_192 = arith.constant 672 : i32
    %dma_start3A_193 = tpu.memref_slice %arg10[%dma_start3A_192] : memref<1568xi32, #tpu.memory_space<vmem>> -> memref<112xi32, #tpu.memory_space<vmem>>
    %dma_start3A_194 = arith.constant 0 : i32
    %dma_start3A_195 = arith.constant 0 : i32
    %dma_start3A_196 = tpu.memref_slice %arg8[%dma_start3A_194, %dma_start3A_195] : memref<129x128xf32, #tpu.memory_space<vmem_shared>> -> memref<129x128xf32, #tpu.memory_space<vmem_shared>>
    tpu.enqueue_indirect_dma source(%dma_start3A_196 : memref<129x128xf32, #tpu.memory_space<vmem_shared>>) target(%arg12 : memref<112x128xf32, #tpu.memory_space<vmem>>) offsets(%dma_start3A_193 : memref<112xi32, #tpu.memory_space<vmem>>) semaphore(%arg15 : memref<!tpu.dma_semaphore, #tpu.memory_space<semaphore_mem>>)
    %dma_wait3A_197 = arith.constant 560 : i32
    %dma_wait3A_198 = tpu.memref_slice %arg9[%dma_wait3A_197] : memref<1568xi32, #tpu.memory_space<vmem>> -> memref<112xi32, #tpu.memory_space<vmem>>
    %dma_wait3A_199 = arith.constant 0 : i32
    %dma_wait3A_200 = arith.constant 0 : i32
    %dma_wait3A_201 = tpu.memref_slice %arg7[%dma_wait3A_199, %dma_wait3A_200] : memref<512x128xf32, #tpu.memory_space<vmem_shared>> -> memref<512x128xf32, #tpu.memory_space<vmem_shared>>
    tpu.wait_indirect_dma semaphore(%arg16 : memref<!tpu.dma_semaphore, #tpu.memory_space<semaphore_mem>>) src(%dma_wait3A_201 : memref<512x128xf32, #tpu.memory_space<vmem_shared>>) dst(%arg13 : memref<112x128xf32, #tpu.memory_space<vmem>>)
    %dma_wait3A_202 = arith.constant 560 : i32
    %dma_wait3A_203 = tpu.memref_slice %arg10[%dma_wait3A_202] : memref<1568xi32, #tpu.memory_space<vmem>> -> memref<112xi32, #tpu.memory_space<vmem>>
    %dma_wait3A_204 = arith.constant 0 : i32
    %dma_wait3A_205 = arith.constant 0 : i32
    %dma_wait3A_206 = tpu.memref_slice %arg8[%dma_wait3A_204, %dma_wait3A_205] : memref<129x128xf32, #tpu.memory_space<vmem_shared>> -> memref<129x128xf32, #tpu.memory_space<vmem_shared>>
    tpu.wait_indirect_dma semaphore(%arg16 : memref<!tpu.dma_semaphore, #tpu.memory_space<semaphore_mem>>) src(%dma_wait3A_206 : memref<129x128xf32, #tpu.memory_space<vmem_shared>>) dst(%arg14 : memref<112x128xf32, #tpu.memory_space<vmem>>)
    %scan3A_207 = arith.constant 0 : i32
    %scan3A_208 = arith.constant 112 : i32
    %scan3A_209 = arith.addi %scan3A_207, %scan3A_208 : i32
    %scan3A_210 = arith.constant 1 : i32
    scf.for %scan3A_492 = %scan3A_207 to %scan3A_209 step %scan3A_210  : i32 {
      %get3A = arith.index_cast %scan3A_492 : i32 to index
      %get3A_493 = arith.constant 0 : index
      %get3A_494 = tpu.vector_load %arg13[%get3A, %get3A_493] {strides = array<i32>} : memref<112x128xf32, #tpu.memory_space<vmem>>, vector<1x16xf32>,
      %get3A_495 = vector.shape_cast %get3A_494 : vector<1x16xf32> to vector<16xf32>
      %get3A_496 = arith.index_cast %scan3A_492 : i32 to index
      %get3A_497 = arith.constant 0 : index
      %get3A_498 = tpu.vector_load %arg14[%get3A_496, %get3A_497] {strides = array<i32>} : memref<112x128xf32, #tpu.memory_space<vmem>>, vector<1x16xf32>,
      %get3A_499 = vector.shape_cast %get3A_498 : vector<1x16xf32> to vector<16xf32>
      %max3A = arith.maximumf %get3A_495, %get3A_499 : vector<16xf32>
      %swap3A = arith.index_cast %scan3A_492 : i32 to index
      %swap3A_500 = arith.constant 0 : index
      %swap3A_501 = tpu.vector_load %arg13[%swap3A, %swap3A_500] {strides = array<i32>} : memref<112x128xf32, #tpu.memory_space<vmem>>, vector<1x16xf32>,
      %swap3A_502 = vector.shape_cast %swap3A_501 : vector<1x16xf32> to vector<16xf32>
      %swap3A_503 = vector.shape_cast %max3A : vector<16xf32> to vector<1x16xf32>
      tpu.vector_store %arg13[%swap3A, %swap3A_500], %swap3A_503 {strides = array<i32>} : memref<112x128xf32, #tpu.memory_space<vmem>>, vector<1x16xf32>,
      %get3A_504 = arith.index_cast %scan3A_492 : i32 to index
      %get3A_505 = arith.constant 16 : index
      %get3A_506 = tpu.vector_load %arg13[%get3A_504, %get3A_505] {strides = array<i32>} : memref<112x128xf32, #tpu.memory_space<vmem>>, vector<1x16xf32>,
      %get3A_507 = vector.shape_cast %get3A_506 : vector<1x16xf32> to vector<16xf32>
      %get3A_508 = arith.index_cast %scan3A_492 : i32 to index
      %get3A_509 = arith.constant 16 : index
      %get3A_510 = tpu.vector_load %arg14[%get3A_508, %get3A_509] {strides = array<i32>} : memref<112x128xf32, #tpu.memory_space<vmem>>, vector<1x16xf32>,
      %get3A_511 = vector.shape_cast %get3A_510 : vector<1x16xf32> to vector<16xf32>
      %max3A_512 = arith.maximumf %get3A_507, %get3A_511 : vector<16xf32>
      %swap3A_513 = arith.index_cast %scan3A_492 : i32 to index
      %swap3A_514 = arith.constant 16 : index
      %swap3A_515 = tpu.vector_load %arg13[%swap3A_513, %swap3A_514] {strides = array<i32>} : memref<112x128xf32, #tpu.memory_space<vmem>>, vector<1x16xf32>,
      %swap3A_516 = vector.shape_cast %swap3A_515 : vector<1x16xf32> to vector<16xf32>
      %swap3A_517 = vector.shape_cast %max3A_512 : vector<16xf32> to vector<1x16xf32>
      tpu.vector_store %arg13[%swap3A_513, %swap3A_514], %swap3A_517 {strides = array<i32>} : memref<112x128xf32, #tpu.memory_space<vmem>>, vector<1x16xf32>,
      %get3A_518 = arith.index_cast %scan3A_492 : i32 to index
      %get3A_519 = arith.constant 32 : index
      %get3A_520 = tpu.vector_load %arg13[%get3A_518, %get3A_519] {strides = array<i32>} : memref<112x128xf32, #tpu.memory_space<vmem>>, vector<1x16xf32>,
      %get3A_521 = vector.shape_cast %get3A_520 : vector<1x16xf32> to vector<16xf32>
      %get3A_522 = arith.index_cast %scan3A_492 : i32 to index
      %get3A_523 = arith.constant 32 : index
      %get3A_524 = tpu.vector_load %arg14[%get3A_522, %get3A_523] {strides = array<i32>} : memref<112x128xf32, #tpu.memory_space<vmem>>, vector<1x16xf32>,
      %get3A_525 = vector.shape_cast %get3A_524 : vector<1x16xf32> to vector<16xf32>
      %max3A_526 = arith.maximumf %get3A_521, %get3A_525 : vector<16xf32>
      %swap3A_527 = arith.index_cast %scan3A_492 : i32 to index
      %swap3A_528 = arith.constant 32 : index
      %swap3A_529 = tpu.vector_load %arg13[%swap3A_527, %swap3A_528] {strides = array<i32>} : memref<112x128xf32, #tpu.memory_space<vmem>>, vector<1x16xf32>,
      %swap3A_530 = vector.shape_cast %swap3A_529 : vector<1x16xf32> to vector<16xf32>
      %swap3A_531 = vector.shape_cast %max3A_526 : vector<16xf32> to vector<1x16xf32>
      tpu.vector_store %arg13[%swap3A_527, %swap3A_528], %swap3A_531 {strides = array<i32>} : memref<112x128xf32, #tpu.memory_space<vmem>>, vector<1x16xf32>,
      %get3A_532 = arith.index_cast %scan3A_492 : i32 to index
      %get3A_533 = arith.constant 48 : index
      %get3A_534 = tpu.vector_load %arg13[%get3A_532, %get3A_533] {strides = array<i32>} : memref<112x128xf32, #tpu.memory_space<vmem>>, vector<1x16xf32>,
      %get3A_535 = vector.shape_cast %get3A_534 : vector<1x16xf32> to vector<16xf32>
      %get3A_536 = arith.index_cast %scan3A_492 : i32 to index
      %get3A_537 = arith.constant 48 : index
      %get3A_538 = tpu.vector_load %arg14[%get3A_536, %get3A_537] {strides = array<i32>} : memref<112x128xf32, #tpu.memory_space<vmem>>, vector<1x16xf32>,
      %get3A_539 = vector.shape_cast %get3A_538 : vector<1x16xf32> to vector<16xf32>
      %max3A_540 = arith.maximumf %get3A_535, %get3A_539 : vector<16xf32>
      %swap3A_541 = arith.index_cast %scan3A_492 : i32 to index
      %swap3A_542 = arith.constant 48 : index
      %swap3A_543 = tpu.vector_load %arg13[%swap3A_541, %swap3A_542] {strides = array<i32>} : memref<112x128xf32, #tpu.memory_space<vmem>>, vector<1x16xf32>,
      %swap3A_544 = vector.shape_cast %swap3A_543 : vector<1x16xf32> to vector<16xf32>
      %swap3A_545 = vector.shape_cast %max3A_540 : vector<16xf32> to vector<1x16xf32>
      tpu.vector_store %arg13[%swap3A_541, %swap3A_542], %swap3A_545 {strides = array<i32>} : memref<112x128xf32, #tpu.memory_space<vmem>>, vector<1x16xf32>,
      %get3A_546 = arith.index_cast %scan3A_492 : i32 to index
      %get3A_547 = arith.constant 64 : index
      %get3A_548 = tpu.vector_load %arg13[%get3A_546, %get3A_547] {strides = array<i32>} : memref<112x128xf32, #tpu.memory_space<vmem>>, vector<1x16xf32>,
      %get3A_549 = vector.shape_cast %get3A_548 : vector<1x16xf32> to vector<16xf32>
      %get3A_550 = arith.index_cast %scan3A_492 : i32 to index
      %get3A_551 = arith.constant 64 : index
      %get3A_552 = tpu.vector_load %arg14[%get3A_550, %get3A_551] {strides = array<i32>} : memref<112x128xf32, #tpu.memory_space<vmem>>, vector<1x16xf32>,
      %get3A_553 = vector.shape_cast %get3A_552 : vector<1x16xf32> to vector<16xf32>
      %max3A_554 = arith.maximumf %get3A_549, %get3A_553 : vector<16xf32>
      %swap3A_555 = arith.index_cast %scan3A_492 : i32 to index
      %swap3A_556 = arith.constant 64 : index
      %swap3A_557 = tpu.vector_load %arg13[%swap3A_555, %swap3A_556] {strides = array<i32>} : memref<112x128xf32, #tpu.memory_space<vmem>>, vector<1x16xf32>,
      %swap3A_558 = vector.shape_cast %swap3A_557 : vector<1x16xf32> to vector<16xf32>
      %swap3A_559 = vector.shape_cast %max3A_554 : vector<16xf32> to vector<1x16xf32>
      tpu.vector_store %arg13[%swap3A_555, %swap3A_556], %swap3A_559 {strides = array<i32>} : memref<112x128xf32, #tpu.memory_space<vmem>>, vector<1x16xf32>,
      %get3A_560 = arith.index_cast %scan3A_492 : i32 to index
      %get3A_561 = arith.constant 80 : index
      %get3A_562 = tpu.vector_load %arg13[%get3A_560, %get3A_561] {strides = array<i32>} : memref<112x128xf32, #tpu.memory_space<vmem>>, vector<1x16xf32>,
      %get3A_563 = vector.shape_cast %get3A_562 : vector<1x16xf32> to vector<16xf32>
      %get3A_564 = arith.index_cast %scan3A_492 : i32 to index
      %get3A_565 = arith.constant 80 : index
      %get3A_566 = tpu.vector_load %arg14[%get3A_564, %get3A_565] {strides = array<i32>} : memref<112x128xf32, #tpu.memory_space<vmem>>, vector<1x16xf32>,
      %get3A_567 = vector.shape_cast %get3A_566 : vector<1x16xf32> to vector<16xf32>
      %max3A_568 = arith.maximumf %get3A_563, %get3A_567 : vector<16xf32>
      %swap3A_569 = arith.index_cast %scan3A_492 : i32 to index
      %swap3A_570 = arith.constant 80 : index
      %swap3A_571 = tpu.vector_load %arg13[%swap3A_569, %swap3A_570] {strides = array<i32>} : memref<112x128xf32, #tpu.memory_space<vmem>>, vector<1x16xf32>,
      %swap3A_572 = vector.shape_cast %swap3A_571 : vector<1x16xf32> to vector<16xf32>
      %swap3A_573 = vector.shape_cast %max3A_568 : vector<16xf32> to vector<1x16xf32>
      tpu.vector_store %arg13[%swap3A_569, %swap3A_570], %swap3A_573 {strides = array<i32>} : memref<112x128xf32, #tpu.memory_space<vmem>>, vector<1x16xf32>,
      %get3A_574 = arith.index_cast %scan3A_492 : i32 to index
      %get3A_575 = arith.constant 96 : index
      %get3A_576 = tpu.vector_load %arg13[%get3A_574, %get3A_575] {strides = array<i32>} : memref<112x128xf32, #tpu.memory_space<vmem>>, vector<1x16xf32>,
      %get3A_577 = vector.shape_cast %get3A_576 : vector<1x16xf32> to vector<16xf32>
      %get3A_578 = arith.index_cast %scan3A_492 : i32 to index
      %get3A_579 = arith.constant 96 : index
      %get3A_580 = tpu.vector_load %arg14[%get3A_578, %get3A_579] {strides = array<i32>} : memref<112x128xf32, #tpu.memory_space<vmem>>, vector<1x16xf32>,
      %get3A_581 = vector.shape_cast %get3A_580 : vector<1x16xf32> to vector<16xf32>
      %max3A_582 = arith.maximumf %get3A_577, %get3A_581 : vector<16xf32>
      %swap3A_583 = arith.index_cast %scan3A_492 : i32 to index
      %swap3A_584 = arith.constant 96 : index
      %swap3A_585 = tpu.vector_load %arg13[%swap3A_583, %swap3A_584] {strides = array<i32>} : memref<112x128xf32, #tpu.memory_space<vmem>>, vector<1x16xf32>,
      %swap3A_586 = vector.shape_cast %swap3A_585 : vector<1x16xf32> to vector<16xf32>
      %swap3A_587 = vector.shape_cast %max3A_582 : vector<16xf32> to vector<1x16xf32>
      tpu.vector_store %arg13[%swap3A_583, %swap3A_584], %swap3A_587 {strides = array<i32>} : memref<112x128xf32, #tpu.memory_space<vmem>>, vector<1x16xf32>,
      %get3A_588 = arith.index_cast %scan3A_492 : i32 to index
      %get3A_589 = arith.constant 112 : index
      %get3A_590 = tpu.vector_load %arg13[%get3A_588, %get3A_589] {strides = array<i32>} : memref<112x128xf32, #tpu.memory_space<vmem>>, vector<1x16xf32>,
      %get3A_591 = vector.shape_cast %get3A_590 : vector<1x16xf32> to vector<16xf32>
      %get3A_592 = arith.index_cast %scan3A_492 : i32 to index
      %get3A_593 = arith.constant 112 : index
      %get3A_594 = tpu.vector_load %arg14[%get3A_592, %get3A_593] {strides = array<i32>} : memref<112x128xf32, #tpu.memory_space<vmem>>, vector<1x16xf32>,
      %get3A_595 = vector.shape_cast %get3A_594 : vector<1x16xf32> to vector<16xf32>
      %max3A_596 = arith.maximumf %get3A_591, %get3A_595 : vector<16xf32>
      %swap3A_597 = arith.index_cast %scan3A_492 : i32 to index
      %swap3A_598 = arith.constant 112 : index
      %swap3A_599 = tpu.vector_load %arg13[%swap3A_597, %swap3A_598] {strides = array<i32>} : memref<112x128xf32, #tpu.memory_space<vmem>>, vector<1x16xf32>,
      %swap3A_600 = vector.shape_cast %swap3A_599 : vector<1x16xf32> to vector<16xf32>
      %swap3A_601 = vector.shape_cast %max3A_596 : vector<16xf32> to vector<1x16xf32>
      tpu.vector_store %arg13[%swap3A_597, %swap3A_598], %swap3A_601 {strides = array<i32>} : memref<112x128xf32, #tpu.memory_space<vmem>>, vector<1x16xf32>,
    }
    %scan3A_211 = arith.constant 112 : i32
    %add3A_212 = arith.constant 560 : i32
    %add3A_213 = arith.addi %mul3A_2, %add3A_212 : i32
    %dma_start3A_214 = arith.constant 0 : i32
    %dma_start3A_215 = tpu.memref_slice %arg6[%add3A_213, %dma_start3A_214] : memref<50176x128xf32, #tpu.memory_space<hbm>> -> memref<112x128xf32, #tpu.memory_space<hbm>>
    %dma_start3A_216 = arith.constant 0 : i32
    %dma_start3A_217 = tpu.memref_slice %arg6[%add3A_213, %dma_start3A_216] : memref<50176x128xf32, #tpu.memory_space<hbm>> -> memref<112x128xf32, #tpu.memory_space<hbm>>
    tpu.enqueue_dma source(%arg13 : memref<112x128xf32, #tpu.memory_space<vmem>>) target(%dma_start3A_217 : memref<112x128xf32, #tpu.memory_space<hbm>>) target_semaphore(%arg17 : memref<!tpu.dma_semaphore, #tpu.memory_space<semaphore_mem>>)
    %dma_wait3A_218 = arith.constant 0 : i32
    %dma_wait3A_219 = tpu.memref_slice %arg6[%add3A_213, %dma_wait3A_218] : memref<50176x128xf32, #tpu.memory_space<hbm>> -> memref<112x128xf32, #tpu.memory_space<hbm>>
    %dma_wait3A_220 = arith.constant 0 : i32
    %dma_wait3A_221 = tpu.memref_slice %arg6[%add3A_213, %dma_wait3A_220] : memref<50176x128xf32, #tpu.memory_space<hbm>> -> memref<112x128xf32, #tpu.memory_space<hbm>>
    tpu.wait_dma2 semaphore(%arg17 : memref<!tpu.dma_semaphore, #tpu.memory_space<semaphore_mem>>) src(%arg13 : memref<112x128xf32, #tpu.memory_space<vmem>>) dst(%dma_wait3A_221 : memref<112x128xf32, #tpu.memory_space<hbm>>)
    %dma_start3A_222 = arith.constant 784 : i32
    %dma_start3A_223 = tpu.memref_slice %arg9[%dma_start3A_222] : memref<1568xi32, #tpu.memory_space<vmem>> -> memref<112xi32, #tpu.memory_space<vmem>>
    %dma_start3A_224 = arith.constant 0 : i32
    %dma_start3A_225 = arith.constant 0 : i32
    %dma_start3A_226 = tpu.memref_slice %arg7[%dma_start3A_224, %dma_start3A_225] : memref<512x128xf32, #tpu.memory_space<vmem_shared>> -> memref<512x128xf32, #tpu.memory_space<vmem_shared>>
    tpu.enqueue_indirect_dma source(%dma_start3A_226 : memref<512x128xf32, #tpu.memory_space<vmem_shared>>) target(%arg13 : memref<112x128xf32, #tpu.memory_space<vmem>>) offsets(%dma_start3A_223 : memref<112xi32, #tpu.memory_space<vmem>>) semaphore(%arg16 : memref<!tpu.dma_semaphore, #tpu.memory_space<semaphore_mem>>)
    %dma_start3A_227 = arith.constant 784 : i32
    %dma_start3A_228 = tpu.memref_slice %arg10[%dma_start3A_227] : memref<1568xi32, #tpu.memory_space<vmem>> -> memref<112xi32, #tpu.memory_space<vmem>>
    %dma_start3A_229 = arith.constant 0 : i32
    %dma_start3A_230 = arith.constant 0 : i32
    %dma_start3A_231 = tpu.memref_slice %arg8[%dma_start3A_229, %dma_start3A_230] : memref<129x128xf32, #tpu.memory_space<vmem_shared>> -> memref<129x128xf32, #tpu.memory_space<vmem_shared>>
    tpu.enqueue_indirect_dma source(%dma_start3A_231 : memref<129x128xf32, #tpu.memory_space<vmem_shared>>) target(%arg14 : memref<112x128xf32, #tpu.memory_space<vmem>>) offsets(%dma_start3A_228 : memref<112xi32, #tpu.memory_space<vmem>>) semaphore(%arg16 : memref<!tpu.dma_semaphore, #tpu.memory_space<semaphore_mem>>)
    %dma_wait3A_232 = arith.constant 672 : i32
    %dma_wait3A_233 = tpu.memref_slice %arg9[%dma_wait3A_232] : memref<1568xi32, #tpu.memory_space<vmem>> -> memref<112xi32, #tpu.memory_space<vmem>>
    %dma_wait3A_234 = arith.constant 0 : i32
    %dma_wait3A_235 = arith.constant 0 : i32
    %dma_wait3A_236 = tpu.memref_slice %arg7[%dma_wait3A_234, %dma_wait3A_235] : memref<512x128xf32, #tpu.memory_space<vmem_shared>> -> memref<512x128xf32, #tpu.memory_space<vmem_shared>>
    tpu.wait_indirect_dma semaphore(%arg15 : memref<!tpu.dma_semaphore, #tpu.memory_space<semaphore_mem>>) src(%dma_wait3A_236 : memref<512x128xf32, #tpu.memory_space<vmem_shared>>) dst(%arg11 : memref<112x128xf32, #tpu.memory_space<vmem>>)
    %dma_wait3A_237 = arith.constant 672 : i32
    %dma_wait3A_238 = tpu.memref_slice %arg10[%dma_wait3A_237] : memref<1568xi32, #tpu.memory_space<vmem>> -> memref<112xi32, #tpu.memory_space<vmem>>
    %dma_wait3A_239 = arith.constant 0 : i32
    %dma_wait3A_240 = arith.constant 0 : i32
    %dma_wait3A_241 = tpu.memref_slice %arg8[%dma_wait3A_239, %dma_wait3A_240] : memref<129x128xf32, #tpu.memory_space<vmem_shared>> -> memref<129x128xf32, #tpu.memory_space<vmem_shared>>
    tpu.wait_indirect_dma semaphore(%arg15 : memref<!tpu.dma_semaphore, #tpu.memory_space<semaphore_mem>>) src(%dma_wait3A_241 : memref<129x128xf32, #tpu.memory_space<vmem_shared>>) dst(%arg12 : memref<112x128xf32, #tpu.memory_space<vmem>>)
    %scan3A_242 = arith.constant 0 : i32
    %scan3A_243 = arith.constant 112 : i32
    %scan3A_244 = arith.addi %scan3A_242, %scan3A_243 : i32
    %scan3A_245 = arith.constant 1 : i32
    scf.for %scan3A_492 = %scan3A_242 to %scan3A_244 step %scan3A_245  : i32 {
      %get3A = arith.index_cast %scan3A_492 : i32 to index
      %get3A_493 = arith.constant 0 : index
      %get3A_494 = tpu.vector_load %arg11[%get3A, %get3A_493] {strides = array<i32>} : memref<112x128xf32, #tpu.memory_space<vmem>>, vector<1x16xf32>,
      %get3A_495 = vector.shape_cast %get3A_494 : vector<1x16xf32> to vector<16xf32>
      %get3A_496 = arith.index_cast %scan3A_492 : i32 to index
      %get3A_497 = arith.constant 0 : index
      %get3A_498 = tpu.vector_load %arg12[%get3A_496, %get3A_497] {strides = array<i32>} : memref<112x128xf32, #tpu.memory_space<vmem>>, vector<1x16xf32>,
      %get3A_499 = vector.shape_cast %get3A_498 : vector<1x16xf32> to vector<16xf32>
      %max3A = arith.maximumf %get3A_495, %get3A_499 : vector<16xf32>
      %swap3A = arith.index_cast %scan3A_492 : i32 to index
      %swap3A_500 = arith.constant 0 : index
      %swap3A_501 = tpu.vector_load %arg11[%swap3A, %swap3A_500] {strides = array<i32>} : memref<112x128xf32, #tpu.memory_space<vmem>>, vector<1x16xf32>,
      %swap3A_502 = vector.shape_cast %swap3A_501 : vector<1x16xf32> to vector<16xf32>
      %swap3A_503 = vector.shape_cast %max3A : vector<16xf32> to vector<1x16xf32>
      tpu.vector_store %arg11[%swap3A, %swap3A_500], %swap3A_503 {strides = array<i32>} : memref<112x128xf32, #tpu.memory_space<vmem>>, vector<1x16xf32>,
      %get3A_504 = arith.index_cast %scan3A_492 : i32 to index
      %get3A_505 = arith.constant 16 : index
      %get3A_506 = tpu.vector_load %arg11[%get3A_504, %get3A_505] {strides = array<i32>} : memref<112x128xf32, #tpu.memory_space<vmem>>, vector<1x16xf32>,
      %get3A_507 = vector.shape_cast %get3A_506 : vector<1x16xf32> to vector<16xf32>
      %get3A_508 = arith.index_cast %scan3A_492 : i32 to index
      %get3A_509 = arith.constant 16 : index
      %get3A_510 = tpu.vector_load %arg12[%get3A_508, %get3A_509] {strides = array<i32>} : memref<112x128xf32, #tpu.memory_space<vmem>>, vector<1x16xf32>,
      %get3A_511 = vector.shape_cast %get3A_510 : vector<1x16xf32> to vector<16xf32>
      %max3A_512 = arith.maximumf %get3A_507, %get3A_511 : vector<16xf32>
      %swap3A_513 = arith.index_cast %scan3A_492 : i32 to index
      %swap3A_514 = arith.constant 16 : index
      %swap3A_515 = tpu.vector_load %arg11[%swap3A_513, %swap3A_514] {strides = array<i32>} : memref<112x128xf32, #tpu.memory_space<vmem>>, vector<1x16xf32>,
      %swap3A_516 = vector.shape_cast %swap3A_515 : vector<1x16xf32> to vector<16xf32>
      %swap3A_517 = vector.shape_cast %max3A_512 : vector<16xf32> to vector<1x16xf32>
      tpu.vector_store %arg11[%swap3A_513, %swap3A_514], %swap3A_517 {strides = array<i32>} : memref<112x128xf32, #tpu.memory_space<vmem>>, vector<1x16xf32>,
      %get3A_518 = arith.index_cast %scan3A_492 : i32 to index
      %get3A_519 = arith.constant 32 : index
      %get3A_520 = tpu.vector_load %arg11[%get3A_518, %get3A_519] {strides = array<i32>} : memref<112x128xf32, #tpu.memory_space<vmem>>, vector<1x16xf32>,
      %get3A_521 = vector.shape_cast %get3A_520 : vector<1x16xf32> to vector<16xf32>
      %get3A_522 = arith.index_cast %scan3A_492 : i32 to index
      %get3A_523 = arith.constant 32 : index
      %get3A_524 = tpu.vector_load %arg12[%get3A_522, %get3A_523] {strides = array<i32>} : memref<112x128xf32, #tpu.memory_space<vmem>>, vector<1x16xf32>,
      %get3A_525 = vector.shape_cast %get3A_524 : vector<1x16xf32> to vector<16xf32>
      %max3A_526 = arith.maximumf %get3A_521, %get3A_525 : vector<16xf32>
      %swap3A_527 = arith.index_cast %scan3A_492 : i32 to index
      %swap3A_528 = arith.constant 32 : index
      %swap3A_529 = tpu.vector_load %arg11[%swap3A_527, %swap3A_528] {strides = array<i32>} : memref<112x128xf32, #tpu.memory_space<vmem>>, vector<1x16xf32>,
      %swap3A_530 = vector.shape_cast %swap3A_529 : vector<1x16xf32> to vector<16xf32>
      %swap3A_531 = vector.shape_cast %max3A_526 : vector<16xf32> to vector<1x16xf32>
      tpu.vector_store %arg11[%swap3A_527, %swap3A_528], %swap3A_531 {strides = array<i32>} : memref<112x128xf32, #tpu.memory_space<vmem>>, vector<1x16xf32>,
      %get3A_532 = arith.index_cast %scan3A_492 : i32 to index
      %get3A_533 = arith.constant 48 : index
      %get3A_534 = tpu.vector_load %arg11[%get3A_532, %get3A_533] {strides = array<i32>} : memref<112x128xf32, #tpu.memory_space<vmem>>, vector<1x16xf32>,
      %get3A_535 = vector.shape_cast %get3A_534 : vector<1x16xf32> to vector<16xf32>
      %get3A_536 = arith.index_cast %scan3A_492 : i32 to index
      %get3A_537 = arith.constant 48 : index
      %get3A_538 = tpu.vector_load %arg12[%get3A_536, %get3A_537] {strides = array<i32>} : memref<112x128xf32, #tpu.memory_space<vmem>>, vector<1x16xf32>,
      %get3A_539 = vector.shape_cast %get3A_538 : vector<1x16xf32> to vector<16xf32>
      %max3A_540 = arith.maximumf %get3A_535, %get3A_539 : vector<16xf32>
      %swap3A_541 = arith.index_cast %scan3A_492 : i32 to index
      %swap3A_542 = arith.constant 48 : index
      %swap3A_543 = tpu.vector_load %arg11[%swap3A_541, %swap3A_542] {strides = array<i32>} : memref<112x128xf32, #tpu.memory_space<vmem>>, vector<1x16xf32>,
      %swap3A_544 = vector.shape_cast %swap3A_543 : vector<1x16xf32> to vector<16xf32>
      %swap3A_545 = vector.shape_cast %max3A_540 : vector<16xf32> to vector<1x16xf32>
      tpu.vector_store %arg11[%swap3A_541, %swap3A_542], %swap3A_545 {strides = array<i32>} : memref<112x128xf32, #tpu.memory_space<vmem>>, vector<1x16xf32>,
      %get3A_546 = arith.index_cast %scan3A_492 : i32 to index
      %get3A_547 = arith.constant 64 : index
      %get3A_548 = tpu.vector_load %arg11[%get3A_546, %get3A_547] {strides = array<i32>} : memref<112x128xf32, #tpu.memory_space<vmem>>, vector<1x16xf32>,
      %get3A_549 = vector.shape_cast %get3A_548 : vector<1x16xf32> to vector<16xf32>
      %get3A_550 = arith.index_cast %scan3A_492 : i32 to index
      %get3A_551 = arith.constant 64 : index
      %get3A_552 = tpu.vector_load %arg12[%get3A_550, %get3A_551] {strides = array<i32>} : memref<112x128xf32, #tpu.memory_space<vmem>>, vector<1x16xf32>,
      %get3A_553 = vector.shape_cast %get3A_552 : vector<1x16xf32> to vector<16xf32>
      %max3A_554 = arith.maximumf %get3A_549, %get3A_553 : vector<16xf32>
      %swap3A_555 = arith.index_cast %scan3A_492 : i32 to index
      %swap3A_556 = arith.constant 64 : index
      %swap3A_557 = tpu.vector_load %arg11[%swap3A_555, %swap3A_556] {strides = array<i32>} : memref<112x128xf32, #tpu.memory_space<vmem>>, vector<1x16xf32>,
      %swap3A_558 = vector.shape_cast %swap3A_557 : vector<1x16xf32> to vector<16xf32>
      %swap3A_559 = vector.shape_cast %max3A_554 : vector<16xf32> to vector<1x16xf32>
      tpu.vector_store %arg11[%swap3A_555, %swap3A_556], %swap3A_559 {strides = array<i32>} : memref<112x128xf32, #tpu.memory_space<vmem>>, vector<1x16xf32>,
      %get3A_560 = arith.index_cast %scan3A_492 : i32 to index
      %get3A_561 = arith.constant 80 : index
      %get3A_562 = tpu.vector_load %arg11[%get3A_560, %get3A_561] {strides = array<i32>} : memref<112x128xf32, #tpu.memory_space<vmem>>, vector<1x16xf32>,
      %get3A_563 = vector.shape_cast %get3A_562 : vector<1x16xf32> to vector<16xf32>
      %get3A_564 = arith.index_cast %scan3A_492 : i32 to index
      %get3A_565 = arith.constant 80 : index
      %get3A_566 = tpu.vector_load %arg12[%get3A_564, %get3A_565] {strides = array<i32>} : memref<112x128xf32, #tpu.memory_space<vmem>>, vector<1x16xf32>,
      %get3A_567 = vector.shape_cast %get3A_566 : vector<1x16xf32> to vector<16xf32>
      %max3A_568 = arith.maximumf %get3A_563, %get3A_567 : vector<16xf32>
      %swap3A_569 = arith.index_cast %scan3A_492 : i32 to index
      %swap3A_570 = arith.constant 80 : index
      %swap3A_571 = tpu.vector_load %arg11[%swap3A_569, %swap3A_570] {strides = array<i32>} : memref<112x128xf32, #tpu.memory_space<vmem>>, vector<1x16xf32>,
      %swap3A_572 = vector.shape_cast %swap3A_571 : vector<1x16xf32> to vector<16xf32>
      %swap3A_573 = vector.shape_cast %max3A_568 : vector<16xf32> to vector<1x16xf32>
      tpu.vector_store %arg11[%swap3A_569, %swap3A_570], %swap3A_573 {strides = array<i32>} : memref<112x128xf32, #tpu.memory_space<vmem>>, vector<1x16xf32>,
      %get3A_574 = arith.index_cast %scan3A_492 : i32 to index
      %get3A_575 = arith.constant 96 : index
      %get3A_576 = tpu.vector_load %arg11[%get3A_574, %get3A_575] {strides = array<i32>} : memref<112x128xf32, #tpu.memory_space<vmem>>, vector<1x16xf32>,
      %get3A_577 = vector.shape_cast %get3A_576 : vector<1x16xf32> to vector<16xf32>
      %get3A_578 = arith.index_cast %scan3A_492 : i32 to index
      %get3A_579 = arith.constant 96 : index
      %get3A_580 = tpu.vector_load %arg12[%get3A_578, %get3A_579] {strides = array<i32>} : memref<112x128xf32, #tpu.memory_space<vmem>>, vector<1x16xf32>,
      %get3A_581 = vector.shape_cast %get3A_580 : vector<1x16xf32> to vector<16xf32>
      %max3A_582 = arith.maximumf %get3A_577, %get3A_581 : vector<16xf32>
      %swap3A_583 = arith.index_cast %scan3A_492 : i32 to index
      %swap3A_584 = arith.constant 96 : index
      %swap3A_585 = tpu.vector_load %arg11[%swap3A_583, %swap3A_584] {strides = array<i32>} : memref<112x128xf32, #tpu.memory_space<vmem>>, vector<1x16xf32>,
      %swap3A_586 = vector.shape_cast %swap3A_585 : vector<1x16xf32> to vector<16xf32>
      %swap3A_587 = vector.shape_cast %max3A_582 : vector<16xf32> to vector<1x16xf32>
      tpu.vector_store %arg11[%swap3A_583, %swap3A_584], %swap3A_587 {strides = array<i32>} : memref<112x128xf32, #tpu.memory_space<vmem>>, vector<1x16xf32>,
      %get3A_588 = arith.index_cast %scan3A_492 : i32 to index
      %get3A_589 = arith.constant 112 : index
      %get3A_590 = tpu.vector_load %arg11[%get3A_588, %get3A_589] {strides = array<i32>} : memref<112x128xf32, #tpu.memory_space<vmem>>, vector<1x16xf32>,
      %get3A_591 = vector.shape_cast %get3A_590 : vector<1x16xf32> to vector<16xf32>
      %get3A_592 = arith.index_cast %scan3A_492 : i32 to index
      %get3A_593 = arith.constant 112 : index
      %get3A_594 = tpu.vector_load %arg12[%get3A_592, %get3A_593] {strides = array<i32>} : memref<112x128xf32, #tpu.memory_space<vmem>>, vector<1x16xf32>,
      %get3A_595 = vector.shape_cast %get3A_594 : vector<1x16xf32> to vector<16xf32>
      %max3A_596 = arith.maximumf %get3A_591, %get3A_595 : vector<16xf32>
      %swap3A_597 = arith.index_cast %scan3A_492 : i32 to index
      %swap3A_598 = arith.constant 112 : index
      %swap3A_599 = tpu.vector_load %arg11[%swap3A_597, %swap3A_598] {strides = array<i32>} : memref<112x128xf32, #tpu.memory_space<vmem>>, vector<1x16xf32>,
      %swap3A_600 = vector.shape_cast %swap3A_599 : vector<1x16xf32> to vector<16xf32>
      %swap3A_601 = vector.shape_cast %max3A_596 : vector<16xf32> to vector<1x16xf32>
      tpu.vector_store %arg11[%swap3A_597, %swap3A_598], %swap3A_601 {strides = array<i32>} : memref<112x128xf32, #tpu.memory_space<vmem>>, vector<1x16xf32>,
    }
    %scan3A_246 = arith.constant 112 : i32
    %add3A_247 = arith.constant 672 : i32
    %add3A_248 = arith.addi %mul3A_2, %add3A_247 : i32
    %dma_start3A_249 = arith.constant 0 : i32
    %dma_start3A_250 = tpu.memref_slice %arg6[%add3A_248, %dma_start3A_249] : memref<50176x128xf32, #tpu.memory_space<hbm>> -> memref<112x128xf32, #tpu.memory_space<hbm>>
    %dma_start3A_251 = arith.constant 0 : i32
    %dma_start3A_252 = tpu.memref_slice %arg6[%add3A_248, %dma_start3A_251] : memref<50176x128xf32, #tpu.memory_space<hbm>> -> memref<112x128xf32, #tpu.memory_space<hbm>>
    tpu.enqueue_dma source(%arg11 : memref<112x128xf32, #tpu.memory_space<vmem>>) target(%dma_start3A_252 : memref<112x128xf32, #tpu.memory_space<hbm>>) target_semaphore(%arg17 : memref<!tpu.dma_semaphore, #tpu.memory_space<semaphore_mem>>)
    %dma_wait3A_253 = arith.constant 0 : i32
    %dma_wait3A_254 = tpu.memref_slice %arg6[%add3A_248, %dma_wait3A_253] : memref<50176x128xf32, #tpu.memory_space<hbm>> -> memref<112x128xf32, #tpu.memory_space<hbm>>
    %dma_wait3A_255 = arith.constant 0 : i32
    %dma_wait3A_256 = tpu.memref_slice %arg6[%add3A_248, %dma_wait3A_255] : memref<50176x128xf32, #tpu.memory_space<hbm>> -> memref<112x128xf32, #tpu.memory_space<hbm>>
    tpu.wait_dma2 semaphore(%arg17 : memref<!tpu.dma_semaphore, #tpu.memory_space<semaphore_mem>>) src(%arg11 : memref<112x128xf32, #tpu.memory_space<vmem>>) dst(%dma_wait3A_256 : memref<112x128xf32, #tpu.memory_space<hbm>>)
    %dma_start3A_257 = arith.constant 896 : i32
    %dma_start3A_258 = tpu.memref_slice %arg9[%dma_start3A_257] : memref<1568xi32, #tpu.memory_space<vmem>> -> memref<112xi32, #tpu.memory_space<vmem>>
    %dma_start3A_259 = arith.constant 0 : i32
    %dma_start3A_260 = arith.constant 0 : i32
    %dma_start3A_261 = tpu.memref_slice %arg7[%dma_start3A_259, %dma_start3A_260] : memref<512x128xf32, #tpu.memory_space<vmem_shared>> -> memref<512x128xf32, #tpu.memory_space<vmem_shared>>
    tpu.enqueue_indirect_dma source(%dma_start3A_261 : memref<512x128xf32, #tpu.memory_space<vmem_shared>>) target(%arg11 : memref<112x128xf32, #tpu.memory_space<vmem>>) offsets(%dma_start3A_258 : memref<112xi32, #tpu.memory_space<vmem>>) semaphore(%arg15 : memref<!tpu.dma_semaphore, #tpu.memory_space<semaphore_mem>>)
    %dma_start3A_262 = arith.constant 896 : i32
    %dma_start3A_263 = tpu.memref_slice %arg10[%dma_start3A_262] : memref<1568xi32, #tpu.memory_space<vmem>> -> memref<112xi32, #tpu.memory_space<vmem>>
    %dma_start3A_264 = arith.constant 0 : i32
    %dma_start3A_265 = arith.constant 0 : i32
    %dma_start3A_266 = tpu.memref_slice %arg8[%dma_start3A_264, %dma_start3A_265] : memref<129x128xf32, #tpu.memory_space<vmem_shared>> -> memref<129x128xf32, #tpu.memory_space<vmem_shared>>
    tpu.enqueue_indirect_dma source(%dma_start3A_266 : memref<129x128xf32, #tpu.memory_space<vmem_shared>>) target(%arg12 : memref<112x128xf32, #tpu.memory_space<vmem>>) offsets(%dma_start3A_263 : memref<112xi32, #tpu.memory_space<vmem>>) semaphore(%arg15 : memref<!tpu.dma_semaphore, #tpu.memory_space<semaphore_mem>>)
    %dma_wait3A_267 = arith.constant 784 : i32
    %dma_wait3A_268 = tpu.memref_slice %arg9[%dma_wait3A_267] : memref<1568xi32, #tpu.memory_space<vmem>> -> memref<112xi32, #tpu.memory_space<vmem>>
    %dma_wait3A_269 = arith.constant 0 : i32
    %dma_wait3A_270 = arith.constant 0 : i32
    %dma_wait3A_271 = tpu.memref_slice %arg7[%dma_wait3A_269, %dma_wait3A_270] : memref<512x128xf32, #tpu.memory_space<vmem_shared>> -> memref<512x128xf32, #tpu.memory_space<vmem_shared>>
    tpu.wait_indirect_dma semaphore(%arg16 : memref<!tpu.dma_semaphore, #tpu.memory_space<semaphore_mem>>) src(%dma_wait3A_271 : memref<512x128xf32, #tpu.memory_space<vmem_shared>>) dst(%arg13 : memref<112x128xf32, #tpu.memory_space<vmem>>)
    %dma_wait3A_272 = arith.constant 784 : i32
    %dma_wait3A_273 = tpu.memref_slice %arg10[%dma_wait3A_272] : memref<1568xi32, #tpu.memory_space<vmem>> -> memref<112xi32, #tpu.memory_space<vmem>>
    %dma_wait3A_274 = arith.constant 0 : i32
    %dma_wait3A_275 = arith.constant 0 : i32
    %dma_wait3A_276 = tpu.memref_slice %arg8[%dma_wait3A_274, %dma_wait3A_275] : memref<129x128xf32, #tpu.memory_space<vmem_shared>> -> memref<129x128xf32, #tpu.memory_space<vmem_shared>>
    tpu.wait_indirect_dma semaphore(%arg16 : memref<!tpu.dma_semaphore, #tpu.memory_space<semaphore_mem>>) src(%dma_wait3A_276 : memref<129x128xf32, #tpu.memory_space<vmem_shared>>) dst(%arg14 : memref<112x128xf32, #tpu.memory_space<vmem>>)
    %scan3A_277 = arith.constant 0 : i32
    %scan3A_278 = arith.constant 112 : i32
    %scan3A_279 = arith.addi %scan3A_277, %scan3A_278 : i32
    %scan3A_280 = arith.constant 1 : i32
    scf.for %scan3A_492 = %scan3A_277 to %scan3A_279 step %scan3A_280  : i32 {
      %get3A = arith.index_cast %scan3A_492 : i32 to index
      %get3A_493 = arith.constant 0 : index
      %get3A_494 = tpu.vector_load %arg13[%get3A, %get3A_493] {strides = array<i32>} : memref<112x128xf32, #tpu.memory_space<vmem>>, vector<1x16xf32>,
      %get3A_495 = vector.shape_cast %get3A_494 : vector<1x16xf32> to vector<16xf32>
      %get3A_496 = arith.index_cast %scan3A_492 : i32 to index
      %get3A_497 = arith.constant 0 : index
      %get3A_498 = tpu.vector_load %arg14[%get3A_496, %get3A_497] {strides = array<i32>} : memref<112x128xf32, #tpu.memory_space<vmem>>, vector<1x16xf32>,
      %get3A_499 = vector.shape_cast %get3A_498 : vector<1x16xf32> to vector<16xf32>
      %max3A = arith.maximumf %get3A_495, %get3A_499 : vector<16xf32>
      %swap3A = arith.index_cast %scan3A_492 : i32 to index
      %swap3A_500 = arith.constant 0 : index
      %swap3A_501 = tpu.vector_load %arg13[%swap3A, %swap3A_500] {strides = array<i32>} : memref<112x128xf32, #tpu.memory_space<vmem>>, vector<1x16xf32>,
      %swap3A_502 = vector.shape_cast %swap3A_501 : vector<1x16xf32> to vector<16xf32>
      %swap3A_503 = vector.shape_cast %max3A : vector<16xf32> to vector<1x16xf32>
      tpu.vector_store %arg13[%swap3A, %swap3A_500], %swap3A_503 {strides = array<i32>} : memref<112x128xf32, #tpu.memory_space<vmem>>, vector<1x16xf32>,
      %get3A_504 = arith.index_cast %scan3A_492 : i32 to index
      %get3A_505 = arith.constant 16 : index
      %get3A_506 = tpu.vector_load %arg13[%get3A_504, %get3A_505] {strides = array<i32>} : memref<112x128xf32, #tpu.memory_space<vmem>>, vector<1x16xf32>,
      %get3A_507 = vector.shape_cast %get3A_506 : vector<1x16xf32> to vector<16xf32>
      %get3A_508 = arith.index_cast %scan3A_492 : i32 to index
      %get3A_509 = arith.constant 16 : index
      %get3A_510 = tpu.vector_load %arg14[%get3A_508, %get3A_509] {strides = array<i32>} : memref<112x128xf32, #tpu.memory_space<vmem>>, vector<1x16xf32>,
      %get3A_511 = vector.shape_cast %get3A_510 : vector<1x16xf32> to vector<16xf32>
      %max3A_512 = arith.maximumf %get3A_507, %get3A_511 : vector<16xf32>
      %swap3A_513 = arith.index_cast %scan3A_492 : i32 to index
      %swap3A_514 = arith.constant 16 : index
      %swap3A_515 = tpu.vector_load %arg13[%swap3A_513, %swap3A_514] {strides = array<i32>} : memref<112x128xf32, #tpu.memory_space<vmem>>, vector<1x16xf32>,
      %swap3A_516 = vector.shape_cast %swap3A_515 : vector<1x16xf32> to vector<16xf32>
      %swap3A_517 = vector.shape_cast %max3A_512 : vector<16xf32> to vector<1x16xf32>
      tpu.vector_store %arg13[%swap3A_513, %swap3A_514], %swap3A_517 {strides = array<i32>} : memref<112x128xf32, #tpu.memory_space<vmem>>, vector<1x16xf32>,
      %get3A_518 = arith.index_cast %scan3A_492 : i32 to index
      %get3A_519 = arith.constant 32 : index
      %get3A_520 = tpu.vector_load %arg13[%get3A_518, %get3A_519] {strides = array<i32>} : memref<112x128xf32, #tpu.memory_space<vmem>>, vector<1x16xf32>,
      %get3A_521 = vector.shape_cast %get3A_520 : vector<1x16xf32> to vector<16xf32>
      %get3A_522 = arith.index_cast %scan3A_492 : i32 to index
      %get3A_523 = arith.constant 32 : index
      %get3A_524 = tpu.vector_load %arg14[%get3A_522, %get3A_523] {strides = array<i32>} : memref<112x128xf32, #tpu.memory_space<vmem>>, vector<1x16xf32>,
      %get3A_525 = vector.shape_cast %get3A_524 : vector<1x16xf32> to vector<16xf32>
      %max3A_526 = arith.maximumf %get3A_521, %get3A_525 : vector<16xf32>
      %swap3A_527 = arith.index_cast %scan3A_492 : i32 to index
      %swap3A_528 = arith.constant 32 : index
      %swap3A_529 = tpu.vector_load %arg13[%swap3A_527, %swap3A_528] {strides = array<i32>} : memref<112x128xf32, #tpu.memory_space<vmem>>, vector<1x16xf32>,
      %swap3A_530 = vector.shape_cast %swap3A_529 : vector<1x16xf32> to vector<16xf32>
      %swap3A_531 = vector.shape_cast %max3A_526 : vector<16xf32> to vector<1x16xf32>
      tpu.vector_store %arg13[%swap3A_527, %swap3A_528], %swap3A_531 {strides = array<i32>} : memref<112x128xf32, #tpu.memory_space<vmem>>, vector<1x16xf32>,
      %get3A_532 = arith.index_cast %scan3A_492 : i32 to index
      %get3A_533 = arith.constant 48 : index
      %get3A_534 = tpu.vector_load %arg13[%get3A_532, %get3A_533] {strides = array<i32>} : memref<112x128xf32, #tpu.memory_space<vmem>>, vector<1x16xf32>,
      %get3A_535 = vector.shape_cast %get3A_534 : vector<1x16xf32> to vector<16xf32>
      %get3A_536 = arith.index_cast %scan3A_492 : i32 to index
      %get3A_537 = arith.constant 48 : index
      %get3A_538 = tpu.vector_load %arg14[%get3A_536, %get3A_537] {strides = array<i32>} : memref<112x128xf32, #tpu.memory_space<vmem>>, vector<1x16xf32>,
      %get3A_539 = vector.shape_cast %get3A_538 : vector<1x16xf32> to vector<16xf32>
      %max3A_540 = arith.maximumf %get3A_535, %get3A_539 : vector<16xf32>
      %swap3A_541 = arith.index_cast %scan3A_492 : i32 to index
      %swap3A_542 = arith.constant 48 : index
      %swap3A_543 = tpu.vector_load %arg13[%swap3A_541, %swap3A_542] {strides = array<i32>} : memref<112x128xf32, #tpu.memory_space<vmem>>, vector<1x16xf32>,
      %swap3A_544 = vector.shape_cast %swap3A_543 : vector<1x16xf32> to vector<16xf32>
      %swap3A_545 = vector.shape_cast %max3A_540 : vector<16xf32> to vector<1x16xf32>
      tpu.vector_store %arg13[%swap3A_541, %swap3A_542], %swap3A_545 {strides = array<i32>} : memref<112x128xf32, #tpu.memory_space<vmem>>, vector<1x16xf32>,
      %get3A_546 = arith.index_cast %scan3A_492 : i32 to index
      %get3A_547 = arith.constant 64 : index
      %get3A_548 = tpu.vector_load %arg13[%get3A_546, %get3A_547] {strides = array<i32>} : memref<112x128xf32, #tpu.memory_space<vmem>>, vector<1x16xf32>,
      %get3A_549 = vector.shape_cast %get3A_548 : vector<1x16xf32> to vector<16xf32>
      %get3A_550 = arith.index_cast %scan3A_492 : i32 to index
      %get3A_551 = arith.constant 64 : index
      %get3A_552 = tpu.vector_load %arg14[%get3A_550, %get3A_551] {strides = array<i32>} : memref<112x128xf32, #tpu.memory_space<vmem>>, vector<1x16xf32>,
      %get3A_553 = vector.shape_cast %get3A_552 : vector<1x16xf32> to vector<16xf32>
      %max3A_554 = arith.maximumf %get3A_549, %get3A_553 : vector<16xf32>
      %swap3A_555 = arith.index_cast %scan3A_492 : i32 to index
      %swap3A_556 = arith.constant 64 : index
      %swap3A_557 = tpu.vector_load %arg13[%swap3A_555, %swap3A_556] {strides = array<i32>} : memref<112x128xf32, #tpu.memory_space<vmem>>, vector<1x16xf32>,
      %swap3A_558 = vector.shape_cast %swap3A_557 : vector<1x16xf32> to vector<16xf32>
      %swap3A_559 = vector.shape_cast %max3A_554 : vector<16xf32> to vector<1x16xf32>
      tpu.vector_store %arg13[%swap3A_555, %swap3A_556], %swap3A_559 {strides = array<i32>} : memref<112x128xf32, #tpu.memory_space<vmem>>, vector<1x16xf32>,
      %get3A_560 = arith.index_cast %scan3A_492 : i32 to index
      %get3A_561 = arith.constant 80 : index
      %get3A_562 = tpu.vector_load %arg13[%get3A_560, %get3A_561] {strides = array<i32>} : memref<112x128xf32, #tpu.memory_space<vmem>>, vector<1x16xf32>,
      %get3A_563 = vector.shape_cast %get3A_562 : vector<1x16xf32> to vector<16xf32>
      %get3A_564 = arith.index_cast %scan3A_492 : i32 to index
      %get3A_565 = arith.constant 80 : index
      %get3A_566 = tpu.vector_load %arg14[%get3A_564, %get3A_565] {strides = array<i32>} : memref<112x128xf32, #tpu.memory_space<vmem>>, vector<1x16xf32>,
      %get3A_567 = vector.shape_cast %get3A_566 : vector<1x16xf32> to vector<16xf32>
      %max3A_568 = arith.maximumf %get3A_563, %get3A_567 : vector<16xf32>
      %swap3A_569 = arith.index_cast %scan3A_492 : i32 to index
      %swap3A_570 = arith.constant 80 : index
      %swap3A_571 = tpu.vector_load %arg13[%swap3A_569, %swap3A_570] {strides = array<i32>} : memref<112x128xf32, #tpu.memory_space<vmem>>, vector<1x16xf32>,
      %swap3A_572 = vector.shape_cast %swap3A_571 : vector<1x16xf32> to vector<16xf32>
      %swap3A_573 = vector.shape_cast %max3A_568 : vector<16xf32> to vector<1x16xf32>
      tpu.vector_store %arg13[%swap3A_569, %swap3A_570], %swap3A_573 {strides = array<i32>} : memref<112x128xf32, #tpu.memory_space<vmem>>, vector<1x16xf32>,
      %get3A_574 = arith.index_cast %scan3A_492 : i32 to index
      %get3A_575 = arith.constant 96 : index
      %get3A_576 = tpu.vector_load %arg13[%get3A_574, %get3A_575] {strides = array<i32>} : memref<112x128xf32, #tpu.memory_space<vmem>>, vector<1x16xf32>,
      %get3A_577 = vector.shape_cast %get3A_576 : vector<1x16xf32> to vector<16xf32>
      %get3A_578 = arith.index_cast %scan3A_492 : i32 to index
      %get3A_579 = arith.constant 96 : index
      %get3A_580 = tpu.vector_load %arg14[%get3A_578, %get3A_579] {strides = array<i32>} : memref<112x128xf32, #tpu.memory_space<vmem>>, vector<1x16xf32>,
      %get3A_581 = vector.shape_cast %get3A_580 : vector<1x16xf32> to vector<16xf32>
      %max3A_582 = arith.maximumf %get3A_577, %get3A_581 : vector<16xf32>
      %swap3A_583 = arith.index_cast %scan3A_492 : i32 to index
      %swap3A_584 = arith.constant 96 : index
      %swap3A_585 = tpu.vector_load %arg13[%swap3A_583, %swap3A_584] {strides = array<i32>} : memref<112x128xf32, #tpu.memory_space<vmem>>, vector<1x16xf32>,
      %swap3A_586 = vector.shape_cast %swap3A_585 : vector<1x16xf32> to vector<16xf32>
      %swap3A_587 = vector.shape_cast %max3A_582 : vector<16xf32> to vector<1x16xf32>
      tpu.vector_store %arg13[%swap3A_583, %swap3A_584], %swap3A_587 {strides = array<i32>} : memref<112x128xf32, #tpu.memory_space<vmem>>, vector<1x16xf32>,
      %get3A_588 = arith.index_cast %scan3A_492 : i32 to index
      %get3A_589 = arith.constant 112 : index
      %get3A_590 = tpu.vector_load %arg13[%get3A_588, %get3A_589] {strides = array<i32>} : memref<112x128xf32, #tpu.memory_space<vmem>>, vector<1x16xf32>,
      %get3A_591 = vector.shape_cast %get3A_590 : vector<1x16xf32> to vector<16xf32>
      %get3A_592 = arith.index_cast %scan3A_492 : i32 to index
      %get3A_593 = arith.constant 112 : index
      %get3A_594 = tpu.vector_load %arg14[%get3A_592, %get3A_593] {strides = array<i32>} : memref<112x128xf32, #tpu.memory_space<vmem>>, vector<1x16xf32>,
      %get3A_595 = vector.shape_cast %get3A_594 : vector<1x16xf32> to vector<16xf32>
      %max3A_596 = arith.maximumf %get3A_591, %get3A_595 : vector<16xf32>
      %swap3A_597 = arith.index_cast %scan3A_492 : i32 to index
      %swap3A_598 = arith.constant 112 : index
      %swap3A_599 = tpu.vector_load %arg13[%swap3A_597, %swap3A_598] {strides = array<i32>} : memref<112x128xf32, #tpu.memory_space<vmem>>, vector<1x16xf32>,
      %swap3A_600 = vector.shape_cast %swap3A_599 : vector<1x16xf32> to vector<16xf32>
      %swap3A_601 = vector.shape_cast %max3A_596 : vector<16xf32> to vector<1x16xf32>
      tpu.vector_store %arg13[%swap3A_597, %swap3A_598], %swap3A_601 {strides = array<i32>} : memref<112x128xf32, #tpu.memory_space<vmem>>, vector<1x16xf32>,
    }
    %scan3A_281 = arith.constant 112 : i32
    %add3A_282 = arith.constant 784 : i32
    %add3A_283 = arith.addi %mul3A_2, %add3A_282 : i32
    %dma_start3A_284 = arith.constant 0 : i32
    %dma_start3A_285 = tpu.memref_slice %arg6[%add3A_283, %dma_start3A_284] : memref<50176x128xf32, #tpu.memory_space<hbm>> -> memref<112x128xf32, #tpu.memory_space<hbm>>
    %dma_start3A_286 = arith.constant 0 : i32
    %dma_start3A_287 = tpu.memref_slice %arg6[%add3A_283, %dma_start3A_286] : memref<50176x128xf32, #tpu.memory_space<hbm>> -> memref<112x128xf32, #tpu.memory_space<hbm>>
    tpu.enqueue_dma source(%arg13 : memref<112x128xf32, #tpu.memory_space<vmem>>) target(%dma_start3A_287 : memref<112x128xf32, #tpu.memory_space<hbm>>) target_semaphore(%arg17 : memref<!tpu.dma_semaphore, #tpu.memory_space<semaphore_mem>>)
    %dma_wait3A_288 = arith.constant 0 : i32
    %dma_wait3A_289 = tpu.memref_slice %arg6[%add3A_283, %dma_wait3A_288] : memref<50176x128xf32, #tpu.memory_space<hbm>> -> memref<112x128xf32, #tpu.memory_space<hbm>>
    %dma_wait3A_290 = arith.constant 0 : i32
    %dma_wait3A_291 = tpu.memref_slice %arg6[%add3A_283, %dma_wait3A_290] : memref<50176x128xf32, #tpu.memory_space<hbm>> -> memref<112x128xf32, #tpu.memory_space<hbm>>
    tpu.wait_dma2 semaphore(%arg17 : memref<!tpu.dma_semaphore, #tpu.memory_space<semaphore_mem>>) src(%arg13 : memref<112x128xf32, #tpu.memory_space<vmem>>) dst(%dma_wait3A_291 : memref<112x128xf32, #tpu.memory_space<hbm>>)
    %dma_start3A_292 = arith.constant 1008 : i32
    %dma_start3A_293 = tpu.memref_slice %arg9[%dma_start3A_292] : memref<1568xi32, #tpu.memory_space<vmem>> -> memref<112xi32, #tpu.memory_space<vmem>>
    %dma_start3A_294 = arith.constant 0 : i32
    %dma_start3A_295 = arith.constant 0 : i32
    %dma_start3A_296 = tpu.memref_slice %arg7[%dma_start3A_294, %dma_start3A_295] : memref<512x128xf32, #tpu.memory_space<vmem_shared>> -> memref<512x128xf32, #tpu.memory_space<vmem_shared>>
    tpu.enqueue_indirect_dma source(%dma_start3A_296 : memref<512x128xf32, #tpu.memory_space<vmem_shared>>) target(%arg13 : memref<112x128xf32, #tpu.memory_space<vmem>>) offsets(%dma_start3A_293 : memref<112xi32, #tpu.memory_space<vmem>>) semaphore(%arg16 : memref<!tpu.dma_semaphore, #tpu.memory_space<semaphore_mem>>)
    %dma_start3A_297 = arith.constant 1008 : i32
    %dma_start3A_298 = tpu.memref_slice %arg10[%dma_start3A_297] : memref<1568xi32, #tpu.memory_space<vmem>> -> memref<112xi32, #tpu.memory_space<vmem>>
    %dma_start3A_299 = arith.constant 0 : i32
    %dma_start3A_300 = arith.constant 0 : i32
    %dma_start3A_301 = tpu.memref_slice %arg8[%dma_start3A_299, %dma_start3A_300] : memref<129x128xf32, #tpu.memory_space<vmem_shared>> -> memref<129x128xf32, #tpu.memory_space<vmem_shared>>
    tpu.enqueue_indirect_dma source(%dma_start3A_301 : memref<129x128xf32, #tpu.memory_space<vmem_shared>>) target(%arg14 : memref<112x128xf32, #tpu.memory_space<vmem>>) offsets(%dma_start3A_298 : memref<112xi32, #tpu.memory_space<vmem>>) semaphore(%arg16 : memref<!tpu.dma_semaphore, #tpu.memory_space<semaphore_mem>>)
    %dma_wait3A_302 = arith.constant 896 : i32
    %dma_wait3A_303 = tpu.memref_slice %arg9[%dma_wait3A_302] : memref<1568xi32, #tpu.memory_space<vmem>> -> memref<112xi32, #tpu.memory_space<vmem>>
    %dma_wait3A_304 = arith.constant 0 : i32
    %dma_wait3A_305 = arith.constant 0 : i32
    %dma_wait3A_306 = tpu.memref_slice %arg7[%dma_wait3A_304, %dma_wait3A_305] : memref<512x128xf32, #tpu.memory_space<vmem_shared>> -> memref<512x128xf32, #tpu.memory_space<vmem_shared>>
    tpu.wait_indirect_dma semaphore(%arg15 : memref<!tpu.dma_semaphore, #tpu.memory_space<semaphore_mem>>) src(%dma_wait3A_306 : memref<512x128xf32, #tpu.memory_space<vmem_shared>>) dst(%arg11 : memref<112x128xf32, #tpu.memory_space<vmem>>)
    %dma_wait3A_307 = arith.constant 896 : i32
    %dma_wait3A_308 = tpu.memref_slice %arg10[%dma_wait3A_307] : memref<1568xi32, #tpu.memory_space<vmem>> -> memref<112xi32, #tpu.memory_space<vmem>>
    %dma_wait3A_309 = arith.constant 0 : i32
    %dma_wait3A_310 = arith.constant 0 : i32
    %dma_wait3A_311 = tpu.memref_slice %arg8[%dma_wait3A_309, %dma_wait3A_310] : memref<129x128xf32, #tpu.memory_space<vmem_shared>> -> memref<129x128xf32, #tpu.memory_space<vmem_shared>>
    tpu.wait_indirect_dma semaphore(%arg15 : memref<!tpu.dma_semaphore, #tpu.memory_space<semaphore_mem>>) src(%dma_wait3A_311 : memref<129x128xf32, #tpu.memory_space<vmem_shared>>) dst(%arg12 : memref<112x128xf32, #tpu.memory_space<vmem>>)
    %scan3A_312 = arith.constant 0 : i32
    %scan3A_313 = arith.constant 112 : i32
    %scan3A_314 = arith.addi %scan3A_312, %scan3A_313 : i32
    %scan3A_315 = arith.constant 1 : i32
    scf.for %scan3A_492 = %scan3A_312 to %scan3A_314 step %scan3A_315  : i32 {
      %get3A = arith.index_cast %scan3A_492 : i32 to index
      %get3A_493 = arith.constant 0 : index
      %get3A_494 = tpu.vector_load %arg11[%get3A, %get3A_493] {strides = array<i32>} : memref<112x128xf32, #tpu.memory_space<vmem>>, vector<1x16xf32>,
      %get3A_495 = vector.shape_cast %get3A_494 : vector<1x16xf32> to vector<16xf32>
      %get3A_496 = arith.index_cast %scan3A_492 : i32 to index
      %get3A_497 = arith.constant 0 : index
      %get3A_498 = tpu.vector_load %arg12[%get3A_496, %get3A_497] {strides = array<i32>} : memref<112x128xf32, #tpu.memory_space<vmem>>, vector<1x16xf32>,
      %get3A_499 = vector.shape_cast %get3A_498 : vector<1x16xf32> to vector<16xf32>
      %max3A = arith.maximumf %get3A_495, %get3A_499 : vector<16xf32>
      %swap3A = arith.index_cast %scan3A_492 : i32 to index
      %swap3A_500 = arith.constant 0 : index
      %swap3A_501 = tpu.vector_load %arg11[%swap3A, %swap3A_500] {strides = array<i32>} : memref<112x128xf32, #tpu.memory_space<vmem>>, vector<1x16xf32>,
      %swap3A_502 = vector.shape_cast %swap3A_501 : vector<1x16xf32> to vector<16xf32>
      %swap3A_503 = vector.shape_cast %max3A : vector<16xf32> to vector<1x16xf32>
      tpu.vector_store %arg11[%swap3A, %swap3A_500], %swap3A_503 {strides = array<i32>} : memref<112x128xf32, #tpu.memory_space<vmem>>, vector<1x16xf32>,
      %get3A_504 = arith.index_cast %scan3A_492 : i32 to index
      %get3A_505 = arith.constant 16 : index
      %get3A_506 = tpu.vector_load %arg11[%get3A_504, %get3A_505] {strides = array<i32>} : memref<112x128xf32, #tpu.memory_space<vmem>>, vector<1x16xf32>,
      %get3A_507 = vector.shape_cast %get3A_506 : vector<1x16xf32> to vector<16xf32>
      %get3A_508 = arith.index_cast %scan3A_492 : i32 to index
      %get3A_509 = arith.constant 16 : index
      %get3A_510 = tpu.vector_load %arg12[%get3A_508, %get3A_509] {strides = array<i32>} : memref<112x128xf32, #tpu.memory_space<vmem>>, vector<1x16xf32>,
      %get3A_511 = vector.shape_cast %get3A_510 : vector<1x16xf32> to vector<16xf32>
      %max3A_512 = arith.maximumf %get3A_507, %get3A_511 : vector<16xf32>
      %swap3A_513 = arith.index_cast %scan3A_492 : i32 to index
      %swap3A_514 = arith.constant 16 : index
      %swap3A_515 = tpu.vector_load %arg11[%swap3A_513, %swap3A_514] {strides = array<i32>} : memref<112x128xf32, #tpu.memory_space<vmem>>, vector<1x16xf32>,
      %swap3A_516 = vector.shape_cast %swap3A_515 : vector<1x16xf32> to vector<16xf32>
      %swap3A_517 = vector.shape_cast %max3A_512 : vector<16xf32> to vector<1x16xf32>
      tpu.vector_store %arg11[%swap3A_513, %swap3A_514], %swap3A_517 {strides = array<i32>} : memref<112x128xf32, #tpu.memory_space<vmem>>, vector<1x16xf32>,
      %get3A_518 = arith.index_cast %scan3A_492 : i32 to index
      %get3A_519 = arith.constant 32 : index
      %get3A_520 = tpu.vector_load %arg11[%get3A_518, %get3A_519] {strides = array<i32>} : memref<112x128xf32, #tpu.memory_space<vmem>>, vector<1x16xf32>,
      %get3A_521 = vector.shape_cast %get3A_520 : vector<1x16xf32> to vector<16xf32>
      %get3A_522 = arith.index_cast %scan3A_492 : i32 to index
      %get3A_523 = arith.constant 32 : index
      %get3A_524 = tpu.vector_load %arg12[%get3A_522, %get3A_523] {strides = array<i32>} : memref<112x128xf32, #tpu.memory_space<vmem>>, vector<1x16xf32>,
      %get3A_525 = vector.shape_cast %get3A_524 : vector<1x16xf32> to vector<16xf32>
      %max3A_526 = arith.maximumf %get3A_521, %get3A_525 : vector<16xf32>
      %swap3A_527 = arith.index_cast %scan3A_492 : i32 to index
      %swap3A_528 = arith.constant 32 : index
      %swap3A_529 = tpu.vector_load %arg11[%swap3A_527, %swap3A_528] {strides = array<i32>} : memref<112x128xf32, #tpu.memory_space<vmem>>, vector<1x16xf32>,
      %swap3A_530 = vector.shape_cast %swap3A_529 : vector<1x16xf32> to vector<16xf32>
      %swap3A_531 = vector.shape_cast %max3A_526 : vector<16xf32> to vector<1x16xf32>
      tpu.vector_store %arg11[%swap3A_527, %swap3A_528], %swap3A_531 {strides = array<i32>} : memref<112x128xf32, #tpu.memory_space<vmem>>, vector<1x16xf32>,
      %get3A_532 = arith.index_cast %scan3A_492 : i32 to index
      %get3A_533 = arith.constant 48 : index
      %get3A_534 = tpu.vector_load %arg11[%get3A_532, %get3A_533] {strides = array<i32>} : memref<112x128xf32, #tpu.memory_space<vmem>>, vector<1x16xf32>,
      %get3A_535 = vector.shape_cast %get3A_534 : vector<1x16xf32> to vector<16xf32>
      %get3A_536 = arith.index_cast %scan3A_492 : i32 to index
      %get3A_537 = arith.constant 48 : index
      %get3A_538 = tpu.vector_load %arg12[%get3A_536, %get3A_537] {strides = array<i32>} : memref<112x128xf32, #tpu.memory_space<vmem>>, vector<1x16xf32>,
      %get3A_539 = vector.shape_cast %get3A_538 : vector<1x16xf32> to vector<16xf32>
      %max3A_540 = arith.maximumf %get3A_535, %get3A_539 : vector<16xf32>
      %swap3A_541 = arith.index_cast %scan3A_492 : i32 to index
      %swap3A_542 = arith.constant 48 : index
      %swap3A_543 = tpu.vector_load %arg11[%swap3A_541, %swap3A_542] {strides = array<i32>} : memref<112x128xf32, #tpu.memory_space<vmem>>, vector<1x16xf32>,
      %swap3A_544 = vector.shape_cast %swap3A_543 : vector<1x16xf32> to vector<16xf32>
      %swap3A_545 = vector.shape_cast %max3A_540 : vector<16xf32> to vector<1x16xf32>
      tpu.vector_store %arg11[%swap3A_541, %swap3A_542], %swap3A_545 {strides = array<i32>} : memref<112x128xf32, #tpu.memory_space<vmem>>, vector<1x16xf32>,
      %get3A_546 = arith.index_cast %scan3A_492 : i32 to index
      %get3A_547 = arith.constant 64 : index
      %get3A_548 = tpu.vector_load %arg11[%get3A_546, %get3A_547] {strides = array<i32>} : memref<112x128xf32, #tpu.memory_space<vmem>>, vector<1x16xf32>,
      %get3A_549 = vector.shape_cast %get3A_548 : vector<1x16xf32> to vector<16xf32>
      %get3A_550 = arith.index_cast %scan3A_492 : i32 to index
      %get3A_551 = arith.constant 64 : index
      %get3A_552 = tpu.vector_load %arg12[%get3A_550, %get3A_551] {strides = array<i32>} : memref<112x128xf32, #tpu.memory_space<vmem>>, vector<1x16xf32>,
      %get3A_553 = vector.shape_cast %get3A_552 : vector<1x16xf32> to vector<16xf32>
      %max3A_554 = arith.maximumf %get3A_549, %get3A_553 : vector<16xf32>
      %swap3A_555 = arith.index_cast %scan3A_492 : i32 to index
      %swap3A_556 = arith.constant 64 : index
      %swap3A_557 = tpu.vector_load %arg11[%swap3A_555, %swap3A_556] {strides = array<i32>} : memref<112x128xf32, #tpu.memory_space<vmem>>, vector<1x16xf32>,
      %swap3A_558 = vector.shape_cast %swap3A_557 : vector<1x16xf32> to vector<16xf32>
      %swap3A_559 = vector.shape_cast %max3A_554 : vector<16xf32> to vector<1x16xf32>
      tpu.vector_store %arg11[%swap3A_555, %swap3A_556], %swap3A_559 {strides = array<i32>} : memref<112x128xf32, #tpu.memory_space<vmem>>, vector<1x16xf32>,
      %get3A_560 = arith.index_cast %scan3A_492 : i32 to index
      %get3A_561 = arith.constant 80 : index
      %get3A_562 = tpu.vector_load %arg11[%get3A_560, %get3A_561] {strides = array<i32>} : memref<112x128xf32, #tpu.memory_space<vmem>>, vector<1x16xf32>,
      %get3A_563 = vector.shape_cast %get3A_562 : vector<1x16xf32> to vector<16xf32>
      %get3A_564 = arith.index_cast %scan3A_492 : i32 to index
      %get3A_565 = arith.constant 80 : index
      %get3A_566 = tpu.vector_load %arg12[%get3A_564, %get3A_565] {strides = array<i32>} : memref<112x128xf32, #tpu.memory_space<vmem>>, vector<1x16xf32>,
      %get3A_567 = vector.shape_cast %get3A_566 : vector<1x16xf32> to vector<16xf32>
      %max3A_568 = arith.maximumf %get3A_563, %get3A_567 : vector<16xf32>
      %swap3A_569 = arith.index_cast %scan3A_492 : i32 to index
      %swap3A_570 = arith.constant 80 : index
      %swap3A_571 = tpu.vector_load %arg11[%swap3A_569, %swap3A_570] {strides = array<i32>} : memref<112x128xf32, #tpu.memory_space<vmem>>, vector<1x16xf32>,
      %swap3A_572 = vector.shape_cast %swap3A_571 : vector<1x16xf32> to vector<16xf32>
      %swap3A_573 = vector.shape_cast %max3A_568 : vector<16xf32> to vector<1x16xf32>
      tpu.vector_store %arg11[%swap3A_569, %swap3A_570], %swap3A_573 {strides = array<i32>} : memref<112x128xf32, #tpu.memory_space<vmem>>, vector<1x16xf32>,
      %get3A_574 = arith.index_cast %scan3A_492 : i32 to index
      %get3A_575 = arith.constant 96 : index
      %get3A_576 = tpu.vector_load %arg11[%get3A_574, %get3A_575] {strides = array<i32>} : memref<112x128xf32, #tpu.memory_space<vmem>>, vector<1x16xf32>,
      %get3A_577 = vector.shape_cast %get3A_576 : vector<1x16xf32> to vector<16xf32>
      %get3A_578 = arith.index_cast %scan3A_492 : i32 to index
      %get3A_579 = arith.constant 96 : index
      %get3A_580 = tpu.vector_load %arg12[%get3A_578, %get3A_579] {strides = array<i32>} : memref<112x128xf32, #tpu.memory_space<vmem>>, vector<1x16xf32>,
      %get3A_581 = vector.shape_cast %get3A_580 : vector<1x16xf32> to vector<16xf32>
      %max3A_582 = arith.maximumf %get3A_577, %get3A_581 : vector<16xf32>
      %swap3A_583 = arith.index_cast %scan3A_492 : i32 to index
      %swap3A_584 = arith.constant 96 : index
      %swap3A_585 = tpu.vector_load %arg11[%swap3A_583, %swap3A_584] {strides = array<i32>} : memref<112x128xf32, #tpu.memory_space<vmem>>, vector<1x16xf32>,
      %swap3A_586 = vector.shape_cast %swap3A_585 : vector<1x16xf32> to vector<16xf32>
      %swap3A_587 = vector.shape_cast %max3A_582 : vector<16xf32> to vector<1x16xf32>
      tpu.vector_store %arg11[%swap3A_583, %swap3A_584], %swap3A_587 {strides = array<i32>} : memref<112x128xf32, #tpu.memory_space<vmem>>, vector<1x16xf32>,
      %get3A_588 = arith.index_cast %scan3A_492 : i32 to index
      %get3A_589 = arith.constant 112 : index
      %get3A_590 = tpu.vector_load %arg11[%get3A_588, %get3A_589] {strides = array<i32>} : memref<112x128xf32, #tpu.memory_space<vmem>>, vector<1x16xf32>,
      %get3A_591 = vector.shape_cast %get3A_590 : vector<1x16xf32> to vector<16xf32>
      %get3A_592 = arith.index_cast %scan3A_492 : i32 to index
      %get3A_593 = arith.constant 112 : index
      %get3A_594 = tpu.vector_load %arg12[%get3A_592, %get3A_593] {strides = array<i32>} : memref<112x128xf32, #tpu.memory_space<vmem>>, vector<1x16xf32>,
      %get3A_595 = vector.shape_cast %get3A_594 : vector<1x16xf32> to vector<16xf32>
      %max3A_596 = arith.maximumf %get3A_591, %get3A_595 : vector<16xf32>
      %swap3A_597 = arith.index_cast %scan3A_492 : i32 to index
      %swap3A_598 = arith.constant 112 : index
      %swap3A_599 = tpu.vector_load %arg11[%swap3A_597, %swap3A_598] {strides = array<i32>} : memref<112x128xf32, #tpu.memory_space<vmem>>, vector<1x16xf32>,
      %swap3A_600 = vector.shape_cast %swap3A_599 : vector<1x16xf32> to vector<16xf32>
      %swap3A_601 = vector.shape_cast %max3A_596 : vector<16xf32> to vector<1x16xf32>
      tpu.vector_store %arg11[%swap3A_597, %swap3A_598], %swap3A_601 {strides = array<i32>} : memref<112x128xf32, #tpu.memory_space<vmem>>, vector<1x16xf32>,
    }
    %scan3A_316 = arith.constant 112 : i32
    %add3A_317 = arith.constant 896 : i32
    %add3A_318 = arith.addi %mul3A_2, %add3A_317 : i32
    %dma_start3A_319 = arith.constant 0 : i32
    %dma_start3A_320 = tpu.memref_slice %arg6[%add3A_318, %dma_start3A_319] : memref<50176x128xf32, #tpu.memory_space<hbm>> -> memref<112x128xf32, #tpu.memory_space<hbm>>
    %dma_start3A_321 = arith.constant 0 : i32
    %dma_start3A_322 = tpu.memref_slice %arg6[%add3A_318, %dma_start3A_321] : memref<50176x128xf32, #tpu.memory_space<hbm>> -> memref<112x128xf32, #tpu.memory_space<hbm>>
    tpu.enqueue_dma source(%arg11 : memref<112x128xf32, #tpu.memory_space<vmem>>) target(%dma_start3A_322 : memref<112x128xf32, #tpu.memory_space<hbm>>) target_semaphore(%arg17 : memref<!tpu.dma_semaphore, #tpu.memory_space<semaphore_mem>>)
    %dma_wait3A_323 = arith.constant 0 : i32
    %dma_wait3A_324 = tpu.memref_slice %arg6[%add3A_318, %dma_wait3A_323] : memref<50176x128xf32, #tpu.memory_space<hbm>> -> memref<112x128xf32, #tpu.memory_space<hbm>>
    %dma_wait3A_325 = arith.constant 0 : i32
    %dma_wait3A_326 = tpu.memref_slice %arg6[%add3A_318, %dma_wait3A_325] : memref<50176x128xf32, #tpu.memory_space<hbm>> -> memref<112x128xf32, #tpu.memory_space<hbm>>
    tpu.wait_dma2 semaphore(%arg17 : memref<!tpu.dma_semaphore, #tpu.memory_space<semaphore_mem>>) src(%arg11 : memref<112x128xf32, #tpu.memory_space<vmem>>) dst(%dma_wait3A_326 : memref<112x128xf32, #tpu.memory_space<hbm>>)
    %dma_start3A_327 = arith.constant 1120 : i32
    %dma_start3A_328 = tpu.memref_slice %arg9[%dma_start3A_327] : memref<1568xi32, #tpu.memory_space<vmem>> -> memref<112xi32, #tpu.memory_space<vmem>>
    %dma_start3A_329 = arith.constant 0 : i32
    %dma_start3A_330 = arith.constant 0 : i32
    %dma_start3A_331 = tpu.memref_slice %arg7[%dma_start3A_329, %dma_start3A_330] : memref<512x128xf32, #tpu.memory_space<vmem_shared>> -> memref<512x128xf32, #tpu.memory_space<vmem_shared>>
    tpu.enqueue_indirect_dma source(%dma_start3A_331 : memref<512x128xf32, #tpu.memory_space<vmem_shared>>) target(%arg11 : memref<112x128xf32, #tpu.memory_space<vmem>>) offsets(%dma_start3A_328 : memref<112xi32, #tpu.memory_space<vmem>>) semaphore(%arg15 : memref<!tpu.dma_semaphore, #tpu.memory_space<semaphore_mem>>)
    %dma_start3A_332 = arith.constant 1120 : i32
    %dma_start3A_333 = tpu.memref_slice %arg10[%dma_start3A_332] : memref<1568xi32, #tpu.memory_space<vmem>> -> memref<112xi32, #tpu.memory_space<vmem>>
    %dma_start3A_334 = arith.constant 0 : i32
    %dma_start3A_335 = arith.constant 0 : i32
    %dma_start3A_336 = tpu.memref_slice %arg8[%dma_start3A_334, %dma_start3A_335] : memref<129x128xf32, #tpu.memory_space<vmem_shared>> -> memref<129x128xf32, #tpu.memory_space<vmem_shared>>
    tpu.enqueue_indirect_dma source(%dma_start3A_336 : memref<129x128xf32, #tpu.memory_space<vmem_shared>>) target(%arg12 : memref<112x128xf32, #tpu.memory_space<vmem>>) offsets(%dma_start3A_333 : memref<112xi32, #tpu.memory_space<vmem>>) semaphore(%arg15 : memref<!tpu.dma_semaphore, #tpu.memory_space<semaphore_mem>>)
    %dma_wait3A_337 = arith.constant 1008 : i32
    %dma_wait3A_338 = tpu.memref_slice %arg9[%dma_wait3A_337] : memref<1568xi32, #tpu.memory_space<vmem>> -> memref<112xi32, #tpu.memory_space<vmem>>
    %dma_wait3A_339 = arith.constant 0 : i32
    %dma_wait3A_340 = arith.constant 0 : i32
    %dma_wait3A_341 = tpu.memref_slice %arg7[%dma_wait3A_339, %dma_wait3A_340] : memref<512x128xf32, #tpu.memory_space<vmem_shared>> -> memref<512x128xf32, #tpu.memory_space<vmem_shared>>
    tpu.wait_indirect_dma semaphore(%arg16 : memref<!tpu.dma_semaphore, #tpu.memory_space<semaphore_mem>>) src(%dma_wait3A_341 : memref<512x128xf32, #tpu.memory_space<vmem_shared>>) dst(%arg13 : memref<112x128xf32, #tpu.memory_space<vmem>>)
    %dma_wait3A_342 = arith.constant 1008 : i32
    %dma_wait3A_343 = tpu.memref_slice %arg10[%dma_wait3A_342] : memref<1568xi32, #tpu.memory_space<vmem>> -> memref<112xi32, #tpu.memory_space<vmem>>
    %dma_wait3A_344 = arith.constant 0 : i32
    %dma_wait3A_345 = arith.constant 0 : i32
    %dma_wait3A_346 = tpu.memref_slice %arg8[%dma_wait3A_344, %dma_wait3A_345] : memref<129x128xf32, #tpu.memory_space<vmem_shared>> -> memref<129x128xf32, #tpu.memory_space<vmem_shared>>
    tpu.wait_indirect_dma semaphore(%arg16 : memref<!tpu.dma_semaphore, #tpu.memory_space<semaphore_mem>>) src(%dma_wait3A_346 : memref<129x128xf32, #tpu.memory_space<vmem_shared>>) dst(%arg14 : memref<112x128xf32, #tpu.memory_space<vmem>>)
    %scan3A_347 = arith.constant 0 : i32
    %scan3A_348 = arith.constant 112 : i32
    %scan3A_349 = arith.addi %scan3A_347, %scan3A_348 : i32
    %scan3A_350 = arith.constant 1 : i32
    scf.for %scan3A_492 = %scan3A_347 to %scan3A_349 step %scan3A_350  : i32 {
      %get3A = arith.index_cast %scan3A_492 : i32 to index
      %get3A_493 = arith.constant 0 : index
      %get3A_494 = tpu.vector_load %arg13[%get3A, %get3A_493] {strides = array<i32>} : memref<112x128xf32, #tpu.memory_space<vmem>>, vector<1x16xf32>,
      %get3A_495 = vector.shape_cast %get3A_494 : vector<1x16xf32> to vector<16xf32>
      %get3A_496 = arith.index_cast %scan3A_492 : i32 to index
      %get3A_497 = arith.constant 0 : index
      %get3A_498 = tpu.vector_load %arg14[%get3A_496, %get3A_497] {strides = array<i32>} : memref<112x128xf32, #tpu.memory_space<vmem>>, vector<1x16xf32>,
      %get3A_499 = vector.shape_cast %get3A_498 : vector<1x16xf32> to vector<16xf32>
      %max3A = arith.maximumf %get3A_495, %get3A_499 : vector<16xf32>
      %swap3A = arith.index_cast %scan3A_492 : i32 to index
      %swap3A_500 = arith.constant 0 : index
      %swap3A_501 = tpu.vector_load %arg13[%swap3A, %swap3A_500] {strides = array<i32>} : memref<112x128xf32, #tpu.memory_space<vmem>>, vector<1x16xf32>,
      %swap3A_502 = vector.shape_cast %swap3A_501 : vector<1x16xf32> to vector<16xf32>
      %swap3A_503 = vector.shape_cast %max3A : vector<16xf32> to vector<1x16xf32>
      tpu.vector_store %arg13[%swap3A, %swap3A_500], %swap3A_503 {strides = array<i32>} : memref<112x128xf32, #tpu.memory_space<vmem>>, vector<1x16xf32>,
      %get3A_504 = arith.index_cast %scan3A_492 : i32 to index
      %get3A_505 = arith.constant 16 : index
      %get3A_506 = tpu.vector_load %arg13[%get3A_504, %get3A_505] {strides = array<i32>} : memref<112x128xf32, #tpu.memory_space<vmem>>, vector<1x16xf32>,
      %get3A_507 = vector.shape_cast %get3A_506 : vector<1x16xf32> to vector<16xf32>
      %get3A_508 = arith.index_cast %scan3A_492 : i32 to index
      %get3A_509 = arith.constant 16 : index
      %get3A_510 = tpu.vector_load %arg14[%get3A_508, %get3A_509] {strides = array<i32>} : memref<112x128xf32, #tpu.memory_space<vmem>>, vector<1x16xf32>,
      %get3A_511 = vector.shape_cast %get3A_510 : vector<1x16xf32> to vector<16xf32>
      %max3A_512 = arith.maximumf %get3A_507, %get3A_511 : vector<16xf32>
      %swap3A_513 = arith.index_cast %scan3A_492 : i32 to index
      %swap3A_514 = arith.constant 16 : index
      %swap3A_515 = tpu.vector_load %arg13[%swap3A_513, %swap3A_514] {strides = array<i32>} : memref<112x128xf32, #tpu.memory_space<vmem>>, vector<1x16xf32>,
      %swap3A_516 = vector.shape_cast %swap3A_515 : vector<1x16xf32> to vector<16xf32>
      %swap3A_517 = vector.shape_cast %max3A_512 : vector<16xf32> to vector<1x16xf32>
      tpu.vector_store %arg13[%swap3A_513, %swap3A_514], %swap3A_517 {strides = array<i32>} : memref<112x128xf32, #tpu.memory_space<vmem>>, vector<1x16xf32>,
      %get3A_518 = arith.index_cast %scan3A_492 : i32 to index
      %get3A_519 = arith.constant 32 : index
      %get3A_520 = tpu.vector_load %arg13[%get3A_518, %get3A_519] {strides = array<i32>} : memref<112x128xf32, #tpu.memory_space<vmem>>, vector<1x16xf32>,
      %get3A_521 = vector.shape_cast %get3A_520 : vector<1x16xf32> to vector<16xf32>
      %get3A_522 = arith.index_cast %scan3A_492 : i32 to index
      %get3A_523 = arith.constant 32 : index
      %get3A_524 = tpu.vector_load %arg14[%get3A_522, %get3A_523] {strides = array<i32>} : memref<112x128xf32, #tpu.memory_space<vmem>>, vector<1x16xf32>,
      %get3A_525 = vector.shape_cast %get3A_524 : vector<1x16xf32> to vector<16xf32>
      %max3A_526 = arith.maximumf %get3A_521, %get3A_525 : vector<16xf32>
      %swap3A_527 = arith.index_cast %scan3A_492 : i32 to index
      %swap3A_528 = arith.constant 32 : index
      %swap3A_529 = tpu.vector_load %arg13[%swap3A_527, %swap3A_528] {strides = array<i32>} : memref<112x128xf32, #tpu.memory_space<vmem>>, vector<1x16xf32>,
      %swap3A_530 = vector.shape_cast %swap3A_529 : vector<1x16xf32> to vector<16xf32>
      %swap3A_531 = vector.shape_cast %max3A_526 : vector<16xf32> to vector<1x16xf32>
      tpu.vector_store %arg13[%swap3A_527, %swap3A_528], %swap3A_531 {strides = array<i32>} : memref<112x128xf32, #tpu.memory_space<vmem>>, vector<1x16xf32>,
      %get3A_532 = arith.index_cast %scan3A_492 : i32 to index
      %get3A_533 = arith.constant 48 : index
      %get3A_534 = tpu.vector_load %arg13[%get3A_532, %get3A_533] {strides = array<i32>} : memref<112x128xf32, #tpu.memory_space<vmem>>, vector<1x16xf32>,
      %get3A_535 = vector.shape_cast %get3A_534 : vector<1x16xf32> to vector<16xf32>
      %get3A_536 = arith.index_cast %scan3A_492 : i32 to index
      %get3A_537 = arith.constant 48 : index
      %get3A_538 = tpu.vector_load %arg14[%get3A_536, %get3A_537] {strides = array<i32>} : memref<112x128xf32, #tpu.memory_space<vmem>>, vector<1x16xf32>,
      %get3A_539 = vector.shape_cast %get3A_538 : vector<1x16xf32> to vector<16xf32>
      %max3A_540 = arith.maximumf %get3A_535, %get3A_539 : vector<16xf32>
      %swap3A_541 = arith.index_cast %scan3A_492 : i32 to index
      %swap3A_542 = arith.constant 48 : index
      %swap3A_543 = tpu.vector_load %arg13[%swap3A_541, %swap3A_542] {strides = array<i32>} : memref<112x128xf32, #tpu.memory_space<vmem>>, vector<1x16xf32>,
      %swap3A_544 = vector.shape_cast %swap3A_543 : vector<1x16xf32> to vector<16xf32>
      %swap3A_545 = vector.shape_cast %max3A_540 : vector<16xf32> to vector<1x16xf32>
      tpu.vector_store %arg13[%swap3A_541, %swap3A_542], %swap3A_545 {strides = array<i32>} : memref<112x128xf32, #tpu.memory_space<vmem>>, vector<1x16xf32>,
      %get3A_546 = arith.index_cast %scan3A_492 : i32 to index
      %get3A_547 = arith.constant 64 : index
      %get3A_548 = tpu.vector_load %arg13[%get3A_546, %get3A_547] {strides = array<i32>} : memref<112x128xf32, #tpu.memory_space<vmem>>, vector<1x16xf32>,
      %get3A_549 = vector.shape_cast %get3A_548 : vector<1x16xf32> to vector<16xf32>
      %get3A_550 = arith.index_cast %scan3A_492 : i32 to index
      %get3A_551 = arith.constant 64 : index
      %get3A_552 = tpu.vector_load %arg14[%get3A_550, %get3A_551] {strides = array<i32>} : memref<112x128xf32, #tpu.memory_space<vmem>>, vector<1x16xf32>,
      %get3A_553 = vector.shape_cast %get3A_552 : vector<1x16xf32> to vector<16xf32>
      %max3A_554 = arith.maximumf %get3A_549, %get3A_553 : vector<16xf32>
      %swap3A_555 = arith.index_cast %scan3A_492 : i32 to index
      %swap3A_556 = arith.constant 64 : index
      %swap3A_557 = tpu.vector_load %arg13[%swap3A_555, %swap3A_556] {strides = array<i32>} : memref<112x128xf32, #tpu.memory_space<vmem>>, vector<1x16xf32>,
      %swap3A_558 = vector.shape_cast %swap3A_557 : vector<1x16xf32> to vector<16xf32>
      %swap3A_559 = vector.shape_cast %max3A_554 : vector<16xf32> to vector<1x16xf32>
      tpu.vector_store %arg13[%swap3A_555, %swap3A_556], %swap3A_559 {strides = array<i32>} : memref<112x128xf32, #tpu.memory_space<vmem>>, vector<1x16xf32>,
      %get3A_560 = arith.index_cast %scan3A_492 : i32 to index
      %get3A_561 = arith.constant 80 : index
      %get3A_562 = tpu.vector_load %arg13[%get3A_560, %get3A_561] {strides = array<i32>} : memref<112x128xf32, #tpu.memory_space<vmem>>, vector<1x16xf32>,
      %get3A_563 = vector.shape_cast %get3A_562 : vector<1x16xf32> to vector<16xf32>
      %get3A_564 = arith.index_cast %scan3A_492 : i32 to index
      %get3A_565 = arith.constant 80 : index
      %get3A_566 = tpu.vector_load %arg14[%get3A_564, %get3A_565] {strides = array<i32>} : memref<112x128xf32, #tpu.memory_space<vmem>>, vector<1x16xf32>,
      %get3A_567 = vector.shape_cast %get3A_566 : vector<1x16xf32> to vector<16xf32>
      %max3A_568 = arith.maximumf %get3A_563, %get3A_567 : vector<16xf32>
      %swap3A_569 = arith.index_cast %scan3A_492 : i32 to index
      %swap3A_570 = arith.constant 80 : index
      %swap3A_571 = tpu.vector_load %arg13[%swap3A_569, %swap3A_570] {strides = array<i32>} : memref<112x128xf32, #tpu.memory_space<vmem>>, vector<1x16xf32>,
      %swap3A_572 = vector.shape_cast %swap3A_571 : vector<1x16xf32> to vector<16xf32>
      %swap3A_573 = vector.shape_cast %max3A_568 : vector<16xf32> to vector<1x16xf32>
      tpu.vector_store %arg13[%swap3A_569, %swap3A_570], %swap3A_573 {strides = array<i32>} : memref<112x128xf32, #tpu.memory_space<vmem>>, vector<1x16xf32>,
      %get3A_574 = arith.index_cast %scan3A_492 : i32 to index
      %get3A_575 = arith.constant 96 : index
      %get3A_576 = tpu.vector_load %arg13[%get3A_574, %get3A_575] {strides = array<i32>} : memref<112x128xf32, #tpu.memory_space<vmem>>, vector<1x16xf32>,
      %get3A_577 = vector.shape_cast %get3A_576 : vector<1x16xf32> to vector<16xf32>
      %get3A_578 = arith.index_cast %scan3A_492 : i32 to index
      %get3A_579 = arith.constant 96 : index
      %get3A_580 = tpu.vector_load %arg14[%get3A_578, %get3A_579] {strides = array<i32>} : memref<112x128xf32, #tpu.memory_space<vmem>>, vector<1x16xf32>,
      %get3A_581 = vector.shape_cast %get3A_580 : vector<1x16xf32> to vector<16xf32>
      %max3A_582 = arith.maximumf %get3A_577, %get3A_581 : vector<16xf32>
      %swap3A_583 = arith.index_cast %scan3A_492 : i32 to index
      %swap3A_584 = arith.constant 96 : index
      %swap3A_585 = tpu.vector_load %arg13[%swap3A_583, %swap3A_584] {strides = array<i32>} : memref<112x128xf32, #tpu.memory_space<vmem>>, vector<1x16xf32>,
      %swap3A_586 = vector.shape_cast %swap3A_585 : vector<1x16xf32> to vector<16xf32>
      %swap3A_587 = vector.shape_cast %max3A_582 : vector<16xf32> to vector<1x16xf32>
      tpu.vector_store %arg13[%swap3A_583, %swap3A_584], %swap3A_587 {strides = array<i32>} : memref<112x128xf32, #tpu.memory_space<vmem>>, vector<1x16xf32>,
      %get3A_588 = arith.index_cast %scan3A_492 : i32 to index
      %get3A_589 = arith.constant 112 : index
      %get3A_590 = tpu.vector_load %arg13[%get3A_588, %get3A_589] {strides = array<i32>} : memref<112x128xf32, #tpu.memory_space<vmem>>, vector<1x16xf32>,
      %get3A_591 = vector.shape_cast %get3A_590 : vector<1x16xf32> to vector<16xf32>
      %get3A_592 = arith.index_cast %scan3A_492 : i32 to index
      %get3A_593 = arith.constant 112 : index
      %get3A_594 = tpu.vector_load %arg14[%get3A_592, %get3A_593] {strides = array<i32>} : memref<112x128xf32, #tpu.memory_space<vmem>>, vector<1x16xf32>,
      %get3A_595 = vector.shape_cast %get3A_594 : vector<1x16xf32> to vector<16xf32>
      %max3A_596 = arith.maximumf %get3A_591, %get3A_595 : vector<16xf32>
      %swap3A_597 = arith.index_cast %scan3A_492 : i32 to index
      %swap3A_598 = arith.constant 112 : index
      %swap3A_599 = tpu.vector_load %arg13[%swap3A_597, %swap3A_598] {strides = array<i32>} : memref<112x128xf32, #tpu.memory_space<vmem>>, vector<1x16xf32>,
      %swap3A_600 = vector.shape_cast %swap3A_599 : vector<1x16xf32> to vector<16xf32>
      %swap3A_601 = vector.shape_cast %max3A_596 : vector<16xf32> to vector<1x16xf32>
      tpu.vector_store %arg13[%swap3A_597, %swap3A_598], %swap3A_601 {strides = array<i32>} : memref<112x128xf32, #tpu.memory_space<vmem>>, vector<1x16xf32>,
    }
    %scan3A_351 = arith.constant 112 : i32
    %add3A_352 = arith.constant 1008 : i32
    %add3A_353 = arith.addi %mul3A_2, %add3A_352 : i32
    %dma_start3A_354 = arith.constant 0 : i32
    %dma_start3A_355 = tpu.memref_slice %arg6[%add3A_353, %dma_start3A_354] : memref<50176x128xf32, #tpu.memory_space<hbm>> -> memref<112x128xf32, #tpu.memory_space<hbm>>
    %dma_start3A_356 = arith.constant 0 : i32
    %dma_start3A_357 = tpu.memref_slice %arg6[%add3A_353, %dma_start3A_356] : memref<50176x128xf32, #tpu.memory_space<hbm>> -> memref<112x128xf32, #tpu.memory_space<hbm>>
    tpu.enqueue_dma source(%arg13 : memref<112x128xf32, #tpu.memory_space<vmem>>) target(%dma_start3A_357 : memref<112x128xf32, #tpu.memory_space<hbm>>) target_semaphore(%arg17 : memref<!tpu.dma_semaphore, #tpu.memory_space<semaphore_mem>>)
    %dma_wait3A_358 = arith.constant 0 : i32
    %dma_wait3A_359 = tpu.memref_slice %arg6[%add3A_353, %dma_wait3A_358] : memref<50176x128xf32, #tpu.memory_space<hbm>> -> memref<112x128xf32, #tpu.memory_space<hbm>>
    %dma_wait3A_360 = arith.constant 0 : i32
    %dma_wait3A_361 = tpu.memref_slice %arg6[%add3A_353, %dma_wait3A_360] : memref<50176x128xf32, #tpu.memory_space<hbm>> -> memref<112x128xf32, #tpu.memory_space<hbm>>
    tpu.wait_dma2 semaphore(%arg17 : memref<!tpu.dma_semaphore, #tpu.memory_space<semaphore_mem>>) src(%arg13 : memref<112x128xf32, #tpu.memory_space<vmem>>) dst(%dma_wait3A_361 : memref<112x128xf32, #tpu.memory_space<hbm>>)
    %dma_start3A_362 = arith.constant 1232 : i32
    %dma_start3A_363 = tpu.memref_slice %arg9[%dma_start3A_362] : memref<1568xi32, #tpu.memory_space<vmem>> -> memref<112xi32, #tpu.memory_space<vmem>>
    %dma_start3A_364 = arith.constant 0 : i32
    %dma_start3A_365 = arith.constant 0 : i32
    %dma_start3A_366 = tpu.memref_slice %arg7[%dma_start3A_364, %dma_start3A_365] : memref<512x128xf32, #tpu.memory_space<vmem_shared>> -> memref<512x128xf32, #tpu.memory_space<vmem_shared>>
    tpu.enqueue_indirect_dma source(%dma_start3A_366 : memref<512x128xf32, #tpu.memory_space<vmem_shared>>) target(%arg13 : memref<112x128xf32, #tpu.memory_space<vmem>>) offsets(%dma_start3A_363 : memref<112xi32, #tpu.memory_space<vmem>>) semaphore(%arg16 : memref<!tpu.dma_semaphore, #tpu.memory_space<semaphore_mem>>)
    %dma_start3A_367 = arith.constant 1232 : i32
    %dma_start3A_368 = tpu.memref_slice %arg10[%dma_start3A_367] : memref<1568xi32, #tpu.memory_space<vmem>> -> memref<112xi32, #tpu.memory_space<vmem>>
    %dma_start3A_369 = arith.constant 0 : i32
    %dma_start3A_370 = arith.constant 0 : i32
    %dma_start3A_371 = tpu.memref_slice %arg8[%dma_start3A_369, %dma_start3A_370] : memref<129x128xf32, #tpu.memory_space<vmem_shared>> -> memref<129x128xf32, #tpu.memory_space<vmem_shared>>
    tpu.enqueue_indirect_dma source(%dma_start3A_371 : memref<129x128xf32, #tpu.memory_space<vmem_shared>>) target(%arg14 : memref<112x128xf32, #tpu.memory_space<vmem>>) offsets(%dma_start3A_368 : memref<112xi32, #tpu.memory_space<vmem>>) semaphore(%arg16 : memref<!tpu.dma_semaphore, #tpu.memory_space<semaphore_mem>>)
    %dma_wait3A_372 = arith.constant 1120 : i32
    %dma_wait3A_373 = tpu.memref_slice %arg9[%dma_wait3A_372] : memref<1568xi32, #tpu.memory_space<vmem>> -> memref<112xi32, #tpu.memory_space<vmem>>
    %dma_wait3A_374 = arith.constant 0 : i32
    %dma_wait3A_375 = arith.constant 0 : i32
    %dma_wait3A_376 = tpu.memref_slice %arg7[%dma_wait3A_374, %dma_wait3A_375] : memref<512x128xf32, #tpu.memory_space<vmem_shared>> -> memref<512x128xf32, #tpu.memory_space<vmem_shared>>
    tpu.wait_indirect_dma semaphore(%arg15 : memref<!tpu.dma_semaphore, #tpu.memory_space<semaphore_mem>>) src(%dma_wait3A_376 : memref<512x128xf32, #tpu.memory_space<vmem_shared>>) dst(%arg11 : memref<112x128xf32, #tpu.memory_space<vmem>>)
    %dma_wait3A_377 = arith.constant 1120 : i32
    %dma_wait3A_378 = tpu.memref_slice %arg10[%dma_wait3A_377] : memref<1568xi32, #tpu.memory_space<vmem>> -> memref<112xi32, #tpu.memory_space<vmem>>
    %dma_wait3A_379 = arith.constant 0 : i32
    %dma_wait3A_380 = arith.constant 0 : i32
    %dma_wait3A_381 = tpu.memref_slice %arg8[%dma_wait3A_379, %dma_wait3A_380] : memref<129x128xf32, #tpu.memory_space<vmem_shared>> -> memref<129x128xf32, #tpu.memory_space<vmem_shared>>
    tpu.wait_indirect_dma semaphore(%arg15 : memref<!tpu.dma_semaphore, #tpu.memory_space<semaphore_mem>>) src(%dma_wait3A_381 : memref<129x128xf32, #tpu.memory_space<vmem_shared>>) dst(%arg12 : memref<112x128xf32, #tpu.memory_space<vmem>>)
    %scan3A_382 = arith.constant 0 : i32
    %scan3A_383 = arith.constant 112 : i32
    %scan3A_384 = arith.addi %scan3A_382, %scan3A_383 : i32
    %scan3A_385 = arith.constant 1 : i32
    scf.for %scan3A_492 = %scan3A_382 to %scan3A_384 step %scan3A_385  : i32 {
      %get3A = arith.index_cast %scan3A_492 : i32 to index
      %get3A_493 = arith.constant 0 : index
      %get3A_494 = tpu.vector_load %arg11[%get3A, %get3A_493] {strides = array<i32>} : memref<112x128xf32, #tpu.memory_space<vmem>>, vector<1x16xf32>,
      %get3A_495 = vector.shape_cast %get3A_494 : vector<1x16xf32> to vector<16xf32>
      %get3A_496 = arith.index_cast %scan3A_492 : i32 to index
      %get3A_497 = arith.constant 0 : index
      %get3A_498 = tpu.vector_load %arg12[%get3A_496, %get3A_497] {strides = array<i32>} : memref<112x128xf32, #tpu.memory_space<vmem>>, vector<1x16xf32>,
      %get3A_499 = vector.shape_cast %get3A_498 : vector<1x16xf32> to vector<16xf32>
      %max3A = arith.maximumf %get3A_495, %get3A_499 : vector<16xf32>
      %swap3A = arith.index_cast %scan3A_492 : i32 to index
      %swap3A_500 = arith.constant 0 : index
      %swap3A_501 = tpu.vector_load %arg11[%swap3A, %swap3A_500] {strides = array<i32>} : memref<112x128xf32, #tpu.memory_space<vmem>>, vector<1x16xf32>,
      %swap3A_502 = vector.shape_cast %swap3A_501 : vector<1x16xf32> to vector<16xf32>
      %swap3A_503 = vector.shape_cast %max3A : vector<16xf32> to vector<1x16xf32>
      tpu.vector_store %arg11[%swap3A, %swap3A_500], %swap3A_503 {strides = array<i32>} : memref<112x128xf32, #tpu.memory_space<vmem>>, vector<1x16xf32>,
      %get3A_504 = arith.index_cast %scan3A_492 : i32 to index
      %get3A_505 = arith.constant 16 : index
      %get3A_506 = tpu.vector_load %arg11[%get3A_504, %get3A_505] {strides = array<i32>} : memref<112x128xf32, #tpu.memory_space<vmem>>, vector<1x16xf32>,
      %get3A_507 = vector.shape_cast %get3A_506 : vector<1x16xf32> to vector<16xf32>
      %get3A_508 = arith.index_cast %scan3A_492 : i32 to index
      %get3A_509 = arith.constant 16 : index
      %get3A_510 = tpu.vector_load %arg12[%get3A_508, %get3A_509] {strides = array<i32>} : memref<112x128xf32, #tpu.memory_space<vmem>>, vector<1x16xf32>,
      %get3A_511 = vector.shape_cast %get3A_510 : vector<1x16xf32> to vector<16xf32>
      %max3A_512 = arith.maximumf %get3A_507, %get3A_511 : vector<16xf32>
      %swap3A_513 = arith.index_cast %scan3A_492 : i32 to index
      %swap3A_514 = arith.constant 16 : index
      %swap3A_515 = tpu.vector_load %arg11[%swap3A_513, %swap3A_514] {strides = array<i32>} : memref<112x128xf32, #tpu.memory_space<vmem>>, vector<1x16xf32>,
      %swap3A_516 = vector.shape_cast %swap3A_515 : vector<1x16xf32> to vector<16xf32>
      %swap3A_517 = vector.shape_cast %max3A_512 : vector<16xf32> to vector<1x16xf32>
      tpu.vector_store %arg11[%swap3A_513, %swap3A_514], %swap3A_517 {strides = array<i32>} : memref<112x128xf32, #tpu.memory_space<vmem>>, vector<1x16xf32>,
      %get3A_518 = arith.index_cast %scan3A_492 : i32 to index
      %get3A_519 = arith.constant 32 : index
      %get3A_520 = tpu.vector_load %arg11[%get3A_518, %get3A_519] {strides = array<i32>} : memref<112x128xf32, #tpu.memory_space<vmem>>, vector<1x16xf32>,
      %get3A_521 = vector.shape_cast %get3A_520 : vector<1x16xf32> to vector<16xf32>
      %get3A_522 = arith.index_cast %scan3A_492 : i32 to index
      %get3A_523 = arith.constant 32 : index
      %get3A_524 = tpu.vector_load %arg12[%get3A_522, %get3A_523] {strides = array<i32>} : memref<112x128xf32, #tpu.memory_space<vmem>>, vector<1x16xf32>,
      %get3A_525 = vector.shape_cast %get3A_524 : vector<1x16xf32> to vector<16xf32>
      %max3A_526 = arith.maximumf %get3A_521, %get3A_525 : vector<16xf32>
      %swap3A_527 = arith.index_cast %scan3A_492 : i32 to index
      %swap3A_528 = arith.constant 32 : index
      %swap3A_529 = tpu.vector_load %arg11[%swap3A_527, %swap3A_528] {strides = array<i32>} : memref<112x128xf32, #tpu.memory_space<vmem>>, vector<1x16xf32>,
      %swap3A_530 = vector.shape_cast %swap3A_529 : vector<1x16xf32> to vector<16xf32>
      %swap3A_531 = vector.shape_cast %max3A_526 : vector<16xf32> to vector<1x16xf32>
      tpu.vector_store %arg11[%swap3A_527, %swap3A_528], %swap3A_531 {strides = array<i32>} : memref<112x128xf32, #tpu.memory_space<vmem>>, vector<1x16xf32>,
      %get3A_532 = arith.index_cast %scan3A_492 : i32 to index
      %get3A_533 = arith.constant 48 : index
      %get3A_534 = tpu.vector_load %arg11[%get3A_532, %get3A_533] {strides = array<i32>} : memref<112x128xf32, #tpu.memory_space<vmem>>, vector<1x16xf32>,
      %get3A_535 = vector.shape_cast %get3A_534 : vector<1x16xf32> to vector<16xf32>
      %get3A_536 = arith.index_cast %scan3A_492 : i32 to index
      %get3A_537 = arith.constant 48 : index
      %get3A_538 = tpu.vector_load %arg12[%get3A_536, %get3A_537] {strides = array<i32>} : memref<112x128xf32, #tpu.memory_space<vmem>>, vector<1x16xf32>,
      %get3A_539 = vector.shape_cast %get3A_538 : vector<1x16xf32> to vector<16xf32>
      %max3A_540 = arith.maximumf %get3A_535, %get3A_539 : vector<16xf32>
      %swap3A_541 = arith.index_cast %scan3A_492 : i32 to index
      %swap3A_542 = arith.constant 48 : index
      %swap3A_543 = tpu.vector_load %arg11[%swap3A_541, %swap3A_542] {strides = array<i32>} : memref<112x128xf32, #tpu.memory_space<vmem>>, vector<1x16xf32>,
      %swap3A_544 = vector.shape_cast %swap3A_543 : vector<1x16xf32> to vector<16xf32>
      %swap3A_545 = vector.shape_cast %max3A_540 : vector<16xf32> to vector<1x16xf32>
      tpu.vector_store %arg11[%swap3A_541, %swap3A_542], %swap3A_545 {strides = array<i32>} : memref<112x128xf32, #tpu.memory_space<vmem>>, vector<1x16xf32>,
      %get3A_546 = arith.index_cast %scan3A_492 : i32 to index
      %get3A_547 = arith.constant 64 : index
      %get3A_548 = tpu.vector_load %arg11[%get3A_546, %get3A_547] {strides = array<i32>} : memref<112x128xf32, #tpu.memory_space<vmem>>, vector<1x16xf32>,
      %get3A_549 = vector.shape_cast %get3A_548 : vector<1x16xf32> to vector<16xf32>
      %get3A_550 = arith.index_cast %scan3A_492 : i32 to index
      %get3A_551 = arith.constant 64 : index
      %get3A_552 = tpu.vector_load %arg12[%get3A_550, %get3A_551] {strides = array<i32>} : memref<112x128xf32, #tpu.memory_space<vmem>>, vector<1x16xf32>,
      %get3A_553 = vector.shape_cast %get3A_552 : vector<1x16xf32> to vector<16xf32>
      %max3A_554 = arith.maximumf %get3A_549, %get3A_553 : vector<16xf32>
      %swap3A_555 = arith.index_cast %scan3A_492 : i32 to index
      %swap3A_556 = arith.constant 64 : index
      %swap3A_557 = tpu.vector_load %arg11[%swap3A_555, %swap3A_556] {strides = array<i32>} : memref<112x128xf32, #tpu.memory_space<vmem>>, vector<1x16xf32>,
      %swap3A_558 = vector.shape_cast %swap3A_557 : vector<1x16xf32> to vector<16xf32>
      %swap3A_559 = vector.shape_cast %max3A_554 : vector<16xf32> to vector<1x16xf32>
      tpu.vector_store %arg11[%swap3A_555, %swap3A_556], %swap3A_559 {strides = array<i32>} : memref<112x128xf32, #tpu.memory_space<vmem>>, vector<1x16xf32>,
      %get3A_560 = arith.index_cast %scan3A_492 : i32 to index
      %get3A_561 = arith.constant 80 : index
      %get3A_562 = tpu.vector_load %arg11[%get3A_560, %get3A_561] {strides = array<i32>} : memref<112x128xf32, #tpu.memory_space<vmem>>, vector<1x16xf32>,
      %get3A_563 = vector.shape_cast %get3A_562 : vector<1x16xf32> to vector<16xf32>
      %get3A_564 = arith.index_cast %scan3A_492 : i32 to index
      %get3A_565 = arith.constant 80 : index
      %get3A_566 = tpu.vector_load %arg12[%get3A_564, %get3A_565] {strides = array<i32>} : memref<112x128xf32, #tpu.memory_space<vmem>>, vector<1x16xf32>,
      %get3A_567 = vector.shape_cast %get3A_566 : vector<1x16xf32> to vector<16xf32>
      %max3A_568 = arith.maximumf %get3A_563, %get3A_567 : vector<16xf32>
      %swap3A_569 = arith.index_cast %scan3A_492 : i32 to index
      %swap3A_570 = arith.constant 80 : index
      %swap3A_571 = tpu.vector_load %arg11[%swap3A_569, %swap3A_570] {strides = array<i32>} : memref<112x128xf32, #tpu.memory_space<vmem>>, vector<1x16xf32>,
      %swap3A_572 = vector.shape_cast %swap3A_571 : vector<1x16xf32> to vector<16xf32>
      %swap3A_573 = vector.shape_cast %max3A_568 : vector<16xf32> to vector<1x16xf32>
      tpu.vector_store %arg11[%swap3A_569, %swap3A_570], %swap3A_573 {strides = array<i32>} : memref<112x128xf32, #tpu.memory_space<vmem>>, vector<1x16xf32>,
      %get3A_574 = arith.index_cast %scan3A_492 : i32 to index
      %get3A_575 = arith.constant 96 : index
      %get3A_576 = tpu.vector_load %arg11[%get3A_574, %get3A_575] {strides = array<i32>} : memref<112x128xf32, #tpu.memory_space<vmem>>, vector<1x16xf32>,
      %get3A_577 = vector.shape_cast %get3A_576 : vector<1x16xf32> to vector<16xf32>
      %get3A_578 = arith.index_cast %scan3A_492 : i32 to index
      %get3A_579 = arith.constant 96 : index
      %get3A_580 = tpu.vector_load %arg12[%get3A_578, %get3A_579] {strides = array<i32>} : memref<112x128xf32, #tpu.memory_space<vmem>>, vector<1x16xf32>,
      %get3A_581 = vector.shape_cast %get3A_580 : vector<1x16xf32> to vector<16xf32>
      %max3A_582 = arith.maximumf %get3A_577, %get3A_581 : vector<16xf32>
      %swap3A_583 = arith.index_cast %scan3A_492 : i32 to index
      %swap3A_584 = arith.constant 96 : index
      %swap3A_585 = tpu.vector_load %arg11[%swap3A_583, %swap3A_584] {strides = array<i32>} : memref<112x128xf32, #tpu.memory_space<vmem>>, vector<1x16xf32>,
      %swap3A_586 = vector.shape_cast %swap3A_585 : vector<1x16xf32> to vector<16xf32>
      %swap3A_587 = vector.shape_cast %max3A_582 : vector<16xf32> to vector<1x16xf32>
      tpu.vector_store %arg11[%swap3A_583, %swap3A_584], %swap3A_587 {strides = array<i32>} : memref<112x128xf32, #tpu.memory_space<vmem>>, vector<1x16xf32>,
      %get3A_588 = arith.index_cast %scan3A_492 : i32 to index
      %get3A_589 = arith.constant 112 : index
      %get3A_590 = tpu.vector_load %arg11[%get3A_588, %get3A_589] {strides = array<i32>} : memref<112x128xf32, #tpu.memory_space<vmem>>, vector<1x16xf32>,
      %get3A_591 = vector.shape_cast %get3A_590 : vector<1x16xf32> to vector<16xf32>
      %get3A_592 = arith.index_cast %scan3A_492 : i32 to index
      %get3A_593 = arith.constant 112 : index
      %get3A_594 = tpu.vector_load %arg12[%get3A_592, %get3A_593] {strides = array<i32>} : memref<112x128xf32, #tpu.memory_space<vmem>>, vector<1x16xf32>,
      %get3A_595 = vector.shape_cast %get3A_594 : vector<1x16xf32> to vector<16xf32>
      %max3A_596 = arith.maximumf %get3A_591, %get3A_595 : vector<16xf32>
      %swap3A_597 = arith.index_cast %scan3A_492 : i32 to index
      %swap3A_598 = arith.constant 112 : index
      %swap3A_599 = tpu.vector_load %arg11[%swap3A_597, %swap3A_598] {strides = array<i32>} : memref<112x128xf32, #tpu.memory_space<vmem>>, vector<1x16xf32>,
      %swap3A_600 = vector.shape_cast %swap3A_599 : vector<1x16xf32> to vector<16xf32>
      %swap3A_601 = vector.shape_cast %max3A_596 : vector<16xf32> to vector<1x16xf32>
      tpu.vector_store %arg11[%swap3A_597, %swap3A_598], %swap3A_601 {strides = array<i32>} : memref<112x128xf32, #tpu.memory_space<vmem>>, vector<1x16xf32>,
    }
    %scan3A_386 = arith.constant 112 : i32
    %add3A_387 = arith.constant 1120 : i32
    %add3A_388 = arith.addi %mul3A_2, %add3A_387 : i32
    %dma_start3A_389 = arith.constant 0 : i32
    %dma_start3A_390 = tpu.memref_slice %arg6[%add3A_388, %dma_start3A_389] : memref<50176x128xf32, #tpu.memory_space<hbm>> -> memref<112x128xf32, #tpu.memory_space<hbm>>
    %dma_start3A_391 = arith.constant 0 : i32
    %dma_start3A_392 = tpu.memref_slice %arg6[%add3A_388, %dma_start3A_391] : memref<50176x128xf32, #tpu.memory_space<hbm>> -> memref<112x128xf32, #tpu.memory_space<hbm>>
    tpu.enqueue_dma source(%arg11 : memref<112x128xf32, #tpu.memory_space<vmem>>) target(%dma_start3A_392 : memref<112x128xf32, #tpu.memory_space<hbm>>) target_semaphore(%arg17 : memref<!tpu.dma_semaphore, #tpu.memory_space<semaphore_mem>>)
    %dma_wait3A_393 = arith.constant 0 : i32
    %dma_wait3A_394 = tpu.memref_slice %arg6[%add3A_388, %dma_wait3A_393] : memref<50176x128xf32, #tpu.memory_space<hbm>> -> memref<112x128xf32, #tpu.memory_space<hbm>>
    %dma_wait3A_395 = arith.constant 0 : i32
    %dma_wait3A_396 = tpu.memref_slice %arg6[%add3A_388, %dma_wait3A_395] : memref<50176x128xf32, #tpu.memory_space<hbm>> -> memref<112x128xf32, #tpu.memory_space<hbm>>
    tpu.wait_dma2 semaphore(%arg17 : memref<!tpu.dma_semaphore, #tpu.memory_space<semaphore_mem>>) src(%arg11 : memref<112x128xf32, #tpu.memory_space<vmem>>) dst(%dma_wait3A_396 : memref<112x128xf32, #tpu.memory_space<hbm>>)
    %dma_start3A_397 = arith.constant 1344 : i32
    %dma_start3A_398 = tpu.memref_slice %arg9[%dma_start3A_397] : memref<1568xi32, #tpu.memory_space<vmem>> -> memref<112xi32, #tpu.memory_space<vmem>>
    %dma_start3A_399 = arith.constant 0 : i32
    %dma_start3A_400 = arith.constant 0 : i32
    %dma_start3A_401 = tpu.memref_slice %arg7[%dma_start3A_399, %dma_start3A_400] : memref<512x128xf32, #tpu.memory_space<vmem_shared>> -> memref<512x128xf32, #tpu.memory_space<vmem_shared>>
    tpu.enqueue_indirect_dma source(%dma_start3A_401 : memref<512x128xf32, #tpu.memory_space<vmem_shared>>) target(%arg11 : memref<112x128xf32, #tpu.memory_space<vmem>>) offsets(%dma_start3A_398 : memref<112xi32, #tpu.memory_space<vmem>>) semaphore(%arg15 : memref<!tpu.dma_semaphore, #tpu.memory_space<semaphore_mem>>)
    %dma_start3A_402 = arith.constant 1344 : i32
    %dma_start3A_403 = tpu.memref_slice %arg10[%dma_start3A_402] : memref<1568xi32, #tpu.memory_space<vmem>> -> memref<112xi32, #tpu.memory_space<vmem>>
    %dma_start3A_404 = arith.constant 0 : i32
    %dma_start3A_405 = arith.constant 0 : i32
    %dma_start3A_406 = tpu.memref_slice %arg8[%dma_start3A_404, %dma_start3A_405] : memref<129x128xf32, #tpu.memory_space<vmem_shared>> -> memref<129x128xf32, #tpu.memory_space<vmem_shared>>
    tpu.enqueue_indirect_dma source(%dma_start3A_406 : memref<129x128xf32, #tpu.memory_space<vmem_shared>>) target(%arg12 : memref<112x128xf32, #tpu.memory_space<vmem>>) offsets(%dma_start3A_403 : memref<112xi32, #tpu.memory_space<vmem>>) semaphore(%arg15 : memref<!tpu.dma_semaphore, #tpu.memory_space<semaphore_mem>>)
    %dma_wait3A_407 = arith.constant 1232 : i32
    %dma_wait3A_408 = tpu.memref_slice %arg9[%dma_wait3A_407] : memref<1568xi32, #tpu.memory_space<vmem>> -> memref<112xi32, #tpu.memory_space<vmem>>
    %dma_wait3A_409 = arith.constant 0 : i32
    %dma_wait3A_410 = arith.constant 0 : i32
    %dma_wait3A_411 = tpu.memref_slice %arg7[%dma_wait3A_409, %dma_wait3A_410] : memref<512x128xf32, #tpu.memory_space<vmem_shared>> -> memref<512x128xf32, #tpu.memory_space<vmem_shared>>
    tpu.wait_indirect_dma semaphore(%arg16 : memref<!tpu.dma_semaphore, #tpu.memory_space<semaphore_mem>>) src(%dma_wait3A_411 : memref<512x128xf32, #tpu.memory_space<vmem_shared>>) dst(%arg13 : memref<112x128xf32, #tpu.memory_space<vmem>>)
    %dma_wait3A_412 = arith.constant 1232 : i32
    %dma_wait3A_413 = tpu.memref_slice %arg10[%dma_wait3A_412] : memref<1568xi32, #tpu.memory_space<vmem>> -> memref<112xi32, #tpu.memory_space<vmem>>
    %dma_wait3A_414 = arith.constant 0 : i32
    %dma_wait3A_415 = arith.constant 0 : i32
    %dma_wait3A_416 = tpu.memref_slice %arg8[%dma_wait3A_414, %dma_wait3A_415] : memref<129x128xf32, #tpu.memory_space<vmem_shared>> -> memref<129x128xf32, #tpu.memory_space<vmem_shared>>
    tpu.wait_indirect_dma semaphore(%arg16 : memref<!tpu.dma_semaphore, #tpu.memory_space<semaphore_mem>>) src(%dma_wait3A_416 : memref<129x128xf32, #tpu.memory_space<vmem_shared>>) dst(%arg14 : memref<112x128xf32, #tpu.memory_space<vmem>>)
    %scan3A_417 = arith.constant 0 : i32
    %scan3A_418 = arith.constant 112 : i32
    %scan3A_419 = arith.addi %scan3A_417, %scan3A_418 : i32
    %scan3A_420 = arith.constant 1 : i32
    scf.for %scan3A_492 = %scan3A_417 to %scan3A_419 step %scan3A_420  : i32 {
      %get3A = arith.index_cast %scan3A_492 : i32 to index
      %get3A_493 = arith.constant 0 : index
      %get3A_494 = tpu.vector_load %arg13[%get3A, %get3A_493] {strides = array<i32>} : memref<112x128xf32, #tpu.memory_space<vmem>>, vector<1x16xf32>,
      %get3A_495 = vector.shape_cast %get3A_494 : vector<1x16xf32> to vector<16xf32>
      %get3A_496 = arith.index_cast %scan3A_492 : i32 to index
      %get3A_497 = arith.constant 0 : index
      %get3A_498 = tpu.vector_load %arg14[%get3A_496, %get3A_497] {strides = array<i32>} : memref<112x128xf32, #tpu.memory_space<vmem>>, vector<1x16xf32>,
      %get3A_499 = vector.shape_cast %get3A_498 : vector<1x16xf32> to vector<16xf32>
      %max3A = arith.maximumf %get3A_495, %get3A_499 : vector<16xf32>
      %swap3A = arith.index_cast %scan3A_492 : i32 to index
      %swap3A_500 = arith.constant 0 : index
      %swap3A_501 = tpu.vector_load %arg13[%swap3A, %swap3A_500] {strides = array<i32>} : memref<112x128xf32, #tpu.memory_space<vmem>>, vector<1x16xf32>,
      %swap3A_502 = vector.shape_cast %swap3A_501 : vector<1x16xf32> to vector<16xf32>
      %swap3A_503 = vector.shape_cast %max3A : vector<16xf32> to vector<1x16xf32>
      tpu.vector_store %arg13[%swap3A, %swap3A_500], %swap3A_503 {strides = array<i32>} : memref<112x128xf32, #tpu.memory_space<vmem>>, vector<1x16xf32>,
      %get3A_504 = arith.index_cast %scan3A_492 : i32 to index
      %get3A_505 = arith.constant 16 : index
      %get3A_506 = tpu.vector_load %arg13[%get3A_504, %get3A_505] {strides = array<i32>} : memref<112x128xf32, #tpu.memory_space<vmem>>, vector<1x16xf32>,
      %get3A_507 = vector.shape_cast %get3A_506 : vector<1x16xf32> to vector<16xf32>
      %get3A_508 = arith.index_cast %scan3A_492 : i32 to index
      %get3A_509 = arith.constant 16 : index
      %get3A_510 = tpu.vector_load %arg14[%get3A_508, %get3A_509] {strides = array<i32>} : memref<112x128xf32, #tpu.memory_space<vmem>>, vector<1x16xf32>,
      %get3A_511 = vector.shape_cast %get3A_510 : vector<1x16xf32> to vector<16xf32>
      %max3A_512 = arith.maximumf %get3A_507, %get3A_511 : vector<16xf32>
      %swap3A_513 = arith.index_cast %scan3A_492 : i32 to index
      %swap3A_514 = arith.constant 16 : index
      %swap3A_515 = tpu.vector_load %arg13[%swap3A_513, %swap3A_514] {strides = array<i32>} : memref<112x128xf32, #tpu.memory_space<vmem>>, vector<1x16xf32>,
      %swap3A_516 = vector.shape_cast %swap3A_515 : vector<1x16xf32> to vector<16xf32>
      %swap3A_517 = vector.shape_cast %max3A_512 : vector<16xf32> to vector<1x16xf32>
      tpu.vector_store %arg13[%swap3A_513, %swap3A_514], %swap3A_517 {strides = array<i32>} : memref<112x128xf32, #tpu.memory_space<vmem>>, vector<1x16xf32>,
      %get3A_518 = arith.index_cast %scan3A_492 : i32 to index
      %get3A_519 = arith.constant 32 : index
      %get3A_520 = tpu.vector_load %arg13[%get3A_518, %get3A_519] {strides = array<i32>} : memref<112x128xf32, #tpu.memory_space<vmem>>, vector<1x16xf32>,
      %get3A_521 = vector.shape_cast %get3A_520 : vector<1x16xf32> to vector<16xf32>
      %get3A_522 = arith.index_cast %scan3A_492 : i32 to index
      %get3A_523 = arith.constant 32 : index
      %get3A_524 = tpu.vector_load %arg14[%get3A_522, %get3A_523] {strides = array<i32>} : memref<112x128xf32, #tpu.memory_space<vmem>>, vector<1x16xf32>,
      %get3A_525 = vector.shape_cast %get3A_524 : vector<1x16xf32> to vector<16xf32>
      %max3A_526 = arith.maximumf %get3A_521, %get3A_525 : vector<16xf32>
      %swap3A_527 = arith.index_cast %scan3A_492 : i32 to index
      %swap3A_528 = arith.constant 32 : index
      %swap3A_529 = tpu.vector_load %arg13[%swap3A_527, %swap3A_528] {strides = array<i32>} : memref<112x128xf32, #tpu.memory_space<vmem>>, vector<1x16xf32>,
      %swap3A_530 = vector.shape_cast %swap3A_529 : vector<1x16xf32> to vector<16xf32>
      %swap3A_531 = vector.shape_cast %max3A_526 : vector<16xf32> to vector<1x16xf32>
      tpu.vector_store %arg13[%swap3A_527, %swap3A_528], %swap3A_531 {strides = array<i32>} : memref<112x128xf32, #tpu.memory_space<vmem>>, vector<1x16xf32>,
      %get3A_532 = arith.index_cast %scan3A_492 : i32 to index
      %get3A_533 = arith.constant 48 : index
      %get3A_534 = tpu.vector_load %arg13[%get3A_532, %get3A_533] {strides = array<i32>} : memref<112x128xf32, #tpu.memory_space<vmem>>, vector<1x16xf32>,
      %get3A_535 = vector.shape_cast %get3A_534 : vector<1x16xf32> to vector<16xf32>
      %get3A_536 = arith.index_cast %scan3A_492 : i32 to index
      %get3A_537 = arith.constant 48 : index
      %get3A_538 = tpu.vector_load %arg14[%get3A_536, %get3A_537] {strides = array<i32>} : memref<112x128xf32, #tpu.memory_space<vmem>>, vector<1x16xf32>,
      %get3A_539 = vector.shape_cast %get3A_538 : vector<1x16xf32> to vector<16xf32>
      %max3A_540 = arith.maximumf %get3A_535, %get3A_539 : vector<16xf32>
      %swap3A_541 = arith.index_cast %scan3A_492 : i32 to index
      %swap3A_542 = arith.constant 48 : index
      %swap3A_543 = tpu.vector_load %arg13[%swap3A_541, %swap3A_542] {strides = array<i32>} : memref<112x128xf32, #tpu.memory_space<vmem>>, vector<1x16xf32>,
      %swap3A_544 = vector.shape_cast %swap3A_543 : vector<1x16xf32> to vector<16xf32>
      %swap3A_545 = vector.shape_cast %max3A_540 : vector<16xf32> to vector<1x16xf32>
      tpu.vector_store %arg13[%swap3A_541, %swap3A_542], %swap3A_545 {strides = array<i32>} : memref<112x128xf32, #tpu.memory_space<vmem>>, vector<1x16xf32>,
      %get3A_546 = arith.index_cast %scan3A_492 : i32 to index
      %get3A_547 = arith.constant 64 : index
      %get3A_548 = tpu.vector_load %arg13[%get3A_546, %get3A_547] {strides = array<i32>} : memref<112x128xf32, #tpu.memory_space<vmem>>, vector<1x16xf32>,
      %get3A_549 = vector.shape_cast %get3A_548 : vector<1x16xf32> to vector<16xf32>
      %get3A_550 = arith.index_cast %scan3A_492 : i32 to index
      %get3A_551 = arith.constant 64 : index
      %get3A_552 = tpu.vector_load %arg14[%get3A_550, %get3A_551] {strides = array<i32>} : memref<112x128xf32, #tpu.memory_space<vmem>>, vector<1x16xf32>,
      %get3A_553 = vector.shape_cast %get3A_552 : vector<1x16xf32> to vector<16xf32>
      %max3A_554 = arith.maximumf %get3A_549, %get3A_553 : vector<16xf32>
      %swap3A_555 = arith.index_cast %scan3A_492 : i32 to index
      %swap3A_556 = arith.constant 64 : index
      %swap3A_557 = tpu.vector_load %arg13[%swap3A_555, %swap3A_556] {strides = array<i32>} : memref<112x128xf32, #tpu.memory_space<vmem>>, vector<1x16xf32>,
      %swap3A_558 = vector.shape_cast %swap3A_557 : vector<1x16xf32> to vector<16xf32>
      %swap3A_559 = vector.shape_cast %max3A_554 : vector<16xf32> to vector<1x16xf32>
      tpu.vector_store %arg13[%swap3A_555, %swap3A_556], %swap3A_559 {strides = array<i32>} : memref<112x128xf32, #tpu.memory_space<vmem>>, vector<1x16xf32>,
      %get3A_560 = arith.index_cast %scan3A_492 : i32 to index
      %get3A_561 = arith.constant 80 : index
      %get3A_562 = tpu.vector_load %arg13[%get3A_560, %get3A_561] {strides = array<i32>} : memref<112x128xf32, #tpu.memory_space<vmem>>, vector<1x16xf32>,
      %get3A_563 = vector.shape_cast %get3A_562 : vector<1x16xf32> to vector<16xf32>
      %get3A_564 = arith.index_cast %scan3A_492 : i32 to index
      %get3A_565 = arith.constant 80 : index
      %get3A_566 = tpu.vector_load %arg14[%get3A_564, %get3A_565] {strides = array<i32>} : memref<112x128xf32, #tpu.memory_space<vmem>>, vector<1x16xf32>,
      %get3A_567 = vector.shape_cast %get3A_566 : vector<1x16xf32> to vector<16xf32>
      %max3A_568 = arith.maximumf %get3A_563, %get3A_567 : vector<16xf32>
      %swap3A_569 = arith.index_cast %scan3A_492 : i32 to index
      %swap3A_570 = arith.constant 80 : index
      %swap3A_571 = tpu.vector_load %arg13[%swap3A_569, %swap3A_570] {strides = array<i32>} : memref<112x128xf32, #tpu.memory_space<vmem>>, vector<1x16xf32>,
      %swap3A_572 = vector.shape_cast %swap3A_571 : vector<1x16xf32> to vector<16xf32>
      %swap3A_573 = vector.shape_cast %max3A_568 : vector<16xf32> to vector<1x16xf32>
      tpu.vector_store %arg13[%swap3A_569, %swap3A_570], %swap3A_573 {strides = array<i32>} : memref<112x128xf32, #tpu.memory_space<vmem>>, vector<1x16xf32>,
      %get3A_574 = arith.index_cast %scan3A_492 : i32 to index
      %get3A_575 = arith.constant 96 : index
      %get3A_576 = tpu.vector_load %arg13[%get3A_574, %get3A_575] {strides = array<i32>} : memref<112x128xf32, #tpu.memory_space<vmem>>, vector<1x16xf32>,
      %get3A_577 = vector.shape_cast %get3A_576 : vector<1x16xf32> to vector<16xf32>
      %get3A_578 = arith.index_cast %scan3A_492 : i32 to index
      %get3A_579 = arith.constant 96 : index
      %get3A_580 = tpu.vector_load %arg14[%get3A_578, %get3A_579] {strides = array<i32>} : memref<112x128xf32, #tpu.memory_space<vmem>>, vector<1x16xf32>,
      %get3A_581 = vector.shape_cast %get3A_580 : vector<1x16xf32> to vector<16xf32>
      %max3A_582 = arith.maximumf %get3A_577, %get3A_581 : vector<16xf32>
      %swap3A_583 = arith.index_cast %scan3A_492 : i32 to index
      %swap3A_584 = arith.constant 96 : index
      %swap3A_585 = tpu.vector_load %arg13[%swap3A_583, %swap3A_584] {strides = array<i32>} : memref<112x128xf32, #tpu.memory_space<vmem>>, vector<1x16xf32>,
      %swap3A_586 = vector.shape_cast %swap3A_585 : vector<1x16xf32> to vector<16xf32>
      %swap3A_587 = vector.shape_cast %max3A_582 : vector<16xf32> to vector<1x16xf32>
      tpu.vector_store %arg13[%swap3A_583, %swap3A_584], %swap3A_587 {strides = array<i32>} : memref<112x128xf32, #tpu.memory_space<vmem>>, vector<1x16xf32>,
      %get3A_588 = arith.index_cast %scan3A_492 : i32 to index
      %get3A_589 = arith.constant 112 : index
      %get3A_590 = tpu.vector_load %arg13[%get3A_588, %get3A_589] {strides = array<i32>} : memref<112x128xf32, #tpu.memory_space<vmem>>, vector<1x16xf32>,
      %get3A_591 = vector.shape_cast %get3A_590 : vector<1x16xf32> to vector<16xf32>
      %get3A_592 = arith.index_cast %scan3A_492 : i32 to index
      %get3A_593 = arith.constant 112 : index
      %get3A_594 = tpu.vector_load %arg14[%get3A_592, %get3A_593] {strides = array<i32>} : memref<112x128xf32, #tpu.memory_space<vmem>>, vector<1x16xf32>,
      %get3A_595 = vector.shape_cast %get3A_594 : vector<1x16xf32> to vector<16xf32>
      %max3A_596 = arith.maximumf %get3A_591, %get3A_595 : vector<16xf32>
      %swap3A_597 = arith.index_cast %scan3A_492 : i32 to index
      %swap3A_598 = arith.constant 112 : index
      %swap3A_599 = tpu.vector_load %arg13[%swap3A_597, %swap3A_598] {strides = array<i32>} : memref<112x128xf32, #tpu.memory_space<vmem>>, vector<1x16xf32>,
      %swap3A_600 = vector.shape_cast %swap3A_599 : vector<1x16xf32> to vector<16xf32>
      %swap3A_601 = vector.shape_cast %max3A_596 : vector<16xf32> to vector<1x16xf32>
      tpu.vector_store %arg13[%swap3A_597, %swap3A_598], %swap3A_601 {strides = array<i32>} : memref<112x128xf32, #tpu.memory_space<vmem>>, vector<1x16xf32>,
    }
    %scan3A_421 = arith.constant 112 : i32
    %add3A_422 = arith.constant 1232 : i32
    %add3A_423 = arith.addi %mul3A_2, %add3A_422 : i32
    %dma_start3A_424 = arith.constant 0 : i32
    %dma_start3A_425 = tpu.memref_slice %arg6[%add3A_423, %dma_start3A_424] : memref<50176x128xf32, #tpu.memory_space<hbm>> -> memref<112x128xf32, #tpu.memory_space<hbm>>
    %dma_start3A_426 = arith.constant 0 : i32
    %dma_start3A_427 = tpu.memref_slice %arg6[%add3A_423, %dma_start3A_426] : memref<50176x128xf32, #tpu.memory_space<hbm>> -> memref<112x128xf32, #tpu.memory_space<hbm>>
    tpu.enqueue_dma source(%arg13 : memref<112x128xf32, #tpu.memory_space<vmem>>) target(%dma_start3A_427 : memref<112x128xf32, #tpu.memory_space<hbm>>) target_semaphore(%arg17 : memref<!tpu.dma_semaphore, #tpu.memory_space<semaphore_mem>>)
    %dma_wait3A_428 = arith.constant 0 : i32
    %dma_wait3A_429 = tpu.memref_slice %arg6[%add3A_423, %dma_wait3A_428] : memref<50176x128xf32, #tpu.memory_space<hbm>> -> memref<112x128xf32, #tpu.memory_space<hbm>>
    %dma_wait3A_430 = arith.constant 0 : i32
    %dma_wait3A_431 = tpu.memref_slice %arg6[%add3A_423, %dma_wait3A_430] : memref<50176x128xf32, #tpu.memory_space<hbm>> -> memref<112x128xf32, #tpu.memory_space<hbm>>
    tpu.wait_dma2 semaphore(%arg17 : memref<!tpu.dma_semaphore, #tpu.memory_space<semaphore_mem>>) src(%arg13 : memref<112x128xf32, #tpu.memory_space<vmem>>) dst(%dma_wait3A_431 : memref<112x128xf32, #tpu.memory_space<hbm>>)
    %dma_start3A_432 = arith.constant 1456 : i32
    %dma_start3A_433 = tpu.memref_slice %arg9[%dma_start3A_432] : memref<1568xi32, #tpu.memory_space<vmem>> -> memref<112xi32, #tpu.memory_space<vmem>>
    %dma_start3A_434 = arith.constant 0 : i32
    %dma_start3A_435 = arith.constant 0 : i32
    %dma_start3A_436 = tpu.memref_slice %arg7[%dma_start3A_434, %dma_start3A_435] : memref<512x128xf32, #tpu.memory_space<vmem_shared>> -> memref<512x128xf32, #tpu.memory_space<vmem_shared>>
    tpu.enqueue_indirect_dma source(%dma_start3A_436 : memref<512x128xf32, #tpu.memory_space<vmem_shared>>) target(%arg13 : memref<112x128xf32, #tpu.memory_space<vmem>>) offsets(%dma_start3A_433 : memref<112xi32, #tpu.memory_space<vmem>>) semaphore(%arg16 : memref<!tpu.dma_semaphore, #tpu.memory_space<semaphore_mem>>)
    %dma_start3A_437 = arith.constant 1456 : i32
    %dma_start3A_438 = tpu.memref_slice %arg10[%dma_start3A_437] : memref<1568xi32, #tpu.memory_space<vmem>> -> memref<112xi32, #tpu.memory_space<vmem>>
    %dma_start3A_439 = arith.constant 0 : i32
    %dma_start3A_440 = arith.constant 0 : i32
    %dma_start3A_441 = tpu.memref_slice %arg8[%dma_start3A_439, %dma_start3A_440] : memref<129x128xf32, #tpu.memory_space<vmem_shared>> -> memref<129x128xf32, #tpu.memory_space<vmem_shared>>
    tpu.enqueue_indirect_dma source(%dma_start3A_441 : memref<129x128xf32, #tpu.memory_space<vmem_shared>>) target(%arg14 : memref<112x128xf32, #tpu.memory_space<vmem>>) offsets(%dma_start3A_438 : memref<112xi32, #tpu.memory_space<vmem>>) semaphore(%arg16 : memref<!tpu.dma_semaphore, #tpu.memory_space<semaphore_mem>>)
    %dma_wait3A_442 = arith.constant 1344 : i32
    %dma_wait3A_443 = tpu.memref_slice %arg9[%dma_wait3A_442] : memref<1568xi32, #tpu.memory_space<vmem>> -> memref<112xi32, #tpu.memory_space<vmem>>
    %dma_wait3A_444 = arith.constant 0 : i32
    %dma_wait3A_445 = arith.constant 0 : i32
    %dma_wait3A_446 = tpu.memref_slice %arg7[%dma_wait3A_444, %dma_wait3A_445] : memref<512x128xf32, #tpu.memory_space<vmem_shared>> -> memref<512x128xf32, #tpu.memory_space<vmem_shared>>
    tpu.wait_indirect_dma semaphore(%arg15 : memref<!tpu.dma_semaphore, #tpu.memory_space<semaphore_mem>>) src(%dma_wait3A_446 : memref<512x128xf32, #tpu.memory_space<vmem_shared>>) dst(%arg11 : memref<112x128xf32, #tpu.memory_space<vmem>>)
    %dma_wait3A_447 = arith.constant 1344 : i32
    %dma_wait3A_448 = tpu.memref_slice %arg10[%dma_wait3A_447] : memref<1568xi32, #tpu.memory_space<vmem>> -> memref<112xi32, #tpu.memory_space<vmem>>
    %dma_wait3A_449 = arith.constant 0 : i32
    %dma_wait3A_450 = arith.constant 0 : i32
    %dma_wait3A_451 = tpu.memref_slice %arg8[%dma_wait3A_449, %dma_wait3A_450] : memref<129x128xf32, #tpu.memory_space<vmem_shared>> -> memref<129x128xf32, #tpu.memory_space<vmem_shared>>
    tpu.wait_indirect_dma semaphore(%arg15 : memref<!tpu.dma_semaphore, #tpu.memory_space<semaphore_mem>>) src(%dma_wait3A_451 : memref<129x128xf32, #tpu.memory_space<vmem_shared>>) dst(%arg12 : memref<112x128xf32, #tpu.memory_space<vmem>>)
    %scan3A_452 = arith.constant 0 : i32
    %scan3A_453 = arith.constant 112 : i32
    %scan3A_454 = arith.addi %scan3A_452, %scan3A_453 : i32
    %scan3A_455 = arith.constant 1 : i32
    scf.for %scan3A_492 = %scan3A_452 to %scan3A_454 step %scan3A_455  : i32 {
      %get3A = arith.index_cast %scan3A_492 : i32 to index
      %get3A_493 = arith.constant 0 : index
      %get3A_494 = tpu.vector_load %arg11[%get3A, %get3A_493] {strides = array<i32>} : memref<112x128xf32, #tpu.memory_space<vmem>>, vector<1x16xf32>,
      %get3A_495 = vector.shape_cast %get3A_494 : vector<1x16xf32> to vector<16xf32>
      %get3A_496 = arith.index_cast %scan3A_492 : i32 to index
      %get3A_497 = arith.constant 0 : index
      %get3A_498 = tpu.vector_load %arg12[%get3A_496, %get3A_497] {strides = array<i32>} : memref<112x128xf32, #tpu.memory_space<vmem>>, vector<1x16xf32>,
      %get3A_499 = vector.shape_cast %get3A_498 : vector<1x16xf32> to vector<16xf32>
      %max3A = arith.maximumf %get3A_495, %get3A_499 : vector<16xf32>
      %swap3A = arith.index_cast %scan3A_492 : i32 to index
      %swap3A_500 = arith.constant 0 : index
      %swap3A_501 = tpu.vector_load %arg11[%swap3A, %swap3A_500] {strides = array<i32>} : memref<112x128xf32, #tpu.memory_space<vmem>>, vector<1x16xf32>,
      %swap3A_502 = vector.shape_cast %swap3A_501 : vector<1x16xf32> to vector<16xf32>
      %swap3A_503 = vector.shape_cast %max3A : vector<16xf32> to vector<1x16xf32>
      tpu.vector_store %arg11[%swap3A, %swap3A_500], %swap3A_503 {strides = array<i32>} : memref<112x128xf32, #tpu.memory_space<vmem>>, vector<1x16xf32>,
      %get3A_504 = arith.index_cast %scan3A_492 : i32 to index
      %get3A_505 = arith.constant 16 : index
      %get3A_506 = tpu.vector_load %arg11[%get3A_504, %get3A_505] {strides = array<i32>} : memref<112x128xf32, #tpu.memory_space<vmem>>, vector<1x16xf32>,
      %get3A_507 = vector.shape_cast %get3A_506 : vector<1x16xf32> to vector<16xf32>
      %get3A_508 = arith.index_cast %scan3A_492 : i32 to index
      %get3A_509 = arith.constant 16 : index
      %get3A_510 = tpu.vector_load %arg12[%get3A_508, %get3A_509] {strides = array<i32>} : memref<112x128xf32, #tpu.memory_space<vmem>>, vector<1x16xf32>,
      %get3A_511 = vector.shape_cast %get3A_510 : vector<1x16xf32> to vector<16xf32>
      %max3A_512 = arith.maximumf %get3A_507, %get3A_511 : vector<16xf32>
      %swap3A_513 = arith.index_cast %scan3A_492 : i32 to index
      %swap3A_514 = arith.constant 16 : index
      %swap3A_515 = tpu.vector_load %arg11[%swap3A_513, %swap3A_514] {strides = array<i32>} : memref<112x128xf32, #tpu.memory_space<vmem>>, vector<1x16xf32>,
      %swap3A_516 = vector.shape_cast %swap3A_515 : vector<1x16xf32> to vector<16xf32>
      %swap3A_517 = vector.shape_cast %max3A_512 : vector<16xf32> to vector<1x16xf32>
      tpu.vector_store %arg11[%swap3A_513, %swap3A_514], %swap3A_517 {strides = array<i32>} : memref<112x128xf32, #tpu.memory_space<vmem>>, vector<1x16xf32>,
      %get3A_518 = arith.index_cast %scan3A_492 : i32 to index
      %get3A_519 = arith.constant 32 : index
      %get3A_520 = tpu.vector_load %arg11[%get3A_518, %get3A_519] {strides = array<i32>} : memref<112x128xf32, #tpu.memory_space<vmem>>, vector<1x16xf32>,
      %get3A_521 = vector.shape_cast %get3A_520 : vector<1x16xf32> to vector<16xf32>
      %get3A_522 = arith.index_cast %scan3A_492 : i32 to index
      %get3A_523 = arith.constant 32 : index
      %get3A_524 = tpu.vector_load %arg12[%get3A_522, %get3A_523] {strides = array<i32>} : memref<112x128xf32, #tpu.memory_space<vmem>>, vector<1x16xf32>,
      %get3A_525 = vector.shape_cast %get3A_524 : vector<1x16xf32> to vector<16xf32>
      %max3A_526 = arith.maximumf %get3A_521, %get3A_525 : vector<16xf32>
      %swap3A_527 = arith.index_cast %scan3A_492 : i32 to index
      %swap3A_528 = arith.constant 32 : index
      %swap3A_529 = tpu.vector_load %arg11[%swap3A_527, %swap3A_528] {strides = array<i32>} : memref<112x128xf32, #tpu.memory_space<vmem>>, vector<1x16xf32>,
      %swap3A_530 = vector.shape_cast %swap3A_529 : vector<1x16xf32> to vector<16xf32>
      %swap3A_531 = vector.shape_cast %max3A_526 : vector<16xf32> to vector<1x16xf32>
      tpu.vector_store %arg11[%swap3A_527, %swap3A_528], %swap3A_531 {strides = array<i32>} : memref<112x128xf32, #tpu.memory_space<vmem>>, vector<1x16xf32>,
      %get3A_532 = arith.index_cast %scan3A_492 : i32 to index
      %get3A_533 = arith.constant 48 : index
      %get3A_534 = tpu.vector_load %arg11[%get3A_532, %get3A_533] {strides = array<i32>} : memref<112x128xf32, #tpu.memory_space<vmem>>, vector<1x16xf32>,
      %get3A_535 = vector.shape_cast %get3A_534 : vector<1x16xf32> to vector<16xf32>
      %get3A_536 = arith.index_cast %scan3A_492 : i32 to index
      %get3A_537 = arith.constant 48 : index
      %get3A_538 = tpu.vector_load %arg12[%get3A_536, %get3A_537] {strides = array<i32>} : memref<112x128xf32, #tpu.memory_space<vmem>>, vector<1x16xf32>,
      %get3A_539 = vector.shape_cast %get3A_538 : vector<1x16xf32> to vector<16xf32>
      %max3A_540 = arith.maximumf %get3A_535, %get3A_539 : vector<16xf32>
      %swap3A_541 = arith.index_cast %scan3A_492 : i32 to index
      %swap3A_542 = arith.constant 48 : index
      %swap3A_543 = tpu.vector_load %arg11[%swap3A_541, %swap3A_542] {strides = array<i32>} : memref<112x128xf32, #tpu.memory_space<vmem>>, vector<1x16xf32>,
      %swap3A_544 = vector.shape_cast %swap3A_543 : vector<1x16xf32> to vector<16xf32>
      %swap3A_545 = vector.shape_cast %max3A_540 : vector<16xf32> to vector<1x16xf32>
      tpu.vector_store %arg11[%swap3A_541, %swap3A_542], %swap3A_545 {strides = array<i32>} : memref<112x128xf32, #tpu.memory_space<vmem>>, vector<1x16xf32>,
      %get3A_546 = arith.index_cast %scan3A_492 : i32 to index
      %get3A_547 = arith.constant 64 : index
      %get3A_548 = tpu.vector_load %arg11[%get3A_546, %get3A_547] {strides = array<i32>} : memref<112x128xf32, #tpu.memory_space<vmem>>, vector<1x16xf32>,
      %get3A_549 = vector.shape_cast %get3A_548 : vector<1x16xf32> to vector<16xf32>
      %get3A_550 = arith.index_cast %scan3A_492 : i32 to index
      %get3A_551 = arith.constant 64 : index
      %get3A_552 = tpu.vector_load %arg12[%get3A_550, %get3A_551] {strides = array<i32>} : memref<112x128xf32, #tpu.memory_space<vmem>>, vector<1x16xf32>,
      %get3A_553 = vector.shape_cast %get3A_552 : vector<1x16xf32> to vector<16xf32>
      %max3A_554 = arith.maximumf %get3A_549, %get3A_553 : vector<16xf32>
      %swap3A_555 = arith.index_cast %scan3A_492 : i32 to index
      %swap3A_556 = arith.constant 64 : index
      %swap3A_557 = tpu.vector_load %arg11[%swap3A_555, %swap3A_556] {strides = array<i32>} : memref<112x128xf32, #tpu.memory_space<vmem>>, vector<1x16xf32>,
      %swap3A_558 = vector.shape_cast %swap3A_557 : vector<1x16xf32> to vector<16xf32>
      %swap3A_559 = vector.shape_cast %max3A_554 : vector<16xf32> to vector<1x16xf32>
      tpu.vector_store %arg11[%swap3A_555, %swap3A_556], %swap3A_559 {strides = array<i32>} : memref<112x128xf32, #tpu.memory_space<vmem>>, vector<1x16xf32>,
      %get3A_560 = arith.index_cast %scan3A_492 : i32 to index
      %get3A_561 = arith.constant 80 : index
      %get3A_562 = tpu.vector_load %arg11[%get3A_560, %get3A_561] {strides = array<i32>} : memref<112x128xf32, #tpu.memory_space<vmem>>, vector<1x16xf32>,
      %get3A_563 = vector.shape_cast %get3A_562 : vector<1x16xf32> to vector<16xf32>
      %get3A_564 = arith.index_cast %scan3A_492 : i32 to index
      %get3A_565 = arith.constant 80 : index
      %get3A_566 = tpu.vector_load %arg12[%get3A_564, %get3A_565] {strides = array<i32>} : memref<112x128xf32, #tpu.memory_space<vmem>>, vector<1x16xf32>,
      %get3A_567 = vector.shape_cast %get3A_566 : vector<1x16xf32> to vector<16xf32>
      %max3A_568 = arith.maximumf %get3A_563, %get3A_567 : vector<16xf32>
      %swap3A_569 = arith.index_cast %scan3A_492 : i32 to index
      %swap3A_570 = arith.constant 80 : index
      %swap3A_571 = tpu.vector_load %arg11[%swap3A_569, %swap3A_570] {strides = array<i32>} : memref<112x128xf32, #tpu.memory_space<vmem>>, vector<1x16xf32>,
      %swap3A_572 = vector.shape_cast %swap3A_571 : vector<1x16xf32> to vector<16xf32>
      %swap3A_573 = vector.shape_cast %max3A_568 : vector<16xf32> to vector<1x16xf32>
      tpu.vector_store %arg11[%swap3A_569, %swap3A_570], %swap3A_573 {strides = array<i32>} : memref<112x128xf32, #tpu.memory_space<vmem>>, vector<1x16xf32>,
      %get3A_574 = arith.index_cast %scan3A_492 : i32 to index
      %get3A_575 = arith.constant 96 : index
      %get3A_576 = tpu.vector_load %arg11[%get3A_574, %get3A_575] {strides = array<i32>} : memref<112x128xf32, #tpu.memory_space<vmem>>, vector<1x16xf32>,
      %get3A_577 = vector.shape_cast %get3A_576 : vector<1x16xf32> to vector<16xf32>
      %get3A_578 = arith.index_cast %scan3A_492 : i32 to index
      %get3A_579 = arith.constant 96 : index
      %get3A_580 = tpu.vector_load %arg12[%get3A_578, %get3A_579] {strides = array<i32>} : memref<112x128xf32, #tpu.memory_space<vmem>>, vector<1x16xf32>,
      %get3A_581 = vector.shape_cast %get3A_580 : vector<1x16xf32> to vector<16xf32>
      %max3A_582 = arith.maximumf %get3A_577, %get3A_581 : vector<16xf32>
      %swap3A_583 = arith.index_cast %scan3A_492 : i32 to index
      %swap3A_584 = arith.constant 96 : index
      %swap3A_585 = tpu.vector_load %arg11[%swap3A_583, %swap3A_584] {strides = array<i32>} : memref<112x128xf32, #tpu.memory_space<vmem>>, vector<1x16xf32>,
      %swap3A_586 = vector.shape_cast %swap3A_585 : vector<1x16xf32> to vector<16xf32>
      %swap3A_587 = vector.shape_cast %max3A_582 : vector<16xf32> to vector<1x16xf32>
      tpu.vector_store %arg11[%swap3A_583, %swap3A_584], %swap3A_587 {strides = array<i32>} : memref<112x128xf32, #tpu.memory_space<vmem>>, vector<1x16xf32>,
      %get3A_588 = arith.index_cast %scan3A_492 : i32 to index
      %get3A_589 = arith.constant 112 : index
      %get3A_590 = tpu.vector_load %arg11[%get3A_588, %get3A_589] {strides = array<i32>} : memref<112x128xf32, #tpu.memory_space<vmem>>, vector<1x16xf32>,
      %get3A_591 = vector.shape_cast %get3A_590 : vector<1x16xf32> to vector<16xf32>
      %get3A_592 = arith.index_cast %scan3A_492 : i32 to index
      %get3A_593 = arith.constant 112 : index
      %get3A_594 = tpu.vector_load %arg12[%get3A_592, %get3A_593] {strides = array<i32>} : memref<112x128xf32, #tpu.memory_space<vmem>>, vector<1x16xf32>,
      %get3A_595 = vector.shape_cast %get3A_594 : vector<1x16xf32> to vector<16xf32>
      %max3A_596 = arith.maximumf %get3A_591, %get3A_595 : vector<16xf32>
      %swap3A_597 = arith.index_cast %scan3A_492 : i32 to index
      %swap3A_598 = arith.constant 112 : index
      %swap3A_599 = tpu.vector_load %arg11[%swap3A_597, %swap3A_598] {strides = array<i32>} : memref<112x128xf32, #tpu.memory_space<vmem>>, vector<1x16xf32>,
      %swap3A_600 = vector.shape_cast %swap3A_599 : vector<1x16xf32> to vector<16xf32>
      %swap3A_601 = vector.shape_cast %max3A_596 : vector<16xf32> to vector<1x16xf32>
      tpu.vector_store %arg11[%swap3A_597, %swap3A_598], %swap3A_601 {strides = array<i32>} : memref<112x128xf32, #tpu.memory_space<vmem>>, vector<1x16xf32>,
    }
    %scan3A_456 = arith.constant 112 : i32
    %add3A_457 = arith.constant 1344 : i32
    %add3A_458 = arith.addi %mul3A_2, %add3A_457 : i32
    %dma_start3A_459 = arith.constant 0 : i32
    %dma_start3A_460 = tpu.memref_slice %arg6[%add3A_458, %dma_start3A_459] : memref<50176x128xf32, #tpu.memory_space<hbm>> -> memref<112x128xf32, #tpu.memory_space<hbm>>
    %dma_start3A_461 = arith.constant 0 : i32
    %dma_start3A_462 = tpu.memref_slice %arg6[%add3A_458, %dma_start3A_461] : memref<50176x128xf32, #tpu.memory_space<hbm>> -> memref<112x128xf32, #tpu.memory_space<hbm>>
    tpu.enqueue_dma source(%arg11 : memref<112x128xf32, #tpu.memory_space<vmem>>) target(%dma_start3A_462 : memref<112x128xf32, #tpu.memory_space<hbm>>) target_semaphore(%arg17 : memref<!tpu.dma_semaphore, #tpu.memory_space<semaphore_mem>>)
    %dma_wait3A_463 = arith.constant 0 : i32
    %dma_wait3A_464 = tpu.memref_slice %arg6[%add3A_458, %dma_wait3A_463] : memref<50176x128xf32, #tpu.memory_space<hbm>> -> memref<112x128xf32, #tpu.memory_space<hbm>>
    %dma_wait3A_465 = arith.constant 0 : i32
    %dma_wait3A_466 = tpu.memref_slice %arg6[%add3A_458, %dma_wait3A_465] : memref<50176x128xf32, #tpu.memory_space<hbm>> -> memref<112x128xf32, #tpu.memory_space<hbm>>
    tpu.wait_dma2 semaphore(%arg17 : memref<!tpu.dma_semaphore, #tpu.memory_space<semaphore_mem>>) src(%arg11 : memref<112x128xf32, #tpu.memory_space<vmem>>) dst(%dma_wait3A_466 : memref<112x128xf32, #tpu.memory_space<hbm>>)
    %dma_wait3A_467 = arith.constant 1456 : i32
    %dma_wait3A_468 = tpu.memref_slice %arg9[%dma_wait3A_467] : memref<1568xi32, #tpu.memory_space<vmem>> -> memref<112xi32, #tpu.memory_space<vmem>>
    %dma_wait3A_469 = arith.constant 0 : i32
    %dma_wait3A_470 = arith.constant 0 : i32
    %dma_wait3A_471 = tpu.memref_slice %arg7[%dma_wait3A_469, %dma_wait3A_470] : memref<512x128xf32, #tpu.memory_space<vmem_shared>> -> memref<512x128xf32, #tpu.memory_space<vmem_shared>>
    tpu.wait_indirect_dma semaphore(%arg16 : memref<!tpu.dma_semaphore, #tpu.memory_space<semaphore_mem>>) src(%dma_wait3A_471 : memref<512x128xf32, #tpu.memory_space<vmem_shared>>) dst(%arg13 : memref<112x128xf32, #tpu.memory_space<vmem>>)
    %dma_wait3A_472 = arith.constant 1456 : i32
    %dma_wait3A_473 = tpu.memref_slice %arg10[%dma_wait3A_472] : memref<1568xi32, #tpu.memory_space<vmem>> -> memref<112xi32, #tpu.memory_space<vmem>>
    %dma_wait3A_474 = arith.constant 0 : i32
    %dma_wait3A_475 = arith.constant 0 : i32
    %dma_wait3A_476 = tpu.memref_slice %arg8[%dma_wait3A_474, %dma_wait3A_475] : memref<129x128xf32, #tpu.memory_space<vmem_shared>> -> memref<129x128xf32, #tpu.memory_space<vmem_shared>>
    tpu.wait_indirect_dma semaphore(%arg16 : memref<!tpu.dma_semaphore, #tpu.memory_space<semaphore_mem>>) src(%dma_wait3A_476 : memref<129x128xf32, #tpu.memory_space<vmem_shared>>) dst(%arg14 : memref<112x128xf32, #tpu.memory_space<vmem>>)
    %scan3A_477 = arith.constant 0 : i32
    %scan3A_478 = arith.constant 112 : i32
    %scan3A_479 = arith.addi %scan3A_477, %scan3A_478 : i32
    %scan3A_480 = arith.constant 1 : i32
    scf.for %scan3A_492 = %scan3A_477 to %scan3A_479 step %scan3A_480  : i32 {
      %get3A = arith.index_cast %scan3A_492 : i32 to index
      %get3A_493 = arith.constant 0 : index
      %get3A_494 = tpu.vector_load %arg13[%get3A, %get3A_493] {strides = array<i32>} : memref<112x128xf32, #tpu.memory_space<vmem>>, vector<1x16xf32>,
      %get3A_495 = vector.shape_cast %get3A_494 : vector<1x16xf32> to vector<16xf32>
      %get3A_496 = arith.index_cast %scan3A_492 : i32 to index
      %get3A_497 = arith.constant 0 : index
      %get3A_498 = tpu.vector_load %arg14[%get3A_496, %get3A_497] {strides = array<i32>} : memref<112x128xf32, #tpu.memory_space<vmem>>, vector<1x16xf32>,
      %get3A_499 = vector.shape_cast %get3A_498 : vector<1x16xf32> to vector<16xf32>
      %max3A = arith.maximumf %get3A_495, %get3A_499 : vector<16xf32>
      %swap3A = arith.index_cast %scan3A_492 : i32 to index
      %swap3A_500 = arith.constant 0 : index
      %swap3A_501 = tpu.vector_load %arg13[%swap3A, %swap3A_500] {strides = array<i32>} : memref<112x128xf32, #tpu.memory_space<vmem>>, vector<1x16xf32>,
      %swap3A_502 = vector.shape_cast %swap3A_501 : vector<1x16xf32> to vector<16xf32>
      %swap3A_503 = vector.shape_cast %max3A : vector<16xf32> to vector<1x16xf32>
      tpu.vector_store %arg13[%swap3A, %swap3A_500], %swap3A_503 {strides = array<i32>} : memref<112x128xf32, #tpu.memory_space<vmem>>, vector<1x16xf32>,
      %get3A_504 = arith.index_cast %scan3A_492 : i32 to index
      %get3A_505 = arith.constant 16 : index
      %get3A_506 = tpu.vector_load %arg13[%get3A_504, %get3A_505] {strides = array<i32>} : memref<112x128xf32, #tpu.memory_space<vmem>>, vector<1x16xf32>,
      %get3A_507 = vector.shape_cast %get3A_506 : vector<1x16xf32> to vector<16xf32>
      %get3A_508 = arith.index_cast %scan3A_492 : i32 to index
      %get3A_509 = arith.constant 16 : index
      %get3A_510 = tpu.vector_load %arg14[%get3A_508, %get3A_509] {strides = array<i32>} : memref<112x128xf32, #tpu.memory_space<vmem>>, vector<1x16xf32>,
      %get3A_511 = vector.shape_cast %get3A_510 : vector<1x16xf32> to vector<16xf32>
      %max3A_512 = arith.maximumf %get3A_507, %get3A_511 : vector<16xf32>
      %swap3A_513 = arith.index_cast %scan3A_492 : i32 to index
      %swap3A_514 = arith.constant 16 : index
      %swap3A_515 = tpu.vector_load %arg13[%swap3A_513, %swap3A_514] {strides = array<i32>} : memref<112x128xf32, #tpu.memory_space<vmem>>, vector<1x16xf32>,
      %swap3A_516 = vector.shape_cast %swap3A_515 : vector<1x16xf32> to vector<16xf32>
      %swap3A_517 = vector.shape_cast %max3A_512 : vector<16xf32> to vector<1x16xf32>
      tpu.vector_store %arg13[%swap3A_513, %swap3A_514], %swap3A_517 {strides = array<i32>} : memref<112x128xf32, #tpu.memory_space<vmem>>, vector<1x16xf32>,
      %get3A_518 = arith.index_cast %scan3A_492 : i32 to index
      %get3A_519 = arith.constant 32 : index
      %get3A_520 = tpu.vector_load %arg13[%get3A_518, %get3A_519] {strides = array<i32>} : memref<112x128xf32, #tpu.memory_space<vmem>>, vector<1x16xf32>,
      %get3A_521 = vector.shape_cast %get3A_520 : vector<1x16xf32> to vector<16xf32>
      %get3A_522 = arith.index_cast %scan3A_492 : i32 to index
      %get3A_523 = arith.constant 32 : index
      %get3A_524 = tpu.vector_load %arg14[%get3A_522, %get3A_523] {strides = array<i32>} : memref<112x128xf32, #tpu.memory_space<vmem>>, vector<1x16xf32>,
      %get3A_525 = vector.shape_cast %get3A_524 : vector<1x16xf32> to vector<16xf32>
      %max3A_526 = arith.maximumf %get3A_521, %get3A_525 : vector<16xf32>
      %swap3A_527 = arith.index_cast %scan3A_492 : i32 to index
      %swap3A_528 = arith.constant 32 : index
      %swap3A_529 = tpu.vector_load %arg13[%swap3A_527, %swap3A_528] {strides = array<i32>} : memref<112x128xf32, #tpu.memory_space<vmem>>, vector<1x16xf32>,
      %swap3A_530 = vector.shape_cast %swap3A_529 : vector<1x16xf32> to vector<16xf32>
      %swap3A_531 = vector.shape_cast %max3A_526 : vector<16xf32> to vector<1x16xf32>
      tpu.vector_store %arg13[%swap3A_527, %swap3A_528], %swap3A_531 {strides = array<i32>} : memref<112x128xf32, #tpu.memory_space<vmem>>, vector<1x16xf32>,
      %get3A_532 = arith.index_cast %scan3A_492 : i32 to index
      %get3A_533 = arith.constant 48 : index
      %get3A_534 = tpu.vector_load %arg13[%get3A_532, %get3A_533] {strides = array<i32>} : memref<112x128xf32, #tpu.memory_space<vmem>>, vector<1x16xf32>,
      %get3A_535 = vector.shape_cast %get3A_534 : vector<1x16xf32> to vector<16xf32>
      %get3A_536 = arith.index_cast %scan3A_492 : i32 to index
      %get3A_537 = arith.constant 48 : index
      %get3A_538 = tpu.vector_load %arg14[%get3A_536, %get3A_537] {strides = array<i32>} : memref<112x128xf32, #tpu.memory_space<vmem>>, vector<1x16xf32>,
      %get3A_539 = vector.shape_cast %get3A_538 : vector<1x16xf32> to vector<16xf32>
      %max3A_540 = arith.maximumf %get3A_535, %get3A_539 : vector<16xf32>
      %swap3A_541 = arith.index_cast %scan3A_492 : i32 to index
      %swap3A_542 = arith.constant 48 : index
      %swap3A_543 = tpu.vector_load %arg13[%swap3A_541, %swap3A_542] {strides = array<i32>} : memref<112x128xf32, #tpu.memory_space<vmem>>, vector<1x16xf32>,
      %swap3A_544 = vector.shape_cast %swap3A_543 : vector<1x16xf32> to vector<16xf32>
      %swap3A_545 = vector.shape_cast %max3A_540 : vector<16xf32> to vector<1x16xf32>
      tpu.vector_store %arg13[%swap3A_541, %swap3A_542], %swap3A_545 {strides = array<i32>} : memref<112x128xf32, #tpu.memory_space<vmem>>, vector<1x16xf32>,
      %get3A_546 = arith.index_cast %scan3A_492 : i32 to index
      %get3A_547 = arith.constant 64 : index
      %get3A_548 = tpu.vector_load %arg13[%get3A_546, %get3A_547] {strides = array<i32>} : memref<112x128xf32, #tpu.memory_space<vmem>>, vector<1x16xf32>,
      %get3A_549 = vector.shape_cast %get3A_548 : vector<1x16xf32> to vector<16xf32>
      %get3A_550 = arith.index_cast %scan3A_492 : i32 to index
      %get3A_551 = arith.constant 64 : index
      %get3A_552 = tpu.vector_load %arg14[%get3A_550, %get3A_551] {strides = array<i32>} : memref<112x128xf32, #tpu.memory_space<vmem>>, vector<1x16xf32>,
      %get3A_553 = vector.shape_cast %get3A_552 : vector<1x16xf32> to vector<16xf32>
      %max3A_554 = arith.maximumf %get3A_549, %get3A_553 : vector<16xf32>
      %swap3A_555 = arith.index_cast %scan3A_492 : i32 to index
      %swap3A_556 = arith.constant 64 : index
      %swap3A_557 = tpu.vector_load %arg13[%swap3A_555, %swap3A_556] {strides = array<i32>} : memref<112x128xf32, #tpu.memory_space<vmem>>, vector<1x16xf32>,
      %swap3A_558 = vector.shape_cast %swap3A_557 : vector<1x16xf32> to vector<16xf32>
      %swap3A_559 = vector.shape_cast %max3A_554 : vector<16xf32> to vector<1x16xf32>
      tpu.vector_store %arg13[%swap3A_555, %swap3A_556], %swap3A_559 {strides = array<i32>} : memref<112x128xf32, #tpu.memory_space<vmem>>, vector<1x16xf32>,
      %get3A_560 = arith.index_cast %scan3A_492 : i32 to index
      %get3A_561 = arith.constant 80 : index
      %get3A_562 = tpu.vector_load %arg13[%get3A_560, %get3A_561] {strides = array<i32>} : memref<112x128xf32, #tpu.memory_space<vmem>>, vector<1x16xf32>,
      %get3A_563 = vector.shape_cast %get3A_562 : vector<1x16xf32> to vector<16xf32>
      %get3A_564 = arith.index_cast %scan3A_492 : i32 to index
      %get3A_565 = arith.constant 80 : index
      %get3A_566 = tpu.vector_load %arg14[%get3A_564, %get3A_565] {strides = array<i32>} : memref<112x128xf32, #tpu.memory_space<vmem>>, vector<1x16xf32>,
      %get3A_567 = vector.shape_cast %get3A_566 : vector<1x16xf32> to vector<16xf32>
      %max3A_568 = arith.maximumf %get3A_563, %get3A_567 : vector<16xf32>
      %swap3A_569 = arith.index_cast %scan3A_492 : i32 to index
      %swap3A_570 = arith.constant 80 : index
      %swap3A_571 = tpu.vector_load %arg13[%swap3A_569, %swap3A_570] {strides = array<i32>} : memref<112x128xf32, #tpu.memory_space<vmem>>, vector<1x16xf32>,
      %swap3A_572 = vector.shape_cast %swap3A_571 : vector<1x16xf32> to vector<16xf32>
      %swap3A_573 = vector.shape_cast %max3A_568 : vector<16xf32> to vector<1x16xf32>
      tpu.vector_store %arg13[%swap3A_569, %swap3A_570], %swap3A_573 {strides = array<i32>} : memref<112x128xf32, #tpu.memory_space<vmem>>, vector<1x16xf32>,
      %get3A_574 = arith.index_cast %scan3A_492 : i32 to index
      %get3A_575 = arith.constant 96 : index
      %get3A_576 = tpu.vector_load %arg13[%get3A_574, %get3A_575] {strides = array<i32>} : memref<112x128xf32, #tpu.memory_space<vmem>>, vector<1x16xf32>,
      %get3A_577 = vector.shape_cast %get3A_576 : vector<1x16xf32> to vector<16xf32>
      %get3A_578 = arith.index_cast %scan3A_492 : i32 to index
      %get3A_579 = arith.constant 96 : index
      %get3A_580 = tpu.vector_load %arg14[%get3A_578, %get3A_579] {strides = array<i32>} : memref<112x128xf32, #tpu.memory_space<vmem>>, vector<1x16xf32>,
      %get3A_581 = vector.shape_cast %get3A_580 : vector<1x16xf32> to vector<16xf32>
      %max3A_582 = arith.maximumf %get3A_577, %get3A_581 : vector<16xf32>
      %swap3A_583 = arith.index_cast %scan3A_492 : i32 to index
      %swap3A_584 = arith.constant 96 : index
      %swap3A_585 = tpu.vector_load %arg13[%swap3A_583, %swap3A_584] {strides = array<i32>} : memref<112x128xf32, #tpu.memory_space<vmem>>, vector<1x16xf32>,
      %swap3A_586 = vector.shape_cast %swap3A_585 : vector<1x16xf32> to vector<16xf32>
      %swap3A_587 = vector.shape_cast %max3A_582 : vector<16xf32> to vector<1x16xf32>
      tpu.vector_store %arg13[%swap3A_583, %swap3A_584], %swap3A_587 {strides = array<i32>} : memref<112x128xf32, #tpu.memory_space<vmem>>, vector<1x16xf32>,
      %get3A_588 = arith.index_cast %scan3A_492 : i32 to index
      %get3A_589 = arith.constant 112 : index
      %get3A_590 = tpu.vector_load %arg13[%get3A_588, %get3A_589] {strides = array<i32>} : memref<112x128xf32, #tpu.memory_space<vmem>>, vector<1x16xf32>,
      %get3A_591 = vector.shape_cast %get3A_590 : vector<1x16xf32> to vector<16xf32>
      %get3A_592 = arith.index_cast %scan3A_492 : i32 to index
      %get3A_593 = arith.constant 112 : index
      %get3A_594 = tpu.vector_load %arg14[%get3A_592, %get3A_593] {strides = array<i32>} : memref<112x128xf32, #tpu.memory_space<vmem>>, vector<1x16xf32>,
      %get3A_595 = vector.shape_cast %get3A_594 : vector<1x16xf32> to vector<16xf32>
      %max3A_596 = arith.maximumf %get3A_591, %get3A_595 : vector<16xf32>
      %swap3A_597 = arith.index_cast %scan3A_492 : i32 to index
      %swap3A_598 = arith.constant 112 : index
      %swap3A_599 = tpu.vector_load %arg13[%swap3A_597, %swap3A_598] {strides = array<i32>} : memref<112x128xf32, #tpu.memory_space<vmem>>, vector<1x16xf32>,
      %swap3A_600 = vector.shape_cast %swap3A_599 : vector<1x16xf32> to vector<16xf32>
      %swap3A_601 = vector.shape_cast %max3A_596 : vector<16xf32> to vector<1x16xf32>
      tpu.vector_store %arg13[%swap3A_597, %swap3A_598], %swap3A_601 {strides = array<i32>} : memref<112x128xf32, #tpu.memory_space<vmem>>, vector<1x16xf32>,
    }
    %scan3A_481 = arith.constant 112 : i32
    %add3A_482 = arith.constant 1456 : i32
    %add3A_483 = arith.addi %mul3A_2, %add3A_482 : i32
    %dma_start3A_484 = arith.constant 0 : i32
    %dma_start3A_485 = tpu.memref_slice %arg6[%add3A_483, %dma_start3A_484] : memref<50176x128xf32, #tpu.memory_space<hbm>> -> memref<112x128xf32, #tpu.memory_space<hbm>>
    %dma_start3A_486 = arith.constant 0 : i32
    %dma_start3A_487 = tpu.memref_slice %arg6[%add3A_483, %dma_start3A_486] : memref<50176x128xf32, #tpu.memory_space<hbm>> -> memref<112x128xf32, #tpu.memory_space<hbm>>
    tpu.enqueue_dma source(%arg13 : memref<112x128xf32, #tpu.memory_space<vmem>>) target(%dma_start3A_487 : memref<112x128xf32, #tpu.memory_space<hbm>>) target_semaphore(%arg17 : memref<!tpu.dma_semaphore, #tpu.memory_space<semaphore_mem>>)
    %dma_wait3A_488 = arith.constant 0 : i32
    %dma_wait3A_489 = tpu.memref_slice %arg6[%add3A_483, %dma_wait3A_488] : memref<50176x128xf32, #tpu.memory_space<hbm>> -> memref<112x128xf32, #tpu.memory_space<hbm>>
    %dma_wait3A_490 = arith.constant 0 : i32
    %dma_wait3A_491 = tpu.memref_slice %arg6[%add3A_483, %dma_wait3A_490] : memref<50176x128xf32, #tpu.memory_space<hbm>> -> memref<112x128xf32, #tpu.memory_space<hbm>>
    tpu.wait_dma2 semaphore(%arg17 : memref<!tpu.dma_semaphore, #tpu.memory_space<semaphore_mem>>) src(%arg13 : memref<112x128xf32, #tpu.memory_space<vmem>>) dst(%dma_wait3A_491 : memref<112x128xf32, #tpu.memory_space<hbm>>)
    return
  }
}

module attributes {stable_mosaic.version = 14 : i64} {
  func.func @_embed_body(%arg0: i32, %arg1: memref<2000x768xf32, #tpu.memory_space<vmem>>, %arg2: memref<2000x512xf32, #tpu.memory_space<vmem>>, %arg3: memref<2000x512xf32, #tpu.memory_space<vmem>>, %arg4: memref<768x128xbf16, #tpu.memory_space<vmem>>, %arg5: memref<1x128xf32, #tpu.memory_space<vmem>>, %arg6: memref<512x128xbf16, #tpu.memory_space<vmem>>, %arg7: memref<1x128xf32, #tpu.memory_space<vmem>>, %arg8: memref<512x128xbf16, #tpu.memory_space<vmem>>, %arg9: memref<1x128xf32, #tpu.memory_space<vmem>>, %arg10: memref<2000x128xbf16, #tpu.memory_space<vmem>>) attributes {dimension_semantics = [#tpu.dimension_semantics<arbitrary>], iteration_bounds = array<i64: 25>, scalar_prefetch = 0 : i64, scratch_operands = 0 : i64, tpu.core_type = #tpu.core_type<tc>, window_params = [{transform_indices = @transform_0, window_bounds = array<i64: 2000, 768>}, {transform_indices = @transform_1, window_bounds = array<i64: 2000, 512>}, {transform_indices = @transform_2, window_bounds = array<i64: 2000, 512>}, {pipeline_mode = #tpu.pipeline_mode<synchronous>, transform_indices = @transform_3, window_bounds = array<i64: 768, 128>}, {pipeline_mode = #tpu.pipeline_mode<synchronous>, transform_indices = @transform_4, window_bounds = array<i64: 1, 128>}, {pipeline_mode = #tpu.pipeline_mode<synchronous>, transform_indices = @transform_5, window_bounds = array<i64: 512, 128>}, {pipeline_mode = #tpu.pipeline_mode<synchronous>, transform_indices = @transform_6, window_bounds = array<i64: 1, 128>}, {pipeline_mode = #tpu.pipeline_mode<synchronous>, transform_indices = @transform_7, window_bounds = array<i64: 512, 128>}, {pipeline_mode = #tpu.pipeline_mode<synchronous>, transform_indices = @transform_8, window_bounds = array<i64: 1, 128>}, {transform_indices = @transform_9, window_bounds = array<i64: 2000, 128>}]} {
    %get3A = arith.constant 0 : index
    %get3A_0 = arith.constant 0 : index
    %get3A_1 = vector.load %arg1[%get3A, %get3A_0] : memref<2000x768xf32, #tpu.memory_space<vmem>>, vector<2000x768xf32>
    %convert_element_type3A = arith.truncf %get3A_1 : vector<2000x768xf32> to vector<2000x768xbf16>
    %get3A_2 = arith.constant 0 : index
    %get3A_3 = arith.constant 0 : index
    %get3A_4 = vector.load %arg4[%get3A_2, %get3A_3] : memref<768x128xbf16, #tpu.memory_space<vmem>>, vector<768x128xbf16>
    %dot_general3A = arith.constant dense<0.000000e+00> : vector<2000x128xf32>
    %dot_general3A_5 = tpu.matmul %convert_element_type3A, %get3A_4, %dot_general3A {dimension_numbers = #tpu.dot_dimension_numbers<[1], [0], [0], [1], [0, 0, 1, 1], [], []>, transpose_lhs_hint = false} : vector<2000x768xbf16>, vector<768x128xbf16>, vector<2000x128xf32> -> vector<2000x128xf32>
    %get3A_6 = arith.constant 0 : index
    %get3A_7 = arith.constant 0 : index
    %get3A_8 = vector.load %arg5[%get3A_6, %get3A_7] : memref<1x128xf32, #tpu.memory_space<vmem>>, vector<1x128xf32>
    %add3A = vector.broadcast %get3A_8 : vector<1x128xf32> to vector<2000x128xf32>
    %add3A_9 = arith.addf %dot_general3A_5, %add3A : vector<2000x128xf32>
    %get3A_10 = arith.constant 0 : index
    %get3A_11 = arith.constant 0 : index
    %get3A_12 = vector.load %arg2[%get3A_10, %get3A_11] : memref<2000x512xf32, #tpu.memory_space<vmem>>, vector<2000x512xf32>
    %convert_element_type3A_13 = arith.truncf %get3A_12 : vector<2000x512xf32> to vector<2000x512xbf16>
    %get3A_14 = arith.constant 0 : index
    %get3A_15 = arith.constant 0 : index
    %get3A_16 = vector.load %arg6[%get3A_14, %get3A_15] : memref<512x128xbf16, #tpu.memory_space<vmem>>, vector<512x128xbf16>
    %dot_general3A_17 = arith.constant dense<0.000000e+00> : vector<2000x128xf32>
    %dot_general3A_18 = tpu.matmul %convert_element_type3A_13, %get3A_16, %dot_general3A_17 {dimension_numbers = #tpu.dot_dimension_numbers<[1], [0], [0], [1], [0, 0, 1, 1], [], []>, transpose_lhs_hint = false} : vector<2000x512xbf16>, vector<512x128xbf16>, vector<2000x128xf32> -> vector<2000x128xf32>
    %get3A_19 = arith.constant 0 : index
    %get3A_20 = arith.constant 0 : index
    %get3A_21 = vector.load %arg7[%get3A_19, %get3A_20] : memref<1x128xf32, #tpu.memory_space<vmem>>, vector<1x128xf32>
    %add3A_22 = vector.broadcast %get3A_21 : vector<1x128xf32> to vector<2000x128xf32>
    %add3A_23 = arith.addf %dot_general3A_18, %add3A_22 : vector<2000x128xf32>
    %get3A_24 = arith.constant 0 : index
    %get3A_25 = arith.constant 0 : index
    %get3A_26 = vector.load %arg3[%get3A_24, %get3A_25] : memref<2000x512xf32, #tpu.memory_space<vmem>>, vector<2000x512xf32>
    %convert_element_type3A_27 = arith.truncf %get3A_26 : vector<2000x512xf32> to vector<2000x512xbf16>
    %get3A_28 = arith.constant 0 : index
    %get3A_29 = arith.constant 0 : index
    %get3A_30 = vector.load %arg8[%get3A_28, %get3A_29] : memref<512x128xbf16, #tpu.memory_space<vmem>>, vector<512x128xbf16>
    %dot_general3A_31 = arith.constant dense<0.000000e+00> : vector<2000x128xf32>
    %dot_general3A_32 = tpu.matmul %convert_element_type3A_27, %get3A_30, %dot_general3A_31 {dimension_numbers = #tpu.dot_dimension_numbers<[1], [0], [0], [1], [0, 0, 1, 1], [], []>, transpose_lhs_hint = false} : vector<2000x512xbf16>, vector<512x128xbf16>, vector<2000x128xf32> -> vector<2000x128xf32>
    %get3A_33 = arith.constant 0 : index
    %get3A_34 = arith.constant 0 : index
    %get3A_35 = vector.load %arg9[%get3A_33, %get3A_34] : memref<1x128xf32, #tpu.memory_space<vmem>>, vector<1x128xf32>
    %add3A_36 = vector.broadcast %get3A_35 : vector<1x128xf32> to vector<2000x128xf32>
    %add3A_37 = arith.addf %dot_general3A_32, %add3A_36 : vector<2000x128xf32>
    %max3A = arith.maximumf %add3A_9, %add3A_23 : vector<2000x128xf32>
    %max3A_38 = arith.maximumf %max3A, %add3A_37 : vector<2000x128xf32>
    %convert_element_type3A_39 = arith.truncf %max3A_38 : vector<2000x128xf32> to vector<2000x128xbf16>
    %swap3A = arith.constant 0 : index
    %swap3A_40 = arith.constant 0 : index
    %swap3A_41 = vector.load %arg10[%swap3A, %swap3A_40] : memref<2000x128xbf16, #tpu.memory_space<vmem>>, vector<2000x128xbf16>
    tpu.vector_store %arg10[%swap3A, %swap3A_40], %convert_element_type3A_39 {strides = array<i32>} : memref<2000x128xbf16, #tpu.memory_space<vmem>>, vector<2000x128xbf16>,
    return
  }
  func.func @transform_0(%arg0: i32) -> (i32, i32) {
    %c0_i32 = arith.constant 0 : i32
    %c0_i32_0 = arith.constant 0 : i32
    return %arg0, %c0_i32 : i32, i32
  }
  func.func @transform_1(%arg0: i32) -> (i32, i32) {
    %c0_i32 = arith.constant 0 : i32
    %c0_i32_0 = arith.constant 0 : i32
    return %arg0, %c0_i32 : i32, i32
  }
  func.func @transform_2(%arg0: i32) -> (i32, i32) {
    %c0_i32 = arith.constant 0 : i32
    %c0_i32_0 = arith.constant 0 : i32
    return %arg0, %c0_i32 : i32, i32
  }
  func.func @transform_3(%arg0: i32) -> (i32, i32) {
    %c0_i32 = arith.constant 0 : i32
    %c0_i32_0 = arith.constant 0 : i32
    %c0_i32_1 = arith.constant 0 : i32
    return %c0_i32, %c0_i32_0 : i32, i32
  }
  func.func @transform_4(%arg0: i32) -> (i32, i32) {
    %c0_i32 = arith.constant 0 : i32
    %c0_i32_0 = arith.constant 0 : i32
    %c0_i32_1 = arith.constant 0 : i32
    return %c0_i32, %c0_i32_0 : i32, i32
  }
  func.func @transform_5(%arg0: i32) -> (i32, i32) {
    %c0_i32 = arith.constant 0 : i32
    %c0_i32_0 = arith.constant 0 : i32
    %c0_i32_1 = arith.constant 0 : i32
    return %c0_i32, %c0_i32_0 : i32, i32
  }
  func.func @transform_6(%arg0: i32) -> (i32, i32) {
    %c0_i32 = arith.constant 0 : i32
    %c0_i32_0 = arith.constant 0 : i32
    %c0_i32_1 = arith.constant 0 : i32
    return %c0_i32, %c0_i32_0 : i32, i32
  }
  func.func @transform_7(%arg0: i32) -> (i32, i32) {
    %c0_i32 = arith.constant 0 : i32
    %c0_i32_0 = arith.constant 0 : i32
    %c0_i32_1 = arith.constant 0 : i32
    return %c0_i32, %c0_i32_0 : i32, i32
  }
  func.func @transform_8(%arg0: i32) -> (i32, i32) {
    %c0_i32 = arith.constant 0 : i32
    %c0_i32_0 = arith.constant 0 : i32
    %c0_i32_1 = arith.constant 0 : i32
    return %c0_i32, %c0_i32_0 : i32, i32
  }
  func.func @transform_9(%arg0: i32) -> (i32, i32) {
    %c0_i32 = arith.constant 0 : i32
    %c0_i32_0 = arith.constant 0 : i32
    return %arg0, %c0_i32 : i32, i32
  }
}

module attributes {stable_mosaic.version = 14 : i64} {
  func.func @_final_body(%arg0: i32, %arg1: memref<6272x128xbf16, #tpu.memory_space<vmem>>, %arg2: memref<6272x128xf32, #tpu.memory_space<vmem>>, %arg3: memref<10000x128xbf16, #tpu.memory_space<vmem>>, %arg4: memref<10000x128xf32, #tpu.memory_space<vmem>>, %arg5: memref<1x128xf32, #tpu.memory_space<vmem>>, %arg6: memref<1x128xf32, #tpu.memory_space<vmem>>, %arg7: memref<128x128xbf16, #tpu.memory_space<vmem>>, %arg8: memref<128x128xbf16, #tpu.memory_space<vmem>>, %arg9: memref<1x128xf32, #tpu.memory_space<vmem>>, %arg10: memref<128x128xbf16, #tpu.memory_space<vmem>>, %arg11: memref<1x128xf32, #tpu.memory_space<vmem>>, %arg12: memref<10000x128xf32, #tpu.memory_space<vmem>>, %arg13: memref<10000x128xf32, #tpu.memory_space<vmem>>) attributes {dimension_semantics = [#tpu.dimension_semantics<arbitrary>], iteration_bounds = array<i64: 6>, scalar_prefetch = 0 : i64, scratch_operands = 1 : i64, tpu.core_type = #tpu.core_type<tc>, window_params = [{transform_indices = @transform_0, window_bounds = array<i64: 6272, 128>}, {transform_indices = @transform_1, window_bounds = array<i64: 6272, 128>}, {transform_indices = @transform_2, window_bounds = array<i64: 10000, 128>}, {transform_indices = @transform_3, window_bounds = array<i64: 10000, 128>}, {pipeline_mode = #tpu.pipeline_mode<synchronous>, transform_indices = @transform_4, window_bounds = array<i64: 1, 128>}, {pipeline_mode = #tpu.pipeline_mode<synchronous>, transform_indices = @transform_5, window_bounds = array<i64: 1, 128>}, {pipeline_mode = #tpu.pipeline_mode<synchronous>, transform_indices = @transform_6, window_bounds = array<i64: 128, 128>}, {pipeline_mode = #tpu.pipeline_mode<synchronous>, transform_indices = @transform_7, window_bounds = array<i64: 128, 128>}, {pipeline_mode = #tpu.pipeline_mode<synchronous>, transform_indices = @transform_8, window_bounds = array<i64: 1, 128>}, {pipeline_mode = #tpu.pipeline_mode<synchronous>, transform_indices = @transform_9, window_bounds = array<i64: 128, 128>}, {pipeline_mode = #tpu.pipeline_mode<synchronous>, transform_indices = @transform_10, window_bounds = array<i64: 1, 128>}, {transform_indices = @transform_11, window_bounds = array<i64: 10000, 128>}]} {
    %eq3A = arith.constant 0 : i32
    %eq3A_0 = arith.cmpi eq, %arg0, %eq3A : i32
    %convert_element_type3A = arith.extui %eq3A_0 : i1 to i32
    %cond3A = arith.constant 0 : i32
    %cond3A_1 = arith.cmpi ne, %convert_element_type3A, %cond3A : i32
    scf.if %cond3A_1 {
      %get3A = arith.constant 0 : index
      %get3A_6 = arith.constant 0 : index
      %get3A_7 = vector.load %arg1[%get3A, %get3A_6] : memref<6272x128xbf16, #tpu.memory_space<vmem>>, vector<6272x128xbf16>
      %convert_element_type3A_8 = arith.extf %get3A_7 : vector<6272x128xbf16> to vector<6272x128xf32>
      %get3A_9 = arith.constant 0 : index
      %get3A_10 = arith.constant 0 : index
      %get3A_11 = vector.load %arg2[%get3A_9, %get3A_10] : memref<6272x128xf32, #tpu.memory_space<vmem>>, vector<6272x128xf32>
      %max3A = arith.maximumf %convert_element_type3A_8, %get3A_11 : vector<6272x128xf32>
      %get3A_12 = arith.constant 0 : index
      %get3A_13 = arith.constant 0 : index
      %get3A_14 = vector.load %arg5[%get3A_12, %get3A_13] : memref<1x128xf32, #tpu.memory_space<vmem>>, vector<1x128xf32>
      %get3A_15 = arith.constant 0 : index
      %get3A_16 = arith.constant 0 : index
      %get3A_17 = vector.load %arg6[%get3A_15, %get3A_16] : memref<1x128xf32, #tpu.memory_space<vmem>>, vector<1x128xf32>
      %get3A_18 = arith.constant 0 : index
      %get3A_19 = arith.constant 0 : index
      %get3A_20 = vector.load %arg7[%get3A_18, %get3A_19] : memref<128x128xbf16, #tpu.memory_space<vmem>>, vector<128x128xbf16>
      %broadcast_in_dim3A = vector.shape_cast %get3A_14 : vector<1x128xf32> to vector<1x128xf32>
      %broadcast_in_dim3A_21 = vector.broadcast %broadcast_in_dim3A : vector<1x128xf32> to vector<6272x128xf32>
      %get3A_22 = arith.constant 0 : index
      %get3A_23 = arith.constant 0 : index
      %get3A_24 = vector.load %arg8[%get3A_22, %get3A_23] : memref<128x128xbf16, #tpu.memory_space<vmem>>, vector<128x128xbf16>
      %get3A_25 = arith.constant 0 : index
      %get3A_26 = arith.constant 0 : index
      %get3A_27 = vector.load %arg10[%get3A_25, %get3A_26] : memref<128x128xbf16, #tpu.memory_space<vmem>>, vector<128x128xbf16>
      %get3A_28 = arith.constant 0 : index
      %get3A_29 = arith.constant 0 : index
      %get3A_30 = vector.load %arg9[%get3A_28, %get3A_29] : memref<1x128xf32, #tpu.memory_space<vmem>>, vector<1x128xf32>
      %get3A_31 = arith.constant 0 : index
      %get3A_32 = arith.constant 0 : index
      %get3A_33 = vector.load %arg11[%get3A_31, %get3A_32] : memref<1x128xf32, #tpu.memory_space<vmem>>, vector<1x128xf32>
      %convert_element_type3A_34 = arith.truncf %max3A : vector<6272x128xf32> to vector<6272x128xbf16>
      %dot_general3A = arith.constant dense<0.000000e+00> : vector<6272x128xf32>
      %dot_general3A_35 = tpu.matmul %convert_element_type3A_34, %get3A_20, %dot_general3A {dimension_numbers = #tpu.dot_dimension_numbers<[1], [0], [0], [1], [0, 0, 1, 1], [], []>, transpose_lhs_hint = false} : vector<6272x128xbf16>, vector<128x128xbf16>, vector<6272x128xf32> -> vector<6272x128xf32>
      %broadcast_in_dim3A_36 = vector.shape_cast %get3A_14 : vector<1x128xf32> to vector<1x128xf32>
      %broadcast_in_dim3A_37 = vector.broadcast %broadcast_in_dim3A_36 : vector<1x128xf32> to vector<1576x128xf32>
      %slice3A = vector.extract_strided_slice %dot_general3A_35 {offsets = [4680, 0], sizes = [1576, 128], strides = [1, 1]} : vector<6272x128xf32> to vector<1576x128xf32>
      %convert_element_type3A_38 = arith.truncf %broadcast_in_dim3A_37 : vector<1576x128xf32> to vector<1576x128xbf16>
      %dot_general3A_39 = arith.constant dense<0.000000e+00> : vector<1576x128xf32>
      %dot_general3A_40 = tpu.matmul %convert_element_type3A_38, %get3A_24, %dot_general3A_39 {dimension_numbers = #tpu.dot_dimension_numbers<[1], [0], [0], [1], [0, 0, 1, 1], [], []>, transpose_lhs_hint = false} : vector<1576x128xbf16>, vector<128x128xbf16>, vector<1576x128xf32> -> vector<1576x128xf32>
      %add3A = arith.addf %slice3A, %dot_general3A_40 : vector<1576x128xf32>
      %add3A_41 = vector.broadcast %get3A_30 : vector<1x128xf32> to vector<1576x128xf32>
      %add3A_42 = arith.addf %add3A, %add3A_41 : vector<1576x128xf32>
      %max3A_43 = arith.constant 0.000000e+00 : f32
      %max3A_44 = vector.broadcast %max3A_43 : f32 to vector<1576x128xf32>
      %max3A_45 = arith.maximumf %add3A_42, %max3A_44 : vector<1576x128xf32>
      %convert_element_type3A_46 = arith.truncf %max3A_45 : vector<1576x128xf32> to vector<1576x128xbf16>
      %dot_general3A_47 = arith.constant dense<0.000000e+00> : vector<1576x128xf32>
      %dot_general3A_48 = tpu.matmul %convert_element_type3A_46, %get3A_27, %dot_general3A_47 {dimension_numbers = #tpu.dot_dimension_numbers<[1], [0], [0], [1], [0, 0, 1, 1], [], []>, transpose_lhs_hint = false} : vector<1576x128xbf16>, vector<128x128xbf16>, vector<1576x128xf32> -> vector<1576x128xf32>
      %add3A_49 = vector.broadcast %get3A_33 : vector<1x128xf32> to vector<1576x128xf32>
      %add3A_50 = arith.addf %dot_general3A_48, %add3A_49 : vector<1576x128xf32>
      %iota3A = tpu.iota {dimensions = array<i32: 0>} : vector<1576x128xi32>
      %add3A_51 = arith.constant 4680 : i32
      %add3A_52 = vector.broadcast %add3A_51 : i32 to vector<1576x128xi32>
      %add3A_53 = arith.addi %add3A_52, %iota3A : vector<1576x128xi32>
      %ge3A = arith.constant 4681 : i32
      %ge3A_54 = vector.broadcast %ge3A : i32 to vector<1576x128xi32>
      %ge3A_55 = arith.cmpi sge, %add3A_53, %ge3A_54 : vector<1576x128xi32>
      %lt3A = arith.constant 6250 : i32
      %lt3A_56 = vector.broadcast %lt3A : i32 to vector<1576x128xi32>
      %lt3A_57 = arith.cmpi slt, %add3A_53, %lt3A_56 : vector<1576x128xi32>
      %and3A = arith.andi %ge3A_55, %lt3A_57 : vector<1576x128xi1>
      %slice3A_58 = vector.extract_strided_slice %broadcast_in_dim3A_21 {offsets = [4680, 0], sizes = [1576, 128], strides = [1, 1]} : vector<6272x128xf32> to vector<1576x128xf32>
      %select_n3A = arith.select %and3A, %add3A_50, %slice3A_58 : vector<1576x128xi1>, vector<1576x128xf32>
      %slice3A_59 = vector.extract_strided_slice %broadcast_in_dim3A_21 {offsets = [0, 0], sizes = [4680, 128], strides = [1, 1]} : vector<6272x128xf32> to vector<4680x128xf32>
      %slice3A_60 = vector.extract_strided_slice %broadcast_in_dim3A_21 {offsets = [6256, 0], sizes = [16, 128], strides = [1, 1]} : vector<6272x128xf32> to vector<16x128xf32>
      %concatenate3A = tpu.concatenate %slice3A_59, %select_n3A, %slice3A_60 in 0 : vector<4680x128xf32>, vector<1576x128xf32>, vector<16x128xf32> -> vector<6272x128xf32>
      %slice3A_61 = vector.extract_strided_slice %concatenate3A {offsets = [4672, 0], sizes = [1600, 128], strides = [1, 1]} : vector<6272x128xf32> to vector<1600x128xf32>
      %reshape3A = vector.shape_cast %slice3A_61 : vector<1600x128xf32> to vector<200x8x128xf32>
      %slice3A_62 = vector.extract_strided_slice %reshape3A {offsets = [0, 1, 0], sizes = [200, 7, 128], strides = [1, 1, 1]} : vector<200x8x128xf32> to vector<200x7x128xf32>
      %reduce_max3A = arith.constant dense<0xFF800000> : vector<200x128xf32>
      %reduce_max3A_63 = vector.multi_reduction <maximumf>, %slice3A_62, %reduce_max3A [1] : vector<200x7x128xf32> to vector<200x128xf32>
      %slice3A_64 = vector.extract_strided_slice %reshape3A {offsets = [1, 0, 0], sizes = [199, 1, 128], strides = [1, 1, 1]} : vector<200x8x128xf32> to vector<199x1x128xf32>
      %squeeze3A = vector.shape_cast %slice3A_64 : vector<199x1x128xf32> to vector<199x128xf32>
      %concatenate3A_65 = tpu.concatenate %squeeze3A, %get3A_14 in 0 : vector<199x128xf32>, vector<1x128xf32> -> vector<200x128xf32>
      %max3A_66 = arith.maximumf %reduce_max3A_63, %concatenate3A_65 : vector<200x128xf32>
      %broadcast_in_dim3A_67 = vector.shape_cast %get3A_14 : vector<1x128xf32> to vector<1x128xf32>
      %broadcast_in_dim3A_68 = vector.broadcast %broadcast_in_dim3A_67 : vector<1x128xf32> to vector<3904x128xf32>
      %concatenate3A_69 = tpu.concatenate %max3A_66, %broadcast_in_dim3A_68 in 0 : vector<200x128xf32>, vector<3904x128xf32> -> vector<4104x128xf32>
      %slice3A_70 = vector.extract_strided_slice %dot_general3A_35 {offsets = [584, 0], sizes = [4104, 128], strides = [1, 1]} : vector<6272x128xf32> to vector<4104x128xf32>
      %convert_element_type3A_71 = arith.truncf %concatenate3A_69 : vector<4104x128xf32> to vector<4104x128xbf16>
      %dot_general3A_72 = arith.constant dense<0.000000e+00> : vector<4104x128xf32>
      %dot_general3A_73 = tpu.matmul %convert_element_type3A_71, %get3A_24, %dot_general3A_72 {dimension_numbers = #tpu.dot_dimension_numbers<[1], [0], [0], [1], [0, 0, 1, 1], [], []>, transpose_lhs_hint = false} : vector<4104x128xbf16>, vector<128x128xbf16>, vector<4104x128xf32> -> vector<4104x128xf32>
      %add3A_74 = arith.addf %slice3A_70, %dot_general3A_73 : vector<4104x128xf32>
      %add3A_75 = vector.broadcast %get3A_30 : vector<1x128xf32> to vector<4104x128xf32>
      %add3A_76 = arith.addf %add3A_74, %add3A_75 : vector<4104x128xf32>
      %max3A_77 = arith.constant 0.000000e+00 : f32
      %max3A_78 = vector.broadcast %max3A_77 : f32 to vector<4104x128xf32>
      %max3A_79 = arith.maximumf %add3A_76, %max3A_78 : vector<4104x128xf32>
      %convert_element_type3A_80 = arith.truncf %max3A_79 : vector<4104x128xf32> to vector<4104x128xbf16>
      %dot_general3A_81 = arith.constant dense<0.000000e+00> : vector<4104x128xf32>
      %dot_general3A_82 = tpu.matmul %convert_element_type3A_80, %get3A_27, %dot_general3A_81 {dimension_numbers = #tpu.dot_dimension_numbers<[1], [0], [0], [1], [0, 0, 1, 1], [], []>, transpose_lhs_hint = false} : vector<4104x128xbf16>, vector<128x128xbf16>, vector<4104x128xf32> -> vector<4104x128xf32>
      %add3A_83 = vector.broadcast %get3A_33 : vector<1x128xf32> to vector<4104x128xf32>
      %add3A_84 = arith.addf %dot_general3A_82, %add3A_83 : vector<4104x128xf32>
      %iota3A_85 = tpu.iota {dimensions = array<i32: 0>} : vector<4104x128xi32>
      %add3A_86 = arith.constant 584 : i32
      %add3A_87 = vector.broadcast %add3A_86 : i32 to vector<4104x128xi32>
      %add3A_88 = arith.addi %add3A_87, %iota3A_85 : vector<4104x128xi32>
      %ge3A_89 = arith.constant 585 : i32
      %ge3A_90 = vector.broadcast %ge3A_89 : i32 to vector<4104x128xi32>
      %ge3A_91 = arith.cmpi sge, %add3A_88, %ge3A_90 : vector<4104x128xi32>
      %lt3A_92 = arith.constant 4681 : i32
      %lt3A_93 = vector.broadcast %lt3A_92 : i32 to vector<4104x128xi32>
      %lt3A_94 = arith.cmpi slt, %add3A_88, %lt3A_93 : vector<4104x128xi32>
      %and3A_95 = arith.andi %ge3A_91, %lt3A_94 : vector<4104x128xi1>
      %slice3A_96 = vector.extract_strided_slice %concatenate3A {offsets = [584, 0], sizes = [4104, 128], strides = [1, 1]} : vector<6272x128xf32> to vector<4104x128xf32>
      %select_n3A_97 = arith.select %and3A_95, %add3A_84, %slice3A_96 : vector<4104x128xi1>, vector<4104x128xf32>
      %slice3A_98 = vector.extract_strided_slice %concatenate3A {offsets = [0, 0], sizes = [584, 128], strides = [1, 1]} : vector<6272x128xf32> to vector<584x128xf32>
      %slice3A_99 = vector.extract_strided_slice %concatenate3A {offsets = [4688, 0], sizes = [1584, 128], strides = [1, 1]} : vector<6272x128xf32> to vector<1584x128xf32>
      %concatenate3A_100 = tpu.concatenate %slice3A_98, %select_n3A_97, %slice3A_99 in 0 : vector<584x128xf32>, vector<4104x128xf32>, vector<1584x128xf32> -> vector<6272x128xf32>
      %slice3A_101 = vector.extract_strided_slice %concatenate3A_100 {offsets = [576, 0], sizes = [4168, 128], strides = [1, 1]} : vector<6272x128xf32> to vector<4168x128xf32>
      %reshape3A_102 = vector.shape_cast %slice3A_101 : vector<4168x128xf32> to vector<521x8x128xf32>
      %slice3A_103 = vector.extract_strided_slice %reshape3A_102 {offsets = [0, 1, 0], sizes = [520, 7, 128], strides = [1, 1, 1]} : vector<521x8x128xf32> to vector<520x7x128xf32>
      %reduce_max3A_104 = arith.constant dense<0xFF800000> : vector<520x128xf32>
      %reduce_max3A_105 = vector.multi_reduction <maximumf>, %slice3A_103, %reduce_max3A_104 [1] : vector<520x7x128xf32> to vector<520x128xf32>
      %slice3A_106 = vector.extract_strided_slice %reshape3A_102 {offsets = [1, 0, 0], sizes = [520, 1, 128], strides = [1, 1, 1]} : vector<521x8x128xf32> to vector<520x1x128xf32>
      %squeeze3A_107 = vector.shape_cast %slice3A_106 : vector<520x1x128xf32> to vector<520x128xf32>
      %max3A_108 = arith.maximumf %reduce_max3A_105, %squeeze3A_107 : vector<520x128xf32>
      %slice3A_109 = vector.extract_strided_slice %dot_general3A_35 {offsets = [72, 0], sizes = [520, 128], strides = [1, 1]} : vector<6272x128xf32> to vector<520x128xf32>
      %convert_element_type3A_110 = arith.truncf %max3A_108 : vector<520x128xf32> to vector<520x128xbf16>
      %dot_general3A_111 = arith.constant dense<0.000000e+00> : vector<520x128xf32>
      %dot_general3A_112 = tpu.matmul %convert_element_type3A_110, %get3A_24, %dot_general3A_111 {dimension_numbers = #tpu.dot_dimension_numbers<[1], [0], [0], [1], [0, 0, 1, 1], [], []>, transpose_lhs_hint = false} : vector<520x128xbf16>, vector<128x128xbf16>, vector<520x128xf32> -> vector<520x128xf32>
      %add3A_113 = arith.addf %slice3A_109, %dot_general3A_112 : vector<520x128xf32>
      %add3A_114 = vector.broadcast %get3A_30 : vector<1x128xf32> to vector<520x128xf32>
      %add3A_115 = arith.addf %add3A_113, %add3A_114 : vector<520x128xf32>
      %max3A_116 = arith.constant 0.000000e+00 : f32
      %max3A_117 = vector.broadcast %max3A_116 : f32 to vector<520x128xf32>
      %max3A_118 = arith.maximumf %add3A_115, %max3A_117 : vector<520x128xf32>
      %convert_element_type3A_119 = arith.truncf %max3A_118 : vector<520x128xf32> to vector<520x128xbf16>
      %dot_general3A_120 = arith.constant dense<0.000000e+00> : vector<520x128xf32>
      %dot_general3A_121 = tpu.matmul %convert_element_type3A_119, %get3A_27, %dot_general3A_120 {dimension_numbers = #tpu.dot_dimension_numbers<[1], [0], [0], [1], [0, 0, 1, 1], [], []>, transpose_lhs_hint = false} : vector<520x128xbf16>, vector<128x128xbf16>, vector<520x128xf32> -> vector<520x128xf32>
      %add3A_122 = vector.broadcast %get3A_33 : vector<1x128xf32> to vector<520x128xf32>
      %add3A_123 = arith.addf %dot_general3A_121, %add3A_122 : vector<520x128xf32>
      %iota3A_124 = tpu.iota {dimensions = array<i32: 0>} : vector<520x128xi32>
      %add3A_125 = arith.constant 72 : i32
      %add3A_126 = vector.broadcast %add3A_125 : i32 to vector<520x128xi32>
      %add3A_127 = arith.addi %add3A_126, %iota3A_124 : vector<520x128xi32>
      %ge3A_128 = arith.constant 73 : i32
      %ge3A_129 = vector.broadcast %ge3A_128 : i32 to vector<520x128xi32>
      %ge3A_130 = arith.cmpi sge, %add3A_127, %ge3A_129 : vector<520x128xi32>
      %lt3A_131 = arith.constant 585 : i32
      %lt3A_132 = vector.broadcast %lt3A_131 : i32 to vector<520x128xi32>
      %lt3A_133 = arith.cmpi slt, %add3A_127, %lt3A_132 : vector<520x128xi32>
      %and3A_134 = arith.andi %ge3A_130, %lt3A_133 : vector<520x128xi1>
      %slice3A_135 = vector.extract_strided_slice %concatenate3A_100 {offsets = [72, 0], sizes = [520, 128], strides = [1, 1]} : vector<6272x128xf32> to vector<520x128xf32>
      %select_n3A_136 = arith.select %and3A_134, %add3A_123, %slice3A_135 : vector<520x128xi1>, vector<520x128xf32>
      %slice3A_137 = vector.extract_strided_slice %concatenate3A_100 {offsets = [0, 0], sizes = [72, 128], strides = [1, 1]} : vector<6272x128xf32> to vector<72x128xf32>
      %slice3A_138 = vector.extract_strided_slice %concatenate3A_100 {offsets = [592, 0], sizes = [5680, 128], strides = [1, 1]} : vector<6272x128xf32> to vector<5680x128xf32>
      %concatenate3A_139 = tpu.concatenate %slice3A_137, %select_n3A_136, %slice3A_138 in 0 : vector<72x128xf32>, vector<520x128xf32>, vector<5680x128xf32> -> vector<6272x128xf32>
      %slice3A_140 = vector.extract_strided_slice %concatenate3A_139 {offsets = [64, 0], sizes = [584, 128], strides = [1, 1]} : vector<6272x128xf32> to vector<584x128xf32>
      %reshape3A_141 = vector.shape_cast %slice3A_140 : vector<584x128xf32> to vector<73x8x128xf32>
      %slice3A_142 = vector.extract_strided_slice %reshape3A_141 {offsets = [0, 1, 0], sizes = [72, 7, 128], strides = [1, 1, 1]} : vector<73x8x128xf32> to vector<72x7x128xf32>
      %reduce_max3A_143 = arith.constant dense<0xFF800000> : vector<72x128xf32>
      %reduce_max3A_144 = vector.multi_reduction <maximumf>, %slice3A_142, %reduce_max3A_143 [1] : vector<72x7x128xf32> to vector<72x128xf32>
      %slice3A_145 = vector.extract_strided_slice %reshape3A_141 {offsets = [1, 0, 0], sizes = [72, 1, 128], strides = [1, 1, 1]} : vector<73x8x128xf32> to vector<72x1x128xf32>
      %squeeze3A_146 = vector.shape_cast %slice3A_145 : vector<72x1x128xf32> to vector<72x128xf32>
      %max3A_147 = arith.maximumf %reduce_max3A_144, %squeeze3A_146 : vector<72x128xf32>
      %slice3A_148 = vector.extract_strided_slice %dot_general3A_35 {offsets = [8, 0], sizes = [72, 128], strides = [1, 1]} : vector<6272x128xf32> to vector<72x128xf32>
      %convert_element_type3A_149 = arith.truncf %max3A_147 : vector<72x128xf32> to vector<72x128xbf16>
      %dot_general3A_150 = arith.constant dense<0.000000e+00> : vector<72x128xf32>
      %dot_general3A_151 = tpu.matmul %convert_element_type3A_149, %get3A_24, %dot_general3A_150 {dimension_numbers = #tpu.dot_dimension_numbers<[1], [0], [0], [1], [0, 0, 1, 1], [], []>, transpose_lhs_hint = false} : vector<72x128xbf16>, vector<128x128xbf16>, vector<72x128xf32> -> vector<72x128xf32>
      %add3A_152 = arith.addf %slice3A_148, %dot_general3A_151 : vector<72x128xf32>
      %add3A_153 = vector.broadcast %get3A_30 : vector<1x128xf32> to vector<72x128xf32>
      %add3A_154 = arith.addf %add3A_152, %add3A_153 : vector<72x128xf32>
      %max3A_155 = arith.constant 0.000000e+00 : f32
      %max3A_156 = vector.broadcast %max3A_155 : f32 to vector<72x128xf32>
      %max3A_157 = arith.maximumf %add3A_154, %max3A_156 : vector<72x128xf32>
      %convert_element_type3A_158 = arith.truncf %max3A_157 : vector<72x128xf32> to vector<72x128xbf16>
      %dot_general3A_159 = arith.constant dense<0.000000e+00> : vector<72x128xf32>
      %dot_general3A_160 = tpu.matmul %convert_element_type3A_158, %get3A_27, %dot_general3A_159 {dimension_numbers = #tpu.dot_dimension_numbers<[1], [0], [0], [1], [0, 0, 1, 1], [], []>, transpose_lhs_hint = false} : vector<72x128xbf16>, vector<128x128xbf16>, vector<72x128xf32> -> vector<72x128xf32>
      %add3A_161 = vector.broadcast %get3A_33 : vector<1x128xf32> to vector<72x128xf32>
      %add3A_162 = arith.addf %dot_general3A_160, %add3A_161 : vector<72x128xf32>
      %iota3A_163 = tpu.iota {dimensions = array<i32: 0>} : vector<72x128xi32>
      %add3A_164 = arith.constant 8 : i32
      %add3A_165 = vector.broadcast %add3A_164 : i32 to vector<72x128xi32>
      %add3A_166 = arith.addi %add3A_165, %iota3A_163 : vector<72x128xi32>
      %ge3A_167 = arith.constant 9 : i32
      %ge3A_168 = vector.broadcast %ge3A_167 : i32 to vector<72x128xi32>
      %ge3A_169 = arith.cmpi sge, %add3A_166, %ge3A_168 : vector<72x128xi32>
      %lt3A_170 = arith.constant 73 : i32
      %lt3A_171 = vector.broadcast %lt3A_170 : i32 to vector<72x128xi32>
      %lt3A_172 = arith.cmpi slt, %add3A_166, %lt3A_171 : vector<72x128xi32>
      %and3A_173 = arith.andi %ge3A_169, %lt3A_172 : vector<72x128xi1>
      %slice3A_174 = vector.extract_strided_slice %concatenate3A_139 {offsets = [8, 0], sizes = [72, 128], strides = [1, 1]} : vector<6272x128xf32> to vector<72x128xf32>
      %select_n3A_175 = arith.select %and3A_173, %add3A_162, %slice3A_174 : vector<72x128xi1>, vector<72x128xf32>
      %slice3A_176 = vector.extract_strided_slice %concatenate3A_139 {offsets = [0, 0], sizes = [8, 128], strides = [1, 1]} : vector<6272x128xf32> to vector<8x128xf32>
      %slice3A_177 = vector.extract_strided_slice %concatenate3A_139 {offsets = [80, 0], sizes = [6192, 128], strides = [1, 1]} : vector<6272x128xf32> to vector<6192x128xf32>
      %concatenate3A_178 = tpu.concatenate %slice3A_176, %select_n3A_175, %slice3A_177 in 0 : vector<8x128xf32>, vector<72x128xf32>, vector<6192x128xf32> -> vector<6272x128xf32>
      %slice3A_179 = vector.extract_strided_slice %concatenate3A_178 {offsets = [0, 0], sizes = [136, 128], strides = [1, 1]} : vector<6272x128xf32> to vector<136x128xf32>
      %reshape3A_180 = vector.shape_cast %slice3A_179 : vector<136x128xf32> to vector<17x8x128xf32>
      %slice3A_181 = vector.extract_strided_slice %reshape3A_180 {offsets = [0, 1, 0], sizes = [16, 7, 128], strides = [1, 1, 1]} : vector<17x8x128xf32> to vector<16x7x128xf32>
      %reduce_max3A_182 = arith.constant dense<0xFF800000> : vector<16x128xf32>
      %reduce_max3A_183 = vector.multi_reduction <maximumf>, %slice3A_181, %reduce_max3A_182 [1] : vector<16x7x128xf32> to vector<16x128xf32>
      %slice3A_184 = vector.extract_strided_slice %reshape3A_180 {offsets = [1, 0, 0], sizes = [16, 1, 128], strides = [1, 1, 1]} : vector<17x8x128xf32> to vector<16x1x128xf32>
      %squeeze3A_185 = vector.shape_cast %slice3A_184 : vector<16x1x128xf32> to vector<16x128xf32>
      %max3A_186 = arith.maximumf %reduce_max3A_183, %squeeze3A_185 : vector<16x128xf32>
      %slice3A_187 = vector.extract_strided_slice %dot_general3A_35 {offsets = [0, 0], sizes = [16, 128], strides = [1, 1]} : vector<6272x128xf32> to vector<16x128xf32>
      %convert_element_type3A_188 = arith.truncf %max3A_186 : vector<16x128xf32> to vector<16x128xbf16>
      %dot_general3A_189 = arith.constant dense<0.000000e+00> : vector<16x128xf32>
      %dot_general3A_190 = tpu.matmul %convert_element_type3A_188, %get3A_24, %dot_general3A_189 {dimension_numbers = #tpu.dot_dimension_numbers<[1], [0], [0], [1], [0, 0, 1, 1], [], []>, transpose_lhs_hint = false} : vector<16x128xbf16>, vector<128x128xbf16>, vector<16x128xf32> -> vector<16x128xf32>
      %add3A_191 = arith.addf %slice3A_187, %dot_general3A_190 : vector<16x128xf32>
      %add3A_192 = vector.broadcast %get3A_30 : vector<1x128xf32> to vector<16x128xf32>
      %add3A_193 = arith.addf %add3A_191, %add3A_192 : vector<16x128xf32>
      %max3A_194 = arith.constant 0.000000e+00 : f32
      %max3A_195 = vector.broadcast %max3A_194 : f32 to vector<16x128xf32>
      %max3A_196 = arith.maximumf %add3A_193, %max3A_195 : vector<16x128xf32>
      %convert_element_type3A_197 = arith.truncf %max3A_196 : vector<16x128xf32> to vector<16x128xbf16>
      %dot_general3A_198 = arith.constant dense<0.000000e+00> : vector<16x128xf32>
      %dot_general3A_199 = tpu.matmul %convert_element_type3A_197, %get3A_27, %dot_general3A_198 {dimension_numbers = #tpu.dot_dimension_numbers<[1], [0], [0], [1], [0, 0, 1, 1], [], []>, transpose_lhs_hint = false} : vector<16x128xbf16>, vector<128x128xbf16>, vector<16x128xf32> -> vector<16x128xf32>
      %add3A_200 = vector.broadcast %get3A_33 : vector<1x128xf32> to vector<16x128xf32>
      %add3A_201 = arith.addf %dot_general3A_199, %add3A_200 : vector<16x128xf32>
      %iota3A_202 = tpu.iota {dimensions = array<i32: 0>} : vector<16x128xi32>
      %add3A_203 = arith.constant 0 : i32
      %add3A_204 = vector.broadcast %add3A_203 : i32 to vector<16x128xi32>
      %add3A_205 = arith.addi %add3A_204, %iota3A_202 : vector<16x128xi32>
      %ge3A_206 = arith.constant 1 : i32
      %ge3A_207 = vector.broadcast %ge3A_206 : i32 to vector<16x128xi32>
      %ge3A_208 = arith.cmpi sge, %add3A_205, %ge3A_207 : vector<16x128xi32>
      %lt3A_209 = arith.constant 9 : i32
      %lt3A_210 = vector.broadcast %lt3A_209 : i32 to vector<16x128xi32>
      %lt3A_211 = arith.cmpi slt, %add3A_205, %lt3A_210 : vector<16x128xi32>
      %and3A_212 = arith.andi %ge3A_208, %lt3A_211 : vector<16x128xi1>
      %slice3A_213 = vector.extract_strided_slice %concatenate3A_178 {offsets = [0, 0], sizes = [16, 128], strides = [1, 1]} : vector<6272x128xf32> to vector<16x128xf32>
      %select_n3A_214 = arith.select %and3A_212, %add3A_201, %slice3A_213 : vector<16x128xi1>, vector<16x128xf32>
      %slice3A_215 = vector.extract_strided_slice %concatenate3A_178 {offsets = [16, 0], sizes = [6256, 128], strides = [1, 1]} : vector<6272x128xf32> to vector<6256x128xf32>
      %concatenate3A_216 = tpu.concatenate %select_n3A_214, %slice3A_215 in 0 : vector<16x128xf32>, vector<6256x128xf32> -> vector<6272x128xf32>
      %slice3A_217 = vector.extract_strided_slice %concatenate3A_216 {offsets = [0, 0], sizes = [72, 128], strides = [1, 1]} : vector<6272x128xf32> to vector<72x128xf32>
      %reshape3A_218 = vector.shape_cast %slice3A_217 : vector<72x128xf32> to vector<9x8x128xf32>
      %slice3A_219 = vector.extract_strided_slice %reshape3A_218 {offsets = [0, 1, 0], sizes = [8, 7, 128], strides = [1, 1, 1]} : vector<9x8x128xf32> to vector<8x7x128xf32>
      %reduce_max3A_220 = arith.constant dense<0xFF800000> : vector<8x128xf32>
      %reduce_max3A_221 = vector.multi_reduction <maximumf>, %slice3A_219, %reduce_max3A_220 [1] : vector<8x7x128xf32> to vector<8x128xf32>
      %slice3A_222 = vector.extract_strided_slice %reshape3A_218 {offsets = [1, 0, 0], sizes = [8, 1, 128], strides = [1, 1, 1]} : vector<9x8x128xf32> to vector<8x1x128xf32>
      %squeeze3A_223 = vector.shape_cast %slice3A_222 : vector<8x1x128xf32> to vector<8x128xf32>
      %max3A_224 = arith.maximumf %reduce_max3A_221, %squeeze3A_223 : vector<8x128xf32>
      %slice3A_225 = vector.extract_strided_slice %dot_general3A_35 {offsets = [0, 0], sizes = [8, 128], strides = [1, 1]} : vector<6272x128xf32> to vector<8x128xf32>
      %convert_element_type3A_226 = arith.truncf %max3A_224 : vector<8x128xf32> to vector<8x128xbf16>
      %dot_general3A_227 = arith.constant dense<0.000000e+00> : vector<8x128xf32>
      %dot_general3A_228 = tpu.matmul %convert_element_type3A_226, %get3A_24, %dot_general3A_227 {dimension_numbers = #tpu.dot_dimension_numbers<[1], [0], [0], [1], [0, 0, 1, 1], [], []>, transpose_lhs_hint = false} : vector<8x128xbf16>, vector<128x128xbf16>, vector<8x128xf32> -> vector<8x128xf32>
      %add3A_229 = arith.addf %slice3A_225, %dot_general3A_228 : vector<8x128xf32>
      %add3A_230 = vector.broadcast %get3A_30 : vector<1x128xf32> to vector<8x128xf32>
      %add3A_231 = arith.addf %add3A_229, %add3A_230 : vector<8x128xf32>
      %max3A_232 = arith.constant 0.000000e+00 : f32
      %max3A_233 = vector.broadcast %max3A_232 : f32 to vector<8x128xf32>
      %max3A_234 = arith.maximumf %add3A_231, %max3A_233 : vector<8x128xf32>
      %convert_element_type3A_235 = arith.truncf %max3A_234 : vector<8x128xf32> to vector<8x128xbf16>
      %dot_general3A_236 = arith.constant dense<0.000000e+00> : vector<8x128xf32>
      %dot_general3A_237 = tpu.matmul %convert_element_type3A_235, %get3A_27, %dot_general3A_236 {dimension_numbers = #tpu.dot_dimension_numbers<[1], [0], [0], [1], [0, 0, 1, 1], [], []>, transpose_lhs_hint = false} : vector<8x128xbf16>, vector<128x128xbf16>, vector<8x128xf32> -> vector<8x128xf32>
      %add3A_238 = vector.broadcast %get3A_33 : vector<1x128xf32> to vector<8x128xf32>
      %add3A_239 = arith.addf %dot_general3A_237, %add3A_238 : vector<8x128xf32>
      %iota3A_240 = tpu.iota {dimensions = array<i32: 0>} : vector<8x128xi32>
      %add3A_241 = arith.constant 0 : i32
      %add3A_242 = vector.broadcast %add3A_241 : i32 to vector<8x128xi32>
      %add3A_243 = arith.addi %add3A_242, %iota3A_240 : vector<8x128xi32>
      %ge3A_244 = arith.constant 0 : i32
      %ge3A_245 = vector.broadcast %ge3A_244 : i32 to vector<8x128xi32>
      %ge3A_246 = arith.cmpi sge, %add3A_243, %ge3A_245 : vector<8x128xi32>
      %lt3A_247 = arith.constant 1 : i32
      %lt3A_248 = vector.broadcast %lt3A_247 : i32 to vector<8x128xi32>
      %lt3A_249 = arith.cmpi slt, %add3A_243, %lt3A_248 : vector<8x128xi32>
      %and3A_250 = arith.andi %ge3A_246, %lt3A_249 : vector<8x128xi1>
      %slice3A_251 = vector.extract_strided_slice %concatenate3A_216 {offsets = [0, 0], sizes = [8, 128], strides = [1, 1]} : vector<6272x128xf32> to vector<8x128xf32>
      %select_n3A_252 = arith.select %and3A_250, %add3A_239, %slice3A_251 : vector<8x128xi1>, vector<8x128xf32>
      %slice3A_253 = vector.extract_strided_slice %concatenate3A_216 {offsets = [8, 0], sizes = [6264, 128], strides = [1, 1]} : vector<6272x128xf32> to vector<6264x128xf32>
      %concatenate3A_254 = tpu.concatenate %select_n3A_252, %slice3A_253 in 0 : vector<8x128xf32>, vector<6264x128xf32> -> vector<6272x128xf32>
      %convert_element_type3A_255 = arith.truncf %concatenate3A_254 : vector<6272x128xf32> to vector<6272x128xbf16>
      %dot_general3A_256 = arith.constant dense<0.000000e+00> : vector<6272x128xf32>
      %dot_general3A_257 = tpu.matmul %convert_element_type3A_255, %get3A_20, %dot_general3A_256 {dimension_numbers = #tpu.dot_dimension_numbers<[1], [0], [0], [1], [0, 0, 1, 1], [], []>, transpose_lhs_hint = false} : vector<6272x128xbf16>, vector<128x128xbf16>, vector<6272x128xf32> -> vector<6272x128xf32>
      %broadcast_in_dim3A_258 = vector.shape_cast %get3A_17 : vector<1x128xf32> to vector<1x128xf32>
      %broadcast_in_dim3A_259 = vector.broadcast %broadcast_in_dim3A_258 : vector<1x128xf32> to vector<6272x128xf32>
      %slice3A_260 = vector.extract_strided_slice %broadcast_in_dim3A_259 {offsets = [0, 0], sizes = [784, 128], strides = [1, 1]} : vector<6272x128xf32> to vector<784x128xf32>
      %roll3A = arith.constant 1 : i32
      %roll3A_261 = tpu.dynamic_rotate %slice3A_260 by %roll3A dim 0 : vector<784x128xf32>, i32 -> vector<784x128xf32>
      %slice3A_262 = vector.extract_strided_slice %roll3A_261 {offsets = [0, 0], sizes = [2, 128], strides = [1, 1]} : vector<784x128xf32> to vector<2x128xf32>
      %reshape3A_263 = vector.shape_cast %slice3A_262 : vector<2x128xf32> to vector<2x1x128xf32>
      %slice3A_264 = vector.extract_strided_slice %slice3A_260 {offsets = [0, 0], sizes = [2, 128], strides = [1, 1]} : vector<784x128xf32> to vector<2x128xf32>
      %reshape3A_265 = vector.shape_cast %slice3A_264 : vector<2x128xf32> to vector<2x1x128xf32>
      %broadcast_in_dim3A_266 = vector.shape_cast %reshape3A_265 : vector<2x1x128xf32> to vector<2x1x128xf32>
      %broadcast_in_dim3A_267 = vector.broadcast %broadcast_in_dim3A_266 : vector<2x1x128xf32> to vector<2x7x128xf32>
      %concatenate3A_268 = tpu.concatenate %reshape3A_263, %broadcast_in_dim3A_267 in 1 : vector<2x1x128xf32>, vector<2x7x128xf32> -> vector<2x8x128xf32>
      %reshape3A_269 = vector.shape_cast %concatenate3A_268 : vector<2x8x128xf32> to vector<16x128xf32>
      %slice3A_270 = vector.extract_strided_slice %dot_general3A_257 {offsets = [0, 0], sizes = [16, 128], strides = [1, 1]} : vector<6272x128xf32> to vector<16x128xf32>
      %convert_element_type3A_271 = arith.truncf %reshape3A_269 : vector<16x128xf32> to vector<16x128xbf16>
      %dot_general3A_272 = arith.constant dense<0.000000e+00> : vector<16x128xf32>
      %dot_general3A_273 = tpu.matmul %convert_element_type3A_271, %get3A_24, %dot_general3A_272 {dimension_numbers = #tpu.dot_dimension_numbers<[1], [0], [0], [1], [0, 0, 1, 1], [], []>, transpose_lhs_hint = false} : vector<16x128xbf16>, vector<128x128xbf16>, vector<16x128xf32> -> vector<16x128xf32>
      %add3A_274 = arith.addf %slice3A_270, %dot_general3A_273 : vector<16x128xf32>
      %add3A_275 = vector.broadcast %get3A_30 : vector<1x128xf32> to vector<16x128xf32>
      %add3A_276 = arith.addf %add3A_274, %add3A_275 : vector<16x128xf32>
      %max3A_277 = arith.constant 0.000000e+00 : f32
      %max3A_278 = vector.broadcast %max3A_277 : f32 to vector<16x128xf32>
      %max3A_279 = arith.maximumf %add3A_276, %max3A_278 : vector<16x128xf32>
      %convert_element_type3A_280 = arith.truncf %max3A_279 : vector<16x128xf32> to vector<16x128xbf16>
      %dot_general3A_281 = arith.constant dense<0.000000e+00> : vector<16x128xf32>
      %dot_general3A_282 = tpu.matmul %convert_element_type3A_280, %get3A_27, %dot_general3A_281 {dimension_numbers = #tpu.dot_dimension_numbers<[1], [0], [0], [1], [0, 0, 1, 1], [], []>, transpose_lhs_hint = false} : vector<16x128xbf16>, vector<128x128xbf16>, vector<16x128xf32> -> vector<16x128xf32>
      %add3A_283 = vector.broadcast %get3A_33 : vector<1x128xf32> to vector<16x128xf32>
      %add3A_284 = arith.addf %dot_general3A_282, %add3A_283 : vector<16x128xf32>
      %iota3A_285 = tpu.iota {dimensions = array<i32: 0>} : vector<16x128xi32>
      %add3A_286 = arith.constant 0 : i32
      %add3A_287 = vector.broadcast %add3A_286 : i32 to vector<16x128xi32>
      %add3A_288 = arith.addi %add3A_287, %iota3A_285 : vector<16x128xi32>
      %ge3A_289 = arith.constant 1 : i32
      %ge3A_290 = vector.broadcast %ge3A_289 : i32 to vector<16x128xi32>
      %ge3A_291 = arith.cmpi sge, %add3A_288, %ge3A_290 : vector<16x128xi32>
      %lt3A_292 = arith.constant 9 : i32
      %lt3A_293 = vector.broadcast %lt3A_292 : i32 to vector<16x128xi32>
      %lt3A_294 = arith.cmpi slt, %add3A_288, %lt3A_293 : vector<16x128xi32>
      %and3A_295 = arith.andi %ge3A_291, %lt3A_294 : vector<16x128xi1>
      %slice3A_296 = vector.extract_strided_slice %broadcast_in_dim3A_259 {offsets = [0, 0], sizes = [16, 128], strides = [1, 1]} : vector<6272x128xf32> to vector<16x128xf32>
      %select_n3A_297 = arith.select %and3A_295, %add3A_284, %slice3A_296 : vector<16x128xi1>, vector<16x128xf32>
      %slice3A_298 = vector.extract_strided_slice %broadcast_in_dim3A_259 {offsets = [16, 0], sizes = [6256, 128], strides = [1, 1]} : vector<6272x128xf32> to vector<6256x128xf32>
      %concatenate3A_299 = tpu.concatenate %select_n3A_297, %slice3A_298 in 0 : vector<16x128xf32>, vector<6256x128xf32> -> vector<6272x128xf32>
      %slice3A_300 = vector.extract_strided_slice %concatenate3A_299 {offsets = [0, 0], sizes = [784, 128], strides = [1, 1]} : vector<6272x128xf32> to vector<784x128xf32>
      %roll3A_301 = arith.constant 1 : i32
      %roll3A_302 = tpu.dynamic_rotate %slice3A_300 by %roll3A_301 dim 0 : vector<784x128xf32>, i32 -> vector<784x128xf32>
      %slice3A_303 = vector.extract_strided_slice %roll3A_302 {offsets = [1, 0], sizes = [9, 128], strides = [1, 1]} : vector<784x128xf32> to vector<9x128xf32>
      %reshape3A_304 = vector.shape_cast %slice3A_303 : vector<9x128xf32> to vector<9x1x128xf32>
      %slice3A_305 = vector.extract_strided_slice %slice3A_300 {offsets = [1, 0], sizes = [9, 128], strides = [1, 1]} : vector<784x128xf32> to vector<9x128xf32>
      %reshape3A_306 = vector.shape_cast %slice3A_305 : vector<9x128xf32> to vector<9x1x128xf32>
      %broadcast_in_dim3A_307 = vector.shape_cast %reshape3A_306 : vector<9x1x128xf32> to vector<9x1x128xf32>
      %broadcast_in_dim3A_308 = vector.broadcast %broadcast_in_dim3A_307 : vector<9x1x128xf32> to vector<9x7x128xf32>
      %concatenate3A_309 = tpu.concatenate %reshape3A_304, %broadcast_in_dim3A_308 in 1 : vector<9x1x128xf32>, vector<9x7x128xf32> -> vector<9x8x128xf32>
      %reshape3A_310 = vector.shape_cast %concatenate3A_309 : vector<9x8x128xf32> to vector<72x128xf32>
      %slice3A_311 = vector.extract_strided_slice %dot_general3A_257 {offsets = [8, 0], sizes = [72, 128], strides = [1, 1]} : vector<6272x128xf32> to vector<72x128xf32>
      %convert_element_type3A_312 = arith.truncf %reshape3A_310 : vector<72x128xf32> to vector<72x128xbf16>
      %dot_general3A_313 = arith.constant dense<0.000000e+00> : vector<72x128xf32>
      %dot_general3A_314 = tpu.matmul %convert_element_type3A_312, %get3A_24, %dot_general3A_313 {dimension_numbers = #tpu.dot_dimension_numbers<[1], [0], [0], [1], [0, 0, 1, 1], [], []>, transpose_lhs_hint = false} : vector<72x128xbf16>, vector<128x128xbf16>, vector<72x128xf32> -> vector<72x128xf32>
      %add3A_315 = arith.addf %slice3A_311, %dot_general3A_314 : vector<72x128xf32>
      %add3A_316 = vector.broadcast %get3A_30 : vector<1x128xf32> to vector<72x128xf32>
      %add3A_317 = arith.addf %add3A_315, %add3A_316 : vector<72x128xf32>
      %max3A_318 = arith.constant 0.000000e+00 : f32
      %max3A_319 = vector.broadcast %max3A_318 : f32 to vector<72x128xf32>
      %max3A_320 = arith.maximumf %add3A_317, %max3A_319 : vector<72x128xf32>
      %convert_element_type3A_321 = arith.truncf %max3A_320 : vector<72x128xf32> to vector<72x128xbf16>
      %dot_general3A_322 = arith.constant dense<0.000000e+00> : vector<72x128xf32>
      %dot_general3A_323 = tpu.matmul %convert_element_type3A_321, %get3A_27, %dot_general3A_322 {dimension_numbers = #tpu.dot_dimension_numbers<[1], [0], [0], [1], [0, 0, 1, 1], [], []>, transpose_lhs_hint = false} : vector<72x128xbf16>, vector<128x128xbf16>, vector<72x128xf32> -> vector<72x128xf32>
      %add3A_324 = vector.broadcast %get3A_33 : vector<1x128xf32> to vector<72x128xf32>
      %add3A_325 = arith.addf %dot_general3A_323, %add3A_324 : vector<72x128xf32>
      %iota3A_326 = tpu.iota {dimensions = array<i32: 0>} : vector<72x128xi32>
      %add3A_327 = arith.constant 8 : i32
      %add3A_328 = vector.broadcast %add3A_327 : i32 to vector<72x128xi32>
      %add3A_329 = arith.addi %add3A_328, %iota3A_326 : vector<72x128xi32>
      %ge3A_330 = arith.constant 9 : i32
      %ge3A_331 = vector.broadcast %ge3A_330 : i32 to vector<72x128xi32>
      %ge3A_332 = arith.cmpi sge, %add3A_329, %ge3A_331 : vector<72x128xi32>
      %lt3A_333 = arith.constant 73 : i32
      %lt3A_334 = vector.broadcast %lt3A_333 : i32 to vector<72x128xi32>
      %lt3A_335 = arith.cmpi slt, %add3A_329, %lt3A_334 : vector<72x128xi32>
      %and3A_336 = arith.andi %ge3A_332, %lt3A_335 : vector<72x128xi1>
      %slice3A_337 = vector.extract_strided_slice %concatenate3A_299 {offsets = [8, 0], sizes = [72, 128], strides = [1, 1]} : vector<6272x128xf32> to vector<72x128xf32>
      %select_n3A_338 = arith.select %and3A_336, %add3A_325, %slice3A_337 : vector<72x128xi1>, vector<72x128xf32>
      %slice3A_339 = vector.extract_strided_slice %concatenate3A_299 {offsets = [0, 0], sizes = [8, 128], strides = [1, 1]} : vector<6272x128xf32> to vector<8x128xf32>
      %slice3A_340 = vector.extract_strided_slice %concatenate3A_299 {offsets = [80, 0], sizes = [6192, 128], strides = [1, 1]} : vector<6272x128xf32> to vector<6192x128xf32>
      %concatenate3A_341 = tpu.concatenate %slice3A_339, %select_n3A_338, %slice3A_340 in 0 : vector<8x128xf32>, vector<72x128xf32>, vector<6192x128xf32> -> vector<6272x128xf32>
      %slice3A_342 = vector.extract_strided_slice %concatenate3A_341 {offsets = [0, 0], sizes = [784, 128], strides = [1, 1]} : vector<6272x128xf32> to vector<784x128xf32>
      %roll3A_343 = arith.constant 1 : i32
      %roll3A_344 = tpu.dynamic_rotate %slice3A_342 by %roll3A_343 dim 0 : vector<784x128xf32>, i32 -> vector<784x128xf32>
      %slice3A_345 = vector.extract_strided_slice %roll3A_344 {offsets = [9, 0], sizes = [65, 128], strides = [1, 1]} : vector<784x128xf32> to vector<65x128xf32>
      %reshape3A_346 = vector.shape_cast %slice3A_345 : vector<65x128xf32> to vector<65x1x128xf32>
      %slice3A_347 = vector.extract_strided_slice %slice3A_342 {offsets = [9, 0], sizes = [65, 128], strides = [1, 1]} : vector<784x128xf32> to vector<65x128xf32>
      %reshape3A_348 = vector.shape_cast %slice3A_347 : vector<65x128xf32> to vector<65x1x128xf32>
      %broadcast_in_dim3A_349 = vector.shape_cast %reshape3A_348 : vector<65x1x128xf32> to vector<65x1x128xf32>
      %broadcast_in_dim3A_350 = vector.broadcast %broadcast_in_dim3A_349 : vector<65x1x128xf32> to vector<65x7x128xf32>
      %concatenate3A_351 = tpu.concatenate %reshape3A_346, %broadcast_in_dim3A_350 in 1 : vector<65x1x128xf32>, vector<65x7x128xf32> -> vector<65x8x128xf32>
      %reshape3A_352 = vector.shape_cast %concatenate3A_351 : vector<65x8x128xf32> to vector<520x128xf32>
      %slice3A_353 = vector.extract_strided_slice %dot_general3A_257 {offsets = [72, 0], sizes = [520, 128], strides = [1, 1]} : vector<6272x128xf32> to vector<520x128xf32>
      %convert_element_type3A_354 = arith.truncf %reshape3A_352 : vector<520x128xf32> to vector<520x128xbf16>
      %dot_general3A_355 = arith.constant dense<0.000000e+00> : vector<520x128xf32>
      %dot_general3A_356 = tpu.matmul %convert_element_type3A_354, %get3A_24, %dot_general3A_355 {dimension_numbers = #tpu.dot_dimension_numbers<[1], [0], [0], [1], [0, 0, 1, 1], [], []>, transpose_lhs_hint = false} : vector<520x128xbf16>, vector<128x128xbf16>, vector<520x128xf32> -> vector<520x128xf32>
      %add3A_357 = arith.addf %slice3A_353, %dot_general3A_356 : vector<520x128xf32>
      %add3A_358 = vector.broadcast %get3A_30 : vector<1x128xf32> to vector<520x128xf32>
      %add3A_359 = arith.addf %add3A_357, %add3A_358 : vector<520x128xf32>
      %max3A_360 = arith.constant 0.000000e+00 : f32
      %max3A_361 = vector.broadcast %max3A_360 : f32 to vector<520x128xf32>
      %max3A_362 = arith.maximumf %add3A_359, %max3A_361 : vector<520x128xf32>
      %convert_element_type3A_363 = arith.truncf %max3A_362 : vector<520x128xf32> to vector<520x128xbf16>
      %dot_general3A_364 = arith.constant dense<0.000000e+00> : vector<520x128xf32>
      %dot_general3A_365 = tpu.matmul %convert_element_type3A_363, %get3A_27, %dot_general3A_364 {dimension_numbers = #tpu.dot_dimension_numbers<[1], [0], [0], [1], [0, 0, 1, 1], [], []>, transpose_lhs_hint = false} : vector<520x128xbf16>, vector<128x128xbf16>, vector<520x128xf32> -> vector<520x128xf32>
      %add3A_366 = vector.broadcast %get3A_33 : vector<1x128xf32> to vector<520x128xf32>
      %add3A_367 = arith.addf %dot_general3A_365, %add3A_366 : vector<520x128xf32>
      %iota3A_368 = tpu.iota {dimensions = array<i32: 0>} : vector<520x128xi32>
      %add3A_369 = arith.constant 72 : i32
      %add3A_370 = vector.broadcast %add3A_369 : i32 to vector<520x128xi32>
      %add3A_371 = arith.addi %add3A_370, %iota3A_368 : vector<520x128xi32>
      %ge3A_372 = arith.constant 73 : i32
      %ge3A_373 = vector.broadcast %ge3A_372 : i32 to vector<520x128xi32>
      %ge3A_374 = arith.cmpi sge, %add3A_371, %ge3A_373 : vector<520x128xi32>
      %lt3A_375 = arith.constant 585 : i32
      %lt3A_376 = vector.broadcast %lt3A_375 : i32 to vector<520x128xi32>
      %lt3A_377 = arith.cmpi slt, %add3A_371, %lt3A_376 : vector<520x128xi32>
      %and3A_378 = arith.andi %ge3A_374, %lt3A_377 : vector<520x128xi1>
      %slice3A_379 = vector.extract_strided_slice %concatenate3A_341 {offsets = [72, 0], sizes = [520, 128], strides = [1, 1]} : vector<6272x128xf32> to vector<520x128xf32>
      %select_n3A_380 = arith.select %and3A_378, %add3A_367, %slice3A_379 : vector<520x128xi1>, vector<520x128xf32>
      %slice3A_381 = vector.extract_strided_slice %concatenate3A_341 {offsets = [0, 0], sizes = [72, 128], strides = [1, 1]} : vector<6272x128xf32> to vector<72x128xf32>
      %slice3A_382 = vector.extract_strided_slice %concatenate3A_341 {offsets = [592, 0], sizes = [5680, 128], strides = [1, 1]} : vector<6272x128xf32> to vector<5680x128xf32>
      %concatenate3A_383 = tpu.concatenate %slice3A_381, %select_n3A_380, %slice3A_382 in 0 : vector<72x128xf32>, vector<520x128xf32>, vector<5680x128xf32> -> vector<6272x128xf32>
      %slice3A_384 = vector.extract_strided_slice %concatenate3A_383 {offsets = [0, 0], sizes = [784, 128], strides = [1, 1]} : vector<6272x128xf32> to vector<784x128xf32>
      %roll3A_385 = arith.constant 1 : i32
      %roll3A_386 = tpu.dynamic_rotate %slice3A_384 by %roll3A_385 dim 0 : vector<784x128xf32>, i32 -> vector<784x128xf32>
      %slice3A_387 = vector.extract_strided_slice %roll3A_386 {offsets = [73, 0], sizes = [513, 128], strides = [1, 1]} : vector<784x128xf32> to vector<513x128xf32>
      %reshape3A_388 = vector.shape_cast %slice3A_387 : vector<513x128xf32> to vector<513x1x128xf32>
      %slice3A_389 = vector.extract_strided_slice %slice3A_384 {offsets = [73, 0], sizes = [513, 128], strides = [1, 1]} : vector<784x128xf32> to vector<513x128xf32>
      %reshape3A_390 = vector.shape_cast %slice3A_389 : vector<513x128xf32> to vector<513x1x128xf32>
      %broadcast_in_dim3A_391 = vector.shape_cast %reshape3A_390 : vector<513x1x128xf32> to vector<513x1x128xf32>
      %broadcast_in_dim3A_392 = vector.broadcast %broadcast_in_dim3A_391 : vector<513x1x128xf32> to vector<513x7x128xf32>
      %concatenate3A_393 = tpu.concatenate %reshape3A_388, %broadcast_in_dim3A_392 in 1 : vector<513x1x128xf32>, vector<513x7x128xf32> -> vector<513x8x128xf32>
      %reshape3A_394 = vector.shape_cast %concatenate3A_393 : vector<513x8x128xf32> to vector<4104x128xf32>
      %slice3A_395 = vector.extract_strided_slice %dot_general3A_257 {offsets = [584, 0], sizes = [4104, 128], strides = [1, 1]} : vector<6272x128xf32> to vector<4104x128xf32>
      %convert_element_type3A_396 = arith.truncf %reshape3A_394 : vector<4104x128xf32> to vector<4104x128xbf16>
      %dot_general3A_397 = arith.constant dense<0.000000e+00> : vector<4104x128xf32>
      %dot_general3A_398 = tpu.matmul %convert_element_type3A_396, %get3A_24, %dot_general3A_397 {dimension_numbers = #tpu.dot_dimension_numbers<[1], [0], [0], [1], [0, 0, 1, 1], [], []>, transpose_lhs_hint = false} : vector<4104x128xbf16>, vector<128x128xbf16>, vector<4104x128xf32> -> vector<4104x128xf32>
      %add3A_399 = arith.addf %slice3A_395, %dot_general3A_398 : vector<4104x128xf32>
      %add3A_400 = vector.broadcast %get3A_30 : vector<1x128xf32> to vector<4104x128xf32>
      %add3A_401 = arith.addf %add3A_399, %add3A_400 : vector<4104x128xf32>
      %max3A_402 = arith.constant 0.000000e+00 : f32
      %max3A_403 = vector.broadcast %max3A_402 : f32 to vector<4104x128xf32>
      %max3A_404 = arith.maximumf %add3A_401, %max3A_403 : vector<4104x128xf32>
      %convert_element_type3A_405 = arith.truncf %max3A_404 : vector<4104x128xf32> to vector<4104x128xbf16>
      %dot_general3A_406 = arith.constant dense<0.000000e+00> : vector<4104x128xf32>
      %dot_general3A_407 = tpu.matmul %convert_element_type3A_405, %get3A_27, %dot_general3A_406 {dimension_numbers = #tpu.dot_dimension_numbers<[1], [0], [0], [1], [0, 0, 1, 1], [], []>, transpose_lhs_hint = false} : vector<4104x128xbf16>, vector<128x128xbf16>, vector<4104x128xf32> -> vector<4104x128xf32>
      %add3A_408 = vector.broadcast %get3A_33 : vector<1x128xf32> to vector<4104x128xf32>
      %add3A_409 = arith.addf %dot_general3A_407, %add3A_408 : vector<4104x128xf32>
      %iota3A_410 = tpu.iota {dimensions = array<i32: 0>} : vector<4104x128xi32>
      %add3A_411 = arith.constant 584 : i32
      %add3A_412 = vector.broadcast %add3A_411 : i32 to vector<4104x128xi32>
      %add3A_413 = arith.addi %add3A_412, %iota3A_410 : vector<4104x128xi32>
      %ge3A_414 = arith.constant 585 : i32
      %ge3A_415 = vector.broadcast %ge3A_414 : i32 to vector<4104x128xi32>
      %ge3A_416 = arith.cmpi sge, %add3A_413, %ge3A_415 : vector<4104x128xi32>
      %lt3A_417 = arith.constant 4681 : i32
      %lt3A_418 = vector.broadcast %lt3A_417 : i32 to vector<4104x128xi32>
      %lt3A_419 = arith.cmpi slt, %add3A_413, %lt3A_418 : vector<4104x128xi32>
      %and3A_420 = arith.andi %ge3A_416, %lt3A_419 : vector<4104x128xi1>
      %slice3A_421 = vector.extract_strided_slice %concatenate3A_383 {offsets = [584, 0], sizes = [4104, 128], strides = [1, 1]} : vector<6272x128xf32> to vector<4104x128xf32>
      %select_n3A_422 = arith.select %and3A_420, %add3A_409, %slice3A_421 : vector<4104x128xi1>, vector<4104x128xf32>
      %slice3A_423 = vector.extract_strided_slice %concatenate3A_383 {offsets = [0, 0], sizes = [584, 128], strides = [1, 1]} : vector<6272x128xf32> to vector<584x128xf32>
      %slice3A_424 = vector.extract_strided_slice %concatenate3A_383 {offsets = [4688, 0], sizes = [1584, 128], strides = [1, 1]} : vector<6272x128xf32> to vector<1584x128xf32>
      %concatenate3A_425 = tpu.concatenate %slice3A_423, %select_n3A_422, %slice3A_424 in 0 : vector<584x128xf32>, vector<4104x128xf32>, vector<1584x128xf32> -> vector<6272x128xf32>
      %slice3A_426 = vector.extract_strided_slice %concatenate3A_425 {offsets = [0, 0], sizes = [784, 128], strides = [1, 1]} : vector<6272x128xf32> to vector<784x128xf32>
      %roll3A_427 = arith.constant 1 : i32
      %roll3A_428 = tpu.dynamic_rotate %slice3A_426 by %roll3A_427 dim 0 : vector<784x128xf32>, i32 -> vector<784x128xf32>
      %slice3A_429 = vector.extract_strided_slice %roll3A_428 {offsets = [585, 0], sizes = [197, 128], strides = [1, 1]} : vector<784x128xf32> to vector<197x128xf32>
      %reshape3A_430 = vector.shape_cast %slice3A_429 : vector<197x128xf32> to vector<197x1x128xf32>
      %slice3A_431 = vector.extract_strided_slice %slice3A_426 {offsets = [585, 0], sizes = [197, 128], strides = [1, 1]} : vector<784x128xf32> to vector<197x128xf32>
      %reshape3A_432 = vector.shape_cast %slice3A_431 : vector<197x128xf32> to vector<197x1x128xf32>
      %broadcast_in_dim3A_433 = vector.shape_cast %reshape3A_432 : vector<197x1x128xf32> to vector<197x1x128xf32>
      %broadcast_in_dim3A_434 = vector.broadcast %broadcast_in_dim3A_433 : vector<197x1x128xf32> to vector<197x7x128xf32>
      %concatenate3A_435 = tpu.concatenate %reshape3A_430, %broadcast_in_dim3A_434 in 1 : vector<197x1x128xf32>, vector<197x7x128xf32> -> vector<197x8x128xf32>
      %reshape3A_436 = vector.shape_cast %concatenate3A_435 : vector<197x8x128xf32> to vector<1576x128xf32>
      %slice3A_437 = vector.extract_strided_slice %dot_general3A_257 {offsets = [4680, 0], sizes = [1576, 128], strides = [1, 1]} : vector<6272x128xf32> to vector<1576x128xf32>
      %convert_element_type3A_438 = arith.truncf %reshape3A_436 : vector<1576x128xf32> to vector<1576x128xbf16>
      %dot_general3A_439 = arith.constant dense<0.000000e+00> : vector<1576x128xf32>
      %dot_general3A_440 = tpu.matmul %convert_element_type3A_438, %get3A_24, %dot_general3A_439 {dimension_numbers = #tpu.dot_dimension_numbers<[1], [0], [0], [1], [0, 0, 1, 1], [], []>, transpose_lhs_hint = false} : vector<1576x128xbf16>, vector<128x128xbf16>, vector<1576x128xf32> -> vector<1576x128xf32>
      %add3A_441 = arith.addf %slice3A_437, %dot_general3A_440 : vector<1576x128xf32>
      %add3A_442 = vector.broadcast %get3A_30 : vector<1x128xf32> to vector<1576x128xf32>
      %add3A_443 = arith.addf %add3A_441, %add3A_442 : vector<1576x128xf32>
      %max3A_444 = arith.constant 0.000000e+00 : f32
      %max3A_445 = vector.broadcast %max3A_444 : f32 to vector<1576x128xf32>
      %max3A_446 = arith.maximumf %add3A_443, %max3A_445 : vector<1576x128xf32>
      %convert_element_type3A_447 = arith.truncf %max3A_446 : vector<1576x128xf32> to vector<1576x128xbf16>
      %dot_general3A_448 = arith.constant dense<0.000000e+00> : vector<1576x128xf32>
      %dot_general3A_449 = tpu.matmul %convert_element_type3A_447, %get3A_27, %dot_general3A_448 {dimension_numbers = #tpu.dot_dimension_numbers<[1], [0], [0], [1], [0, 0, 1, 1], [], []>, transpose_lhs_hint = false} : vector<1576x128xbf16>, vector<128x128xbf16>, vector<1576x128xf32> -> vector<1576x128xf32>
      %add3A_450 = vector.broadcast %get3A_33 : vector<1x128xf32> to vector<1576x128xf32>
      %add3A_451 = arith.addf %dot_general3A_449, %add3A_450 : vector<1576x128xf32>
      %iota3A_452 = tpu.iota {dimensions = array<i32: 0>} : vector<1576x128xi32>
      %add3A_453 = arith.constant 4680 : i32
      %add3A_454 = vector.broadcast %add3A_453 : i32 to vector<1576x128xi32>
      %add3A_455 = arith.addi %add3A_454, %iota3A_452 : vector<1576x128xi32>
      %ge3A_456 = arith.constant 4681 : i32
      %ge3A_457 = vector.broadcast %ge3A_456 : i32 to vector<1576x128xi32>
      %ge3A_458 = arith.cmpi sge, %add3A_455, %ge3A_457 : vector<1576x128xi32>
      %lt3A_459 = arith.constant 6250 : i32
      %lt3A_460 = vector.broadcast %lt3A_459 : i32 to vector<1576x128xi32>
      %lt3A_461 = arith.cmpi slt, %add3A_455, %lt3A_460 : vector<1576x128xi32>
      %and3A_462 = arith.andi %ge3A_458, %lt3A_461 : vector<1576x128xi1>
      %slice3A_463 = vector.extract_strided_slice %concatenate3A_425 {offsets = [4680, 0], sizes = [1576, 128], strides = [1, 1]} : vector<6272x128xf32> to vector<1576x128xf32>
      %select_n3A_464 = arith.select %and3A_462, %add3A_451, %slice3A_463 : vector<1576x128xi1>, vector<1576x128xf32>
      %slice3A_465 = vector.extract_strided_slice %concatenate3A_425 {offsets = [0, 0], sizes = [4680, 128], strides = [1, 1]} : vector<6272x128xf32> to vector<4680x128xf32>
      %slice3A_466 = vector.extract_strided_slice %concatenate3A_425 {offsets = [6256, 0], sizes = [16, 128], strides = [1, 1]} : vector<6272x128xf32> to vector<16x128xf32>
      %concatenate3A_467 = tpu.concatenate %slice3A_465, %select_n3A_464, %slice3A_466 in 0 : vector<4680x128xf32>, vector<1576x128xf32>, vector<16x128xf32> -> vector<6272x128xf32>
      %swap3A = arith.constant 0 : index
      %swap3A_468 = arith.constant 0 : index
      %swap3A_469 = vector.load %arg13[%swap3A, %swap3A_468] : memref<10000x128xf32, #tpu.memory_space<vmem>>, vector<6272x128xf32>
      tpu.vector_store %arg13[%swap3A, %swap3A_468], %concatenate3A_467 {strides = array<i32>} : memref<10000x128xf32, #tpu.memory_space<vmem>>, vector<6272x128xf32>,
    } else {
    }
    %gt3A = arith.constant 0 : i32
    %gt3A_2 = arith.cmpi sgt, %arg0, %gt3A : i32
    %convert_element_type3A_3 = arith.extui %gt3A_2 : i1 to i32
    %cond3A_4 = arith.constant 0 : i32
    %cond3A_5 = arith.cmpi ne, %convert_element_type3A_3, %cond3A_4 : i32
    scf.if %cond3A_5 {
      %sub3A = arith.constant 1 : i32
      %sub3A_6 = arith.subi %arg0, %sub3A : i32
      %mul3A = arith.constant 10000 : i32
      %mul3A_7 = arith.muli %sub3A_6, %mul3A : i32
      %get3A = arith.constant 0 : index
      %get3A_8 = arith.constant 0 : index
      %get3A_9 = vector.load %arg3[%get3A, %get3A_8] : memref<10000x128xbf16, #tpu.memory_space<vmem>>, vector<10000x128xbf16>
      %convert_element_type3A_10 = arith.extf %get3A_9 : vector<10000x128xbf16> to vector<10000x128xf32>
      %get3A_11 = arith.constant 0 : index
      %get3A_12 = arith.constant 0 : index
      %get3A_13 = vector.load %arg4[%get3A_11, %get3A_12] : memref<10000x128xf32, #tpu.memory_space<vmem>>, vector<10000x128xf32>
      %max3A = arith.maximumf %convert_element_type3A_10, %get3A_13 : vector<10000x128xf32>
      %mul3A_14 = arith.constant 1250 : i32
      %mul3A_15 = arith.muli %sub3A_6, %mul3A_14 : i32
      %sub3A_16 = arith.constant 1 : i32
      %sub3A_17 = arith.subi %mul3A_15, %sub3A_16 : i32
      %max3A_18 = arith.constant 0 : i32
      %max3A_19 = arith.maxsi %sub3A_17, %max3A_18 : i32
      %get3A_20 = arith.index_cast %max3A_19 : i32 to index
      %get3A_21 = arith.constant 0 : index
      %get3A_22 = vector.load %arg13[%get3A_20, %get3A_21] : memref<10000x128xf32, #tpu.memory_space<vmem>>, vector<1264x128xf32>
      %roll3A = arith.constant 1263 : i32
      %roll3A_23 = tpu.dynamic_rotate %get3A_22 by %roll3A dim 0 : vector<1264x128xf32>, i32 -> vector<1264x128xf32>
      %slice3A = vector.extract_strided_slice %get3A_22 {offsets = [0, 0], sizes = [1250, 128], strides = [1, 1]} : vector<1264x128xf32> to vector<1250x128xf32>
      %reshape3A = vector.shape_cast %slice3A : vector<1250x128xf32> to vector<1250x1x128xf32>
      %slice3A_24 = vector.extract_strided_slice %roll3A_23 {offsets = [0, 0], sizes = [1250, 128], strides = [1, 1]} : vector<1264x128xf32> to vector<1250x128xf32>
      %reshape3A_25 = vector.shape_cast %slice3A_24 : vector<1250x128xf32> to vector<1250x1x128xf32>
      %broadcast_in_dim3A = vector.shape_cast %reshape3A_25 : vector<1250x1x128xf32> to vector<1250x1x128xf32>
      %broadcast_in_dim3A_26 = vector.broadcast %broadcast_in_dim3A : vector<1250x1x128xf32> to vector<1250x7x128xf32>
      %concatenate3A = tpu.concatenate %reshape3A, %broadcast_in_dim3A_26 in 1 : vector<1250x1x128xf32>, vector<1250x7x128xf32> -> vector<1250x8x128xf32>
      %reshape3A_27 = vector.shape_cast %concatenate3A : vector<1250x8x128xf32> to vector<10000x128xf32>
      %get3A_28 = arith.constant 0 : index
      %get3A_29 = arith.constant 0 : index
      %get3A_30 = vector.load %arg5[%get3A_28, %get3A_29] : memref<1x128xf32, #tpu.memory_space<vmem>>, vector<1x128xf32>
      %convert_element_type3A_31 = arith.truncf %get3A_30 : vector<1x128xf32> to vector<1x128xbf16>
      %get3A_32 = arith.constant 0 : index
      %get3A_33 = arith.constant 0 : index
      %get3A_34 = vector.load %arg7[%get3A_32, %get3A_33] : memref<128x128xbf16, #tpu.memory_space<vmem>>, vector<128x128xbf16>
      %dot_general3A = arith.constant dense<0.000000e+00> : vector<1x128xf32>
      %dot_general3A_35 = tpu.matmul %convert_element_type3A_31, %get3A_34, %dot_general3A {dimension_numbers = #tpu.dot_dimension_numbers<[1], [0], [0], [1], [0, 0, 1, 1], [], []>, transpose_lhs_hint = false} : vector<1x128xbf16>, vector<128x128xbf16>, vector<1x128xf32> -> vector<1x128xf32>
      %convert_element_type3A_36 = arith.truncf %reshape3A_27 : vector<10000x128xf32> to vector<10000x128xbf16>
      %get3A_37 = arith.constant 0 : index
      %get3A_38 = arith.constant 0 : index
      %get3A_39 = vector.load %arg8[%get3A_37, %get3A_38] : memref<128x128xbf16, #tpu.memory_space<vmem>>, vector<128x128xbf16>
      %dot_general3A_40 = arith.constant dense<0.000000e+00> : vector<10000x128xf32>
      %dot_general3A_41 = tpu.matmul %convert_element_type3A_36, %get3A_39, %dot_general3A_40 {dimension_numbers = #tpu.dot_dimension_numbers<[1], [0], [0], [1], [0, 0, 1, 1], [], []>, transpose_lhs_hint = false} : vector<10000x128xbf16>, vector<128x128xbf16>, vector<10000x128xf32> -> vector<10000x128xf32>
      %add3A = vector.broadcast %dot_general3A_35 : vector<1x128xf32> to vector<10000x128xf32>
      %add3A_42 = arith.addf %add3A, %dot_general3A_41 : vector<10000x128xf32>
      %get3A_43 = arith.constant 0 : index
      %get3A_44 = arith.constant 0 : index
      %get3A_45 = vector.load %arg9[%get3A_43, %get3A_44] : memref<1x128xf32, #tpu.memory_space<vmem>>, vector<1x128xf32>
      %add3A_46 = vector.broadcast %get3A_45 : vector<1x128xf32> to vector<10000x128xf32>
      %add3A_47 = arith.addf %add3A_42, %add3A_46 : vector<10000x128xf32>
      %max3A_48 = arith.constant 0.000000e+00 : f32
      %max3A_49 = vector.broadcast %max3A_48 : f32 to vector<10000x128xf32>
      %max3A_50 = arith.maximumf %add3A_47, %max3A_49 : vector<10000x128xf32>
      %convert_element_type3A_51 = arith.truncf %max3A_50 : vector<10000x128xf32> to vector<10000x128xbf16>
      %get3A_52 = arith.constant 0 : index
      %get3A_53 = arith.constant 0 : index
      %get3A_54 = vector.load %arg10[%get3A_52, %get3A_53] : memref<128x128xbf16, #tpu.memory_space<vmem>>, vector<128x128xbf16>
      %dot_general3A_55 = arith.constant dense<0.000000e+00> : vector<10000x128xf32>
      %dot_general3A_56 = tpu.matmul %convert_element_type3A_51, %get3A_54, %dot_general3A_55 {dimension_numbers = #tpu.dot_dimension_numbers<[1], [0], [0], [1], [0, 0, 1, 1], [], []>, transpose_lhs_hint = false} : vector<10000x128xbf16>, vector<128x128xbf16>, vector<10000x128xf32> -> vector<10000x128xf32>
      %get3A_57 = arith.constant 0 : index
      %get3A_58 = arith.constant 0 : index
      %get3A_59 = vector.load %arg11[%get3A_57, %get3A_58] : memref<1x128xf32, #tpu.memory_space<vmem>>, vector<1x128xf32>
      %add3A_60 = vector.broadcast %get3A_59 : vector<1x128xf32> to vector<10000x128xf32>
      %add3A_61 = arith.addf %dot_general3A_56, %add3A_60 : vector<10000x128xf32>
      %min3A = arith.constant 0 : i32
      %min3A_62 = arith.minsi %mul3A_7, %min3A : i32
      %get3A_63 = arith.index_cast %min3A_62 : i32 to index
      %get3A_64 = arith.constant 0 : index
      %get3A_65 = vector.load %arg13[%get3A_63, %get3A_64] : memref<10000x128xf32, #tpu.memory_space<vmem>>, vector<10000x128xf32>
      %iota3A = tpu.iota {dimensions = array<i32: 0>} : vector<10000x128xi32>
      %add3A_66 = vector.broadcast %mul3A_7 : i32 to vector<10000x128xi32>
      %add3A_67 = arith.addi %add3A_66, %iota3A : vector<10000x128xi32>
      %lt3A = arith.constant 6250 : i32
      %lt3A_68 = vector.broadcast %lt3A : i32 to vector<10000x128xi32>
      %lt3A_69 = arith.cmpi slt, %add3A_67, %lt3A_68 : vector<10000x128xi32>
      %select_n3A = arith.select %lt3A_69, %get3A_65, %add3A_61 : vector<10000x128xi1>, vector<10000x128xf32>
      %add3A_70 = arith.addf %select_n3A, %max3A : vector<10000x128xf32>
      %swap3A = arith.constant 0 : index
      %swap3A_71 = arith.constant 0 : index
      %swap3A_72 = vector.load %arg12[%swap3A, %swap3A_71] : memref<10000x128xf32, #tpu.memory_space<vmem>>, vector<10000x128xf32>
      tpu.vector_store %arg12[%swap3A, %swap3A_71], %add3A_70 {strides = array<i32>} : memref<10000x128xf32, #tpu.memory_space<vmem>>, vector<10000x128xf32>,
    } else {
    }
    return
  }
  func.func @transform_0(%arg0: i32) -> (i32, i32) {
    %c0_i32 = arith.constant 0 : i32
    %c0_i32_0 = arith.constant 0 : i32
    %c0_i32_1 = arith.constant 0 : i32
    return %c0_i32, %c0_i32_0 : i32, i32
  }
  func.func @transform_1(%arg0: i32) -> (i32, i32) {
    %c0_i32 = arith.constant 0 : i32
    %c0_i32_0 = arith.constant 0 : i32
    %c0_i32_1 = arith.constant 0 : i32
    return %c0_i32, %c0_i32_0 : i32, i32
  }
  func.func @transform_2(%arg0: i32) -> (i32, i32) {
    %sub3A = arith.constant 1 : i32
    %sub3A_0 = arith.subi %arg0, %sub3A : i32
    %max3A = arith.constant 0 : i32
    %max3A_1 = arith.maxsi %sub3A_0, %max3A : i32
    %c0_i32 = arith.constant 0 : i32
    %c0_i32_2 = arith.constant 0 : i32
    return %max3A_1, %c0_i32 : i32, i32
  }
  func.func @transform_3(%arg0: i32) -> (i32, i32) {
    %sub3A = arith.constant 1 : i32
    %sub3A_0 = arith.subi %arg0, %sub3A : i32
    %max3A = arith.constant 0 : i32
    %max3A_1 = arith.maxsi %sub3A_0, %max3A : i32
    %c0_i32 = arith.constant 0 : i32
    %c0_i32_2 = arith.constant 0 : i32
    return %max3A_1, %c0_i32 : i32, i32
  }
  func.func @transform_4(%arg0: i32) -> (i32, i32) {
    %c0_i32 = arith.constant 0 : i32
    %c0_i32_0 = arith.constant 0 : i32
    %c0_i32_1 = arith.constant 0 : i32
    return %c0_i32, %c0_i32_0 : i32, i32
  }
  func.func @transform_5(%arg0: i32) -> (i32, i32) {
    %c0_i32 = arith.constant 0 : i32
    %c0_i32_0 = arith.constant 0 : i32
    %c0_i32_1 = arith.constant 0 : i32
    return %c0_i32, %c0_i32_0 : i32, i32
  }
  func.func @transform_6(%arg0: i32) -> (i32, i32) {
    %c0_i32 = arith.constant 0 : i32
    %c0_i32_0 = arith.constant 0 : i32
    %c0_i32_1 = arith.constant 0 : i32
    return %c0_i32, %c0_i32_0 : i32, i32
  }
  func.func @transform_7(%arg0: i32) -> (i32, i32) {
    %c0_i32 = arith.constant 0 : i32
    %c0_i32_0 = arith.constant 0 : i32
    %c0_i32_1 = arith.constant 0 : i32
    return %c0_i32, %c0_i32_0 : i32, i32
  }
  func.func @transform_8(%arg0: i32) -> (i32, i32) {
    %c0_i32 = arith.constant 0 : i32
    %c0_i32_0 = arith.constant 0 : i32
    %c0_i32_1 = arith.constant 0 : i32
    return %c0_i32, %c0_i32_0 : i32, i32
  }
  func.func @transform_9(%arg0: i32) -> (i32, i32) {
    %c0_i32 = arith.constant 0 : i32
    %c0_i32_0 = arith.constant 0 : i32
    %c0_i32_1 = arith.constant 0 : i32
    return %c0_i32, %c0_i32_0 : i32, i32
  }
  func.func @transform_10(%arg0: i32) -> (i32, i32) {
    %c0_i32 = arith.constant 0 : i32
    %c0_i32_0 = arith.constant 0 : i32
    %c0_i32_1 = arith.constant 0 : i32
    return %c0_i32, %c0_i32_0 : i32, i32
  }
  func.func @transform_11(%arg0: i32) -> (i32, i32) {
    %sub3A = arith.constant 1 : i32
    %sub3A_0 = arith.subi %arg0, %sub3A : i32
    %max3A = arith.constant 0 : i32
    %max3A_1 = arith.maxsi %sub3A_0, %max3A : i32
    %c0_i32 = arith.constant 0 : i32
    %c0_i32_2 = arith.constant 0 : i32
    return %max3A_1, %c0_i32 : i32, i32
  }
}

</mosaic_0001>

<sc_bundles>
// kernel: kernel.5.cloned.1.call-start
scs
__scs_entry_jumppad:
0x0: {  	(pc) =	sbr.rel $0x88, $3  }
0x1: {  	(tag) =	ssettag $0x0;
	lr =	simm.s32 $0x1  }
0x2: {  	[smem:$0x3F8E] =	sst lr;
	_ =	strace $0xD0000000  }
0x3: {  	_ = 	snop  }
0x4: {  	_ = 	snop  }
0x5: {  	_ = 	snop  }
0x6: {  	_ = 	snop  }
0x7: {  	_ = 	snop  }
__scs_overlays_trampoline_lowered:
0x8: {  	[smem:$0x3F9D] =	sst s0  }
0x9: {  	[smem:$0x3F9E] =	sst s1  }
0xa: {  	[smem:$0x3F9F] =	sst s2  }
0xb: {  	[smem:$0x3FA0] =	sst s3  }
0xc: {  	[smem:$0x3FA1] =	sst s4  }
0xd: {  	[smem:$0x3FA2] =	sst s5  }
0xe: {  	[smem:$0x3FA3] =	sst s6  }
0xf: {  	[smem:$0x3FA4] =	sst s7  }
0x10: {  	[smem:$0x3FA5] =	sst s8  }
0x11: {  	[smem:$0x3FA6] =	sst s9;
	s0 =	simm.s32 @!p0 $0x0  }
0x12: {  	s1 =	sld [smem:$0x3F8C];
	s0 =	simm.s32 @p0 $0x1  }
0x13: {  	[smem:$0x3FA7] =	sst s0;
	s0 =	simm.s32 @!p1 $0x0  }
0x14: {  	s2 =	sld [smem:$0x3F8B];
	s0 =	simm.s32 @p1 $0x1  }
0x15: {  	[smem:$0x3FA8] =	sst s0;
	s0 =	simm.s32 @!p2 $0x0  }
0x16: {  	s3 =	sld [smem:$0x3FDB];
	s0 =	simm.s32 @p2 $0x1  }
0x17: {  	s4 =	simm.s32 $0x1BF5;
	[smem:$0x3FAA] =	sst s0  }
0x18: {  	s0 =	sld [smem:$0x3F8D];
	_ =	swait.ge [sflag:s4], $0x0  }
0x19: {  	s7 =	sld [smem:$0x3F8E]  }
0x1a: {  	s8 =	sadd.s32 $0xFFFFE003, lr  }
0x1b: {  	s9 =	sadd.s32 $0xFFFFFEF7, lr;
	s5 =	simm.s32 $0xFFFFFFFF;
	p2 =	slt.u32 s8, $0xFFFFF086  }
0x1c: {  	p1 =	slt.u32 s9, $0xF7A;
	s5 =	simm.s32 @!p2 $0x0  }
0x1d: {  	s5 =	simm.s32 @p1 $0x1;
	p0 =	seq.s32 s7, s2  }
0x1e: {  	s7 =	smul.u32 @!p0 $0xF7A, s2;
	p2 =	seq.s32 @!p0 s5, $0x0  }
0x1f: {  	s9 =	smul.u32 $0xF7A, s1;
	s8 =	simm.s32 @!p0 $0x1BF5;
	p2 =	por !p2, p0  }
0x20: {  	[sflag:s8] =	ssyncset.s32 @!p0 $0xFFFFF086;
	s6 =	sadd.s32 @!p0 s3, s7;
	s7 =	simm.s32 @!p0 $0x108  }
0x21: {  	s3 =	sadd.s32 s3, s9;
	s6 =	sadd.s32 @!p0 $0x88, s6;
	s7 =	simm.s32 @p2 $0x1082  }
0x22: {  	[simem:s7], [sflag:s8] =	dma.local @!p0 [hbm:s6], $0xF7A  }
0x23: {  	s9 =	sor.u32 $0xD0000000, s2;
	s6 =	simm.s32 $0x108;
	_ =	swait.ge @!p0 [sflag:s8], $0x0  }
0x24: {  	s3 =	sadd.s32 $0x88, s3;
	s6 =	simm.s32 @!p1 $0x1082;
	[sflag:s4] =	ssyncset.s32 $0xFFFFF086  }
0x25: {  	[simem:s6], [sflag:s4] =	dma.local [hbm:s3], $0xF7A  }
0x26: {  	[smem:$0x3F8E] =	sst s1;
	(tag) =	ssettag s2;
	_ =	strace s9  }
0x27: {  	s1 =	sld [smem:$0x3F9E]  }
0x28: {  	s2 =	sld [smem:$0x3F9F]  }
0x29: {  	s4 =	sld [smem:$0x3FA1]  }
0x2a: {  	p0 =	seq.s32 s5, $0x0;
	s5 =	sld [smem:$0x3FA2]  }
0x2b: {  	s6 =	sld [smem:$0x3FA3]  }
0x2c: {  	s7 =	sld [smem:$0x3FA4]  }
0x2d: {  	s3 =	simm.s32 $0x108;
	s8 =	sld [smem:$0x3FA5]  }
0x2e: {  	s3 =	simm.s32 @!p0 $0x1082;
	s9 =	sld [smem:$0x3FA6]  }
0x2f: {  	lr =	sadd.s32 s0, s3;
	s0 =	sld [smem:$0x3F9D]  }
0x30: {  	s3 =	sld [smem:$0x3FA0]  }
0x31: {  	[smem:$0x3FA9] =	sst s10  }
0x32: {  	s10 =	sld [smem:$0x3FA7];
	_ =	sdelay $0x3  }
0x33: {  	p0 =	seq.s32 s10, $0x1;
	s10 =	sld [smem:$0x3FA9];
	_ =	sdelay $0x3  }
0x34: {  	[smem:$0x3FA9] =	sst s10  }
0x35: {  	s10 =	sld [smem:$0x3FA8];
	_ =	sdelay $0x3  }
0x36: {  	p1 =	seq.s32 s10, $0x1;
	s10 =	sld [smem:$0x3FA9];
	_ =	sdelay $0x3  }
0x37: {  	[smem:$0x3FA9] =	sst s10  }
0x38: {  	s10 =	sld [smem:$0x3FAA]  }
0x39: {  	_ = 	snop;
	(pc) =	sbr.ind lr, $3  }
0x3a: {  	_ = 	snop  }
0x3b: {  	_ = 	snop  }
0x3c: {  	p2 =	seq.s32 s10, $0x1;
	s10 =	sld [smem:$0x3FA9]  }
0x3d: {  	_ =	shalt  }
0x3e: {  	_ =	shalt  }
0x3f: {  	_ =	shalt  }
0x40: {  	_ =	shalt  }
0x41: {  	_ =	shalt  }
0x42: {  	_ =	shalt  }
0x43: {  	_ =	shalt  }
0x44: {  	_ =	shalt  }
0x45: {  	_ =	shalt  }
0x46: {  	_ =	shalt  }
0x47: {  	_ =	shalt  }
0x48: {  	_ =	shalt  }
0x49: {  	_ =	shalt  }
0x4a: {  	_ =	shalt  }
0x4b: {  	_ =	shalt  }
0x4c: {  	_ =	shalt  }
0x4d: {  	_ =	shalt  }
0x4e: {  	_ =	shalt  }
0x4f: {  	_ =	shalt  }
0x50: {  	_ =	shalt  }
0x51: {  	_ =	shalt  }
0x52: {  	_ =	shalt  }
0x53: {  	_ =	shalt  }
0x54: {  	_ =	shalt  }
0x55: {  	_ =	shalt  }
0x56: {  	_ =	shalt  }
0x57: {  	_ =	shalt  }
0x58: {  	_ =	shalt  }
0x59: {  	_ =	shalt  }
0x5a: {  	_ =	shalt  }
0x5b: {  	_ =	shalt  }
0x5c: {  	_ =	shalt  }
0x5d: {  	_ =	shalt  }
0x5e: {  	_ =	shalt  }
0x5f: {  	_ =	shalt  }
0x60: {  	_ =	shalt  }
0x61: {  	_ =	shalt  }
0x62: {  	_ =	shalt  }
0x63: {  	_ =	shalt  }
0x64: {  	_ =	shalt  }
0x65: {  	_ =	shalt  }
0x66: {  	_ =	shalt  }
0x67: {  	_ =	shalt  }
0x68: {  	_ =	shalt  }
0x69: {  	_ =	shalt  }
0x6a: {  	_ =	shalt  }
0x6b: {  	_ =	shalt  }
0x6c: {  	_ =	shalt  }
0x6d: {  	_ =	shalt  }
0x6e: {  	_ =	shalt  }
0x6f: {  	_ =	shalt  }
0x70: {  	_ =	shalt  }
0x71: {  	_ =	shalt  }
0x72: {  	_ =	shalt  }
0x73: {  	_ =	shalt  }
0x74: {  	_ =	shalt  }
0x75: {  	_ =	shalt  }
0x76: {  	_ =	shalt  }
0x77: {  	_ =	shalt  }
0x78: {  	_ =	shalt  }
0x79: {  	_ =	shalt  }
0x7a: {  	_ =	shalt  }
0x7b: {  	_ =	shalt  }
0x7c: {  	_ =	shalt  }
0x7d: {  	_ =	shalt  }
0x7e: {  	_ =	shalt  }
0x7f: {  	_ =	shalt  }
0x80: {  	_ =	shalt  }
0x81: {  	_ =	shalt  }
0x82: {  	_ =	shalt  }
0x83: {  	_ =	shalt  }
0x84: {  	_ =	shalt  }
0x85: {  	_ =	shalt  }
0x86: {  	_ =	shalt  }
0x87: {  	_ =	shalt  }
.Lfunc_end0:
.L_simem_size_0:
called_computation_lowered:
.L_overlay_start_0:
0x88: {  	s2 =	sld [smem:$0x3FD9]  }
0x89: {  	s3 =	sld [smem:$0x3FFE];
	_ =	sdelay $0x1  }
0x8a: {  	s1 =	srdreg.scid  }
0x8b: {  	s0 =	sand.u32 $0x1, s1  }
0x8c: {  	s17 =	sshll.u32 s0, $0xA;
	s2 =	sadd.s32 s3, s2  }
0x8d: {  	s2 =	sadd.s32 s2, s17  }
0x8e: {  	[smem:$0x3FB5] =	sst s2  }
0x8f: {  	_ = 	snop  }
0x90: {  	s2 =	sld [smem:$0x3FC4]  }
0x91: {  	s18 =	sld [smem:$0x3FC3]  }
0x92: {  	s4 =	sld [smem:$0x3FD0];
	(tm) =	ssettm $0x1  }
0x93: {  	s5 =	sld [smem:$0x3FFB];
	_ =	sdelay $0x3  }
0x94: {  	_ =	strace s5  }
0x95: {  	s5 =	sld [smem:$0x3FFC];
	_ =	sdelay $0x3  }
0x96: {  	_ =	strace s5  }
0x97: {  	s5 =	sld [smem:$0x3FFD];
	_ =	sdelay $0x3  }
0x98: {  	_ =	strace s5  }
0x99: {  	_ =	strace $0x8FFFFFFF  }
0x9a: {  	s19 =	sld [smem:$0x3FDB];
	_ =	sdelay $0x1  }
0x9b: {  	s6 =	simm.s32 $_scs_section_size  }
0x9c: {  	s7 =	simm.s32 $_size__tile_overlayer_lowered;
	s8 =	simm.s32 $_tile_overlayer_lowered  }
0x9d: {  	s22 =	simm.s32 $0x1BFF;
	s21 =	sshll.u32 s8, $0x1;
	s5 =	sadd.s32 s6, s19  }
0x9e: {  	s9 =	simm.s32 $0x0;
	s20 =	sshll.u32 s7, $0x1;
	s7 =	sadd.s32 s21, s5  }
0x9f: {  	[timem:s9], [sflag:s22] =	dma.local [hbm:s7], s20  }
0xa0: {  	_ =	swait.ge [sflag:s22], s20  }
0xa1: {  	s6 =	ssub.s32 $0x0, s20;
	[sflag:s22] =	ssyncset.done $0x0  }
0xa2: {  	[sflag:s22] =	ssyncadd.s32 s6;
	_ =	sdelay $0x1  }
0xa3: {  	s23 =	simm.s32 $0x1B8B  }
0xa4: {  	_ =	swait.ge [sflag:s23], $0x1  }
0xa5: {  	[sflag:s23] =	ssyncset.done $0x0  }
0xa6: {  	s25 =	simm.s32 $0x1B8E;
	s24 =	sld [smem:$0x3FFE];
	[sflag:s23] =	ssyncadd.s32 $0xFFFFFFFF  }
0xa7: {  	s26 =	simm.s32 $execute0_lowered;
	[smem:$0x3FD2] =	sst s25  }
0xa8: {  	s7 =	sshll.u32 s26, $0x1;
	_ =	strace $0x80000046;
	[dreg:$0x1] =	wrdreg $0xFFFFFFFF  }
0xa9: {  	s28 =	simm.s32 $_size_execute0_lowered;
	s5 =	sadd.s32 s5, s7;
	[dreg:$0x0] =	wrdreg $0x0  }
0xaa: {  	s7 =	sshll.u32 s28, $0x1;
	[dreg:$0x2] =	wrdreg s5  }
0xab: {  	[dreg:$0x3] =	wrdreg s7  }
0xac: {  	[dreg:$0x4] =	wrdreg $0xC0  }
0xad: {  	_ =	task [dreg:s9], $0x5FFFF  }
0xae: {  	[dreg:$0x1] =	wrdreg $0xFFFFFFFF  }
0xaf: {  	[dreg:$0x0] =	wrdreg $0x60  }
0xb0: {  	[dreg:$0x2] =	wrdreg s4  }
0xb1: {  	[dreg:$0x3] =	wrdreg s24  }
0xb2: {  	[dreg:$0x4] =	wrdreg s2  }
0xb3: {  	[dreg:$0x5] =	wrdreg s18  }
0xb4: {  	[dreg:$0x6] =	wrdreg $0x0  }
0xb5: {  	[dreg:$0x7] =	wrdreg $0x10000  }
0xb6: {  	[dreg:$0x8] =	wrdreg $0x9  }
0xb7: {  	_ =	task.clear_ibuf [dreg:s9], $0x9FFFF;
	_ =	strace $0x90000046  }
0xb8: {  	s29 =	simm.s32 $0x9;
	_ =	strace $0x80000048  }
0xb9: {  	_ =	swait.ge [sflag:s29], $0x1  }
0xba: {  	[sflag:s29] =	ssyncadd.s32 $0xFFFFFFFF  }
0xbb: {  	_ =	strace $0x90000048  }
0xbc: {  	_ =	sfence  }
0xbd: {  	s30 =	sld [smem:$0x0];
	_ =	sdelay $0x2  }
0xbe: {  	s31 =	sshll.u32 s1, $0xD;
	s1 =	sshrl.u32 s1, $0x2  }
0xbf: {  	s3 =	sand.u32 $0x4000, s31;
	s1 =	sadd.s32 s1, s30  }
0xc0: {  	s0 =	sor.u32 s3, s0;
	s1 =	sshll.u32 s1, $0x11  }
0xc1: {  	s0 =	sor.u32 s1, s0  }
0xc2: {  	s0 =	sadd.s32 $0x8F2B, s0  }
0xc3: {  	[sflag:s0] =	ssyncadd.remote.s32 $0x1  }
0xc4: {  	_ =	sfence.sel $0xFFFF  }
0xc5: {  	[dreg:$0x0] =	wrdreg $0xFFFFFFFF;
	(pc) =	sbr.abs _section_cstart, $3  }
0xc6: {  	[dreg:$0x1] =	wrdreg $0xFFFFFFFF  }
0xc7: {  	_ =	task.clear_ibuf [dreg:s9], $0x2FFFF;
	_ =	strace $0x9FFFFFFF  }
0xc8: {  	(tm) =	ssettm $0x7FFFFFFF  }
0xc9: {  	_ =	shalt  }
tec
execute0_lowered:
.L_overlay_start_1:
0x0: {  	(tag) =	ssettag $0x1  }
0x1: {  	s0 =	rddreg [dreg:$0x0]  }
0x2: {  	s1 =	rddreg [dreg:$0x1]  }
0x3: {  	s2 =	rddreg [dreg:$0x4]  }
0x4: {  	s3 =	srdreg.scid;
	s6 =	stileid.u32  }
0x5: {  	s4 =	rddreg [dreg:$0x5];
	s5 =	simm.s32 $0x0;
	s28 =	simm.s32 $0x2108  }
0x6: {  	s29 =	simm.s32 $0x5908;
	s3 =	sand.u32 $0x1, s3;
	s7 =	sshll.u32 s6, $0x1  }
0x7: {  	s31 =	simm.s32 $0x9108;
	s30 =	simm.s32 $0x3;
	s7 =	sor.u32 s3, s7  }
0x8: {  	s23 =	simm.s32 $0x0;
	[smem:$0x7FF] =	sst s5;
	s8 =	smul.u32 $0xC4, s7  }
0x9: {  	p0 =	sne.s32 s6, $0x0;
	s3 =	ssub.s32 $0x2, s3;
	s9 =	smul.u32 $0x31000, s7  }
0xa: {  	_ =	strace $0x80000047;
	s11 =	sshrl.u32 s3, $0x1;
	s24 =	smul.u32 $0x6200, s7  }
0xb: {  	s3 =	ssub.s32 s3, s11;
	s10 =	sadd.s32 s8, s1;
	s1 =	sadd.s32 $0x3800, s1  }
0xc: {  	s9 =	sshrl.u32 s9, $0x3;
	s0 =	sadd.s32 s0, s8;
	s22 =	smax.u32 s3, $0x1  }
0xd: {  	s3 =	simm.s32 $0x2;
	[dreg:$0x7] =	wrdreg s0;
	s25 =	sadd.s32 $0x1E00, s10  }
0xe: {  	s26 =	sadd.s32 s1, s9;
	s1 =	sadd.s32 s1, s24;
	[dreg:$0x8] =	wrdreg s25  }
0xf: {  	s24 =	simm.s32 $0x4;
	s0 =	simm.s32 $0xC908;
	[dreg:$0x9] =	wrdreg s1  }
0x10: {  	s9 =	sadd.s32 $0x700, s26;
	s10 =	sadd.s32 $0xE00, s26;
	s11 =	sadd.s32 $0x1500, s26  }
0x11: {  	s12 =	sadd.s32 $0x1C00, s26;
	s13 =	sadd.s32 $0x2300, s26;
	s14 =	sadd.s32 $0x2A00, s26  }
0x12: {  	s15 =	sadd.s32 $0x3100, s26;
	s16 =	sadd.s32 $0x3800, s26;
	s17 =	sadd.s32 $0x3F00, s26  }
0x13: {  	s18 =	sadd.s32 $0x4600, s26;
	s19 =	sadd.s32 $0x4D00, s26;
	s20 =	sadd.s32 $0x5400, s26  }
0x14: {  	s21 =	sadd.s32 $0x5B00, s26;
	s26 =	simm.s32 $0x70;
	s1 =	simm.s32 $0x1  }
.LBB2_1:
0x15: {  	s6 =	sshrl.u32 @!p0 s2, $0x3;
	s25 =	simm.s32 @!p0 $0x1C04;
	s7 =	rddreg [dreg:$0x2]  }
0x16: {  	[spmem:s6], [sflag:s25] =	dma.local @!p0 [hbm:s7], $0x2000  }
0x17: {  	s6 =	simm.s32 @!p0 $0x4  }
0x18: {  	_ =	swait.ge @!p0 [sflag:s6], $0x2000  }
0x19: {  	[sflag:s6] =	ssyncset.done @!p0 $0x0  }
0x1a: {  	[sflag:s6] =	ssyncadd.s32 @!p0 $0xFFFFE000  }
0x1b: {  	s7 =	sshrl.u32 @!p0 s4, $0x3;
	s8 =	rddreg [dreg:$0x3]  }
0x1c: {  	[spmem:s7], [sflag:s25] =	dma.local @!p0 [hbm:s8], $0x810  }
0x1d: {  	_ =	swait.ge @!p0 [sflag:s6], $0x810  }
0x1e: {  	[sflag:s6] =	ssyncset.done @!p0 $0x0  }
0x1f: {  	[sflag:s6] =	ssyncadd.s32 @!p0 $0xFFFFF7F0  }
0x20: {  	[bflag:$0x0] =	sbarrier.arrive $0xFFFF  }
0x21: {  	s7 =	simm.s32 $0x1408;
	s25 =	rddreg [dreg:$0x7]  }
0x22: {  	[tilespmem:s7], [sflag:$0x4] =	stream.linear.gather [hbm4b:s25+s5], $0x620, $0x38;
	[tilespmem:$0x10108] =	vst v63  }
0x23: {  	_ =	swait.ge [sflag:s24], $0x620  }
0x24: {  	[sflag:s24] =	ssyncset.done $0x0  }
0x25: {  	s25 =	simm.s32 $0x1A88;
	s8 =	rddreg [dreg:$0x8];
	[sflag:s24] =	ssyncadd.s32 $0xFFFFF9E0  }
0x26: {  	[tilespmem:s25], [sflag:$0x4] =	stream.linear.gather [hbm4b:s8+s5], $0x620, $0x38;
	[tilespmem:$0x10108] =	vst v63  }
0x27: {  	_ =	swait.ge [sflag:s24], $0x620  }
0x28: {  	[sflag:s24] =	ssyncset.done $0x0  }
0x29: {  	[sflag:s24] =	ssyncadd.s32 $0xFFFFF9E0  }
0x2a: {  	[tilespmem:s28], [sflag:$0x1] =	stream.indirect.gather [spmem:s2], $0x80, s7, s26, $0xb8;
	[tilespmem:$0x10108] =	vst v63  }
0x2b: {  	_ = 	snop  }
0x2c: {  	[tilespmem:s29], [sflag:$0x1] =	stream.indirect.gather [spmem:s4], $0x80, s25, s26, $0xb8;
	[tilespmem:$0x10108] =	vst v63  }
0x2d: {  	s8 =	simm.s32 $0x1478  }
0x2e: {  	[tilespmem:s31], [sflag:$0x2] =	stream.indirect.gather [spmem:s2], $0x80, s8, s26, $0xb8;
	[tilespmem:$0x10108] =	vst v63  }
0x2f: {  	s25 =	simm.s32 $0x1AF8  }
0x30: {  	[tilespmem:s0], [sflag:$0x2] =	stream.indirect.gather [spmem:s4], $0x80, s25, s26, $0xb8;
	[tilespmem:$0x10108] =	vst v63  }
0x31: {  	_ =	swait.ge [sflag:s1], $0x3800  }
0x32: {  	[sflag:s1] =	ssyncset.done $0x0  }
0x33: {  	[sflag:s1] =	ssyncadd.s32 $0xFFFFC800  }
0x34: {  	_ =	swait.ge [sflag:s1], $0x3800  }
0x35: {  	[sflag:s1] =	ssyncset.done $0x0  }
0x36: {  	s25 =	simm.s32 $0x0;
	[sflag:s1] =	ssyncadd.s32 $0xFFFFC800  }
0x37: {  	v6 =	vld [tilespmem:s25+$0x5908]  }
0x38: {  	v8 =	vld [tilespmem:s25+$0x5918]  }
0x39: {  	v5 =	vld [tilespmem:s25+$0x5928]  }
0x3a: {  	v4 =	vld [tilespmem:s25+$0x5938]  }
0x3b: {  	v3 =	vld [tilespmem:s25+$0x5948]  }
0x3c: {  	v2 =	vld [tilespmem:s25+$0x5958]  }
0x3d: {  	v1 =	vld [tilespmem:s25+$0x5968]  }
0x3e: {  	v0 =	vld [tilespmem:s25+$0x5978]  }
0x3f: {  	v11 =	vld [tilespmem:s25+$0x2108]  }
0x40: {  	v12 =	vld [tilespmem:s25+$0x2118]  }
0x41: {  	v10 =	vld [tilespmem:s25+$0x2128]  }
0x42: {  	v9 =	vld [tilespmem:s25+$0x2138]  }
0x43: {  	v7 =	vld [tilespmem:s25+$0x2148]  }
0x44: {  	v11 =	vmax.f32 v11, v6;
	v6 =	vld [tilespmem:s25+$0x2158]  }
0x45: {  	s6 =	simm.s32 $0x200;
	[tilespmem:s25+$0x2108] =	vst v11;
	v11 =	vmax.f32 v12, v8;
	v8 =	vld [tilespmem:s25+$0x2168]  }
.LBB2_2:
0x46: {  	s7 =	sshra.s32 s6, $0x2;
	p1 =	sne.s32 s6, $0xDE00;
	[tilespmem:s25+$0x2118] =	vst v11;
	v5 =	vmax.f32 v10, v5;
	v10 =	vld [tilespmem:s25+$0x2178]  }
0x47: {  	v11 =	vld [tilespmem:s7+$0x5908];
	[tilespmem:s25+$0x2128] =	vst v5;
	v4 =	vmax.f32 v9, v4  }
0x48: {  	v12 =	vld [tilespmem:s7+$0x5918];
	[tilespmem:s25+$0x2138] =	vst v4;
	v3 =	vmax.f32 v7, v3  }
0x49: {  	v5 =	vld [tilespmem:s7+$0x5928];
	[tilespmem:s25+$0x2148] =	vst v3;
	v2 =	vmax.f32 v6, v2  }
0x4a: {  	v4 =	vld [tilespmem:s7+$0x5938];
	[tilespmem:s25+$0x2158] =	vst v2;
	v1 =	vmax.f32 v8, v1  }
0x4b: {  	v3 =	vld [tilespmem:s7+$0x5948];
	[tilespmem:s25+$0x2168] =	vst v1;
	v0 =	vmax.f32 v10, v0  }
0x4c: {  	v2 =	vld [tilespmem:s7+$0x5958];
	[tilespmem:s25+$0x2178] =	vst v0;
	s25 =	smov.u32 s7  }
0x4d: {  	v1 =	vld [tilespmem:s25+$0x5968]  }
0x4e: {  	v0 =	vld [tilespmem:s25+$0x5978]  }
0x4f: {  	v6 =	vld [tilespmem:s25+$0x2108]  }
0x50: {  	v8 =	vld [tilespmem:s25+$0x2118]  }
.Ltmp0:
0x51: {  	v10 =	vld [tilespmem:s25+$0x2128];
	(pc) =	sbr.rel @p1 .LBB2_2-.Ltmp0, $4  }
0x52: {  	v9 =	vld [tilespmem:s25+$0x2138]  }
0x53: {  	v7 =	vld [tilespmem:s25+$0x2148]  }
0x54: {  	v11 =	vmax.f32 v6, v11;
	v6 =	vld [tilespmem:s25+$0x2158]  }
0x55: {  	s6 =	sadd.s32 $0x200, s6;
	[tilespmem:s25+$0x2108] =	vst v11;
	v11 =	vmax.f32 v8, v12;
	v8 =	vld [tilespmem:s25+$0x2168]  }
0x56: {  	[tilespmem:s25+$0x2118] =	vst v11;
	v5 =	vmax.f32 v10, v5;
	v10 =	vld [tilespmem:s25+$0x2178]  }
0x57: {  	[tilespmem:s25+$0x2128] =	vst v5;
	v4 =	vmax.f32 v9, v4  }
0x58: {  	[tilespmem:s25+$0x2138] =	vst v4;
	v3 =	vmax.f32 v7, v3  }
0x59: {  	[tilespmem:s25+$0x2148] =	vst v3;
	v2 =	vmax.f32 v6, v2  }
0x5a: {  	[tilespmem:s25+$0x2158] =	vst v2;
	v1 =	vmax.f32 v8, v1  }
0x5b: {  	[tilespmem:s25+$0x2168] =	vst v1;
	v0 =	vmax.f32 v10, v0  }
0x5c: {  	s6 =	simm.s32 $0x0;
	s7 =	rddreg [dreg:$0x9];
	[tilespmem:s25+$0x2178] =	vst v0  }
0x5d: {  	[hbm4b:s7+s6] =	stream.linear.scatter [tilespmem:s28], [sflag:$0x3], $0x3800, $0x38;
	[tilespmem:$0x10108] =	vst v63  }
0x5e: {  	_ =	swait.ge [sflag:s30], $0x3800  }
0x5f: {  	[sflag:s30] =	ssyncset.done $0x0  }
0x60: {  	s8 =	simm.s32 $0x14E8;
	[sflag:s30] =	ssyncadd.s32 $0xFFFFC800  }
0x61: {  	[tilespmem:s28], [sflag:$0x1] =	stream.indirect.gather [spmem:s2], $0x80, s8, s26, $0xb8;
	[tilespmem:$0x10108] =	vst v63  }
0x62: {  	s25 =	simm.s32 $0x1B68  }
0x63: {  	[tilespmem:s29], [sflag:$0x1] =	stream.indirect.gather [spmem:s4], $0x80, s25, s26, $0xb8;
	[tilespmem:$0x10108] =	vst v63  }
0x64: {  	_ =	swait.ge [sflag:s3], $0x3800  }
0x65: {  	[sflag:s3] =	ssyncset.done $0x0  }
0x66: {  	[sflag:s3] =	ssyncadd.s32 $0xFFFFC800  }
0x67: {  	_ =	swait.ge [sflag:s3], $0x3800  }
0x68: {  	[sflag:s3] =	ssyncset.done $0x0  }
0x69: {  	s25 =	simm.s32 $0x0;
	[sflag:s3] =	ssyncadd.s32 $0xFFFFC800  }
0x6a: {  	v6 =	vld [tilespmem:s25+$0xC908]  }
0x6b: {  	v8 =	vld [tilespmem:s25+$0xC918]  }
0x6c: {  	v5 =	vld [tilespmem:s25+$0xC928]  }
0x6d: {  	v4 =	vld [tilespmem:s25+$0xC938]  }
0x6e: {  	v3 =	vld [tilespmem:s25+$0xC948]  }
0x6f: {  	v2 =	vld [tilespmem:s25+$0xC958]  }
0x70: {  	v1 =	vld [tilespmem:s25+$0xC968]  }
0x71: {  	v0 =	vld [tilespmem:s25+$0xC978]  }
0x72: {  	v11 =	vld [tilespmem:s25+$0x9108]  }
0x73: {  	v12 =	vld [tilespmem:s25+$0x9118]  }
0x74: {  	v10 =	vld [tilespmem:s25+$0x9128]  }
0x75: {  	v9 =	vld [tilespmem:s25+$0x9138]  }
0x76: {  	v7 =	vld [tilespmem:s25+$0x9148]  }
0x77: {  	v11 =	vmax.f32 v11, v6;
	v6 =	vld [tilespmem:s25+$0x9158]  }
0x78: {  	s6 =	simm.s32 $0x200;
	[tilespmem:s25+$0x9108] =	vst v11;
	v11 =	vmax.f32 v12, v8;
	v8 =	vld [tilespmem:s25+$0x9168]  }
.LBB2_4:
0x79: {  	s7 =	sshra.s32 s6, $0x2;
	p1 =	sne.s32 s6, $0xDE00;
	[tilespmem:s25+$0x9118] =	vst v11;
	v5 =	vmax.f32 v10, v5;
	v10 =	vld [tilespmem:s25+$0x9178]  }
0x7a: {  	v11 =	vld [tilespmem:s7+$0xC908];
	[tilespmem:s25+$0x9128] =	vst v5;
	v4 =	vmax.f32 v9, v4  }
0x7b: {  	v12 =	vld [tilespmem:s7+$0xC918];
	[tilespmem:s25+$0x9138] =	vst v4;
	v3 =	vmax.f32 v7, v3  }
0x7c: {  	v5 =	vld [tilespmem:s7+$0xC928];
	[tilespmem:s25+$0x9148] =	vst v3;
	v2 =	vmax.f32 v6, v2  }
0x7d: {  	v4 =	vld [tilespmem:s7+$0xC938];
	[tilespmem:s25+$0x9158] =	vst v2;
	v1 =	vmax.f32 v8, v1  }
0x7e: {  	v3 =	vld [tilespmem:s7+$0xC948];
	[tilespmem:s25+$0x9168] =	vst v1;
	v0 =	vmax.f32 v10, v0  }
0x7f: {  	v2 =	vld [tilespmem:s7+$0xC958];
	[tilespmem:s25+$0x9178] =	vst v0;
	s25 =	smov.u32 s7  }
0x80: {  	v1 =	vld [tilespmem:s25+$0xC968]  }
0x81: {  	v0 =	vld [tilespmem:s25+$0xC978]  }
0x82: {  	v6 =	vld [tilespmem:s25+$0x9108]  }
0x83: {  	v8 =	vld [tilespmem:s25+$0x9118]  }
.Ltmp1:
0x84: {  	v10 =	vld [tilespmem:s25+$0x9128];
	(pc) =	sbr.rel @p1 .LBB2_4-.Ltmp1, $4  }
0x85: {  	v9 =	vld [tilespmem:s25+$0x9138]  }
0x86: {  	v7 =	vld [tilespmem:s25+$0x9148]  }
0x87: {  	v11 =	vmax.f32 v6, v11;
	v6 =	vld [tilespmem:s25+$0x9158]  }
0x88: {  	s6 =	sadd.s32 $0x200, s6;
	[tilespmem:s25+$0x9108] =	vst v11;
	v11 =	vmax.f32 v8, v12;
	v8 =	vld [tilespmem:s25+$0x9168]  }
0x89: {  	[tilespmem:s25+$0x9118] =	vst v11;
	v5 =	vmax.f32 v10, v5;
	v10 =	vld [tilespmem:s25+$0x9178]  }
0x8a: {  	[tilespmem:s25+$0x9128] =	vst v5;
	v4 =	vmax.f32 v9, v4  }
0x8b: {  	[tilespmem:s25+$0x9138] =	vst v4;
	v3 =	vmax.f32 v7, v3  }
0x8c: {  	[tilespmem:s25+$0x9148] =	vst v3;
	v2 =	vmax.f32 v6, v2  }
0x8d: {  	[tilespmem:s25+$0x9158] =	vst v2;
	v1 =	vmax.f32 v8, v1  }
0x8e: {  	[tilespmem:s25+$0x9168] =	vst v1;
	v0 =	vmax.f32 v10, v0  }
0x8f: {  	s6 =	simm.s32 $0x0;
	[tilespmem:s25+$0x9178] =	vst v0  }
0x90: {  	[hbm4b:s9+s6] =	stream.linear.scatter [tilespmem:s31], [sflag:$0x3], $0x3800, $0x38;
	[tilespmem:$0x10108] =	vst v63  }
0x91: {  	_ =	swait.ge [sflag:s30], $0x3800  }
0x92: {  	[sflag:s30] =	ssyncset.done $0x0  }
0x93: {  	s8 =	simm.s32 $0x1558;
	[sflag:s30] =	ssyncadd.s32 $0xFFFFC800  }
0x94: {  	[tilespmem:s31], [sflag:$0x2] =	stream.indirect.gather [spmem:s2], $0x80, s8, s26, $0xb8;
	[tilespmem:$0x10108] =	vst v63  }
0x95: {  	s25 =	simm.s32 $0x1BD8  }
0x96: {  	[tilespmem:s0], [sflag:$0x2] =	stream.indirect.gather [spmem:s4], $0x80, s25, s26, $0xb8;
	[tilespmem:$0x10108] =	vst v63  }
0x97: {  	_ =	swait.ge [sflag:s1], $0x3800  }
0x98: {  	[sflag:s1] =	ssyncset.done $0x0  }
0x99: {  	[sflag:s1] =	ssyncadd.s32 $0xFFFFC800  }
0x9a: {  	_ =	swait.ge [sflag:s1], $0x3800  }
0x9b: {  	[sflag:s1] =	ssyncset.done $0x0  }
0x9c: {  	s25 =	simm.s32 $0x0;
	[sflag:s1] =	ssyncadd.s32 $0xFFFFC800  }
0x9d: {  	v6 =	vld [tilespmem:s25+$0x5908]  }
0x9e: {  	v8 =	vld [tilespmem:s25+$0x5918]  }
0x9f: {  	v5 =	vld [tilespmem:s25+$0x5928]  }
0xa0: {  	v4 =	vld [tilespmem:s25+$0x5938]  }
0xa1: {  	v3 =	vld [tilespmem:s25+$0x5948]  }
0xa2: {  	v2 =	vld [tilespmem:s25+$0x5958]  }
0xa3: {  	v1 =	vld [tilespmem:s25+$0x5968]  }
0xa4: {  	v0 =	vld [tilespmem:s25+$0x5978]  }
0xa5: {  	v11 =	vld [tilespmem:s25+$0x2108]  }
0xa6: {  	v12 =	vld [tilespmem:s25+$0x2118]  }
0xa7: {  	v10 =	vld [tilespmem:s25+$0x2128]  }
0xa8: {  	v9 =	vld [tilespmem:s25+$0x2138]  }
0xa9: {  	v7 =	vld [tilespmem:s25+$0x2148]  }
0xaa: {  	v11 =	vmax.f32 v11, v6;
	v6 =	vld [tilespmem:s25+$0x2158]  }
0xab: {  	s6 =	simm.s32 $0x200;
	[tilespmem:s25+$0x2108] =	vst v11;
	v11 =	vmax.f32 v12, v8;
	v8 =	vld [tilespmem:s25+$0x2168]  }
.LBB2_6:
0xac: {  	s7 =	sshra.s32 s6, $0x2;
	p1 =	sne.s32 s6, $0xDE00;
	[tilespmem:s25+$0x2118] =	vst v11;
	v5 =	vmax.f32 v10, v5;
	v10 =	vld [tilespmem:s25+$0x2178]  }
0xad: {  	v11 =	vld [tilespmem:s7+$0x5908];
	[tilespmem:s25+$0x2128] =	vst v5;
	v4 =	vmax.f32 v9, v4  }
0xae: {  	v12 =	vld [tilespmem:s7+$0x5918];
	[tilespmem:s25+$0x2138] =	vst v4;
	v3 =	vmax.f32 v7, v3  }
0xaf: {  	v5 =	vld [tilespmem:s7+$0x5928];
	[tilespmem:s25+$0x2148] =	vst v3;
	v2 =	vmax.f32 v6, v2  }
0xb0: {  	v4 =	vld [tilespmem:s7+$0x5938];
	[tilespmem:s25+$0x2158] =	vst v2;
	v1 =	vmax.f32 v8, v1  }
0xb1: {  	v3 =	vld [tilespmem:s7+$0x5948];
	[tilespmem:s25+$0x2168] =	vst v1;
	v0 =	vmax.f32 v10, v0  }
0xb2: {  	v2 =	vld [tilespmem:s7+$0x5958];
	[tilespmem:s25+$0x2178] =	vst v0;
	s25 =	smov.u32 s7  }
0xb3: {  	v1 =	vld [tilespmem:s25+$0x5968]  }
0xb4: {  	v0 =	vld [tilespmem:s25+$0x5978]  }
0xb5: {  	v6 =	vld [tilespmem:s25+$0x2108]  }
0xb6: {  	v8 =	vld [tilespmem:s25+$0x2118]  }
.Ltmp2:
0xb7: {  	v10 =	vld [tilespmem:s25+$0x2128];
	(pc) =	sbr.rel @p1 .LBB2_6-.Ltmp2, $4  }
0xb8: {  	v9 =	vld [tilespmem:s25+$0x2138]  }
0xb9: {  	v7 =	vld [tilespmem:s25+$0x2148]  }
0xba: {  	v11 =	vmax.f32 v6, v11;
	v6 =	vld [tilespmem:s25+$0x2158]  }
0xbb: {  	s6 =	sadd.s32 $0x200, s6;
	[tilespmem:s25+$0x2108] =	vst v11;
	v11 =	vmax.f32 v8, v12;
	v8 =	vld [tilespmem:s25+$0x2168]  }
0xbc: {  	[tilespmem:s25+$0x2118] =	vst v11;
	v5 =	vmax.f32 v10, v5;
	v10 =	vld [tilespmem:s25+$0x2178]  }
0xbd: {  	[tilespmem:s25+$0x2128] =	vst v5;
	v4 =	vmax.f32 v9, v4  }
0xbe: {  	[tilespmem:s25+$0x2138] =	vst v4;
	v3 =	vmax.f32 v7, v3  }
0xbf: {  	[tilespmem:s25+$0x2148] =	vst v3;
	v2 =	vmax.f32 v6, v2  }
0xc0: {  	[tilespmem:s25+$0x2158] =	vst v2;
	v1 =	vmax.f32 v8, v1  }
0xc1: {  	[tilespmem:s25+$0x2168] =	vst v1;
	v0 =	vmax.f32 v10, v0  }
0xc2: {  	s6 =	simm.s32 $0x0;
	[tilespmem:s25+$0x2178] =	vst v0  }
0xc3: {  	[hbm4b:s10+s6] =	stream.linear.scatter [tilespmem:s28], [sflag:$0x3], $0x3800, $0x38;
	[tilespmem:$0x10108] =	vst v63  }
0xc4: {  	_ =	swait.ge [sflag:s30], $0x3800  }
0xc5: {  	[sflag:s30] =	ssyncset.done $0x0  }
0xc6: {  	s8 =	simm.s32 $0x15C8;
	[sflag:s30] =	ssyncadd.s32 $0xFFFFC800  }
0xc7: {  	[tilespmem:s28], [sflag:$0x1] =	stream.indirect.gather [spmem:s2], $0x80, s8, s26, $0xb8;
	[tilespmem:$0x10108] =	vst v63  }
0xc8: {  	s25 =	simm.s32 $0x1C48  }
0xc9: {  	[tilespmem:s29], [sflag:$0x1] =	stream.indirect.gather [spmem:s4], $0x80, s25, s26, $0xb8;
	[tilespmem:$0x10108] =	vst v63  }
0xca: {  	_ =	swait.ge [sflag:s3], $0x3800  }
0xcb: {  	[sflag:s3] =	ssyncset.done $0x0  }
0xcc: {  	[sflag:s3] =	ssyncadd.s32 $0xFFFFC800  }
0xcd: {  	_ =	swait.ge [sflag:s3], $0x3800  }
0xce: {  	[sflag:s3] =	ssyncset.done $0x0  }
0xcf: {  	s25 =	simm.s32 $0x0;
	[sflag:s3] =	ssyncadd.s32 $0xFFFFC800  }
0xd0: {  	v6 =	vld [tilespmem:s25+$0xC908]  }
0xd1: {  	v8 =	vld [tilespmem:s25+$0xC918]  }
0xd2: {  	v5 =	vld [tilespmem:s25+$0xC928]  }
0xd3: {  	v4 =	vld [tilespmem:s25+$0xC938]  }
0xd4: {  	v3 =	vld [tilespmem:s25+$0xC948]  }
0xd5: {  	v2 =	vld [tilespmem:s25+$0xC958]  }
0xd6: {  	v1 =	vld [tilespmem:s25+$0xC968]  }
0xd7: {  	v0 =	vld [tilespmem:s25+$0xC978]  }
0xd8: {  	v11 =	vld [tilespmem:s25+$0x9108]  }
0xd9: {  	v12 =	vld [tilespmem:s25+$0x9118]  }
0xda: {  	v10 =	vld [tilespmem:s25+$0x9128]  }
0xdb: {  	v9 =	vld [tilespmem:s25+$0x9138]  }
0xdc: {  	v7 =	vld [tilespmem:s25+$0x9148]  }
0xdd: {  	v11 =	vmax.f32 v11, v6;
	v6 =	vld [tilespmem:s25+$0x9158]  }
0xde: {  	s6 =	simm.s32 $0x200;
	[tilespmem:s25+$0x9108] =	vst v11;
	v11 =	vmax.f32 v12, v8;
	v8 =	vld [tilespmem:s25+$0x9168]  }
.LBB2_8:
0xdf: {  	s7 =	sshra.s32 s6, $0x2;
	p1 =	sne.s32 s6, $0xDE00;
	[tilespmem:s25+$0x9118] =	vst v11;
	v5 =	vmax.f32 v10, v5;
	v10 =	vld [tilespmem:s25+$0x9178]  }
0xe0: {  	v11 =	vld [tilespmem:s7+$0xC908];
	[tilespmem:s25+$0x9128] =	vst v5;
	v4 =	vmax.f32 v9, v4  }
0xe1: {  	v12 =	vld [tilespmem:s7+$0xC918];
	[tilespmem:s25+$0x9138] =	vst v4;
	v3 =	vmax.f32 v7, v3  }
0xe2: {  	v5 =	vld [tilespmem:s7+$0xC928];
	[tilespmem:s25+$0x9148] =	vst v3;
	v2 =	vmax.f32 v6, v2  }
0xe3: {  	v4 =	vld [tilespmem:s7+$0xC938];
	[tilespmem:s25+$0x9158] =	vst v2;
	v1 =	vmax.f32 v8, v1  }
0xe4: {  	v3 =	vld [tilespmem:s7+$0xC948];
	[tilespmem:s25+$0x9168] =	vst v1;
	v0 =	vmax.f32 v10, v0  }
0xe5: {  	v2 =	vld [tilespmem:s7+$0xC958];
	[tilespmem:s25+$0x9178] =	vst v0;
	s25 =	smov.u32 s7  }
0xe6: {  	v1 =	vld [tilespmem:s25+$0xC968]  }
0xe7: {  	v0 =	vld [tilespmem:s25+$0xC978]  }
0xe8: {  	v6 =	vld [tilespmem:s25+$0x9108]  }
0xe9: {  	v8 =	vld [tilespmem:s25+$0x9118]  }
.Ltmp3:
0xea: {  	v10 =	vld [tilespmem:s25+$0x9128];
	(pc) =	sbr.rel @p1 .LBB2_8-.Ltmp3, $4  }
0xeb: {  	v9 =	vld [tilespmem:s25+$0x9138]  }
0xec: {  	v7 =	vld [tilespmem:s25+$0x9148]  }
0xed: {  	v11 =	vmax.f32 v6, v11;
	v6 =	vld [tilespmem:s25+$0x9158]  }
0xee: {  	s6 =	sadd.s32 $0x200, s6;
	[tilespmem:s25+$0x9108] =	vst v11;
	v11 =	vmax.f32 v8, v12;
	v8 =	vld [tilespmem:s25+$0x9168]  }
0xef: {  	[tilespmem:s25+$0x9118] =	vst v11;
	v5 =	vmax.f32 v10, v5;
	v10 =	vld [tilespmem:s25+$0x9178]  }
0xf0: {  	[tilespmem:s25+$0x9128] =	vst v5;
	v4 =	vmax.f32 v9, v4  }
0xf1: {  	[tilespmem:s25+$0x9138] =	vst v4;
	v3 =	vmax.f32 v7, v3  }
0xf2: {  	[tilespmem:s25+$0x9148] =	vst v3;
	v2 =	vmax.f32 v6, v2  }
0xf3: {  	[tilespmem:s25+$0x9158] =	vst v2;
	v1 =	vmax.f32 v8, v1  }
0xf4: {  	[tilespmem:s25+$0x9168] =	vst v1;
	v0 =	vmax.f32 v10, v0  }
0xf5: {  	s6 =	simm.s32 $0x0;
	[tilespmem:s25+$0x9178] =	vst v0  }
0xf6: {  	[hbm4b:s11+s6] =	stream.linear.scatter [tilespmem:s31], [sflag:$0x3], $0x3800, $0x38;
	[tilespmem:$0x10108] =	vst v63  }
0xf7: {  	_ =	swait.ge [sflag:s30], $0x3800  }
0xf8: {  	[sflag:s30] =	ssyncset.done $0x0  }
0xf9: {  	s8 =	simm.s32 $0x1638;
	[sflag:s30] =	ssyncadd.s32 $0xFFFFC800  }
0xfa: {  	[tilespmem:s31], [sflag:$0x2] =	stream.indirect.gather [spmem:s2], $0x80, s8, s26, $0xb8;
	[tilespmem:$0x10108] =	vst v63  }
0xfb: {  	s25 =	simm.s32 $0x1CB8  }
0xfc: {  	[tilespmem:s0], [sflag:$0x2] =	stream.indirect.gather [spmem:s4], $0x80, s25, s26, $0xb8;
	[tilespmem:$0x10108] =	vst v63  }
0xfd: {  	_ =	swait.ge [sflag:s1], $0x3800  }
0xfe: {  	[sflag:s1] =	ssyncset.done $0x0  }
0xff: {  	[sflag:s1] =	ssyncadd.s32 $0xFFFFC800  }
0x100: {  	_ =	swait.ge [sflag:s1], $0x3800  }
0x101: {  	[sflag:s1] =	ssyncset.done $0x0  }
0x102: {  	s25 =	simm.s32 $0x0;
	[sflag:s1] =	ssyncadd.s32 $0xFFFFC800  }
0x103: {  	v6 =	vld [tilespmem:s25+$0x5908]  }
0x104: {  	v8 =	vld [tilespmem:s25+$0x5918]  }
0x105: {  	v5 =	vld [tilespmem:s25+$0x5928]  }
0x106: {  	v4 =	vld [tilespmem:s25+$0x5938]  }
0x107: {  	v3 =	vld [tilespmem:s25+$0x5948]  }
0x108: {  	v2 =	vld [tilespmem:s25+$0x5958]  }
0x109: {  	v1 =	vld [tilespmem:s25+$0x5968]  }
0x10a: {  	v0 =	vld [tilespmem:s25+$0x5978]  }
0x10b: {  	v11 =	vld [tilespmem:s25+$0x2108]  }
0x10c: {  	v12 =	vld [tilespmem:s25+$0x2118]  }
0x10d: {  	v10 =	vld [tilespmem:s25+$0x2128]  }
0x10e: {  	v9 =	vld [tilespmem:s25+$0x2138]  }
0x10f: {  	v7 =	vld [tilespmem:s25+$0x2148]  }
0x110: {  	v11 =	vmax.f32 v11, v6;
	v6 =	vld [tilespmem:s25+$0x2158]  }
0x111: {  	s6 =	simm.s32 $0x200;
	[tilespmem:s25+$0x2108] =	vst v11;
	v11 =	vmax.f32 v12, v8;
	v8 =	vld [tilespmem:s25+$0x2168]  }
.LBB2_10:
0x112: {  	s7 =	sshra.s32 s6, $0x2;
	p1 =	sne.s32 s6, $0xDE00;
	[tilespmem:s25+$0x2118] =	vst v11;
	v5 =	vmax.f32 v10, v5;
	v10 =	vld [tilespmem:s25+$0x2178]  }
0x113: {  	v11 =	vld [tilespmem:s7+$0x5908];
	[tilespmem:s25+$0x2128] =	vst v5;
	v4 =	vmax.f32 v9, v4  }
0x114: {  	v12 =	vld [tilespmem:s7+$0x5918];
	[tilespmem:s25+$0x2138] =	vst v4;
	v3 =	vmax.f32 v7, v3  }
0x115: {  	v5 =	vld [tilespmem:s7+$0x5928];
	[tilespmem:s25+$0x2148] =	vst v3;
	v2 =	vmax.f32 v6, v2  }
0x116: {  	v4 =	vld [tilespmem:s7+$0x5938];
	[tilespmem:s25+$0x2158] =	vst v2;
	v1 =	vmax.f32 v8, v1  }
0x117: {  	v3 =	vld [tilespmem:s7+$0x5948];
	[tilespmem:s25+$0x2168] =	vst v1;
	v0 =	vmax.f32 v10, v0  }
0x118: {  	v2 =	vld [tilespmem:s7+$0x5958];
	[tilespmem:s25+$0x2178] =	vst v0;
	s25 =	smov.u32 s7  }
0x119: {  	v1 =	vld [tilespmem:s25+$0x5968]  }
0x11a: {  	v0 =	vld [tilespmem:s25+$0x5978]  }
0x11b: {  	v6 =	vld [tilespmem:s25+$0x2108]  }
0x11c: {  	v8 =	vld [tilespmem:s25+$0x2118]  }
.Ltmp4:
0x11d: {  	v10 =	vld [tilespmem:s25+$0x2128];
	(pc) =	sbr.rel @p1 .LBB2_10-.Ltmp4, $4  }
0x11e: {  	v9 =	vld [tilespmem:s25+$0x2138]  }
0x11f: {  	v7 =	vld [tilespmem:s25+$0x2148]  }
0x120: {  	v11 =	vmax.f32 v6, v11;
	v6 =	vld [tilespmem:s25+$0x2158]  }
0x121: {  	s6 =	sadd.s32 $0x200, s6;
	[tilespmem:s25+$0x2108] =	vst v11;
	v11 =	vmax.f32 v8, v12;
	v8 =	vld [tilespmem:s25+$0x2168]  }
0x122: {  	[tilespmem:s25+$0x2118] =	vst v11;
	v5 =	vmax.f32 v10, v5;
	v10 =	vld [tilespmem:s25+$0x2178]  }
0x123: {  	[tilespmem:s25+$0x2128] =	vst v5;
	v4 =	vmax.f32 v9, v4  }
0x124: {  	[tilespmem:s25+$0x2138] =	vst v4;
	v3 =	vmax.f32 v7, v3  }
0x125: {  	[tilespmem:s25+$0x2148] =	vst v3;
	v2 =	vmax.f32 v6, v2  }
0x126: {  	[tilespmem:s25+$0x2158] =	vst v2;
	v1 =	vmax.f32 v8, v1  }
0x127: {  	[tilespmem:s25+$0x2168] =	vst v1;
	v0 =	vmax.f32 v10, v0  }
0x128: {  	s6 =	simm.s32 $0x0;
	[tilespmem:s25+$0x2178] =	vst v0  }
0x129: {  	[hbm4b:s12+s6] =	stream.linear.scatter [tilespmem:s28], [sflag:$0x3], $0x3800, $0x38;
	[tilespmem:$0x10108] =	vst v63  }
0x12a: {  	_ =	swait.ge [sflag:s30], $0x3800  }
0x12b: {  	[sflag:s30] =	ssyncset.done $0x0  }
0x12c: {  	s8 =	simm.s32 $0x16A8;
	[sflag:s30] =	ssyncadd.s32 $0xFFFFC800  }
0x12d: {  	[tilespmem:s28], [sflag:$0x1] =	stream.indirect.gather [spmem:s2], $0x80, s8, s26, $0xb8;
	[tilespmem:$0x10108] =	vst v63  }
0x12e: {  	s25 =	simm.s32 $0x1D28  }
0x12f: {  	[tilespmem:s29], [sflag:$0x1] =	stream.indirect.gather [spmem:s4], $0x80, s25, s26, $0xb8;
	[tilespmem:$0x10108] =	vst v63  }
0x130: {  	_ =	swait.ge [sflag:s3], $0x3800  }
0x131: {  	[sflag:s3] =	ssyncset.done $0x0  }
0x132: {  	[sflag:s3] =	ssyncadd.s32 $0xFFFFC800  }
0x133: {  	_ =	swait.ge [sflag:s3], $0x3800  }
0x134: {  	[sflag:s3] =	ssyncset.done $0x0  }
0x135: {  	s25 =	simm.s32 $0x0;
	[sflag:s3] =	ssyncadd.s32 $0xFFFFC800  }
0x136: {  	v6 =	vld [tilespmem:s25+$0xC908]  }
0x137: {  	v8 =	vld [tilespmem:s25+$0xC918]  }
0x138: {  	v5 =	vld [tilespmem:s25+$0xC928]  }
0x139: {  	v4 =	vld [tilespmem:s25+$0xC938]  }
0x13a: {  	v3 =	vld [tilespmem:s25+$0xC948]  }
0x13b: {  	v2 =	vld [tilespmem:s25+$0xC958]  }
0x13c: {  	v1 =	vld [tilespmem:s25+$0xC968]  }
0x13d: {  	v0 =	vld [tilespmem:s25+$0xC978]  }
0x13e: {  	v11 =	vld [tilespmem:s25+$0x9108]  }
0x13f: {  	v12 =	vld [tilespmem:s25+$0x9118]  }
0x140: {  	v10 =	vld [tilespmem:s25+$0x9128]  }
0x141: {  	v9 =	vld [tilespmem:s25+$0x9138]  }
0x142: {  	v7 =	vld [tilespmem:s25+$0x9148]  }
0x143: {  	v11 =	vmax.f32 v11, v6;
	v6 =	vld [tilespmem:s25+$0x9158]  }
0x144: {  	s6 =	simm.s32 $0x200;
	[tilespmem:s25+$0x9108] =	vst v11;
	v11 =	vmax.f32 v12, v8;
	v8 =	vld [tilespmem:s25+$0x9168]  }
.LBB2_12:
0x145: {  	s7 =	sshra.s32 s6, $0x2;
	p1 =	sne.s32 s6, $0xDE00;
	[tilespmem:s25+$0x9118] =	vst v11;
	v5 =	vmax.f32 v10, v5;
	v10 =	vld [tilespmem:s25+$0x9178]  }
0x146: {  	v11 =	vld [tilespmem:s7+$0xC908];
	[tilespmem:s25+$0x9128] =	vst v5;
	v4 =	vmax.f32 v9, v4  }
0x147: {  	v12 =	vld [tilespmem:s7+$0xC918];
	[tilespmem:s25+$0x9138] =	vst v4;
	v3 =	vmax.f32 v7, v3  }
0x148: {  	v5 =	vld [tilespmem:s7+$0xC928];
	[tilespmem:s25+$0x9148] =	vst v3;
	v2 =	vmax.f32 v6, v2  }
0x149: {  	v4 =	vld [tilespmem:s7+$0xC938];
	[tilespmem:s25+$0x9158] =	vst v2;
	v1 =	vmax.f32 v8, v1  }
0x14a: {  	v3 =	vld [tilespmem:s7+$0xC948];
	[tilespmem:s25+$0x9168] =	vst v1;
	v0 =	vmax.f32 v10, v0  }
0x14b: {  	v2 =	vld [tilespmem:s7+$0xC958];
	[tilespmem:s25+$0x9178] =	vst v0;
	s25 =	smov.u32 s7  }
0x14c: {  	v1 =	vld [tilespmem:s25+$0xC968]  }
0x14d: {  	v0 =	vld [tilespmem:s25+$0xC978]  }
0x14e: {  	v6 =	vld [tilespmem:s25+$0x9108]  }
0x14f: {  	v8 =	vld [tilespmem:s25+$0x9118]  }
.Ltmp5:
0x150: {  	v10 =	vld [tilespmem:s25+$0x9128];
	(pc) =	sbr.rel @p1 .LBB2_12-.Ltmp5, $4  }
0x151: {  	v9 =	vld [tilespmem:s25+$0x9138]  }
0x152: {  	v7 =	vld [tilespmem:s25+$0x9148]  }
0x153: {  	v11 =	vmax.f32 v6, v11;
	v6 =	vld [tilespmem:s25+$0x9158]  }
0x154: {  	s6 =	sadd.s32 $0x200, s6;
	[tilespmem:s25+$0x9108] =	vst v11;
	v11 =	vmax.f32 v8, v12;
	v8 =	vld [tilespmem:s25+$0x9168]  }
0x155: {  	[tilespmem:s25+$0x9118] =	vst v11;
	v5 =	vmax.f32 v10, v5;
	v10 =	vld [tilespmem:s25+$0x9178]  }
0x156: {  	[tilespmem:s25+$0x9128] =	vst v5;
	v4 =	vmax.f32 v9, v4  }
0x157: {  	[tilespmem:s25+$0x9138] =	vst v4;
	v3 =	vmax.f32 v7, v3  }
0x158: {  	[tilespmem:s25+$0x9148] =	vst v3;
	v2 =	vmax.f32 v6, v2  }
0x159: {  	[tilespmem:s25+$0x9158] =	vst v2;
	v1 =	vmax.f32 v8, v1  }
0x15a: {  	[tilespmem:s25+$0x9168] =	vst v1;
	v0 =	vmax.f32 v10, v0  }
0x15b: {  	s6 =	simm.s32 $0x0;
	[tilespmem:s25+$0x9178] =	vst v0  }
0x15c: {  	[hbm4b:s13+s6] =	stream.linear.scatter [tilespmem:s31], [sflag:$0x3], $0x3800, $0x38;
	[tilespmem:$0x10108] =	vst v63  }
0x15d: {  	_ =	swait.ge [sflag:s30], $0x3800  }
0x15e: {  	[sflag:s30] =	ssyncset.done $0x0  }
0x15f: {  	s8 =	simm.s32 $0x1718;
	[sflag:s30] =	ssyncadd.s32 $0xFFFFC800  }
0x160: {  	[tilespmem:s31], [sflag:$0x2] =	stream.indirect.gather [spmem:s2], $0x80, s8, s26, $0xb8;
	[tilespmem:$0x10108] =	vst v63  }
0x161: {  	s25 =	simm.s32 $0x1D98  }
0x162: {  	[tilespmem:s0], [sflag:$0x2] =	stream.indirect.gather [spmem:s4], $0x80, s25, s26, $0xb8;
	[tilespmem:$0x10108] =	vst v63  }
0x163: {  	_ =	swait.ge [sflag:s1], $0x3800  }
0x164: {  	[sflag:s1] =	ssyncset.done $0x0  }
0x165: {  	[sflag:s1] =	ssyncadd.s32 $0xFFFFC800  }
0x166: {  	_ =	swait.ge [sflag:s1], $0x3800  }
0x167: {  	[sflag:s1] =	ssyncset.done $0x0  }
0x168: {  	s25 =	simm.s32 $0x0;
	[sflag:s1] =	ssyncadd.s32 $0xFFFFC800  }
0x169: {  	v6 =	vld [tilespmem:s25+$0x5908]  }
0x16a: {  	v8 =	vld [tilespmem:s25+$0x5918]  }
0x16b: {  	v5 =	vld [tilespmem:s25+$0x5928]  }
0x16c: {  	v4 =	vld [tilespmem:s25+$0x5938]  }
0x16d: {  	v3 =	vld [tilespmem:s25+$0x5948]  }
0x16e: {  	v2 =	vld [tilespmem:s25+$0x5958]  }
0x16f: {  	v1 =	vld [tilespmem:s25+$0x5968]  }
0x170: {  	v0 =	vld [tilespmem:s25+$0x5978]  }
0x171: {  	v11 =	vld [tilespmem:s25+$0x2108]  }
0x172: {  	v12 =	vld [tilespmem:s25+$0x2118]  }
0x173: {  	v10 =	vld [tilespmem:s25+$0x2128]  }
0x174: {  	v9 =	vld [tilespmem:s25+$0x2138]  }
0x175: {  	v7 =	vld [tilespmem:s25+$0x2148]  }
0x176: {  	v11 =	vmax.f32 v11, v6;
	v6 =	vld [tilespmem:s25+$0x2158]  }
0x177: {  	s6 =	simm.s32 $0x200;
	[tilespmem:s25+$0x2108] =	vst v11;
	v11 =	vmax.f32 v12, v8;
	v8 =	vld [tilespmem:s25+$0x2168]  }
.LBB2_14:
0x178: {  	s7 =	sshra.s32 s6, $0x2;
	p1 =	sne.s32 s6, $0xDE00;
	[tilespmem:s25+$0x2118] =	vst v11;
	v5 =	vmax.f32 v10, v5;
	v10 =	vld [tilespmem:s25+$0x2178]  }
0x179: {  	v11 =	vld [tilespmem:s7+$0x5908];
	[tilespmem:s25+$0x2128] =	vst v5;
	v4 =	vmax.f32 v9, v4  }
0x17a: {  	v12 =	vld [tilespmem:s7+$0x5918];
	[tilespmem:s25+$0x2138] =	vst v4;
	v3 =	vmax.f32 v7, v3  }
0x17b: {  	v5 =	vld [tilespmem:s7+$0x5928];
	[tilespmem:s25+$0x2148] =	vst v3;
	v2 =	vmax.f32 v6, v2  }
0x17c: {  	v4 =	vld [tilespmem:s7+$0x5938];
	[tilespmem:s25+$0x2158] =	vst v2;
	v1 =	vmax.f32 v8, v1  }
0x17d: {  	v3 =	vld [tilespmem:s7+$0x5948];
	[tilespmem:s25+$0x2168] =	vst v1;
	v0 =	vmax.f32 v10, v0  }
0x17e: {  	v2 =	vld [tilespmem:s7+$0x5958];
	[tilespmem:s25+$0x2178] =	vst v0;
	s25 =	smov.u32 s7  }
0x17f: {  	v1 =	vld [tilespmem:s25+$0x5968]  }
0x180: {  	v0 =	vld [tilespmem:s25+$0x5978]  }
0x181: {  	v6 =	vld [tilespmem:s25+$0x2108]  }
0x182: {  	v8 =	vld [tilespmem:s25+$0x2118]  }
.Ltmp6:
0x183: {  	v10 =	vld [tilespmem:s25+$0x2128];
	(pc) =	sbr.rel @p1 .LBB2_14-.Ltmp6, $4  }
0x184: {  	v9 =	vld [tilespmem:s25+$0x2138]  }
0x185: {  	v7 =	vld [tilespmem:s25+$0x2148]  }
0x186: {  	v11 =	vmax.f32 v6, v11;
	v6 =	vld [tilespmem:s25+$0x2158]  }
0x187: {  	s6 =	sadd.s32 $0x200, s6;
	[tilespmem:s25+$0x2108] =	vst v11;
	v11 =	vmax.f32 v8, v12;
	v8 =	vld [tilespmem:s25+$0x2168]  }
0x188: {  	[tilespmem:s25+$0x2118] =	vst v11;
	v5 =	vmax.f32 v10, v5;
	v10 =	vld [tilespmem:s25+$0x2178]  }
0x189: {  	[tilespmem:s25+$0x2128] =	vst v5;
	v4 =	vmax.f32 v9, v4  }
0x18a: {  	[tilespmem:s25+$0x2138] =	vst v4;
	v3 =	vmax.f32 v7, v3  }
0x18b: {  	[tilespmem:s25+$0x2148] =	vst v3;
	v2 =	vmax.f32 v6, v2  }
0x18c: {  	[tilespmem:s25+$0x2158] =	vst v2;
	v1 =	vmax.f32 v8, v1  }
0x18d: {  	[tilespmem:s25+$0x2168] =	vst v1;
	v0 =	vmax.f32 v10, v0  }
0x18e: {  	s6 =	simm.s32 $0x0;
	[tilespmem:s25+$0x2178] =	vst v0  }
0x18f: {  	[hbm4b:s14+s6] =	stream.linear.scatter [tilespmem:s28], [sflag:$0x3], $0x3800, $0x38;
	[tilespmem:$0x10108] =	vst v63  }
0x190: {  	_ =	swait.ge [sflag:s30], $0x3800  }
0x191: {  	[sflag:s30] =	ssyncset.done $0x0  }
0x192: {  	s8 =	simm.s32 $0x1788;
	[sflag:s30] =	ssyncadd.s32 $0xFFFFC800  }
0x193: {  	[tilespmem:s28], [sflag:$0x1] =	stream.indirect.gather [spmem:s2], $0x80, s8, s26, $0xb8;
	[tilespmem:$0x10108] =	vst v63  }
0x194: {  	s25 =	simm.s32 $0x1E08  }
0x195: {  	[tilespmem:s29], [sflag:$0x1] =	stream.indirect.gather [spmem:s4], $0x80, s25, s26, $0xb8;
	[tilespmem:$0x10108] =	vst v63  }
0x196: {  	_ =	swait.ge [sflag:s3], $0x3800  }
0x197: {  	[sflag:s3] =	ssyncset.done $0x0  }
0x198: {  	[sflag:s3] =	ssyncadd.s32 $0xFFFFC800  }
0x199: {  	_ =	swait.ge [sflag:s3], $0x3800  }
0x19a: {  	[sflag:s3] =	ssyncset.done $0x0  }
0x19b: {  	s25 =	simm.s32 $0x0;
	[sflag:s3] =	ssyncadd.s32 $0xFFFFC800  }
0x19c: {  	v6 =	vld [tilespmem:s25+$0xC908]  }
0x19d: {  	v8 =	vld [tilespmem:s25+$0xC918]  }
0x19e: {  	v5 =	vld [tilespmem:s25+$0xC928]  }
0x19f: {  	v4 =	vld [tilespmem:s25+$0xC938]  }
0x1a0: {  	v3 =	vld [tilespmem:s25+$0xC948]  }
0x1a1: {  	v2 =	vld [tilespmem:s25+$0xC958]  }
0x1a2: {  	v1 =	vld [tilespmem:s25+$0xC968]  }
0x1a3: {  	v0 =	vld [tilespmem:s25+$0xC978]  }
0x1a4: {  	v11 =	vld [tilespmem:s25+$0x9108]  }
0x1a5: {  	v12 =	vld [tilespmem:s25+$0x9118]  }
0x1a6: {  	v10 =	vld [tilespmem:s25+$0x9128]  }
0x1a7: {  	v9 =	vld [tilespmem:s25+$0x9138]  }
0x1a8: {  	v7 =	vld [tilespmem:s25+$0x9148]  }
0x1a9: {  	v11 =	vmax.f32 v11, v6;
	v6 =	vld [tilespmem:s25+$0x9158]  }
0x1aa: {  	s6 =	simm.s32 $0x200;
	[tilespmem:s25+$0x9108] =	vst v11;
	v11 =	vmax.f32 v12, v8;
	v8 =	vld [tilespmem:s25+$0x9168]  }
.LBB2_16:
0x1ab: {  	s7 =	sshra.s32 s6, $0x2;
	p1 =	sne.s32 s6, $0xDE00;
	[tilespmem:s25+$0x9118] =	vst v11;
	v5 =	vmax.f32 v10, v5;
	v10 =	vld [tilespmem:s25+$0x9178]  }
0x1ac: {  	v11 =	vld [tilespmem:s7+$0xC908];
	[tilespmem:s25+$0x9128] =	vst v5;
	v4 =	vmax.f32 v9, v4  }
0x1ad: {  	v12 =	vld [tilespmem:s7+$0xC918];
	[tilespmem:s25+$0x9138] =	vst v4;
	v3 =	vmax.f32 v7, v3  }
0x1ae: {  	v5 =	vld [tilespmem:s7+$0xC928];
	[tilespmem:s25+$0x9148] =	vst v3;
	v2 =	vmax.f32 v6, v2  }
0x1af: {  	v4 =	vld [tilespmem:s7+$0xC938];
	[tilespmem:s25+$0x9158] =	vst v2;
	v1 =	vmax.f32 v8, v1  }
0x1b0: {  	v3 =	vld [tilespmem:s7+$0xC948];
	[tilespmem:s25+$0x9168] =	vst v1;
	v0 =	vmax.f32 v10, v0  }
0x1b1: {  	v2 =	vld [tilespmem:s7+$0xC958];
	[tilespmem:s25+$0x9178] =	vst v0;
	s25 =	smov.u32 s7  }
0x1b2: {  	v1 =	vld [tilespmem:s25+$0xC968]  }
0x1b3: {  	v0 =	vld [tilespmem:s25+$0xC978]  }
0x1b4: {  	v6 =	vld [tilespmem:s25+$0x9108]  }
0x1b5: {  	v8 =	vld [tilespmem:s25+$0x9118]  }
.Ltmp7:
0x1b6: {  	v10 =	vld [tilespmem:s25+$0x9128];
	(pc) =	sbr.rel @p1 .LBB2_16-.Ltmp7, $4  }
0x1b7: {  	v9 =	vld [tilespmem:s25+$0x9138]  }
0x1b8: {  	v7 =	vld [tilespmem:s25+$0x9148]  }
0x1b9: {  	v11 =	vmax.f32 v6, v11;
	v6 =	vld [tilespmem:s25+$0x9158]  }
0x1ba: {  	s6 =	sadd.s32 $0x200, s6;
	[tilespmem:s25+$0x9108] =	vst v11;
	v11 =	vmax.f32 v8, v12;
	v8 =	vld [tilespmem:s25+$0x9168]  }
0x1bb: {  	[tilespmem:s25+$0x9118] =	vst v11;
	v5 =	vmax.f32 v10, v5;
	v10 =	vld [tilespmem:s25+$0x9178]  }
0x1bc: {  	[tilespmem:s25+$0x9128] =	vst v5;
	v4 =	vmax.f32 v9, v4  }
0x1bd: {  	[tilespmem:s25+$0x9138] =	vst v4;
	v3 =	vmax.f32 v7, v3  }
0x1be: {  	[tilespmem:s25+$0x9148] =	vst v3;
	v2 =	vmax.f32 v6, v2  }
0x1bf: {  	[tilespmem:s25+$0x9158] =	vst v2;
	v1 =	vmax.f32 v8, v1  }
0x1c0: {  	[tilespmem:s25+$0x9168] =	vst v1;
	v0 =	vmax.f32 v10, v0  }
0x1c1: {  	s6 =	simm.s32 $0x0;
	[tilespmem:s25+$0x9178] =	vst v0  }
0x1c2: {  	[hbm4b:s15+s6] =	stream.linear.scatter [tilespmem:s31], [sflag:$0x3], $0x3800, $0x38;
	[tilespmem:$0x10108] =	vst v63  }
0x1c3: {  	_ =	swait.ge [sflag:s30], $0x3800  }
0x1c4: {  	[sflag:s30] =	ssyncset.done $0x0  }
0x1c5: {  	s8 =	simm.s32 $0x17F8;
	[sflag:s30] =	ssyncadd.s32 $0xFFFFC800  }
0x1c6: {  	[tilespmem:s31], [sflag:$0x2] =	stream.indirect.gather [spmem:s2], $0x80, s8, s26, $0xb8;
	[tilespmem:$0x10108] =	vst v63  }
0x1c7: {  	s25 =	simm.s32 $0x1E78  }
0x1c8: {  	[tilespmem:s0], [sflag:$0x2] =	stream.indirect.gather [spmem:s4], $0x80, s25, s26, $0xb8;
	[tilespmem:$0x10108] =	vst v63  }
0x1c9: {  	_ =	swait.ge [sflag:s1], $0x3800  }
0x1ca: {  	[sflag:s1] =	ssyncset.done $0x0  }
0x1cb: {  	[sflag:s1] =	ssyncadd.s32 $0xFFFFC800  }
0x1cc: {  	_ =	swait.ge [sflag:s1], $0x3800  }
0x1cd: {  	[sflag:s1] =	ssyncset.done $0x0  }
0x1ce: {  	s25 =	simm.s32 $0x0;
	[sflag:s1] =	ssyncadd.s32 $0xFFFFC800  }
0x1cf: {  	v6 =	vld [tilespmem:s25+$0x5908]  }
0x1d0: {  	v8 =	vld [tilespmem:s25+$0x5918]  }
0x1d1: {  	v5 =	vld [tilespmem:s25+$0x5928]  }
0x1d2: {  	v4 =	vld [tilespmem:s25+$0x5938]  }
0x1d3: {  	v3 =	vld [tilespmem:s25+$0x5948]  }
0x1d4: {  	v2 =	vld [tilespmem:s25+$0x5958]  }
0x1d5: {  	v1 =	vld [tilespmem:s25+$0x5968]  }
0x1d6: {  	v0 =	vld [tilespmem:s25+$0x5978]  }
0x1d7: {  	v11 =	vld [tilespmem:s25+$0x2108]  }
0x1d8: {  	v12 =	vld [tilespmem:s25+$0x2118]  }
0x1d9: {  	v10 =	vld [tilespmem:s25+$0x2128]  }
0x1da: {  	v9 =	vld [tilespmem:s25+$0x2138]  }
0x1db: {  	v7 =	vld [tilespmem:s25+$0x2148]  }
0x1dc: {  	v11 =	vmax.f32 v11, v6;
	v6 =	vld [tilespmem:s25+$0x2158]  }
0x1dd: {  	s6 =	simm.s32 $0x200;
	[tilespmem:s25+$0x2108] =	vst v11;
	v11 =	vmax.f32 v12, v8;
	v8 =	vld [tilespmem:s25+$0x2168]  }
.LBB2_18:
0x1de: {  	s7 =	sshra.s32 s6, $0x2;
	p1 =	sne.s32 s6, $0xDE00;
	[tilespmem:s25+$0x2118] =	vst v11;
	v5 =	vmax.f32 v10, v5;
	v10 =	vld [tilespmem:s25+$0x2178]  }
0x1df: {  	v11 =	vld [tilespmem:s7+$0x5908];
	[tilespmem:s25+$0x2128] =	vst v5;
	v4 =	vmax.f32 v9, v4  }
0x1e0: {  	v12 =	vld [tilespmem:s7+$0x5918];
	[tilespmem:s25+$0x2138] =	vst v4;
	v3 =	vmax.f32 v7, v3  }
0x1e1: {  	v5 =	vld [tilespmem:s7+$0x5928];
	[tilespmem:s25+$0x2148] =	vst v3;
	v2 =	vmax.f32 v6, v2  }
0x1e2: {  	v4 =	vld [tilespmem:s7+$0x5938];
	[tilespmem:s25+$0x2158] =	vst v2;
	v1 =	vmax.f32 v8, v1  }
0x1e3: {  	v3 =	vld [tilespmem:s7+$0x5948];
	[tilespmem:s25+$0x2168] =	vst v1;
	v0 =	vmax.f32 v10, v0  }
0x1e4: {  	v2 =	vld [tilespmem:s7+$0x5958];
	[tilespmem:s25+$0x2178] =	vst v0;
	s25 =	smov.u32 s7  }
0x1e5: {  	v1 =	vld [tilespmem:s25+$0x5968]  }
0x1e6: {  	v0 =	vld [tilespmem:s25+$0x5978]  }
0x1e7: {  	v6 =	vld [tilespmem:s25+$0x2108]  }
0x1e8: {  	v8 =	vld [tilespmem:s25+$0x2118]  }
.Ltmp8:
0x1e9: {  	v10 =	vld [tilespmem:s25+$0x2128];
	(pc) =	sbr.rel @p1 .LBB2_18-.Ltmp8, $4  }
0x1ea: {  	v9 =	vld [tilespmem:s25+$0x2138]  }
0x1eb: {  	v7 =	vld [tilespmem:s25+$0x2148]  }
0x1ec: {  	v11 =	vmax.f32 v6, v11;
	v6 =	vld [tilespmem:s25+$0x2158]  }
0x1ed: {  	s6 =	sadd.s32 $0x200, s6;
	[tilespmem:s25+$0x2108] =	vst v11;
	v11 =	vmax.f32 v8, v12;
	v8 =	vld [tilespmem:s25+$0x2168]  }
0x1ee: {  	[tilespmem:s25+$0x2118] =	vst v11;
	v5 =	vmax.f32 v10, v5;
	v10 =	vld [tilespmem:s25+$0x2178]  }
0x1ef: {  	[tilespmem:s25+$0x2128] =	vst v5;
	v4 =	vmax.f32 v9, v4  }
0x1f0: {  	[tilespmem:s25+$0x2138] =	vst v4;
	v3 =	vmax.f32 v7, v3  }
0x1f1: {  	[tilespmem:s25+$0x2148] =	vst v3;
	v2 =	vmax.f32 v6, v2  }
0x1f2: {  	[tilespmem:s25+$0x2158] =	vst v2;
	v1 =	vmax.f32 v8, v1  }
0x1f3: {  	[tilespmem:s25+$0x2168] =	vst v1;
	v0 =	vmax.f32 v10, v0  }
0x1f4: {  	s6 =	simm.s32 $0x0;
	[tilespmem:s25+$0x2178] =	vst v0  }
0x1f5: {  	[hbm4b:s16+s6] =	stream.linear.scatter [tilespmem:s28], [sflag:$0x3], $0x3800, $0x38;
	[tilespmem:$0x10108] =	vst v63  }
0x1f6: {  	_ =	swait.ge [sflag:s30], $0x3800  }
0x1f7: {  	[sflag:s30] =	ssyncset.done $0x0  }
0x1f8: {  	s8 =	simm.s32 $0x1868;
	[sflag:s30] =	ssyncadd.s32 $0xFFFFC800  }
0x1f9: {  	[tilespmem:s28], [sflag:$0x1] =	stream.indirect.gather [spmem:s2], $0x80, s8, s26, $0xb8;
	[tilespmem:$0x10108] =	vst v63  }
0x1fa: {  	s25 =	simm.s32 $0x1EE8  }
0x1fb: {  	[tilespmem:s29], [sflag:$0x1] =	stream.indirect.gather [spmem:s4], $0x80, s25, s26, $0xb8;
	[tilespmem:$0x10108] =	vst v63  }
0x1fc: {  	_ =	swait.ge [sflag:s3], $0x3800  }
0x1fd: {  	[sflag:s3] =	ssyncset.done $0x0  }
0x1fe: {  	[sflag:s3] =	ssyncadd.s32 $0xFFFFC800  }
0x1ff: {  	_ =	swait.ge [sflag:s3], $0x3800  }
0x200: {  	[sflag:s3] =	ssyncset.done $0x0  }
0x201: {  	s25 =	simm.s32 $0x0;
	[sflag:s3] =	ssyncadd.s32 $0xFFFFC800  }
0x202: {  	v6 =	vld [tilespmem:s25+$0xC908]  }
0x203: {  	v8 =	vld [tilespmem:s25+$0xC918]  }
0x204: {  	v5 =	vld [tilespmem:s25+$0xC928]  }
0x205: {  	v4 =	vld [tilespmem:s25+$0xC938]  }
0x206: {  	v3 =	vld [tilespmem:s25+$0xC948]  }
0x207: {  	v2 =	vld [tilespmem:s25+$0xC958]  }
0x208: {  	v1 =	vld [tilespmem:s25+$0xC968]  }
0x209: {  	v0 =	vld [tilespmem:s25+$0xC978]  }
0x20a: {  	v11 =	vld [tilespmem:s25+$0x9108]  }
0x20b: {  	v12 =	vld [tilespmem:s25+$0x9118]  }
0x20c: {  	v10 =	vld [tilespmem:s25+$0x9128]  }
0x20d: {  	v9 =	vld [tilespmem:s25+$0x9138]  }
0x20e: {  	v7 =	vld [tilespmem:s25+$0x9148]  }
0x20f: {  	v11 =	vmax.f32 v11, v6;
	v6 =	vld [tilespmem:s25+$0x9158]  }
0x210: {  	s6 =	simm.s32 $0x200;
	[tilespmem:s25+$0x9108] =	vst v11;
	v11 =	vmax.f32 v12, v8;
	v8 =	vld [tilespmem:s25+$0x9168]  }
.LBB2_20:
0x211: {  	s7 =	sshra.s32 s6, $0x2;
	p1 =	sne.s32 s6, $0xDE00;
	[tilespmem:s25+$0x9118] =	vst v11;
	v5 =	vmax.f32 v10, v5;
	v10 =	vld [tilespmem:s25+$0x9178]  }
0x212: {  	v11 =	vld [tilespmem:s7+$0xC908];
	[tilespmem:s25+$0x9128] =	vst v5;
	v4 =	vmax.f32 v9, v4  }
0x213: {  	v12 =	vld [tilespmem:s7+$0xC918];
	[tilespmem:s25+$0x9138] =	vst v4;
	v3 =	vmax.f32 v7, v3  }
0x214: {  	v5 =	vld [tilespmem:s7+$0xC928];
	[tilespmem:s25+$0x9148] =	vst v3;
	v2 =	vmax.f32 v6, v2  }
0x215: {  	v4 =	vld [tilespmem:s7+$0xC938];
	[tilespmem:s25+$0x9158] =	vst v2;
	v1 =	vmax.f32 v8, v1  }
0x216: {  	v3 =	vld [tilespmem:s7+$0xC948];
	[tilespmem:s25+$0x9168] =	vst v1;
	v0 =	vmax.f32 v10, v0  }
0x217: {  	v2 =	vld [tilespmem:s7+$0xC958];
	[tilespmem:s25+$0x9178] =	vst v0;
	s25 =	smov.u32 s7  }
0x218: {  	v1 =	vld [tilespmem:s25+$0xC968]  }
0x219: {  	v0 =	vld [tilespmem:s25+$0xC978]  }
0x21a: {  	v6 =	vld [tilespmem:s25+$0x9108]  }
0x21b: {  	v8 =	vld [tilespmem:s25+$0x9118]  }
.Ltmp9:
0x21c: {  	v10 =	vld [tilespmem:s25+$0x9128];
	(pc) =	sbr.rel @p1 .LBB2_20-.Ltmp9, $4  }
0x21d: {  	v9 =	vld [tilespmem:s25+$0x9138]  }
0x21e: {  	v7 =	vld [tilespmem:s25+$0x9148]  }
0x21f: {  	v11 =	vmax.f32 v6, v11;
	v6 =	vld [tilespmem:s25+$0x9158]  }
0x220: {  	s6 =	sadd.s32 $0x200, s6;
	[tilespmem:s25+$0x9108] =	vst v11;
	v11 =	vmax.f32 v8, v12;
	v8 =	vld [tilespmem:s25+$0x9168]  }
0x221: {  	[tilespmem:s25+$0x9118] =	vst v11;
	v5 =	vmax.f32 v10, v5;
	v10 =	vld [tilespmem:s25+$0x9178]  }
0x222: {  	[tilespmem:s25+$0x9128] =	vst v5;
	v4 =	vmax.f32 v9, v4  }
0x223: {  	[tilespmem:s25+$0x9138] =	vst v4;
	v3 =	vmax.f32 v7, v3  }
0x224: {  	[tilespmem:s25+$0x9148] =	vst v3;
	v2 =	vmax.f32 v6, v2  }
0x225: {  	[tilespmem:s25+$0x9158] =	vst v2;
	v1 =	vmax.f32 v8, v1  }
0x226: {  	[tilespmem:s25+$0x9168] =	vst v1;
	v0 =	vmax.f32 v10, v0  }
0x227: {  	s6 =	simm.s32 $0x0;
	[tilespmem:s25+$0x9178] =	vst v0  }
0x228: {  	[hbm4b:s17+s6] =	stream.linear.scatter [tilespmem:s31], [sflag:$0x3], $0x3800, $0x38;
	[tilespmem:$0x10108] =	vst v63  }
0x229: {  	_ =	swait.ge [sflag:s30], $0x3800  }
0x22a: {  	[sflag:s30] =	ssyncset.done $0x0  }
0x22b: {  	s8 =	simm.s32 $0x18D8;
	[sflag:s30] =	ssyncadd.s32 $0xFFFFC800  }
0x22c: {  	[tilespmem:s31], [sflag:$0x2] =	stream.indirect.gather [spmem:s2], $0x80, s8, s26, $0xb8;
	[tilespmem:$0x10108] =	vst v63  }
0x22d: {  	s25 =	simm.s32 $0x1F58  }
0x22e: {  	[tilespmem:s0], [sflag:$0x2] =	stream.indirect.gather [spmem:s4], $0x80, s25, s26, $0xb8;
	[tilespmem:$0x10108] =	vst v63  }
0x22f: {  	_ =	swait.ge [sflag:s1], $0x3800  }
0x230: {  	[sflag:s1] =	ssyncset.done $0x0  }
0x231: {  	[sflag:s1] =	ssyncadd.s32 $0xFFFFC800  }
0x232: {  	_ =	swait.ge [sflag:s1], $0x3800  }
0x233: {  	[sflag:s1] =	ssyncset.done $0x0  }
0x234: {  	s25 =	simm.s32 $0x0;
	[sflag:s1] =	ssyncadd.s32 $0xFFFFC800  }
0x235: {  	v6 =	vld [tilespmem:s25+$0x5908]  }
0x236: {  	v8 =	vld [tilespmem:s25+$0x5918]  }
0x237: {  	v5 =	vld [tilespmem:s25+$0x5928]  }
0x238: {  	v4 =	vld [tilespmem:s25+$0x5938]  }
0x239: {  	v3 =	vld [tilespmem:s25+$0x5948]  }
0x23a: {  	v2 =	vld [tilespmem:s25+$0x5958]  }
0x23b: {  	v1 =	vld [tilespmem:s25+$0x5968]  }
0x23c: {  	v0 =	vld [tilespmem:s25+$0x5978]  }
0x23d: {  	v11 =	vld [tilespmem:s25+$0x2108]  }
0x23e: {  	v12 =	vld [tilespmem:s25+$0x2118]  }
0x23f: {  	v10 =	vld [tilespmem:s25+$0x2128]  }
0x240: {  	v9 =	vld [tilespmem:s25+$0x2138]  }
0x241: {  	v7 =	vld [tilespmem:s25+$0x2148]  }
0x242: {  	v11 =	vmax.f32 v11, v6;
	v6 =	vld [tilespmem:s25+$0x2158]  }
0x243: {  	s6 =	simm.s32 $0x200;
	[tilespmem:s25+$0x2108] =	vst v11;
	v11 =	vmax.f32 v12, v8;
	v8 =	vld [tilespmem:s25+$0x2168]  }
.LBB2_22:
0x244: {  	s7 =	sshra.s32 s6, $0x2;
	p1 =	sne.s32 s6, $0xDE00;
	[tilespmem:s25+$0x2118] =	vst v11;
	v5 =	vmax.f32 v10, v5;
	v10 =	vld [tilespmem:s25+$0x2178]  }
0x245: {  	v11 =	vld [tilespmem:s7+$0x5908];
	[tilespmem:s25+$0x2128] =	vst v5;
	v4 =	vmax.f32 v9, v4  }
0x246: {  	v12 =	vld [tilespmem:s7+$0x5918];
	[tilespmem:s25+$0x2138] =	vst v4;
	v3 =	vmax.f32 v7, v3  }
0x247: {  	v5 =	vld [tilespmem:s7+$0x5928];
	[tilespmem:s25+$0x2148] =	vst v3;
	v2 =	vmax.f32 v6, v2  }
0x248: {  	v4 =	vld [tilespmem:s7+$0x5938];
	[tilespmem:s25+$0x2158] =	vst v2;
	v1 =	vmax.f32 v8, v1  }
0x249: {  	v3 =	vld [tilespmem:s7+$0x5948];
	[tilespmem:s25+$0x2168] =	vst v1;
	v0 =	vmax.f32 v10, v0  }
0x24a: {  	v2 =	vld [tilespmem:s7+$0x5958];
	[tilespmem:s25+$0x2178] =	vst v0;
	s25 =	smov.u32 s7  }
0x24b: {  	v1 =	vld [tilespmem:s25+$0x5968]  }
0x24c: {  	v0 =	vld [tilespmem:s25+$0x5978]  }
0x24d: {  	v6 =	vld [tilespmem:s25+$0x2108]  }
0x24e: {  	v8 =	vld [tilespmem:s25+$0x2118]  }
.Ltmp10:
0x24f: {  	v10 =	vld [tilespmem:s25+$0x2128];
	(pc) =	sbr.rel @p1 .LBB2_22-.Ltmp10, $4  }
0x250: {  	v9 =	vld [tilespmem:s25+$0x2138]  }
0x251: {  	v7 =	vld [tilespmem:s25+$0x2148]  }
0x252: {  	v11 =	vmax.f32 v6, v11;
	v6 =	vld [tilespmem:s25+$0x2158]  }
0x253: {  	s6 =	sadd.s32 $0x200, s6;
	[tilespmem:s25+$0x2108] =	vst v11;
	v11 =	vmax.f32 v8, v12;
	v8 =	vld [tilespmem:s25+$0x2168]  }
0x254: {  	[tilespmem:s25+$0x2118] =	vst v11;
	v5 =	vmax.f32 v10, v5;
	v10 =	vld [tilespmem:s25+$0x2178]  }
0x255: {  	[tilespmem:s25+$0x2128] =	vst v5;
	v4 =	vmax.f32 v9, v4  }
0x256: {  	[tilespmem:s25+$0x2138] =	vst v4;
	v3 =	vmax.f32 v7, v3  }
0x257: {  	[tilespmem:s25+$0x2148] =	vst v3;
	v2 =	vmax.f32 v6, v2  }
0x258: {  	[tilespmem:s25+$0x2158] =	vst v2;
	v1 =	vmax.f32 v8, v1  }
0x259: {  	[tilespmem:s25+$0x2168] =	vst v1;
	v0 =	vmax.f32 v10, v0  }
0x25a: {  	s6 =	simm.s32 $0x0;
	[tilespmem:s25+$0x2178] =	vst v0  }
0x25b: {  	[hbm4b:s18+s6] =	stream.linear.scatter [tilespmem:s28], [sflag:$0x3], $0x3800, $0x38;
	[tilespmem:$0x10108] =	vst v63  }
0x25c: {  	_ =	swait.ge [sflag:s30], $0x3800  }
0x25d: {  	[sflag:s30] =	ssyncset.done $0x0  }
0x25e: {  	s8 =	simm.s32 $0x1948;
	[sflag:s30] =	ssyncadd.s32 $0xFFFFC800  }
0x25f: {  	[tilespmem:s28], [sflag:$0x1] =	stream.indirect.gather [spmem:s2], $0x80, s8, s26, $0xb8;
	[tilespmem:$0x10108] =	vst v63  }
0x260: {  	s25 =	simm.s32 $0x1FC8  }
0x261: {  	[tilespmem:s29], [sflag:$0x1] =	stream.indirect.gather [spmem:s4], $0x80, s25, s26, $0xb8;
	[tilespmem:$0x10108] =	vst v63  }
0x262: {  	_ =	swait.ge [sflag:s3], $0x3800  }
0x263: {  	[sflag:s3] =	ssyncset.done $0x0  }
0x264: {  	[sflag:s3] =	ssyncadd.s32 $0xFFFFC800  }
0x265: {  	_ =	swait.ge [sflag:s3], $0x3800  }
0x266: {  	[sflag:s3] =	ssyncset.done $0x0  }
0x267: {  	s25 =	simm.s32 $0x0;
	[sflag:s3] =	ssyncadd.s32 $0xFFFFC800  }
0x268: {  	v6 =	vld [tilespmem:s25+$0xC908]  }
0x269: {  	v8 =	vld [tilespmem:s25+$0xC918]  }
0x26a: {  	v5 =	vld [tilespmem:s25+$0xC928]  }
0x26b: {  	v4 =	vld [tilespmem:s25+$0xC938]  }
0x26c: {  	v3 =	vld [tilespmem:s25+$0xC948]  }
0x26d: {  	v2 =	vld [tilespmem:s25+$0xC958]  }
0x26e: {  	v1 =	vld [tilespmem:s25+$0xC968]  }
0x26f: {  	v0 =	vld [tilespmem:s25+$0xC978]  }
0x270: {  	v11 =	vld [tilespmem:s25+$0x9108]  }
0x271: {  	v12 =	vld [tilespmem:s25+$0x9118]  }
0x272: {  	v10 =	vld [tilespmem:s25+$0x9128]  }
0x273: {  	v9 =	vld [tilespmem:s25+$0x9138]  }
0x274: {  	v7 =	vld [tilespmem:s25+$0x9148]  }
0x275: {  	v11 =	vmax.f32 v11, v6;
	v6 =	vld [tilespmem:s25+$0x9158]  }
0x276: {  	s6 =	simm.s32 $0x200;
	[tilespmem:s25+$0x9108] =	vst v11;
	v11 =	vmax.f32 v12, v8;
	v8 =	vld [tilespmem:s25+$0x9168]  }
.LBB2_24:
0x277: {  	s7 =	sshra.s32 s6, $0x2;
	p1 =	sne.s32 s6, $0xDE00;
	[tilespmem:s25+$0x9118] =	vst v11;
	v5 =	vmax.f32 v10, v5;
	v10 =	vld [tilespmem:s25+$0x9178]  }
0x278: {  	v11 =	vld [tilespmem:s7+$0xC908];
	[tilespmem:s25+$0x9128] =	vst v5;
	v4 =	vmax.f32 v9, v4  }
0x279: {  	v12 =	vld [tilespmem:s7+$0xC918];
	[tilespmem:s25+$0x9138] =	vst v4;
	v3 =	vmax.f32 v7, v3  }
0x27a: {  	v5 =	vld [tilespmem:s7+$0xC928];
	[tilespmem:s25+$0x9148] =	vst v3;
	v2 =	vmax.f32 v6, v2  }
0x27b: {  	v4 =	vld [tilespmem:s7+$0xC938];
	[tilespmem:s25+$0x9158] =	vst v2;
	v1 =	vmax.f32 v8, v1  }
0x27c: {  	v3 =	vld [tilespmem:s7+$0xC948];
	[tilespmem:s25+$0x9168] =	vst v1;
	v0 =	vmax.f32 v10, v0  }
0x27d: {  	v2 =	vld [tilespmem:s7+$0xC958];
	[tilespmem:s25+$0x9178] =	vst v0;
	s25 =	smov.u32 s7  }
0x27e: {  	v1 =	vld [tilespmem:s25+$0xC968]  }
0x27f: {  	v0 =	vld [tilespmem:s25+$0xC978]  }
0x280: {  	v6 =	vld [tilespmem:s25+$0x9108]  }
0x281: {  	v8 =	vld [tilespmem:s25+$0x9118]  }
.Ltmp11:
0x282: {  	v10 =	vld [tilespmem:s25+$0x9128];
	(pc) =	sbr.rel @p1 .LBB2_24-.Ltmp11, $4  }
0x283: {  	v9 =	vld [tilespmem:s25+$0x9138]  }
0x284: {  	v7 =	vld [tilespmem:s25+$0x9148]  }
0x285: {  	v11 =	vmax.f32 v6, v11;
	v6 =	vld [tilespmem:s25+$0x9158]  }
0x286: {  	s6 =	sadd.s32 $0x200, s6;
	[tilespmem:s25+$0x9108] =	vst v11;
	v11 =	vmax.f32 v8, v12;
	v8 =	vld [tilespmem:s25+$0x9168]  }
0x287: {  	[tilespmem:s25+$0x9118] =	vst v11;
	v5 =	vmax.f32 v10, v5;
	v10 =	vld [tilespmem:s25+$0x9178]  }
0x288: {  	[tilespmem:s25+$0x9128] =	vst v5;
	v4 =	vmax.f32 v9, v4  }
0x289: {  	[tilespmem:s25+$0x9138] =	vst v4;
	v3 =	vmax.f32 v7, v3  }
0x28a: {  	[tilespmem:s25+$0x9148] =	vst v3;
	v2 =	vmax.f32 v6, v2  }
0x28b: {  	[tilespmem:s25+$0x9158] =	vst v2;
	v1 =	vmax.f32 v8, v1  }
0x28c: {  	[tilespmem:s25+$0x9168] =	vst v1;
	v0 =	vmax.f32 v10, v0  }
0x28d: {  	s6 =	simm.s32 $0x0;
	[tilespmem:s25+$0x9178] =	vst v0  }
0x28e: {  	[hbm4b:s19+s6] =	stream.linear.scatter [tilespmem:s31], [sflag:$0x3], $0x3800, $0x38;
	[tilespmem:$0x10108] =	vst v63  }
0x28f: {  	_ =	swait.ge [sflag:s30], $0x3800  }
0x290: {  	[sflag:s30] =	ssyncset.done $0x0  }
0x291: {  	s8 =	simm.s32 $0x19B8;
	[sflag:s30] =	ssyncadd.s32 $0xFFFFC800  }
0x292: {  	[tilespmem:s31], [sflag:$0x2] =	stream.indirect.gather [spmem:s2], $0x80, s8, s26, $0xb8;
	[tilespmem:$0x10108] =	vst v63  }
0x293: {  	s25 =	simm.s32 $0x2038  }
0x294: {  	[tilespmem:s0], [sflag:$0x2] =	stream.indirect.gather [spmem:s4], $0x80, s25, s26, $0xb8;
	[tilespmem:$0x10108] =	vst v63  }
0x295: {  	_ =	swait.ge [sflag:s1], $0x3800  }
0x296: {  	[sflag:s1] =	ssyncset.done $0x0  }
0x297: {  	[sflag:s1] =	ssyncadd.s32 $0xFFFFC800  }
0x298: {  	_ =	swait.ge [sflag:s1], $0x3800  }
0x299: {  	[sflag:s1] =	ssyncset.done $0x0  }
0x29a: {  	s25 =	simm.s32 $0x0;
	[sflag:s1] =	ssyncadd.s32 $0xFFFFC800  }
0x29b: {  	v6 =	vld [tilespmem:s25+$0x5908]  }
0x29c: {  	v8 =	vld [tilespmem:s25+$0x5918]  }
0x29d: {  	v5 =	vld [tilespmem:s25+$0x5928]  }
0x29e: {  	v4 =	vld [tilespmem:s25+$0x5938]  }
0x29f: {  	v3 =	vld [tilespmem:s25+$0x5948]  }
0x2a0: {  	v2 =	vld [tilespmem:s25+$0x5958]  }
0x2a1: {  	v1 =	vld [tilespmem:s25+$0x5968]  }
0x2a2: {  	v0 =	vld [tilespmem:s25+$0x5978]  }
0x2a3: {  	v11 =	vld [tilespmem:s25+$0x2108]  }
0x2a4: {  	v12 =	vld [tilespmem:s25+$0x2118]  }
0x2a5: {  	v10 =	vld [tilespmem:s25+$0x2128]  }
0x2a6: {  	v9 =	vld [tilespmem:s25+$0x2138]  }
0x2a7: {  	v7 =	vld [tilespmem:s25+$0x2148]  }
0x2a8: {  	v11 =	vmax.f32 v11, v6;
	v6 =	vld [tilespmem:s25+$0x2158]  }
0x2a9: {  	s6 =	simm.s32 $0x200;
	[tilespmem:s25+$0x2108] =	vst v11;
	v11 =	vmax.f32 v12, v8;
	v8 =	vld [tilespmem:s25+$0x2168]  }
.LBB2_26:
0x2aa: {  	s7 =	sshra.s32 s6, $0x2;
	p1 =	sne.s32 s6, $0xDE00;
	[tilespmem:s25+$0x2118] =	vst v11;
	v5 =	vmax.f32 v10, v5;
	v10 =	vld [tilespmem:s25+$0x2178]  }
0x2ab: {  	v11 =	vld [tilespmem:s7+$0x5908];
	[tilespmem:s25+$0x2128] =	vst v5;
	v4 =	vmax.f32 v9, v4  }
0x2ac: {  	v12 =	vld [tilespmem:s7+$0x5918];
	[tilespmem:s25+$0x2138] =	vst v4;
	v3 =	vmax.f32 v7, v3  }
0x2ad: {  	v5 =	vld [tilespmem:s7+$0x5928];
	[tilespmem:s25+$0x2148] =	vst v3;
	v2 =	vmax.f32 v6, v2  }
0x2ae: {  	v4 =	vld [tilespmem:s7+$0x5938];
	[tilespmem:s25+$0x2158] =	vst v2;
	v1 =	vmax.f32 v8, v1  }
0x2af: {  	v3 =	vld [tilespmem:s7+$0x5948];
	[tilespmem:s25+$0x2168] =	vst v1;
	v0 =	vmax.f32 v10, v0  }
0x2b0: {  	v2 =	vld [tilespmem:s7+$0x5958];
	[tilespmem:s25+$0x2178] =	vst v0;
	s25 =	smov.u32 s7  }
0x2b1: {  	v1 =	vld [tilespmem:s25+$0x5968]  }
0x2b2: {  	v0 =	vld [tilespmem:s25+$0x5978]  }
0x2b3: {  	v6 =	vld [tilespmem:s25+$0x2108]  }
0x2b4: {  	v8 =	vld [tilespmem:s25+$0x2118]  }
.Ltmp12:
0x2b5: {  	v10 =	vld [tilespmem:s25+$0x2128];
	(pc) =	sbr.rel @p1 .LBB2_26-.Ltmp12, $4  }
0x2b6: {  	v9 =	vld [tilespmem:s25+$0x2138]  }
0x2b7: {  	v7 =	vld [tilespmem:s25+$0x2148]  }
0x2b8: {  	v11 =	vmax.f32 v6, v11;
	v6 =	vld [tilespmem:s25+$0x2158]  }
0x2b9: {  	s6 =	sadd.s32 $0x200, s6;
	[tilespmem:s25+$0x2108] =	vst v11;
	v11 =	vmax.f32 v8, v12;
	v8 =	vld [tilespmem:s25+$0x2168]  }
0x2ba: {  	[tilespmem:s25+$0x2118] =	vst v11;
	v5 =	vmax.f32 v10, v5;
	v10 =	vld [tilespmem:s25+$0x2178]  }
0x2bb: {  	[tilespmem:s25+$0x2128] =	vst v5;
	v4 =	vmax.f32 v9, v4  }
0x2bc: {  	[tilespmem:s25+$0x2138] =	vst v4;
	v3 =	vmax.f32 v7, v3  }
0x2bd: {  	[tilespmem:s25+$0x2148] =	vst v3;
	v2 =	vmax.f32 v6, v2  }
0x2be: {  	[tilespmem:s25+$0x2158] =	vst v2;
	v1 =	vmax.f32 v8, v1  }
0x2bf: {  	[tilespmem:s25+$0x2168] =	vst v1;
	v0 =	vmax.f32 v10, v0  }
0x2c0: {  	s6 =	simm.s32 $0x0;
	[tilespmem:s25+$0x2178] =	vst v0  }
0x2c1: {  	[hbm4b:s20+s6] =	stream.linear.scatter [tilespmem:s28], [sflag:$0x3], $0x3800, $0x38;
	[tilespmem:$0x10108] =	vst v63  }
0x2c2: {  	_ =	swait.ge [sflag:s30], $0x3800  }
0x2c3: {  	[sflag:s30] =	ssyncset.done $0x0  }
0x2c4: {  	[sflag:s30] =	ssyncadd.s32 $0xFFFFC800  }
0x2c5: {  	_ =	swait.ge [sflag:s3], $0x3800  }
0x2c6: {  	[sflag:s3] =	ssyncset.done $0x0  }
0x2c7: {  	[sflag:s3] =	ssyncadd.s32 $0xFFFFC800  }
0x2c8: {  	_ =	swait.ge [sflag:s3], $0x3800  }
0x2c9: {  	[sflag:s3] =	ssyncset.done $0x0  }
0x2ca: {  	s25 =	simm.s32 $0x0;
	[sflag:s3] =	ssyncadd.s32 $0xFFFFC800  }
0x2cb: {  	v6 =	vld [tilespmem:s25+$0xC908]  }
0x2cc: {  	v8 =	vld [tilespmem:s25+$0xC918]  }
0x2cd: {  	v5 =	vld [tilespmem:s25+$0xC928]  }
0x2ce: {  	v4 =	vld [tilespmem:s25+$0xC938]  }
0x2cf: {  	v3 =	vld [tilespmem:s25+$0xC948]  }
0x2d0: {  	v2 =	vld [tilespmem:s25+$0xC958]  }
0x2d1: {  	v1 =	vld [tilespmem:s25+$0xC968]  }
0x2d2: {  	v0 =	vld [tilespmem:s25+$0xC978]  }
0x2d3: {  	v11 =	vld [tilespmem:s25+$0x9108]  }
0x2d4: {  	v12 =	vld [tilespmem:s25+$0x9118]  }
0x2d5: {  	v10 =	vld [tilespmem:s25+$0x9128]  }
0x2d6: {  	v9 =	vld [tilespmem:s25+$0x9138]  }
0x2d7: {  	v7 =	vld [tilespmem:s25+$0x9148]  }
0x2d8: {  	v11 =	vmax.f32 v11, v6;
	v6 =	vld [tilespmem:s25+$0x9158]  }
0x2d9: {  	s6 =	simm.s32 $0x200;
	[tilespmem:s25+$0x9108] =	vst v11;
	v11 =	vmax.f32 v12, v8;
	v8 =	vld [tilespmem:s25+$0x9168]  }
.LBB2_28:
0x2da: {  	s7 =	sshra.s32 s6, $0x2;
	p1 =	sne.s32 s6, $0xDE00;
	[tilespmem:s25+$0x9118] =	vst v11;
	v5 =	vmax.f32 v10, v5;
	v10 =	vld [tilespmem:s25+$0x9178]  }
0x2db: {  	v11 =	vld [tilespmem:s7+$0xC908];
	[tilespmem:s25+$0x9128] =	vst v5;
	v4 =	vmax.f32 v9, v4  }
0x2dc: {  	v12 =	vld [tilespmem:s7+$0xC918];
	[tilespmem:s25+$0x9138] =	vst v4;
	v3 =	vmax.f32 v7, v3  }
0x2dd: {  	v5 =	vld [tilespmem:s7+$0xC928];
	[tilespmem:s25+$0x9148] =	vst v3;
	v2 =	vmax.f32 v6, v2  }
0x2de: {  	v4 =	vld [tilespmem:s7+$0xC938];
	[tilespmem:s25+$0x9158] =	vst v2;
	v1 =	vmax.f32 v8, v1  }
0x2df: {  	v3 =	vld [tilespmem:s7+$0xC948];
	[tilespmem:s25+$0x9168] =	vst v1;
	v0 =	vmax.f32 v10, v0  }
0x2e0: {  	v2 =	vld [tilespmem:s7+$0xC958];
	[tilespmem:s25+$0x9178] =	vst v0;
	s25 =	smov.u32 s7  }
0x2e1: {  	v1 =	vld [tilespmem:s25+$0xC968]  }
0x2e2: {  	v0 =	vld [tilespmem:s25+$0xC978]  }
0x2e3: {  	v6 =	vld [tilespmem:s25+$0x9108]  }
0x2e4: {  	v8 =	vld [tilespmem:s25+$0x9118]  }
.Ltmp13:
0x2e5: {  	v10 =	vld [tilespmem:s25+$0x9128];
	(pc) =	sbr.rel @p1 .LBB2_28-.Ltmp13, $4  }
0x2e6: {  	v9 =	vld [tilespmem:s25+$0x9138]  }
0x2e7: {  	v7 =	vld [tilespmem:s25+$0x9148]  }
0x2e8: {  	v11 =	vmax.f32 v6, v11;
	v6 =	vld [tilespmem:s25+$0x9158]  }
0x2e9: {  	s6 =	sadd.s32 $0x200, s6;
	[tilespmem:s25+$0x9108] =	vst v11;
	v11 =	vmax.f32 v8, v12;
	v8 =	vld [tilespmem:s25+$0x9168]  }
0x2ea: {  	[tilespmem:s25+$0x9118] =	vst v11;
	v5 =	vmax.f32 v10, v5;
	v63 =	vld [tilespmem:s25+$0x9178]  }
0x2eb: {  	[tilespmem:s25+$0x9128] =	vst v5;
	v4 =	vmax.f32 v9, v4  }
0x2ec: {  	[tilespmem:s25+$0x9138] =	vst v4;
	v3 =	vmax.f32 v7, v3  }
0x2ed: {  	[tilespmem:s25+$0x9148] =	vst v3;
	v2 =	vmax.f32 v6, v2  }
0x2ee: {  	s23 =	sadd.s32 $0x1, s23;
	[tilespmem:s25+$0x9158] =	vst v2;
	v1 =	vmax.f32 v8, v1  }
0x2ef: {  	p1 =	sne.s32 s23, s22;
	[tilespmem:s25+$0x9168] =	vst v1;
	v0 =	vmax.f32 v63, v0  }
.Ltmp14:
0x2f0: {  	[tilespmem:s25+$0x9178] =	vst v0;
	(pc) =	sbr.rel @p1 .LBB2_1-.Ltmp14, $4  }
0x2f1: {  	[hbm4b:s21+s5] =	stream.linear.scatter [tilespmem:s31], [sflag:$0x3], $0x3800, $0x38;
	[tilespmem:$0x10108] =	vst v63  }
0x2f2: {  	_ =	swait.ge [sflag:s30], $0x3800  }
0x2f3: {  	[sflag:s30] =	ssyncset.done $0x0  }
0x2f4: {  	[sflag:s30] =	ssyncadd.s32 $0xFFFFC800  }
0x2f5: {  	_ =	sfence.sel $0x180000  }
0x2f6: {  	[bflag:$0x0] =	sbarrier.arrive $0xFFFF  }
0x2f7: {  	_ =	strace $0x90000047  }
0x2f8: {  	[bflag:$0x2] =	sbarrier.arrive $0xFFFF  }
0x2f9: {  	s0 =	rddreg [dreg:$0x6]  }
0x2fa: {  	s0 =	sadd.s32 @!p0 $0x100000, s0  }
0x2fb: {  	[sflag:s0] =	ssyncadd.tile.s32 @!p0 $0x1;
	_ =	shalt  }
.Lfunc_end2:
_tile_overlayer_lowered:
.L_overlay_start_2:
0x2fc: {  	(tag) =	ssettag $0x2  }
0x2fd: {  	s0 =	rddreg [dreg:$0x0];
	s2 =	stileid.u32  }
0x2fe: {  	s1 =	rddreg [dreg:$0x1];
	p0 =	sne.s32 s2, $0x0  }
0x2ff: {  	s3 =	rddreg [dreg:$0x2];
	[bflag:$0x3] =	sbarrier.arrive $0xFFFF;
	s2 =	simm.s32 @!p0 $0x1C04  }
0x300: {  	[timem:s3], [sflag:s2] =	dma.local @!p0 [hbm:s0], s1  }
0x301: {  	s0 =	simm.s32 @!p0 $0x4  }
0x302: {  	_ =	swait.ge @!p0 [sflag:s0], s1  }
0x303: {  	s1 =	ssub.s32 @!p0 $0x0, s1;
	[sflag:s0] =	ssyncset.done @!p0 $0x0  }
0x304: {  	[sflag:s0] =	ssyncadd.s32 @!p0 s1  }
0x305: {  	[bflag:$0x3] =	sbarrier.arrive $0xFFFF  }
0x306: {  	_ =	shalt  }

</sc_bundles>
